<compile_context>
chip_gen: v7x
topology: tpu7x:2x2x1
jax: 0.10.2.dev20260603
libtpu: 0.0.44.dev20260713+nightly
codegen_flags: <defaults>
</compile_context>

<pallas_src>
import functools

import jax
import jax.numpy as jnp
from jax import lax
from jax.experimental import pallas as pl
from jax.experimental.pallas import tpu as pltpu
from jax.experimental.pallas import tpu_sc as plsc

_B, _T = 4, 128
_Q = _B * _T
_DM = 256
_DK = 64
_DV = 128
_DE = 4
_DEP = 128
_N = 100000
_K = 32
_CH = 128
_NPAD = 100352
_NCH = _NPAD // _CH
_BN = 2048
_GRID = _NPAD // _BN
_CPB = _BN // _CH
_NEG = -2.0


def _scores_body(q_ref, kt_ref, s_ref, m_ref):
    i = pl.program_id(0)
    q = q_ref[...]
    kt = kt_ref[...]
    qk = jnp.dot(q, kt, preferred_element_type=jnp.float32)
    q2 = jnp.sum(q * q, axis=1, keepdims=True)
    k2 = jnp.sum(kt * kt, axis=0, keepdims=True)
    dist2 = (q2 + k2) - 2.0 * qk
    kern = jnp.exp(-dist2 / 128.0)

    def emit(kv):
        for c in range(_CPB):
            blk = kv[:, c * _CH:(c + 1) * _CH]
            s_ref[c] = blk
            m_ref[0, :, c:c + 1] = jnp.max(blk, axis=1, keepdims=True)

    emit(kern)

    @pl.when(i >= _N // _BN)
    def _mask_pad():
        col = lax.broadcasted_iota(jnp.int32, (_Q, _BN), 1) + i * _BN
        emit(jnp.where(col < _N, kern, -1.0))


def _scores_call(q, keys):
    return pl.pallas_call(
        _scores_body,
        grid=(_GRID,),
        in_specs=[
            pl.BlockSpec((_Q, _DK), lambda i: (0, 0)),
            pl.BlockSpec((_DK, _BN), lambda i: (0, i)),
        ],
        out_specs=[
            pl.BlockSpec((_CPB, _Q, _CH), lambda i: (i, 0, 0)),
            pl.BlockSpec((1, _Q, _CPB), lambda i: (i, 0, 0)),
        ],
        out_shape=[
            jax.ShapeDtypeStruct((_NCH, _Q, _CH), jnp.float32),
            jax.ShapeDtypeStruct((_GRID, _Q, _CPB), jnp.float32),
        ],
    )(q, keys)


def _chunk_topk_body(m_ref, fidx_ref, scr_ref):
    for i in range(_GRID):
        scr_ref[:, i * _CPB:(i + 1) * _CPB] = m_ref[i]
    qrow = lax.broadcasted_iota(jnp.int32, (_Q, 1), 0)
    colio = lax.broadcasted_iota(jnp.int32, (_Q, _NCH), 1)
    kio = lax.broadcasted_iota(jnp.int32, (_Q, _K), 1)
    big = jnp.int32(2 ** 30)

    def body(j, carry):
        s = scr_ref[...]
        mx = jnp.max(s, axis=1, keepdims=True)
        eq = s == mx
        cidx = jnp.min(jnp.where(eq, colio, big), axis=1, keepdims=True)
        fidx_ref[...] = jnp.where(kio == j, cidx * _Q + qrow, fidx_ref[...])
        scr_ref[...] = jnp.where(colio == cidx, _NEG, s)
        return carry

    lax.fori_loop(0, _K, body, 0)


def _chunk_topk_call(m):
    return pl.pallas_call(
        _chunk_topk_body,
        out_shape=jax.ShapeDtypeStruct((_Q, _K), jnp.int32),
        scratch_shapes=[pltpu.VMEM((_Q, _NCH), jnp.float32)],
    )(m)


def _final_topk_body(cand_ref, fidx_ref, vals_ref, gidx_ref, scr_ref, gscr_ref):
    qrow = lax.broadcasted_iota(jnp.int32, (_Q, 1), 0)
    lane = lax.broadcasted_iota(jnp.int32, (_Q, _CH), 1)
    for c in range(_K):
        scr_ref[:, c * _CH:(c + 1) * _CH] = cand_ref[:, c, :]
        chunk = fidx_ref[:, c:c + 1] // _Q
        gscr_ref[:, c * _CH:(c + 1) * _CH] = chunk * _CH + lane
    kio = lax.broadcasted_iota(jnp.int32, (_Q, _K), 1)
    big = jnp.int32(2 ** 30)

    def make_body(wl):
        def body(j, carry):
            s = scr_ref[:, :wl]
            gidx = gscr_ref[:, :wl]
            mx = jnp.max(s, axis=1, keepdims=True)
            eq = s == mx
            gsel = jnp.min(jnp.where(eq, gidx, big), axis=1, keepdims=True)
            vals_ref[...] = jnp.where(kio == j, mx, vals_ref[...])
            gidx_ref[...] = jnp.where(kio == j, gsel, gidx_ref[...])
            scr_ref[:, :wl] = jnp.where(gidx == gsel, _NEG, s)
            return carry
        return body

    for t in range(4):
        lax.fori_loop(t * 8, (t + 1) * 8, make_body((t + 1) * 8 * _CH), 0)


def _final_topk_call(cand, fidx):
    return pl.pallas_call(
        _final_topk_body,
        out_shape=[
            jax.ShapeDtypeStruct((_Q, _K), jnp.float32),
            jax.ShapeDtypeStruct((_Q, _K), jnp.int32),
        ],
        scratch_shapes=[
            pltpu.VMEM((_Q, _K * _CH), jnp.float32),
            pltpu.VMEM((_Q, _K * _CH), jnp.int32),
        ],
    )(cand, fidx)


def _combine_body(vals_ref, v_ref, e_ref, x_ref, wgt_ref, bias_ref,
                  rv_ref, re_ref, g_ref):
    vals = vals_ref[...]
    w = vals / (jnp.sum(vals, axis=1, keepdims=True) + 1e-8)
    accv = jnp.sum(w[:, :, None] * v_ref[...], axis=1)
    acce = jnp.sum(w[:, :, None] * e_ref[...], axis=1)
    rv_ref[...] = accv
    re_ref[...] = acce[:, :_DE]
    wgt = wgt_ref[...]
    z1 = jnp.sum(x_ref[...] * wgt[:, :_DM], axis=1, keepdims=True)
    z2 = jnp.sum(accv * wgt[:, _DM:], axis=1, keepdims=True)
    z = z1 + z2 + bias_ref[...]
    g_ref[...] = 1.0 / (1.0 + jnp.exp(-z))


def _combine_call(vals, vsel, esel, x, wgt, bias):
    return pl.pallas_call(
        _combine_body,
        out_shape=[
            jax.ShapeDtypeStruct((_Q, _DV), jnp.float32),
            jax.ShapeDtypeStruct((_Q, _DE), jnp.float32),
            jax.ShapeDtypeStruct((_Q, 1), jnp.float32),
        ],
    )(vals, vsel, esel, x, wgt, bias)


_NC, _NS = 2, 16
_NW = _NC * _NS
_ROWS = _Q * _K
_RPW = _ROWS // _NW
_CHK = 128
_NCHK = _RPW // _CHK


def _gather_scores_call(s2, fidx):
    mesh = plsc.VectorSubcoreMesh(core_axis_name="c", subcore_axis_name="s")

    @functools.partial(
        pl.kernel,
        mesh=mesh,
        out_type=jax.ShapeDtypeStruct((_ROWS, _CH), jnp.float32),
        scratch_types=[
            pltpu.VMEM((_NCHK, _CHK), jnp.int32),
            pltpu.VMEM((_CHK, _CH), jnp.float32),
            pltpu.SemaphoreType.DMA,
        ],
    )
    def k(s2_hbm, idx_hbm, out_hbm, idx_v, rows_v, sem):
        wid = lax.axis_index("s") * _NC + lax.axis_index("c")
        base = wid * _RPW
        for t in range(_NCHK):
            pltpu.sync_copy(idx_hbm.at[pl.ds(base + t * _CHK, _CHK)],
                            idx_v.at[t])
            pltpu.async_copy(s2_hbm.at[idx_v.at[t]], rows_v, sem).wait()
            pltpu.sync_copy(rows_v, out_hbm.at[pl.ds(base + t * _CHK, _CHK)])

    return k(s2, fidx)


def _gather_ve_call(vtab, etab, gidx):
    mesh = plsc.VectorSubcoreMesh(core_axis_name="c", subcore_axis_name="s")

    @functools.partial(
        pl.kernel,
        mesh=mesh,
        out_type=[
            jax.ShapeDtypeStruct((_ROWS, _DV), jnp.float32),
            jax.ShapeDtypeStruct((_ROWS, _DEP), jnp.float32),
        ],
        scratch_types=[
            pltpu.VMEM((_NCHK, _CHK), jnp.int32),
            pltpu.VMEM((_CHK, _DV), jnp.float32),
            pltpu.VMEM((_CHK, _DEP), jnp.float32),
            pltpu.SemaphoreType.DMA,
        ],
    )
    def k(v_hbm, e_hbm, idx_hbm, outv_hbm, oute_hbm, idx_v, vr, er, sem):
        wid = lax.axis_index("s") * _NC + lax.axis_index("c")
        base = wid * _RPW
        for t in range(_NCHK):
            pltpu.sync_copy(idx_hbm.at[pl.ds(base + t * _CHK, _CHK)],
                            idx_v.at[t])
            pltpu.async_copy(v_hbm.at[idx_v.at[t]], vr, sem).wait()
            pltpu.async_copy(e_hbm.at[idx_v.at[t]], er, sem).wait()
            pltpu.sync_copy(vr, outv_hbm.at[pl.ds(base + t * _CHK, _CHK)])
            pltpu.sync_copy(er, oute_hbm.at[pl.ds(base + t * _CHK, _CHK)])

    return k(vtab, etab, gidx)


def kernel(x, q_tilde, g_prior, mem_keys, mem_values, mem_emotions,
           Wg_w, Wg_b, gate_prior_weight):
    q = q_tilde.reshape(_Q, _DK)
    kt = mem_keys.T

    s3, m3 = _scores_call(q, kt)
    fidx = _chunk_topk_call(m3)
    cand = _gather_scores_call(s3.reshape(_NCH * _Q, _CH),
                               fidx.reshape(_ROWS))
    vals, gidx = _final_topk_call(cand.reshape(_Q, _K, _CH), fidx)

    epad = jnp.pad(mem_emotions, ((0, 0), (0, _DEP - _DE)))
    vsel, esel = _gather_ve_call(mem_values, epad, gidx.reshape(_ROWS))

    bias = Wg_b.reshape(1, 1) + gate_prior_weight * g_prior.reshape(_Q, 1)
    rv, re, g = _combine_call(vals,
                              vsel.reshape(_Q, _K, _DV),
                              esel.reshape(_Q, _K, _DEP),
                              x.reshape(_Q, _DM),
                              Wg_w.reshape(1, _DM + _DV),
                              bias)
    return (rv.reshape(_B, _T, _DV), re.reshape(_B, _T, _DE),
            g.reshape(_B, _T, 1))

# --- scband reference (transcript-rebuilt; emitter-appended) ---
"""Pipeline reference for scband-memory-attention-33483565040103 (READ-ONLY COPY).

The authoritative reference and input builder live on the scoring server;
editing this copy changes nothing except your own understanding.
"""

import jax, jax.numpy as jnp
import numpy as np

B, T = 4, 128
D_MODEL, D_KEY, D_VALUE, D_EMOTION = 256, 64, 128, 4
N_MEM = 100000
TOP_K = 32
GATE_BIAS = -2.5


def setup_inputs(seed: int = 0) -> dict:
    key = jax.random.key(seed)
    ks = jax.random.split(key, 8)
    x = jax.random.normal(ks[0], (B, T, D_MODEL), dtype=jnp.float32)
    q_tilde = jax.random.normal(ks[1], (B, T, D_KEY), dtype=jnp.float32)
    g_prior = jax.random.uniform(ks[2], (B, T, 1), dtype=jnp.float32)
    mem_keys = jax.random.normal(ks[3], (N_MEM, D_KEY), dtype=jnp.float32)
    mem_values = jax.random.normal(ks[4], (N_MEM, D_VALUE), dtype=jnp.float32)
    mem_emotions = jax.random.normal(ks[5], (N_MEM, D_EMOTION), dtype=jnp.float32)
    # xavier_uniform for W_g: fan_in = d_model + d_value, fan_out = 1
    lim = float(np.sqrt(6.0 / (D_MODEL + D_VALUE + 1)))
    Wg_w = jax.random.uniform(ks[6], (D_MODEL + D_VALUE, 1), dtype=jnp.float32, minval=-lim, maxval=lim)
    Wg_b = jnp.full((1,), GATE_BIAS, dtype=jnp.float32)
    gate_prior_weight = jnp.asarray(0.5, dtype=jnp.float32)
    return {
        'x': x,
        'q_tilde': q_tilde,
        'g_prior': g_prior,
        'mem_keys': mem_keys,
        'mem_values': mem_values,
        'mem_emotions': mem_emotions,
        'Wg_w': Wg_w,
        'Wg_b': Wg_b,
        'gate_prior_weight': gate_prior_weight,
    }


def _memory_read(q_tilde, mem_keys, mem_values, mem_emotions, top_k):
    # RBF-kernel read over memory centers, then top-k sparsification.
    Bq, Tq, dk = q_tilde.shape
    q = q_tilde.reshape(Bq * Tq, dk)
    q2 = jnp.sum(q * q, axis=-1, keepdims=True)              # [Q, 1]
    k2 = jnp.sum(mem_keys * mem_keys, axis=-1)[None, :]       # [1, N]
    dist2 = q2 + k2 - 2.0 * (q @ mem_keys.T)                  # [Q, N]
    kern = jnp.exp(-dist2 / (2.0 * dk))                       # RBF kernel scores
    top_vals, top_idx = jax.lax.top_k(kern, top_k)            # [Q, k]
    weights = top_vals / (jnp.sum(top_vals, axis=-1, keepdims=True) + 1e-8)
    V_sel = jnp.take(mem_values, top_idx, axis=0)             # [Q, k, d_value]
    E_sel = jnp.take(mem_emotions, top_idx, axis=0)           # [Q, k, d_emotion]
    r_V = jnp.einsum('qk,qkd->qd', weights, V_sel).reshape(Bq, Tq, -1)
    r_E = jnp.einsum('qk,qkd->qd', weights, E_sel).reshape(Bq, Tq, -1)
    return r_V, r_E, weights, top_idx


def reference(x, q_tilde, g_prior, mem_keys, mem_values, mem_emotions, Wg_w, Wg_b, gate_prior_weight):
    r_V, r_E, weights, indices = _memory_read(q_tilde, mem_keys, mem_values, mem_emotions, TOP_K)
    gate_input = jnp.concatenate([x, r_V], axis=-1)
    g = jax.nn.sigmoid(gate_input @ Wg_w + Wg_b + gate_prior_weight * g_prior)
    return (r_V, r_E, g)

if __name__ == "__main__":
    import jax
    _d = setup_inputs()
    print(jax.jit(kernel)(*tuple(_d.values())))

</pallas_src>

<mosaic_0001>
#map = affine_map<(d0, d1) -> (0, 0)>
#map1 = affine_map<(d0, d1) -> (0)>
module attributes {stable_mosaic.version = 14 : i64} {
  func.func @k(%arg0: i32, %arg1: i32, %arg2: memref<401408x128xf32, #tpu.memory_space<hbm>>, %arg3: memref<16384xi32, #tpu.memory_space<hbm>>, %arg4: memref<16384x128xf32, #tpu.memory_space<hbm>>, %arg5: memref<4x128xi32, #tpu.memory_space<vmem>>, %arg6: memref<128x128xf32, #tpu.memory_space<vmem>>, %arg7: memref<!tpu.dma_semaphore, #tpu.memory_space<semaphore_mem>>) attributes {dimension_semantics = [#tpu.dimension_semantics<core_parallel>, #tpu.dimension_semantics<subcore_parallel>], iteration_bounds = array<i64: 2, 16>, scalar_prefetch = 0 : i64, scratch_operands = 3 : i64, tpu.core_type = #tpu.core_type<sc_vector_subcore>, window_params = [{transform_indices = #map}, {transform_indices = #map1}, {transform_indices = #map}]} {
    %mul3A = arith.constant 2 : i32
    %mul3A_0 = arith.muli %arg1, %mul3A : i32
    %add3A = arith.addi %mul3A_0, %arg0 : i32
    %mul3A_1 = arith.constant 512 : i32
    %mul3A_2 = arith.muli %add3A, %mul3A_1 : i32
    %add3A_3 = arith.constant 0 : i32
    %add3A_4 = arith.addi %mul3A_2, %add3A_3 : i32
    %run_scoped3A = arith.constant 0 : i32
    "tpu.region"() ({
      %run_scoped3A_76 = tpu.sem_alloc : memref<!tpu.dma_semaphore, #tpu.memory_space<semaphore_mem>>
      %dma_start3A_77 = arith.constant 0 : i32
      %dma_start3A_78 = tpu.memref_slice %arg5[%run_scoped3A, %dma_start3A_77] : memref<4x128xi32, #tpu.memory_space<vmem>> -> memref<1x128xi32, #tpu.memory_space<vmem>>
      %dma_start3A_79 = tpu.memref_squeeze %dma_start3A_78 : memref<1x128xi32, #tpu.memory_space<vmem>> -> memref<128xi32, #tpu.memory_space<vmem>>
      %dma_start3A_80 = tpu.memref_slice %arg3[%add3A_4] : memref<16384xi32, #tpu.memory_space<hbm>> -> memref<128xi32, #tpu.memory_space<hbm>>
      %dma_start3A_81 = arith.constant 0 : i32
      %dma_start3A_82 = tpu.memref_slice %arg5[%run_scoped3A, %dma_start3A_81] : memref<4x128xi32, #tpu.memory_space<vmem>> -> memref<1x128xi32, #tpu.memory_space<vmem>>
      %dma_start3A_83 = tpu.memref_squeeze %dma_start3A_82 : memref<1x128xi32, #tpu.memory_space<vmem>> -> memref<128xi32, #tpu.memory_space<vmem>>
      %dma_start3A_84 = tpu.memref_slice %arg3[%add3A_4] : memref<16384xi32, #tpu.memory_space<hbm>> -> memref<128xi32, #tpu.memory_space<hbm>>
      tpu.enqueue_dma source(%dma_start3A_84 : memref<128xi32, #tpu.memory_space<hbm>>) target(%dma_start3A_83 : memref<128xi32, #tpu.memory_space<vmem>>) target_semaphore(%run_scoped3A_76 : memref<!tpu.dma_semaphore, #tpu.memory_space<semaphore_mem>>)
      %dma_wait3A_85 = arith.constant 0 : i32
      %dma_wait3A_86 = tpu.memref_slice %arg5[%run_scoped3A, %dma_wait3A_85] : memref<4x128xi32, #tpu.memory_space<vmem>> -> memref<1x128xi32, #tpu.memory_space<vmem>>
      %dma_wait3A_87 = tpu.memref_squeeze %dma_wait3A_86 : memref<1x128xi32, #tpu.memory_space<vmem>> -> memref<128xi32, #tpu.memory_space<vmem>>
      %dma_wait3A_88 = tpu.memref_slice %arg3[%add3A_4] : memref<16384xi32, #tpu.memory_space<hbm>> -> memref<128xi32, #tpu.memory_space<hbm>>
      %dma_wait3A_89 = arith.constant 0 : i32
      %dma_wait3A_90 = tpu.memref_slice %arg5[%run_scoped3A, %dma_wait3A_89] : memref<4x128xi32, #tpu.memory_space<vmem>> -> memref<1x128xi32, #tpu.memory_space<vmem>>
      %dma_wait3A_91 = tpu.memref_squeeze %dma_wait3A_90 : memref<1x128xi32, #tpu.memory_space<vmem>> -> memref<128xi32, #tpu.memory_space<vmem>>
      %dma_wait3A_92 = tpu.memref_slice %arg3[%add3A_4] : memref<16384xi32, #tpu.memory_space<hbm>> -> memref<128xi32, #tpu.memory_space<hbm>>
      tpu.wait_dma2 semaphore(%run_scoped3A_76 : memref<!tpu.dma_semaphore, #tpu.memory_space<semaphore_mem>>) src(%dma_wait3A_92 : memref<128xi32, #tpu.memory_space<hbm>>) dst(%dma_wait3A_91 : memref<128xi32, #tpu.memory_space<vmem>>)
      tpu.yield
    }) : () -> ()
    %dma_start3A = arith.constant 0 : i32
    %dma_start3A_5 = arith.constant 0 : i32
    %dma_start3A_6 = tpu.memref_slice %arg5[%dma_start3A, %dma_start3A_5] : memref<4x128xi32, #tpu.memory_space<vmem>> -> memref<1x128xi32, #tpu.memory_space<vmem>>
    %dma_start3A_7 = tpu.memref_squeeze %dma_start3A_6 : memref<1x128xi32, #tpu.memory_space<vmem>> -> memref<128xi32, #tpu.memory_space<vmem>>
    %dma_start3A_8 = arith.constant 0 : i32
    %dma_start3A_9 = arith.constant 0 : i32
    %dma_start3A_10 = tpu.memref_slice %arg2[%dma_start3A_8, %dma_start3A_9] : memref<401408x128xf32, #tpu.memory_space<hbm>> -> memref<401408x128xf32, #tpu.memory_space<hbm>>
    tpu.enqueue_indirect_dma source(%dma_start3A_10 : memref<401408x128xf32, #tpu.memory_space<hbm>>) target(%arg6 : memref<128x128xf32, #tpu.memory_space<vmem>>) offsets(%dma_start3A_7 : memref<128xi32, #tpu.memory_space<vmem>>) semaphore(%arg7 : memref<!tpu.dma_semaphore, #tpu.memory_space<semaphore_mem>>)
    %dma_wait3A = arith.constant 0 : i32
    %dma_wait3A_11 = arith.constant 0 : i32
    %dma_wait3A_12 = tpu.memref_slice %arg5[%dma_wait3A, %dma_wait3A_11] : memref<4x128xi32, #tpu.memory_space<vmem>> -> memref<1x128xi32, #tpu.memory_space<vmem>>
    %dma_wait3A_13 = tpu.memref_squeeze %dma_wait3A_12 : memref<1x128xi32, #tpu.memory_space<vmem>> -> memref<128xi32, #tpu.memory_space<vmem>>
    %dma_wait3A_14 = arith.constant 0 : i32
    %dma_wait3A_15 = arith.constant 0 : i32
    %dma_wait3A_16 = tpu.memref_slice %arg2[%dma_wait3A_14, %dma_wait3A_15] : memref<401408x128xf32, #tpu.memory_space<hbm>> -> memref<401408x128xf32, #tpu.memory_space<hbm>>
    tpu.wait_indirect_dma semaphore(%arg7 : memref<!tpu.dma_semaphore, #tpu.memory_space<semaphore_mem>>) src(%dma_wait3A_16 : memref<401408x128xf32, #tpu.memory_space<hbm>>) dst(%arg6 : memref<128x128xf32, #tpu.memory_space<vmem>>)
    %add3A_17 = arith.constant 0 : i32
    %add3A_18 = arith.addi %mul3A_2, %add3A_17 : i32
    "tpu.region"() ({
      %run_scoped3A_76 = tpu.sem_alloc : memref<!tpu.dma_semaphore, #tpu.memory_space<semaphore_mem>>
      %dma_start3A_77 = arith.constant 0 : i32
      %dma_start3A_78 = tpu.memref_slice %arg4[%add3A_18, %dma_start3A_77] : memref<16384x128xf32, #tpu.memory_space<hbm>> -> memref<128x128xf32, #tpu.memory_space<hbm>>
      %dma_start3A_79 = arith.constant 0 : i32
      %dma_start3A_80 = tpu.memref_slice %arg4[%add3A_18, %dma_start3A_79] : memref<16384x128xf32, #tpu.memory_space<hbm>> -> memref<128x128xf32, #tpu.memory_space<hbm>>
      tpu.enqueue_dma source(%arg6 : memref<128x128xf32, #tpu.memory_space<vmem>>) target(%dma_start3A_80 : memref<128x128xf32, #tpu.memory_space<hbm>>) target_semaphore(%run_scoped3A_76 : memref<!tpu.dma_semaphore, #tpu.memory_space<semaphore_mem>>)
      %dma_wait3A_81 = arith.constant 0 : i32
      %dma_wait3A_82 = tpu.memref_slice %arg4[%add3A_18, %dma_wait3A_81] : memref<16384x128xf32, #tpu.memory_space<hbm>> -> memref<128x128xf32, #tpu.memory_space<hbm>>
      %dma_wait3A_83 = arith.constant 0 : i32
      %dma_wait3A_84 = tpu.memref_slice %arg4[%add3A_18, %dma_wait3A_83] : memref<16384x128xf32, #tpu.memory_space<hbm>> -> memref<128x128xf32, #tpu.memory_space<hbm>>
      tpu.wait_dma2 semaphore(%run_scoped3A_76 : memref<!tpu.dma_semaphore, #tpu.memory_space<semaphore_mem>>) src(%arg6 : memref<128x128xf32, #tpu.memory_space<vmem>>) dst(%dma_wait3A_84 : memref<128x128xf32, #tpu.memory_space<hbm>>)
      tpu.yield
    }) : () -> ()
    %add3A_19 = arith.constant 128 : i32
    %add3A_20 = arith.addi %mul3A_2, %add3A_19 : i32
    %run_scoped3A_21 = arith.constant 1 : i32
    "tpu.region"() ({
      %run_scoped3A_76 = tpu.sem_alloc : memref<!tpu.dma_semaphore, #tpu.memory_space<semaphore_mem>>
      %dma_start3A_77 = arith.constant 0 : i32
      %dma_start3A_78 = tpu.memref_slice %arg5[%run_scoped3A_21, %dma_start3A_77] : memref<4x128xi32, #tpu.memory_space<vmem>> -> memref<1x128xi32, #tpu.memory_space<vmem>>
      %dma_start3A_79 = tpu.memref_squeeze %dma_start3A_78 : memref<1x128xi32, #tpu.memory_space<vmem>> -> memref<128xi32, #tpu.memory_space<vmem>>
      %dma_start3A_80 = tpu.memref_slice %arg3[%add3A_20] : memref<16384xi32, #tpu.memory_space<hbm>> -> memref<128xi32, #tpu.memory_space<hbm>>
      %dma_start3A_81 = arith.constant 0 : i32
      %dma_start3A_82 = tpu.memref_slice %arg5[%run_scoped3A_21, %dma_start3A_81] : memref<4x128xi32, #tpu.memory_space<vmem>> -> memref<1x128xi32, #tpu.memory_space<vmem>>
      %dma_start3A_83 = tpu.memref_squeeze %dma_start3A_82 : memref<1x128xi32, #tpu.memory_space<vmem>> -> memref<128xi32, #tpu.memory_space<vmem>>
      %dma_start3A_84 = tpu.memref_slice %arg3[%add3A_20] : memref<16384xi32, #tpu.memory_space<hbm>> -> memref<128xi32, #tpu.memory_space<hbm>>
      tpu.enqueue_dma source(%dma_start3A_84 : memref<128xi32, #tpu.memory_space<hbm>>) target(%dma_start3A_83 : memref<128xi32, #tpu.memory_space<vmem>>) target_semaphore(%run_scoped3A_76 : memref<!tpu.dma_semaphore, #tpu.memory_space<semaphore_mem>>)
      %dma_wait3A_85 = arith.constant 0 : i32
      %dma_wait3A_86 = tpu.memref_slice %arg5[%run_scoped3A_21, %dma_wait3A_85] : memref<4x128xi32, #tpu.memory_space<vmem>> -> memref<1x128xi32, #tpu.memory_space<vmem>>
      %dma_wait3A_87 = tpu.memref_squeeze %dma_wait3A_86 : memref<1x128xi32, #tpu.memory_space<vmem>> -> memref<128xi32, #tpu.memory_space<vmem>>
      %dma_wait3A_88 = tpu.memref_slice %arg3[%add3A_20] : memref<16384xi32, #tpu.memory_space<hbm>> -> memref<128xi32, #tpu.memory_space<hbm>>
      %dma_wait3A_89 = arith.constant 0 : i32
      %dma_wait3A_90 = tpu.memref_slice %arg5[%run_scoped3A_21, %dma_wait3A_89] : memref<4x128xi32, #tpu.memory_space<vmem>> -> memref<1x128xi32, #tpu.memory_space<vmem>>
      %dma_wait3A_91 = tpu.memref_squeeze %dma_wait3A_90 : memref<1x128xi32, #tpu.memory_space<vmem>> -> memref<128xi32, #tpu.memory_space<vmem>>
      %dma_wait3A_92 = tpu.memref_slice %arg3[%add3A_20] : memref<16384xi32, #tpu.memory_space<hbm>> -> memref<128xi32, #tpu.memory_space<hbm>>
      tpu.wait_dma2 semaphore(%run_scoped3A_76 : memref<!tpu.dma_semaphore, #tpu.memory_space<semaphore_mem>>) src(%dma_wait3A_92 : memref<128xi32, #tpu.memory_space<hbm>>) dst(%dma_wait3A_91 : memref<128xi32, #tpu.memory_space<vmem>>)
      tpu.yield
    }) : () -> ()
    %dma_start3A_22 = arith.constant 1 : i32
    %dma_start3A_23 = arith.constant 0 : i32
    %dma_start3A_24 = tpu.memref_slice %arg5[%dma_start3A_22, %dma_start3A_23] : memref<4x128xi32, #tpu.memory_space<vmem>> -> memref<1x128xi32, #tpu.memory_space<vmem>>
    %dma_start3A_25 = tpu.memref_squeeze %dma_start3A_24 : memref<1x128xi32, #tpu.memory_space<vmem>> -> memref<128xi32, #tpu.memory_space<vmem>>
    %dma_start3A_26 = arith.constant 0 : i32
    %dma_start3A_27 = arith.constant 0 : i32
    %dma_start3A_28 = tpu.memref_slice %arg2[%dma_start3A_26, %dma_start3A_27] : memref<401408x128xf32, #tpu.memory_space<hbm>> -> memref<401408x128xf32, #tpu.memory_space<hbm>>
    tpu.enqueue_indirect_dma source(%dma_start3A_28 : memref<401408x128xf32, #tpu.memory_space<hbm>>) target(%arg6 : memref<128x128xf32, #tpu.memory_space<vmem>>) offsets(%dma_start3A_25 : memref<128xi32, #tpu.memory_space<vmem>>) semaphore(%arg7 : memref<!tpu.dma_semaphore, #tpu.memory_space<semaphore_mem>>)
    %dma_wait3A_29 = arith.constant 1 : i32
    %dma_wait3A_30 = arith.constant 0 : i32
    %dma_wait3A_31 = tpu.memref_slice %arg5[%dma_wait3A_29, %dma_wait3A_30] : memref<4x128xi32, #tpu.memory_space<vmem>> -> memref<1x128xi32, #tpu.memory_space<vmem>>
    %dma_wait3A_32 = tpu.memref_squeeze %dma_wait3A_31 : memref<1x128xi32, #tpu.memory_space<vmem>> -> memref<128xi32, #tpu.memory_space<vmem>>
    %dma_wait3A_33 = arith.constant 0 : i32
    %dma_wait3A_34 = arith.constant 0 : i32
    %dma_wait3A_35 = tpu.memref_slice %arg2[%dma_wait3A_33, %dma_wait3A_34] : memref<401408x128xf32, #tpu.memory_space<hbm>> -> memref<401408x128xf32, #tpu.memory_space<hbm>>
    tpu.wait_indirect_dma semaphore(%arg7 : memref<!tpu.dma_semaphore, #tpu.memory_space<semaphore_mem>>) src(%dma_wait3A_35 : memref<401408x128xf32, #tpu.memory_space<hbm>>) dst(%arg6 : memref<128x128xf32, #tpu.memory_space<vmem>>)
    %add3A_36 = arith.constant 128 : i32
    %add3A_37 = arith.addi %mul3A_2, %add3A_36 : i32
    "tpu.region"() ({
      %run_scoped3A_76 = tpu.sem_alloc : memref<!tpu.dma_semaphore, #tpu.memory_space<semaphore_mem>>
      %dma_start3A_77 = arith.constant 0 : i32
      %dma_start3A_78 = tpu.memref_slice %arg4[%add3A_37, %dma_start3A_77] : memref<16384x128xf32, #tpu.memory_space<hbm>> -> memref<128x128xf32, #tpu.memory_space<hbm>>
      %dma_start3A_79 = arith.constant 0 : i32
      %dma_start3A_80 = tpu.memref_slice %arg4[%add3A_37, %dma_start3A_79] : memref<16384x128xf32, #tpu.memory_space<hbm>> -> memref<128x128xf32, #tpu.memory_space<hbm>>
      tpu.enqueue_dma source(%arg6 : memref<128x128xf32, #tpu.memory_space<vmem>>) target(%dma_start3A_80 : memref<128x128xf32, #tpu.memory_space<hbm>>) target_semaphore(%run_scoped3A_76 : memref<!tpu.dma_semaphore, #tpu.memory_space<semaphore_mem>>)
      %dma_wait3A_81 = arith.constant 0 : i32
      %dma_wait3A_82 = tpu.memref_slice %arg4[%add3A_37, %dma_wait3A_81] : memref<16384x128xf32, #tpu.memory_space<hbm>> -> memref<128x128xf32, #tpu.memory_space<hbm>>
      %dma_wait3A_83 = arith.constant 0 : i32
      %dma_wait3A_84 = tpu.memref_slice %arg4[%add3A_37, %dma_wait3A_83] : memref<16384x128xf32, #tpu.memory_space<hbm>> -> memref<128x128xf32, #tpu.memory_space<hbm>>
      tpu.wait_dma2 semaphore(%run_scoped3A_76 : memref<!tpu.dma_semaphore, #tpu.memory_space<semaphore_mem>>) src(%arg6 : memref<128x128xf32, #tpu.memory_space<vmem>>) dst(%dma_wait3A_84 : memref<128x128xf32, #tpu.memory_space<hbm>>)
      tpu.yield
    }) : () -> ()
    %add3A_38 = arith.constant 256 : i32
    %add3A_39 = arith.addi %mul3A_2, %add3A_38 : i32
    %run_scoped3A_40 = arith.constant 2 : i32
    "tpu.region"() ({
      %run_scoped3A_76 = tpu.sem_alloc : memref<!tpu.dma_semaphore, #tpu.memory_space<semaphore_mem>>
      %dma_start3A_77 = arith.constant 0 : i32
      %dma_start3A_78 = tpu.memref_slice %arg5[%run_scoped3A_40, %dma_start3A_77] : memref<4x128xi32, #tpu.memory_space<vmem>> -> memref<1x128xi32, #tpu.memory_space<vmem>>
      %dma_start3A_79 = tpu.memref_squeeze %dma_start3A_78 : memref<1x128xi32, #tpu.memory_space<vmem>> -> memref<128xi32, #tpu.memory_space<vmem>>
      %dma_start3A_80 = tpu.memref_slice %arg3[%add3A_39] : memref<16384xi32, #tpu.memory_space<hbm>> -> memref<128xi32, #tpu.memory_space<hbm>>
      %dma_start3A_81 = arith.constant 0 : i32
      %dma_start3A_82 = tpu.memref_slice %arg5[%run_scoped3A_40, %dma_start3A_81] : memref<4x128xi32, #tpu.memory_space<vmem>> -> memref<1x128xi32, #tpu.memory_space<vmem>>
      %dma_start3A_83 = tpu.memref_squeeze %dma_start3A_82 : memref<1x128xi32, #tpu.memory_space<vmem>> -> memref<128xi32, #tpu.memory_space<vmem>>
      %dma_start3A_84 = tpu.memref_slice %arg3[%add3A_39] : memref<16384xi32, #tpu.memory_space<hbm>> -> memref<128xi32, #tpu.memory_space<hbm>>
      tpu.enqueue_dma source(%dma_start3A_84 : memref<128xi32, #tpu.memory_space<hbm>>) target(%dma_start3A_83 : memref<128xi32, #tpu.memory_space<vmem>>) target_semaphore(%run_scoped3A_76 : memref<!tpu.dma_semaphore, #tpu.memory_space<semaphore_mem>>)
      %dma_wait3A_85 = arith.constant 0 : i32
      %dma_wait3A_86 = tpu.memref_slice %arg5[%run_scoped3A_40, %dma_wait3A_85] : memref<4x128xi32, #tpu.memory_space<vmem>> -> memref<1x128xi32, #tpu.memory_space<vmem>>
      %dma_wait3A_87 = tpu.memref_squeeze %dma_wait3A_86 : memref<1x128xi32, #tpu.memory_space<vmem>> -> memref<128xi32, #tpu.memory_space<vmem>>
      %dma_wait3A_88 = tpu.memref_slice %arg3[%add3A_39] : memref<16384xi32, #tpu.memory_space<hbm>> -> memref<128xi32, #tpu.memory_space<hbm>>
      %dma_wait3A_89 = arith.constant 0 : i32
      %dma_wait3A_90 = tpu.memref_slice %arg5[%run_scoped3A_40, %dma_wait3A_89] : memref<4x128xi32, #tpu.memory_space<vmem>> -> memref<1x128xi32, #tpu.memory_space<vmem>>
      %dma_wait3A_91 = tpu.memref_squeeze %dma_wait3A_90 : memref<1x128xi32, #tpu.memory_space<vmem>> -> memref<128xi32, #tpu.memory_space<vmem>>
      %dma_wait3A_92 = tpu.memref_slice %arg3[%add3A_39] : memref<16384xi32, #tpu.memory_space<hbm>> -> memref<128xi32, #tpu.memory_space<hbm>>
      tpu.wait_dma2 semaphore(%run_scoped3A_76 : memref<!tpu.dma_semaphore, #tpu.memory_space<semaphore_mem>>) src(%dma_wait3A_92 : memref<128xi32, #tpu.memory_space<hbm>>) dst(%dma_wait3A_91 : memref<128xi32, #tpu.memory_space<vmem>>)
      tpu.yield
    }) : () -> ()
    %dma_start3A_41 = arith.constant 2 : i32
    %dma_start3A_42 = arith.constant 0 : i32
    %dma_start3A_43 = tpu.memref_slice %arg5[%dma_start3A_41, %dma_start3A_42] : memref<4x128xi32, #tpu.memory_space<vmem>> -> memref<1x128xi32, #tpu.memory_space<vmem>>
    %dma_start3A_44 = tpu.memref_squeeze %dma_start3A_43 : memref<1x128xi32, #tpu.memory_space<vmem>> -> memref<128xi32, #tpu.memory_space<vmem>>
    %dma_start3A_45 = arith.constant 0 : i32
    %dma_start3A_46 = arith.constant 0 : i32
    %dma_start3A_47 = tpu.memref_slice %arg2[%dma_start3A_45, %dma_start3A_46] : memref<401408x128xf32, #tpu.memory_space<hbm>> -> memref<401408x128xf32, #tpu.memory_space<hbm>>
    tpu.enqueue_indirect_dma source(%dma_start3A_47 : memref<401408x128xf32, #tpu.memory_space<hbm>>) target(%arg6 : memref<128x128xf32, #tpu.memory_space<vmem>>) offsets(%dma_start3A_44 : memref<128xi32, #tpu.memory_space<vmem>>) semaphore(%arg7 : memref<!tpu.dma_semaphore, #tpu.memory_space<semaphore_mem>>)
    %dma_wait3A_48 = arith.constant 2 : i32
    %dma_wait3A_49 = arith.constant 0 : i32
    %dma_wait3A_50 = tpu.memref_slice %arg5[%dma_wait3A_48, %dma_wait3A_49] : memref<4x128xi32, #tpu.memory_space<vmem>> -> memref<1x128xi32, #tpu.memory_space<vmem>>
    %dma_wait3A_51 = tpu.memref_squeeze %dma_wait3A_50 : memref<1x128xi32, #tpu.memory_space<vmem>> -> memref<128xi32, #tpu.memory_space<vmem>>
    %dma_wait3A_52 = arith.constant 0 : i32
    %dma_wait3A_53 = arith.constant 0 : i32
    %dma_wait3A_54 = tpu.memref_slice %arg2[%dma_wait3A_52, %dma_wait3A_53] : memref<401408x128xf32, #tpu.memory_space<hbm>> -> memref<401408x128xf32, #tpu.memory_space<hbm>>
    tpu.wait_indirect_dma semaphore(%arg7 : memref<!tpu.dma_semaphore, #tpu.memory_space<semaphore_mem>>) src(%dma_wait3A_54 : memref<401408x128xf32, #tpu.memory_space<hbm>>) dst(%arg6 : memref<128x128xf32, #tpu.memory_space<vmem>>)
    %add3A_55 = arith.constant 256 : i32
    %add3A_56 = arith.addi %mul3A_2, %add3A_55 : i32
    "tpu.region"() ({
      %run_scoped3A_76 = tpu.sem_alloc : memref<!tpu.dma_semaphore, #tpu.memory_space<semaphore_mem>>
      %dma_start3A_77 = arith.constant 0 : i32
      %dma_start3A_78 = tpu.memref_slice %arg4[%add3A_56, %dma_start3A_77] : memref<16384x128xf32, #tpu.memory_space<hbm>> -> memref<128x128xf32, #tpu.memory_space<hbm>>
      %dma_start3A_79 = arith.constant 0 : i32
      %dma_start3A_80 = tpu.memref_slice %arg4[%add3A_56, %dma_start3A_79] : memref<16384x128xf32, #tpu.memory_space<hbm>> -> memref<128x128xf32, #tpu.memory_space<hbm>>
      tpu.enqueue_dma source(%arg6 : memref<128x128xf32, #tpu.memory_space<vmem>>) target(%dma_start3A_80 : memref<128x128xf32, #tpu.memory_space<hbm>>) target_semaphore(%run_scoped3A_76 : memref<!tpu.dma_semaphore, #tpu.memory_space<semaphore_mem>>)
      %dma_wait3A_81 = arith.constant 0 : i32
      %dma_wait3A_82 = tpu.memref_slice %arg4[%add3A_56, %dma_wait3A_81] : memref<16384x128xf32, #tpu.memory_space<hbm>> -> memref<128x128xf32, #tpu.memory_space<hbm>>
      %dma_wait3A_83 = arith.constant 0 : i32
      %dma_wait3A_84 = tpu.memref_slice %arg4[%add3A_56, %dma_wait3A_83] : memref<16384x128xf32, #tpu.memory_space<hbm>> -> memref<128x128xf32, #tpu.memory_space<hbm>>
      tpu.wait_dma2 semaphore(%run_scoped3A_76 : memref<!tpu.dma_semaphore, #tpu.memory_space<semaphore_mem>>) src(%arg6 : memref<128x128xf32, #tpu.memory_space<vmem>>) dst(%dma_wait3A_84 : memref<128x128xf32, #tpu.memory_space<hbm>>)
      tpu.yield
    }) : () -> ()
    %add3A_57 = arith.constant 384 : i32
    %add3A_58 = arith.addi %mul3A_2, %add3A_57 : i32
    %run_scoped3A_59 = arith.constant 3 : i32
    "tpu.region"() ({
      %run_scoped3A_76 = tpu.sem_alloc : memref<!tpu.dma_semaphore, #tpu.memory_space<semaphore_mem>>
      %dma_start3A_77 = arith.constant 0 : i32
      %dma_start3A_78 = tpu.memref_slice %arg5[%run_scoped3A_59, %dma_start3A_77] : memref<4x128xi32, #tpu.memory_space<vmem>> -> memref<1x128xi32, #tpu.memory_space<vmem>>
      %dma_start3A_79 = tpu.memref_squeeze %dma_start3A_78 : memref<1x128xi32, #tpu.memory_space<vmem>> -> memref<128xi32, #tpu.memory_space<vmem>>
      %dma_start3A_80 = tpu.memref_slice %arg3[%add3A_58] : memref<16384xi32, #tpu.memory_space<hbm>> -> memref<128xi32, #tpu.memory_space<hbm>>
      %dma_start3A_81 = arith.constant 0 : i32
      %dma_start3A_82 = tpu.memref_slice %arg5[%run_scoped3A_59, %dma_start3A_81] : memref<4x128xi32, #tpu.memory_space<vmem>> -> memref<1x128xi32, #tpu.memory_space<vmem>>
      %dma_start3A_83 = tpu.memref_squeeze %dma_start3A_82 : memref<1x128xi32, #tpu.memory_space<vmem>> -> memref<128xi32, #tpu.memory_space<vmem>>
      %dma_start3A_84 = tpu.memref_slice %arg3[%add3A_58] : memref<16384xi32, #tpu.memory_space<hbm>> -> memref<128xi32, #tpu.memory_space<hbm>>
      tpu.enqueue_dma source(%dma_start3A_84 : memref<128xi32, #tpu.memory_space<hbm>>) target(%dma_start3A_83 : memref<128xi32, #tpu.memory_space<vmem>>) target_semaphore(%run_scoped3A_76 : memref<!tpu.dma_semaphore, #tpu.memory_space<semaphore_mem>>)
      %dma_wait3A_85 = arith.constant 0 : i32
      %dma_wait3A_86 = tpu.memref_slice %arg5[%run_scoped3A_59, %dma_wait3A_85] : memref<4x128xi32, #tpu.memory_space<vmem>> -> memref<1x128xi32, #tpu.memory_space<vmem>>
      %dma_wait3A_87 = tpu.memref_squeeze %dma_wait3A_86 : memref<1x128xi32, #tpu.memory_space<vmem>> -> memref<128xi32, #tpu.memory_space<vmem>>
      %dma_wait3A_88 = tpu.memref_slice %arg3[%add3A_58] : memref<16384xi32, #tpu.memory_space<hbm>> -> memref<128xi32, #tpu.memory_space<hbm>>
      %dma_wait3A_89 = arith.constant 0 : i32
      %dma_wait3A_90 = tpu.memref_slice %arg5[%run_scoped3A_59, %dma_wait3A_89] : memref<4x128xi32, #tpu.memory_space<vmem>> -> memref<1x128xi32, #tpu.memory_space<vmem>>
      %dma_wait3A_91 = tpu.memref_squeeze %dma_wait3A_90 : memref<1x128xi32, #tpu.memory_space<vmem>> -> memref<128xi32, #tpu.memory_space<vmem>>
      %dma_wait3A_92 = tpu.memref_slice %arg3[%add3A_58] : memref<16384xi32, #tpu.memory_space<hbm>> -> memref<128xi32, #tpu.memory_space<hbm>>
      tpu.wait_dma2 semaphore(%run_scoped3A_76 : memref<!tpu.dma_semaphore, #tpu.memory_space<semaphore_mem>>) src(%dma_wait3A_92 : memref<128xi32, #tpu.memory_space<hbm>>) dst(%dma_wait3A_91 : memref<128xi32, #tpu.memory_space<vmem>>)
      tpu.yield
    }) : () -> ()
    %dma_start3A_60 = arith.constant 3 : i32
    %dma_start3A_61 = arith.constant 0 : i32
    %dma_start3A_62 = tpu.memref_slice %arg5[%dma_start3A_60, %dma_start3A_61] : memref<4x128xi32, #tpu.memory_space<vmem>> -> memref<1x128xi32, #tpu.memory_space<vmem>>
    %dma_start3A_63 = tpu.memref_squeeze %dma_start3A_62 : memref<1x128xi32, #tpu.memory_space<vmem>> -> memref<128xi32, #tpu.memory_space<vmem>>
    %dma_start3A_64 = arith.constant 0 : i32
    %dma_start3A_65 = arith.constant 0 : i32
    %dma_start3A_66 = tpu.memref_slice %arg2[%dma_start3A_64, %dma_start3A_65] : memref<401408x128xf32, #tpu.memory_space<hbm>> -> memref<401408x128xf32, #tpu.memory_space<hbm>>
    tpu.enqueue_indirect_dma source(%dma_start3A_66 : memref<401408x128xf32, #tpu.memory_space<hbm>>) target(%arg6 : memref<128x128xf32, #tpu.memory_space<vmem>>) offsets(%dma_start3A_63 : memref<128xi32, #tpu.memory_space<vmem>>) semaphore(%arg7 : memref<!tpu.dma_semaphore, #tpu.memory_space<semaphore_mem>>)
    %dma_wait3A_67 = arith.constant 3 : i32
    %dma_wait3A_68 = arith.constant 0 : i32
    %dma_wait3A_69 = tpu.memref_slice %arg5[%dma_wait3A_67, %dma_wait3A_68] : memref<4x128xi32, #tpu.memory_space<vmem>> -> memref<1x128xi32, #tpu.memory_space<vmem>>
    %dma_wait3A_70 = tpu.memref_squeeze %dma_wait3A_69 : memref<1x128xi32, #tpu.memory_space<vmem>> -> memref<128xi32, #tpu.memory_space<vmem>>
    %dma_wait3A_71 = arith.constant 0 : i32
    %dma_wait3A_72 = arith.constant 0 : i32
    %dma_wait3A_73 = tpu.memref_slice %arg2[%dma_wait3A_71, %dma_wait3A_72] : memref<401408x128xf32, #tpu.memory_space<hbm>> -> memref<401408x128xf32, #tpu.memory_space<hbm>>
    tpu.wait_indirect_dma semaphore(%arg7 : memref<!tpu.dma_semaphore, #tpu.memory_space<semaphore_mem>>) src(%dma_wait3A_73 : memref<401408x128xf32, #tpu.memory_space<hbm>>) dst(%arg6 : memref<128x128xf32, #tpu.memory_space<vmem>>)
    %add3A_74 = arith.constant 384 : i32
    %add3A_75 = arith.addi %mul3A_2, %add3A_74 : i32
    "tpu.region"() ({
      %run_scoped3A_76 = tpu.sem_alloc : memref<!tpu.dma_semaphore, #tpu.memory_space<semaphore_mem>>
      %dma_start3A_77 = arith.constant 0 : i32
      %dma_start3A_78 = tpu.memref_slice %arg4[%add3A_75, %dma_start3A_77] : memref<16384x128xf32, #tpu.memory_space<hbm>> -> memref<128x128xf32, #tpu.memory_space<hbm>>
      %dma_start3A_79 = arith.constant 0 : i32
      %dma_start3A_80 = tpu.memref_slice %arg4[%add3A_75, %dma_start3A_79] : memref<16384x128xf32, #tpu.memory_space<hbm>> -> memref<128x128xf32, #tpu.memory_space<hbm>>
      tpu.enqueue_dma source(%arg6 : memref<128x128xf32, #tpu.memory_space<vmem>>) target(%dma_start3A_80 : memref<128x128xf32, #tpu.memory_space<hbm>>) target_semaphore(%run_scoped3A_76 : memref<!tpu.dma_semaphore, #tpu.memory_space<semaphore_mem>>)
      %dma_wait3A_81 = arith.constant 0 : i32
      %dma_wait3A_82 = tpu.memref_slice %arg4[%add3A_75, %dma_wait3A_81] : memref<16384x128xf32, #tpu.memory_space<hbm>> -> memref<128x128xf32, #tpu.memory_space<hbm>>
      %dma_wait3A_83 = arith.constant 0 : i32
      %dma_wait3A_84 = tpu.memref_slice %arg4[%add3A_75, %dma_wait3A_83] : memref<16384x128xf32, #tpu.memory_space<hbm>> -> memref<128x128xf32, #tpu.memory_space<hbm>>
      tpu.wait_dma2 semaphore(%run_scoped3A_76 : memref<!tpu.dma_semaphore, #tpu.memory_space<semaphore_mem>>) src(%arg6 : memref<128x128xf32, #tpu.memory_space<vmem>>) dst(%dma_wait3A_84 : memref<128x128xf32, #tpu.memory_space<hbm>>)
      tpu.yield
    }) : () -> ()
    return
  }
}

#map = affine_map<(d0, d1) -> (0, 0)>
#map1 = affine_map<(d0, d1) -> (0)>
module attributes {stable_mosaic.version = 14 : i64} {
  func.func @k(%arg0: i32, %arg1: i32, %arg2: memref<100000x128xf32, #tpu.memory_space<hbm>>, %arg3: memref<100000x128xf32, #tpu.memory_space<hbm>>, %arg4: memref<16384xi32, #tpu.memory_space<hbm>>, %arg5: memref<16384x128xf32, #tpu.memory_space<hbm>>, %arg6: memref<16384x128xf32, #tpu.memory_space<hbm>>, %arg7: memref<4x128xi32, #tpu.memory_space<vmem>>, %arg8: memref<128x128xf32, #tpu.memory_space<vmem>>, %arg9: memref<128x128xf32, #tpu.memory_space<vmem>>, %arg10: memref<!tpu.dma_semaphore, #tpu.memory_space<semaphore_mem>>) attributes {dimension_semantics = [#tpu.dimension_semantics<core_parallel>, #tpu.dimension_semantics<subcore_parallel>], iteration_bounds = array<i64: 2, 16>, scalar_prefetch = 0 : i64, scratch_operands = 4 : i64, tpu.core_type = #tpu.core_type<sc_vector_subcore>, window_params = [{transform_indices = #map}, {transform_indices = #map}, {transform_indices = #map1}, {transform_indices = #map}, {transform_indices = #map}]} {
    %mul3A = arith.constant 2 : i32
    %mul3A_0 = arith.muli %arg1, %mul3A : i32
    %add3A = arith.addi %mul3A_0, %arg0 : i32
    %mul3A_1 = arith.constant 512 : i32
    %mul3A_2 = arith.muli %add3A, %mul3A_1 : i32
    %add3A_3 = arith.constant 0 : i32
    %add3A_4 = arith.addi %mul3A_2, %add3A_3 : i32
    %run_scoped3A = arith.constant 0 : i32
    "tpu.region"() ({
      %run_scoped3A_140 = tpu.sem_alloc : memref<!tpu.dma_semaphore, #tpu.memory_space<semaphore_mem>>
      %dma_start3A_141 = arith.constant 0 : i32
      %dma_start3A_142 = tpu.memref_slice %arg7[%run_scoped3A, %dma_start3A_141] : memref<4x128xi32, #tpu.memory_space<vmem>> -> memref<1x128xi32, #tpu.memory_space<vmem>>
      %dma_start3A_143 = tpu.memref_squeeze %dma_start3A_142 : memref<1x128xi32, #tpu.memory_space<vmem>> -> memref<128xi32, #tpu.memory_space<vmem>>
      %dma_start3A_144 = tpu.memref_slice %arg4[%add3A_4] : memref<16384xi32, #tpu.memory_space<hbm>> -> memref<128xi32, #tpu.memory_space<hbm>>
      %dma_start3A_145 = arith.constant 0 : i32
      %dma_start3A_146 = tpu.memref_slice %arg7[%run_scoped3A, %dma_start3A_145] : memref<4x128xi32, #tpu.memory_space<vmem>> -> memref<1x128xi32, #tpu.memory_space<vmem>>
      %dma_start3A_147 = tpu.memref_squeeze %dma_start3A_146 : memref<1x128xi32, #tpu.memory_space<vmem>> -> memref<128xi32, #tpu.memory_space<vmem>>
      %dma_start3A_148 = tpu.memref_slice %arg4[%add3A_4] : memref<16384xi32, #tpu.memory_space<hbm>> -> memref<128xi32, #tpu.memory_space<hbm>>
      tpu.enqueue_dma source(%dma_start3A_148 : memref<128xi32, #tpu.memory_space<hbm>>) target(%dma_start3A_147 : memref<128xi32, #tpu.memory_space<vmem>>) target_semaphore(%run_scoped3A_140 : memref<!tpu.dma_semaphore, #tpu.memory_space<semaphore_mem>>)
      %dma_wait3A_149 = arith.constant 0 : i32
      %dma_wait3A_150 = tpu.memref_slice %arg7[%run_scoped3A, %dma_wait3A_149] : memref<4x128xi32, #tpu.memory_space<vmem>> -> memref<1x128xi32, #tpu.memory_space<vmem>>
      %dma_wait3A_151 = tpu.memref_squeeze %dma_wait3A_150 : memref<1x128xi32, #tpu.memory_space<vmem>> -> memref<128xi32, #tpu.memory_space<vmem>>
      %dma_wait3A_152 = tpu.memref_slice %arg4[%add3A_4] : memref<16384xi32, #tpu.memory_space<hbm>> -> memref<128xi32, #tpu.memory_space<hbm>>
      %dma_wait3A_153 = arith.constant 0 : i32
      %dma_wait3A_154 = tpu.memref_slice %arg7[%run_scoped3A, %dma_wait3A_153] : memref<4x128xi32, #tpu.memory_space<vmem>> -> memref<1x128xi32, #tpu.memory_space<vmem>>
      %dma_wait3A_155 = tpu.memref_squeeze %dma_wait3A_154 : memref<1x128xi32, #tpu.memory_space<vmem>> -> memref<128xi32, #tpu.memory_space<vmem>>
      %dma_wait3A_156 = tpu.memref_slice %arg4[%add3A_4] : memref<16384xi32, #tpu.memory_space<hbm>> -> memref<128xi32, #tpu.memory_space<hbm>>
      tpu.wait_dma2 semaphore(%run_scoped3A_140 : memref<!tpu.dma_semaphore, #tpu.memory_space<semaphore_mem>>) src(%dma_wait3A_156 : memref<128xi32, #tpu.memory_space<hbm>>) dst(%dma_wait3A_155 : memref<128xi32, #tpu.memory_space<vmem>>)
      tpu.yield
    }) : () -> ()
    %dma_start3A = arith.constant 0 : i32
    %dma_start3A_5 = arith.constant 0 : i32
    %dma_start3A_6 = tpu.memref_slice %arg7[%dma_start3A, %dma_start3A_5] : memref<4x128xi32, #tpu.memory_space<vmem>> -> memref<1x128xi32, #tpu.memory_space<vmem>>
    %dma_start3A_7 = tpu.memref_squeeze %dma_start3A_6 : memref<1x128xi32, #tpu.memory_space<vmem>> -> memref<128xi32, #tpu.memory_space<vmem>>
    %dma_start3A_8 = arith.constant 0 : i32
    %dma_start3A_9 = arith.constant 0 : i32
    %dma_start3A_10 = tpu.memref_slice %arg2[%dma_start3A_8, %dma_start3A_9] : memref<100000x128xf32, #tpu.memory_space<hbm>> -> memref<100000x128xf32, #tpu.memory_space<hbm>>
    tpu.enqueue_indirect_dma source(%dma_start3A_10 : memref<100000x128xf32, #tpu.memory_space<hbm>>) target(%arg8 : memref<128x128xf32, #tpu.memory_space<vmem>>) offsets(%dma_start3A_7 : memref<128xi32, #tpu.memory_space<vmem>>) semaphore(%arg10 : memref<!tpu.dma_semaphore, #tpu.memory_space<semaphore_mem>>)
    %dma_wait3A = arith.constant 0 : i32
    %dma_wait3A_11 = arith.constant 0 : i32
    %dma_wait3A_12 = tpu.memref_slice %arg7[%dma_wait3A, %dma_wait3A_11] : memref<4x128xi32, #tpu.memory_space<vmem>> -> memref<1x128xi32, #tpu.memory_space<vmem>>
    %dma_wait3A_13 = tpu.memref_squeeze %dma_wait3A_12 : memref<1x128xi32, #tpu.memory_space<vmem>> -> memref<128xi32, #tpu.memory_space<vmem>>
    %dma_wait3A_14 = arith.constant 0 : i32
    %dma_wait3A_15 = arith.constant 0 : i32
    %dma_wait3A_16 = tpu.memref_slice %arg2[%dma_wait3A_14, %dma_wait3A_15] : memref<100000x128xf32, #tpu.memory_space<hbm>> -> memref<100000x128xf32, #tpu.memory_space<hbm>>
    tpu.wait_indirect_dma semaphore(%arg10 : memref<!tpu.dma_semaphore, #tpu.memory_space<semaphore_mem>>) src(%dma_wait3A_16 : memref<100000x128xf32, #tpu.memory_space<hbm>>) dst(%arg8 : memref<128x128xf32, #tpu.memory_space<vmem>>)
    %dma_start3A_17 = arith.constant 0 : i32
    %dma_start3A_18 = arith.constant 0 : i32
    %dma_start3A_19 = tpu.memref_slice %arg7[%dma_start3A_17, %dma_start3A_18] : memref<4x128xi32, #tpu.memory_space<vmem>> -> memref<1x128xi32, #tpu.memory_space<vmem>>
    %dma_start3A_20 = tpu.memref_squeeze %dma_start3A_19 : memref<1x128xi32, #tpu.memory_space<vmem>> -> memref<128xi32, #tpu.memory_space<vmem>>
    %dma_start3A_21 = arith.constant 0 : i32
    %dma_start3A_22 = arith.constant 0 : i32
    %dma_start3A_23 = tpu.memref_slice %arg3[%dma_start3A_21, %dma_start3A_22] : memref<100000x128xf32, #tpu.memory_space<hbm>> -> memref<100000x128xf32, #tpu.memory_space<hbm>>
    tpu.enqueue_indirect_dma source(%dma_start3A_23 : memref<100000x128xf32, #tpu.memory_space<hbm>>) target(%arg9 : memref<128x128xf32, #tpu.memory_space<vmem>>) offsets(%dma_start3A_20 : memref<128xi32, #tpu.memory_space<vmem>>) semaphore(%arg10 : memref<!tpu.dma_semaphore, #tpu.memory_space<semaphore_mem>>)
    %dma_wait3A_24 = arith.constant 0 : i32
    %dma_wait3A_25 = arith.constant 0 : i32
    %dma_wait3A_26 = tpu.memref_slice %arg7[%dma_wait3A_24, %dma_wait3A_25] : memref<4x128xi32, #tpu.memory_space<vmem>> -> memref<1x128xi32, #tpu.memory_space<vmem>>
    %dma_wait3A_27 = tpu.memref_squeeze %dma_wait3A_26 : memref<1x128xi32, #tpu.memory_space<vmem>> -> memref<128xi32, #tpu.memory_space<vmem>>
    %dma_wait3A_28 = arith.constant 0 : i32
    %dma_wait3A_29 = arith.constant 0 : i32
    %dma_wait3A_30 = tpu.memref_slice %arg3[%dma_wait3A_28, %dma_wait3A_29] : memref<100000x128xf32, #tpu.memory_space<hbm>> -> memref<100000x128xf32, #tpu.memory_space<hbm>>
    tpu.wait_indirect_dma semaphore(%arg10 : memref<!tpu.dma_semaphore, #tpu.memory_space<semaphore_mem>>) src(%dma_wait3A_30 : memref<100000x128xf32, #tpu.memory_space<hbm>>) dst(%arg9 : memref<128x128xf32, #tpu.memory_space<vmem>>)
    %add3A_31 = arith.constant 0 : i32
    %add3A_32 = arith.addi %mul3A_2, %add3A_31 : i32
    "tpu.region"() ({
      %run_scoped3A_140 = tpu.sem_alloc : memref<!tpu.dma_semaphore, #tpu.memory_space<semaphore_mem>>
      %dma_start3A_141 = arith.constant 0 : i32
      %dma_start3A_142 = tpu.memref_slice %arg5[%add3A_32, %dma_start3A_141] : memref<16384x128xf32, #tpu.memory_space<hbm>> -> memref<128x128xf32, #tpu.memory_space<hbm>>
      %dma_start3A_143 = arith.constant 0 : i32
      %dma_start3A_144 = tpu.memref_slice %arg5[%add3A_32, %dma_start3A_143] : memref<16384x128xf32, #tpu.memory_space<hbm>> -> memref<128x128xf32, #tpu.memory_space<hbm>>
      tpu.enqueue_dma source(%arg8 : memref<128x128xf32, #tpu.memory_space<vmem>>) target(%dma_start3A_144 : memref<128x128xf32, #tpu.memory_space<hbm>>) target_semaphore(%run_scoped3A_140 : memref<!tpu.dma_semaphore, #tpu.memory_space<semaphore_mem>>)
      %dma_wait3A_145 = arith.constant 0 : i32
      %dma_wait3A_146 = tpu.memref_slice %arg5[%add3A_32, %dma_wait3A_145] : memref<16384x128xf32, #tpu.memory_space<hbm>> -> memref<128x128xf32, #tpu.memory_space<hbm>>
      %dma_wait3A_147 = arith.constant 0 : i32
      %dma_wait3A_148 = tpu.memref_slice %arg5[%add3A_32, %dma_wait3A_147] : memref<16384x128xf32, #tpu.memory_space<hbm>> -> memref<128x128xf32, #tpu.memory_space<hbm>>
      tpu.wait_dma2 semaphore(%run_scoped3A_140 : memref<!tpu.dma_semaphore, #tpu.memory_space<semaphore_mem>>) src(%arg8 : memref<128x128xf32, #tpu.memory_space<vmem>>) dst(%dma_wait3A_148 : memref<128x128xf32, #tpu.memory_space<hbm>>)
      tpu.yield
    }) : () -> ()
    %add3A_33 = arith.constant 0 : i32
    %add3A_34 = arith.addi %mul3A_2, %add3A_33 : i32
    "tpu.region"() ({
      %run_scoped3A_140 = tpu.sem_alloc : memref<!tpu.dma_semaphore, #tpu.memory_space<semaphore_mem>>
      %dma_start3A_141 = arith.constant 0 : i32
      %dma_start3A_142 = tpu.memref_slice %arg6[%add3A_34, %dma_start3A_141] : memref<16384x128xf32, #tpu.memory_space<hbm>> -> memref<128x128xf32, #tpu.memory_space<hbm>>
      %dma_start3A_143 = arith.constant 0 : i32
      %dma_start3A_144 = tpu.memref_slice %arg6[%add3A_34, %dma_start3A_143] : memref<16384x128xf32, #tpu.memory_space<hbm>> -> memref<128x128xf32, #tpu.memory_space<hbm>>
      tpu.enqueue_dma source(%arg9 : memref<128x128xf32, #tpu.memory_space<vmem>>) target(%dma_start3A_144 : memref<128x128xf32, #tpu.memory_space<hbm>>) target_semaphore(%run_scoped3A_140 : memref<!tpu.dma_semaphore, #tpu.memory_space<semaphore_mem>>)
      %dma_wait3A_145 = arith.constant 0 : i32
      %dma_wait3A_146 = tpu.memref_slice %arg6[%add3A_34, %dma_wait3A_145] : memref<16384x128xf32, #tpu.memory_space<hbm>> -> memref<128x128xf32, #tpu.memory_space<hbm>>
      %dma_wait3A_147 = arith.constant 0 : i32
      %dma_wait3A_148 = tpu.memref_slice %arg6[%add3A_34, %dma_wait3A_147] : memref<16384x128xf32, #tpu.memory_space<hbm>> -> memref<128x128xf32, #tpu.memory_space<hbm>>
      tpu.wait_dma2 semaphore(%run_scoped3A_140 : memref<!tpu.dma_semaphore, #tpu.memory_space<semaphore_mem>>) src(%arg9 : memref<128x128xf32, #tpu.memory_space<vmem>>) dst(%dma_wait3A_148 : memref<128x128xf32, #tpu.memory_space<hbm>>)
      tpu.yield
    }) : () -> ()
    %add3A_35 = arith.constant 128 : i32
    %add3A_36 = arith.addi %mul3A_2, %add3A_35 : i32
    %run_scoped3A_37 = arith.constant 1 : i32
    "tpu.region"() ({
      %run_scoped3A_140 = tpu.sem_alloc : memref<!tpu.dma_semaphore, #tpu.memory_space<semaphore_mem>>
      %dma_start3A_141 = arith.constant 0 : i32
      %dma_start3A_142 = tpu.memref_slice %arg7[%run_scoped3A_37, %dma_start3A_141] : memref<4x128xi32, #tpu.memory_space<vmem>> -> memref<1x128xi32, #tpu.memory_space<vmem>>
      %dma_start3A_143 = tpu.memref_squeeze %dma_start3A_142 : memref<1x128xi32, #tpu.memory_space<vmem>> -> memref<128xi32, #tpu.memory_space<vmem>>
      %dma_start3A_144 = tpu.memref_slice %arg4[%add3A_36] : memref<16384xi32, #tpu.memory_space<hbm>> -> memref<128xi32, #tpu.memory_space<hbm>>
      %dma_start3A_145 = arith.constant 0 : i32
      %dma_start3A_146 = tpu.memref_slice %arg7[%run_scoped3A_37, %dma_start3A_145] : memref<4x128xi32, #tpu.memory_space<vmem>> -> memref<1x128xi32, #tpu.memory_space<vmem>>
      %dma_start3A_147 = tpu.memref_squeeze %dma_start3A_146 : memref<1x128xi32, #tpu.memory_space<vmem>> -> memref<128xi32, #tpu.memory_space<vmem>>
      %dma_start3A_148 = tpu.memref_slice %arg4[%add3A_36] : memref<16384xi32, #tpu.memory_space<hbm>> -> memref<128xi32, #tpu.memory_space<hbm>>
      tpu.enqueue_dma source(%dma_start3A_148 : memref<128xi32, #tpu.memory_space<hbm>>) target(%dma_start3A_147 : memref<128xi32, #tpu.memory_space<vmem>>) target_semaphore(%run_scoped3A_140 : memref<!tpu.dma_semaphore, #tpu.memory_space<semaphore_mem>>)
      %dma_wait3A_149 = arith.constant 0 : i32
      %dma_wait3A_150 = tpu.memref_slice %arg7[%run_scoped3A_37, %dma_wait3A_149] : memref<4x128xi32, #tpu.memory_space<vmem>> -> memref<1x128xi32, #tpu.memory_space<vmem>>
      %dma_wait3A_151 = tpu.memref_squeeze %dma_wait3A_150 : memref<1x128xi32, #tpu.memory_space<vmem>> -> memref<128xi32, #tpu.memory_space<vmem>>
      %dma_wait3A_152 = tpu.memref_slice %arg4[%add3A_36] : memref<16384xi32, #tpu.memory_space<hbm>> -> memref<128xi32, #tpu.memory_space<hbm>>
      %dma_wait3A_153 = arith.constant 0 : i32
      %dma_wait3A_154 = tpu.memref_slice %arg7[%run_scoped3A_37, %dma_wait3A_153] : memref<4x128xi32, #tpu.memory_space<vmem>> -> memref<1x128xi32, #tpu.memory_space<vmem>>
      %dma_wait3A_155 = tpu.memref_squeeze %dma_wait3A_154 : memref<1x128xi32, #tpu.memory_space<vmem>> -> memref<128xi32, #tpu.memory_space<vmem>>
      %dma_wait3A_156 = tpu.memref_slice %arg4[%add3A_36] : memref<16384xi32, #tpu.memory_space<hbm>> -> memref<128xi32, #tpu.memory_space<hbm>>
      tpu.wait_dma2 semaphore(%run_scoped3A_140 : memref<!tpu.dma_semaphore, #tpu.memory_space<semaphore_mem>>) src(%dma_wait3A_156 : memref<128xi32, #tpu.memory_space<hbm>>) dst(%dma_wait3A_155 : memref<128xi32, #tpu.memory_space<vmem>>)
      tpu.yield
    }) : () -> ()
    %dma_start3A_38 = arith.constant 1 : i32
    %dma_start3A_39 = arith.constant 0 : i32
    %dma_start3A_40 = tpu.memref_slice %arg7[%dma_start3A_38, %dma_start3A_39] : memref<4x128xi32, #tpu.memory_space<vmem>> -> memref<1x128xi32, #tpu.memory_space<vmem>>
    %dma_start3A_41 = tpu.memref_squeeze %dma_start3A_40 : memref<1x128xi32, #tpu.memory_space<vmem>> -> memref<128xi32, #tpu.memory_space<vmem>>
    %dma_start3A_42 = arith.constant 0 : i32
    %dma_start3A_43 = arith.constant 0 : i32
    %dma_start3A_44 = tpu.memref_slice %arg2[%dma_start3A_42, %dma_start3A_43] : memref<100000x128xf32, #tpu.memory_space<hbm>> -> memref<100000x128xf32, #tpu.memory_space<hbm>>
    tpu.enqueue_indirect_dma source(%dma_start3A_44 : memref<100000x128xf32, #tpu.memory_space<hbm>>) target(%arg8 : memref<128x128xf32, #tpu.memory_space<vmem>>) offsets(%dma_start3A_41 : memref<128xi32, #tpu.memory_space<vmem>>) semaphore(%arg10 : memref<!tpu.dma_semaphore, #tpu.memory_space<semaphore_mem>>)
    %dma_wait3A_45 = arith.constant 1 : i32
    %dma_wait3A_46 = arith.constant 0 : i32
    %dma_wait3A_47 = tpu.memref_slice %arg7[%dma_wait3A_45, %dma_wait3A_46] : memref<4x128xi32, #tpu.memory_space<vmem>> -> memref<1x128xi32, #tpu.memory_space<vmem>>
    %dma_wait3A_48 = tpu.memref_squeeze %dma_wait3A_47 : memref<1x128xi32, #tpu.memory_space<vmem>> -> memref<128xi32, #tpu.memory_space<vmem>>
    %dma_wait3A_49 = arith.constant 0 : i32
    %dma_wait3A_50 = arith.constant 0 : i32
    %dma_wait3A_51 = tpu.memref_slice %arg2[%dma_wait3A_49, %dma_wait3A_50] : memref<100000x128xf32, #tpu.memory_space<hbm>> -> memref<100000x128xf32, #tpu.memory_space<hbm>>
    tpu.wait_indirect_dma semaphore(%arg10 : memref<!tpu.dma_semaphore, #tpu.memory_space<semaphore_mem>>) src(%dma_wait3A_51 : memref<100000x128xf32, #tpu.memory_space<hbm>>) dst(%arg8 : memref<128x128xf32, #tpu.memory_space<vmem>>)
    %dma_start3A_52 = arith.constant 1 : i32
    %dma_start3A_53 = arith.constant 0 : i32
    %dma_start3A_54 = tpu.memref_slice %arg7[%dma_start3A_52, %dma_start3A_53] : memref<4x128xi32, #tpu.memory_space<vmem>> -> memref<1x128xi32, #tpu.memory_space<vmem>>
    %dma_start3A_55 = tpu.memref_squeeze %dma_start3A_54 : memref<1x128xi32, #tpu.memory_space<vmem>> -> memref<128xi32, #tpu.memory_space<vmem>>
    %dma_start3A_56 = arith.constant 0 : i32
    %dma_start3A_57 = arith.constant 0 : i32
    %dma_start3A_58 = tpu.memref_slice %arg3[%dma_start3A_56, %dma_start3A_57] : memref<100000x128xf32, #tpu.memory_space<hbm>> -> memref<100000x128xf32, #tpu.memory_space<hbm>>
    tpu.enqueue_indirect_dma source(%dma_start3A_58 : memref<100000x128xf32, #tpu.memory_space<hbm>>) target(%arg9 : memref<128x128xf32, #tpu.memory_space<vmem>>) offsets(%dma_start3A_55 : memref<128xi32, #tpu.memory_space<vmem>>) semaphore(%arg10 : memref<!tpu.dma_semaphore, #tpu.memory_space<semaphore_mem>>)
    %dma_wait3A_59 = arith.constant 1 : i32
    %dma_wait3A_60 = arith.constant 0 : i32
    %dma_wait3A_61 = tpu.memref_slice %arg7[%dma_wait3A_59, %dma_wait3A_60] : memref<4x128xi32, #tpu.memory_space<vmem>> -> memref<1x128xi32, #tpu.memory_space<vmem>>
    %dma_wait3A_62 = tpu.memref_squeeze %dma_wait3A_61 : memref<1x128xi32, #tpu.memory_space<vmem>> -> memref<128xi32, #tpu.memory_space<vmem>>
    %dma_wait3A_63 = arith.constant 0 : i32
    %dma_wait3A_64 = arith.constant 0 : i32
    %dma_wait3A_65 = tpu.memref_slice %arg3[%dma_wait3A_63, %dma_wait3A_64] : memref<100000x128xf32, #tpu.memory_space<hbm>> -> memref<100000x128xf32, #tpu.memory_space<hbm>>
    tpu.wait_indirect_dma semaphore(%arg10 : memref<!tpu.dma_semaphore, #tpu.memory_space<semaphore_mem>>) src(%dma_wait3A_65 : memref<100000x128xf32, #tpu.memory_space<hbm>>) dst(%arg9 : memref<128x128xf32, #tpu.memory_space<vmem>>)
    %add3A_66 = arith.constant 128 : i32
    %add3A_67 = arith.addi %mul3A_2, %add3A_66 : i32
    "tpu.region"() ({
      %run_scoped3A_140 = tpu.sem_alloc : memref<!tpu.dma_semaphore, #tpu.memory_space<semaphore_mem>>
      %dma_start3A_141 = arith.constant 0 : i32
      %dma_start3A_142 = tpu.memref_slice %arg5[%add3A_67, %dma_start3A_141] : memref<16384x128xf32, #tpu.memory_space<hbm>> -> memref<128x128xf32, #tpu.memory_space<hbm>>
      %dma_start3A_143 = arith.constant 0 : i32
      %dma_start3A_144 = tpu.memref_slice %arg5[%add3A_67, %dma_start3A_143] : memref<16384x128xf32, #tpu.memory_space<hbm>> -> memref<128x128xf32, #tpu.memory_space<hbm>>
      tpu.enqueue_dma source(%arg8 : memref<128x128xf32, #tpu.memory_space<vmem>>) target(%dma_start3A_144 : memref<128x128xf32, #tpu.memory_space<hbm>>) target_semaphore(%run_scoped3A_140 : memref<!tpu.dma_semaphore, #tpu.memory_space<semaphore_mem>>)
      %dma_wait3A_145 = arith.constant 0 : i32
      %dma_wait3A_146 = tpu.memref_slice %arg5[%add3A_67, %dma_wait3A_145] : memref<16384x128xf32, #tpu.memory_space<hbm>> -> memref<128x128xf32, #tpu.memory_space<hbm>>
      %dma_wait3A_147 = arith.constant 0 : i32
      %dma_wait3A_148 = tpu.memref_slice %arg5[%add3A_67, %dma_wait3A_147] : memref<16384x128xf32, #tpu.memory_space<hbm>> -> memref<128x128xf32, #tpu.memory_space<hbm>>
      tpu.wait_dma2 semaphore(%run_scoped3A_140 : memref<!tpu.dma_semaphore, #tpu.memory_space<semaphore_mem>>) src(%arg8 : memref<128x128xf32, #tpu.memory_space<vmem>>) dst(%dma_wait3A_148 : memref<128x128xf32, #tpu.memory_space<hbm>>)
      tpu.yield
    }) : () -> ()
    %add3A_68 = arith.constant 128 : i32
    %add3A_69 = arith.addi %mul3A_2, %add3A_68 : i32
    "tpu.region"() ({
      %run_scoped3A_140 = tpu.sem_alloc : memref<!tpu.dma_semaphore, #tpu.memory_space<semaphore_mem>>
      %dma_start3A_141 = arith.constant 0 : i32
      %dma_start3A_142 = tpu.memref_slice %arg6[%add3A_69, %dma_start3A_141] : memref<16384x128xf32, #tpu.memory_space<hbm>> -> memref<128x128xf32, #tpu.memory_space<hbm>>
      %dma_start3A_143 = arith.constant 0 : i32
      %dma_start3A_144 = tpu.memref_slice %arg6[%add3A_69, %dma_start3A_143] : memref<16384x128xf32, #tpu.memory_space<hbm>> -> memref<128x128xf32, #tpu.memory_space<hbm>>
      tpu.enqueue_dma source(%arg9 : memref<128x128xf32, #tpu.memory_space<vmem>>) target(%dma_start3A_144 : memref<128x128xf32, #tpu.memory_space<hbm>>) target_semaphore(%run_scoped3A_140 : memref<!tpu.dma_semaphore, #tpu.memory_space<semaphore_mem>>)
      %dma_wait3A_145 = arith.constant 0 : i32
      %dma_wait3A_146 = tpu.memref_slice %arg6[%add3A_69, %dma_wait3A_145] : memref<16384x128xf32, #tpu.memory_space<hbm>> -> memref<128x128xf32, #tpu.memory_space<hbm>>
      %dma_wait3A_147 = arith.constant 0 : i32
      %dma_wait3A_148 = tpu.memref_slice %arg6[%add3A_69, %dma_wait3A_147] : memref<16384x128xf32, #tpu.memory_space<hbm>> -> memref<128x128xf32, #tpu.memory_space<hbm>>
      tpu.wait_dma2 semaphore(%run_scoped3A_140 : memref<!tpu.dma_semaphore, #tpu.memory_space<semaphore_mem>>) src(%arg9 : memref<128x128xf32, #tpu.memory_space<vmem>>) dst(%dma_wait3A_148 : memref<128x128xf32, #tpu.memory_space<hbm>>)
      tpu.yield
    }) : () -> ()
    %add3A_70 = arith.constant 256 : i32
    %add3A_71 = arith.addi %mul3A_2, %add3A_70 : i32
    %run_scoped3A_72 = arith.constant 2 : i32
    "tpu.region"() ({
      %run_scoped3A_140 = tpu.sem_alloc : memref<!tpu.dma_semaphore, #tpu.memory_space<semaphore_mem>>
      %dma_start3A_141 = arith.constant 0 : i32
      %dma_start3A_142 = tpu.memref_slice %arg7[%run_scoped3A_72, %dma_start3A_141] : memref<4x128xi32, #tpu.memory_space<vmem>> -> memref<1x128xi32, #tpu.memory_space<vmem>>
      %dma_start3A_143 = tpu.memref_squeeze %dma_start3A_142 : memref<1x128xi32, #tpu.memory_space<vmem>> -> memref<128xi32, #tpu.memory_space<vmem>>
      %dma_start3A_144 = tpu.memref_slice %arg4[%add3A_71] : memref<16384xi32, #tpu.memory_space<hbm>> -> memref<128xi32, #tpu.memory_space<hbm>>
      %dma_start3A_145 = arith.constant 0 : i32
      %dma_start3A_146 = tpu.memref_slice %arg7[%run_scoped3A_72, %dma_start3A_145] : memref<4x128xi32, #tpu.memory_space<vmem>> -> memref<1x128xi32, #tpu.memory_space<vmem>>
      %dma_start3A_147 = tpu.memref_squeeze %dma_start3A_146 : memref<1x128xi32, #tpu.memory_space<vmem>> -> memref<128xi32, #tpu.memory_space<vmem>>
      %dma_start3A_148 = tpu.memref_slice %arg4[%add3A_71] : memref<16384xi32, #tpu.memory_space<hbm>> -> memref<128xi32, #tpu.memory_space<hbm>>
      tpu.enqueue_dma source(%dma_start3A_148 : memref<128xi32, #tpu.memory_space<hbm>>) target(%dma_start3A_147 : memref<128xi32, #tpu.memory_space<vmem>>) target_semaphore(%run_scoped3A_140 : memref<!tpu.dma_semaphore, #tpu.memory_space<semaphore_mem>>)
      %dma_wait3A_149 = arith.constant 0 : i32
      %dma_wait3A_150 = tpu.memref_slice %arg7[%run_scoped3A_72, %dma_wait3A_149] : memref<4x128xi32, #tpu.memory_space<vmem>> -> memref<1x128xi32, #tpu.memory_space<vmem>>
      %dma_wait3A_151 = tpu.memref_squeeze %dma_wait3A_150 : memref<1x128xi32, #tpu.memory_space<vmem>> -> memref<128xi32, #tpu.memory_space<vmem>>
      %dma_wait3A_152 = tpu.memref_slice %arg4[%add3A_71] : memref<16384xi32, #tpu.memory_space<hbm>> -> memref<128xi32, #tpu.memory_space<hbm>>
      %dma_wait3A_153 = arith.constant 0 : i32
      %dma_wait3A_154 = tpu.memref_slice %arg7[%run_scoped3A_72, %dma_wait3A_153] : memref<4x128xi32, #tpu.memory_space<vmem>> -> memref<1x128xi32, #tpu.memory_space<vmem>>
      %dma_wait3A_155 = tpu.memref_squeeze %dma_wait3A_154 : memref<1x128xi32, #tpu.memory_space<vmem>> -> memref<128xi32, #tpu.memory_space<vmem>>
      %dma_wait3A_156 = tpu.memref_slice %arg4[%add3A_71] : memref<16384xi32, #tpu.memory_space<hbm>> -> memref<128xi32, #tpu.memory_space<hbm>>
      tpu.wait_dma2 semaphore(%run_scoped3A_140 : memref<!tpu.dma_semaphore, #tpu.memory_space<semaphore_mem>>) src(%dma_wait3A_156 : memref<128xi32, #tpu.memory_space<hbm>>) dst(%dma_wait3A_155 : memref<128xi32, #tpu.memory_space<vmem>>)
      tpu.yield
    }) : () -> ()
    %dma_start3A_73 = arith.constant 2 : i32
    %dma_start3A_74 = arith.constant 0 : i32
    %dma_start3A_75 = tpu.memref_slice %arg7[%dma_start3A_73, %dma_start3A_74] : memref<4x128xi32, #tpu.memory_space<vmem>> -> memref<1x128xi32, #tpu.memory_space<vmem>>
    %dma_start3A_76 = tpu.memref_squeeze %dma_start3A_75 : memref<1x128xi32, #tpu.memory_space<vmem>> -> memref<128xi32, #tpu.memory_space<vmem>>
    %dma_start3A_77 = arith.constant 0 : i32
    %dma_start3A_78 = arith.constant 0 : i32
    %dma_start3A_79 = tpu.memref_slice %arg2[%dma_start3A_77, %dma_start3A_78] : memref<100000x128xf32, #tpu.memory_space<hbm>> -> memref<100000x128xf32, #tpu.memory_space<hbm>>
    tpu.enqueue_indirect_dma source(%dma_start3A_79 : memref<100000x128xf32, #tpu.memory_space<hbm>>) target(%arg8 : memref<128x128xf32, #tpu.memory_space<vmem>>) offsets(%dma_start3A_76 : memref<128xi32, #tpu.memory_space<vmem>>) semaphore(%arg10 : memref<!tpu.dma_semaphore, #tpu.memory_space<semaphore_mem>>)
    %dma_wait3A_80 = arith.constant 2 : i32
    %dma_wait3A_81 = arith.constant 0 : i32
    %dma_wait3A_82 = tpu.memref_slice %arg7[%dma_wait3A_80, %dma_wait3A_81] : memref<4x128xi32, #tpu.memory_space<vmem>> -> memref<1x128xi32, #tpu.memory_space<vmem>>
    %dma_wait3A_83 = tpu.memref_squeeze %dma_wait3A_82 : memref<1x128xi32, #tpu.memory_space<vmem>> -> memref<128xi32, #tpu.memory_space<vmem>>
    %dma_wait3A_84 = arith.constant 0 : i32
    %dma_wait3A_85 = arith.constant 0 : i32
    %dma_wait3A_86 = tpu.memref_slice %arg2[%dma_wait3A_84, %dma_wait3A_85] : memref<100000x128xf32, #tpu.memory_space<hbm>> -> memref<100000x128xf32, #tpu.memory_space<hbm>>
    tpu.wait_indirect_dma semaphore(%arg10 : memref<!tpu.dma_semaphore, #tpu.memory_space<semaphore_mem>>) src(%dma_wait3A_86 : memref<100000x128xf32, #tpu.memory_space<hbm>>) dst(%arg8 : memref<128x128xf32, #tpu.memory_space<vmem>>)
    %dma_start3A_87 = arith.constant 2 : i32
    %dma_start3A_88 = arith.constant 0 : i32
    %dma_start3A_89 = tpu.memref_slice %arg7[%dma_start3A_87, %dma_start3A_88] : memref<4x128xi32, #tpu.memory_space<vmem>> -> memref<1x128xi32, #tpu.memory_space<vmem>>
    %dma_start3A_90 = tpu.memref_squeeze %dma_start3A_89 : memref<1x128xi32, #tpu.memory_space<vmem>> -> memref<128xi32, #tpu.memory_space<vmem>>
    %dma_start3A_91 = arith.constant 0 : i32
    %dma_start3A_92 = arith.constant 0 : i32
    %dma_start3A_93 = tpu.memref_slice %arg3[%dma_start3A_91, %dma_start3A_92] : memref<100000x128xf32, #tpu.memory_space<hbm>> -> memref<100000x128xf32, #tpu.memory_space<hbm>>
    tpu.enqueue_indirect_dma source(%dma_start3A_93 : memref<100000x128xf32, #tpu.memory_space<hbm>>) target(%arg9 : memref<128x128xf32, #tpu.memory_space<vmem>>) offsets(%dma_start3A_90 : memref<128xi32, #tpu.memory_space<vmem>>) semaphore(%arg10 : memref<!tpu.dma_semaphore, #tpu.memory_space<semaphore_mem>>)
    %dma_wait3A_94 = arith.constant 2 : i32
    %dma_wait3A_95 = arith.constant 0 : i32
    %dma_wait3A_96 = tpu.memref_slice %arg7[%dma_wait3A_94, %dma_wait3A_95] : memref<4x128xi32, #tpu.memory_space<vmem>> -> memref<1x128xi32, #tpu.memory_space<vmem>>
    %dma_wait3A_97 = tpu.memref_squeeze %dma_wait3A_96 : memref<1x128xi32, #tpu.memory_space<vmem>> -> memref<128xi32, #tpu.memory_space<vmem>>
    %dma_wait3A_98 = arith.constant 0 : i32
    %dma_wait3A_99 = arith.constant 0 : i32
    %dma_wait3A_100 = tpu.memref_slice %arg3[%dma_wait3A_98, %dma_wait3A_99] : memref<100000x128xf32, #tpu.memory_space<hbm>> -> memref<100000x128xf32, #tpu.memory_space<hbm>>
    tpu.wait_indirect_dma semaphore(%arg10 : memref<!tpu.dma_semaphore, #tpu.memory_space<semaphore_mem>>) src(%dma_wait3A_100 : memref<100000x128xf32, #tpu.memory_space<hbm>>) dst(%arg9 : memref<128x128xf32, #tpu.memory_space<vmem>>)
    %add3A_101 = arith.constant 256 : i32
    %add3A_102 = arith.addi %mul3A_2, %add3A_101 : i32
    "tpu.region"() ({
      %run_scoped3A_140 = tpu.sem_alloc : memref<!tpu.dma_semaphore, #tpu.memory_space<semaphore_mem>>
      %dma_start3A_141 = arith.constant 0 : i32
      %dma_start3A_142 = tpu.memref_slice %arg5[%add3A_102, %dma_start3A_141] : memref<16384x128xf32, #tpu.memory_space<hbm>> -> memref<128x128xf32, #tpu.memory_space<hbm>>
      %dma_start3A_143 = arith.constant 0 : i32
      %dma_start3A_144 = tpu.memref_slice %arg5[%add3A_102, %dma_start3A_143] : memref<16384x128xf32, #tpu.memory_space<hbm>> -> memref<128x128xf32, #tpu.memory_space<hbm>>
      tpu.enqueue_dma source(%arg8 : memref<128x128xf32, #tpu.memory_space<vmem>>) target(%dma_start3A_144 : memref<128x128xf32, #tpu.memory_space<hbm>>) target_semaphore(%run_scoped3A_140 : memref<!tpu.dma_semaphore, #tpu.memory_space<semaphore_mem>>)
      %dma_wait3A_145 = arith.constant 0 : i32
      %dma_wait3A_146 = tpu.memref_slice %arg5[%add3A_102, %dma_wait3A_145] : memref<16384x128xf32, #tpu.memory_space<hbm>> -> memref<128x128xf32, #tpu.memory_space<hbm>>
      %dma_wait3A_147 = arith.constant 0 : i32
      %dma_wait3A_148 = tpu.memref_slice %arg5[%add3A_102, %dma_wait3A_147] : memref<16384x128xf32, #tpu.memory_space<hbm>> -> memref<128x128xf32, #tpu.memory_space<hbm>>
      tpu.wait_dma2 semaphore(%run_scoped3A_140 : memref<!tpu.dma_semaphore, #tpu.memory_space<semaphore_mem>>) src(%arg8 : memref<128x128xf32, #tpu.memory_space<vmem>>) dst(%dma_wait3A_148 : memref<128x128xf32, #tpu.memory_space<hbm>>)
      tpu.yield
    }) : () -> ()
    %add3A_103 = arith.constant 256 : i32
    %add3A_104 = arith.addi %mul3A_2, %add3A_103 : i32
    "tpu.region"() ({
      %run_scoped3A_140 = tpu.sem_alloc : memref<!tpu.dma_semaphore, #tpu.memory_space<semaphore_mem>>
      %dma_start3A_141 = arith.constant 0 : i32
      %dma_start3A_142 = tpu.memref_slice %arg6[%add3A_104, %dma_start3A_141] : memref<16384x128xf32, #tpu.memory_space<hbm>> -> memref<128x128xf32, #tpu.memory_space<hbm>>
      %dma_start3A_143 = arith.constant 0 : i32
      %dma_start3A_144 = tpu.memref_slice %arg6[%add3A_104, %dma_start3A_143] : memref<16384x128xf32, #tpu.memory_space<hbm>> -> memref<128x128xf32, #tpu.memory_space<hbm>>
      tpu.enqueue_dma source(%arg9 : memref<128x128xf32, #tpu.memory_space<vmem>>) target(%dma_start3A_144 : memref<128x128xf32, #tpu.memory_space<hbm>>) target_semaphore(%run_scoped3A_140 : memref<!tpu.dma_semaphore, #tpu.memory_space<semaphore_mem>>)
      %dma_wait3A_145 = arith.constant 0 : i32
      %dma_wait3A_146 = tpu.memref_slice %arg6[%add3A_104, %dma_wait3A_145] : memref<16384x128xf32, #tpu.memory_space<hbm>> -> memref<128x128xf32, #tpu.memory_space<hbm>>
      %dma_wait3A_147 = arith.constant 0 : i32
      %dma_wait3A_148 = tpu.memref_slice %arg6[%add3A_104, %dma_wait3A_147] : memref<16384x128xf32, #tpu.memory_space<hbm>> -> memref<128x128xf32, #tpu.memory_space<hbm>>
      tpu.wait_dma2 semaphore(%run_scoped3A_140 : memref<!tpu.dma_semaphore, #tpu.memory_space<semaphore_mem>>) src(%arg9 : memref<128x128xf32, #tpu.memory_space<vmem>>) dst(%dma_wait3A_148 : memref<128x128xf32, #tpu.memory_space<hbm>>)
      tpu.yield
    }) : () -> ()
    %add3A_105 = arith.constant 384 : i32
    %add3A_106 = arith.addi %mul3A_2, %add3A_105 : i32
    %run_scoped3A_107 = arith.constant 3 : i32
    "tpu.region"() ({
      %run_scoped3A_140 = tpu.sem_alloc : memref<!tpu.dma_semaphore, #tpu.memory_space<semaphore_mem>>
      %dma_start3A_141 = arith.constant 0 : i32
      %dma_start3A_142 = tpu.memref_slice %arg7[%run_scoped3A_107, %dma_start3A_141] : memref<4x128xi32, #tpu.memory_space<vmem>> -> memref<1x128xi32, #tpu.memory_space<vmem>>
      %dma_start3A_143 = tpu.memref_squeeze %dma_start3A_142 : memref<1x128xi32, #tpu.memory_space<vmem>> -> memref<128xi32, #tpu.memory_space<vmem>>
      %dma_start3A_144 = tpu.memref_slice %arg4[%add3A_106] : memref<16384xi32, #tpu.memory_space<hbm>> -> memref<128xi32, #tpu.memory_space<hbm>>
      %dma_start3A_145 = arith.constant 0 : i32
      %dma_start3A_146 = tpu.memref_slice %arg7[%run_scoped3A_107, %dma_start3A_145] : memref<4x128xi32, #tpu.memory_space<vmem>> -> memref<1x128xi32, #tpu.memory_space<vmem>>
      %dma_start3A_147 = tpu.memref_squeeze %dma_start3A_146 : memref<1x128xi32, #tpu.memory_space<vmem>> -> memref<128xi32, #tpu.memory_space<vmem>>
      %dma_start3A_148 = tpu.memref_slice %arg4[%add3A_106] : memref<16384xi32, #tpu.memory_space<hbm>> -> memref<128xi32, #tpu.memory_space<hbm>>
      tpu.enqueue_dma source(%dma_start3A_148 : memref<128xi32, #tpu.memory_space<hbm>>) target(%dma_start3A_147 : memref<128xi32, #tpu.memory_space<vmem>>) target_semaphore(%run_scoped3A_140 : memref<!tpu.dma_semaphore, #tpu.memory_space<semaphore_mem>>)
      %dma_wait3A_149 = arith.constant 0 : i32
      %dma_wait3A_150 = tpu.memref_slice %arg7[%run_scoped3A_107, %dma_wait3A_149] : memref<4x128xi32, #tpu.memory_space<vmem>> -> memref<1x128xi32, #tpu.memory_space<vmem>>
      %dma_wait3A_151 = tpu.memref_squeeze %dma_wait3A_150 : memref<1x128xi32, #tpu.memory_space<vmem>> -> memref<128xi32, #tpu.memory_space<vmem>>
      %dma_wait3A_152 = tpu.memref_slice %arg4[%add3A_106] : memref<16384xi32, #tpu.memory_space<hbm>> -> memref<128xi32, #tpu.memory_space<hbm>>
      %dma_wait3A_153 = arith.constant 0 : i32
      %dma_wait3A_154 = tpu.memref_slice %arg7[%run_scoped3A_107, %dma_wait3A_153] : memref<4x128xi32, #tpu.memory_space<vmem>> -> memref<1x128xi32, #tpu.memory_space<vmem>>
      %dma_wait3A_155 = tpu.memref_squeeze %dma_wait3A_154 : memref<1x128xi32, #tpu.memory_space<vmem>> -> memref<128xi32, #tpu.memory_space<vmem>>
      %dma_wait3A_156 = tpu.memref_slice %arg4[%add3A_106] : memref<16384xi32, #tpu.memory_space<hbm>> -> memref<128xi32, #tpu.memory_space<hbm>>
      tpu.wait_dma2 semaphore(%run_scoped3A_140 : memref<!tpu.dma_semaphore, #tpu.memory_space<semaphore_mem>>) src(%dma_wait3A_156 : memref<128xi32, #tpu.memory_space<hbm>>) dst(%dma_wait3A_155 : memref<128xi32, #tpu.memory_space<vmem>>)
      tpu.yield
    }) : () -> ()
    %dma_start3A_108 = arith.constant 3 : i32
    %dma_start3A_109 = arith.constant 0 : i32
    %dma_start3A_110 = tpu.memref_slice %arg7[%dma_start3A_108, %dma_start3A_109] : memref<4x128xi32, #tpu.memory_space<vmem>> -> memref<1x128xi32, #tpu.memory_space<vmem>>
    %dma_start3A_111 = tpu.memref_squeeze %dma_start3A_110 : memref<1x128xi32, #tpu.memory_space<vmem>> -> memref<128xi32, #tpu.memory_space<vmem>>
    %dma_start3A_112 = arith.constant 0 : i32
    %dma_start3A_113 = arith.constant 0 : i32
    %dma_start3A_114 = tpu.memref_slice %arg2[%dma_start3A_112, %dma_start3A_113] : memref<100000x128xf32, #tpu.memory_space<hbm>> -> memref<100000x128xf32, #tpu.memory_space<hbm>>
    tpu.enqueue_indirect_dma source(%dma_start3A_114 : memref<100000x128xf32, #tpu.memory_space<hbm>>) target(%arg8 : memref<128x128xf32, #tpu.memory_space<vmem>>) offsets(%dma_start3A_111 : memref<128xi32, #tpu.memory_space<vmem>>) semaphore(%arg10 : memref<!tpu.dma_semaphore, #tpu.memory_space<semaphore_mem>>)
    %dma_wait3A_115 = arith.constant 3 : i32
    %dma_wait3A_116 = arith.constant 0 : i32
    %dma_wait3A_117 = tpu.memref_slice %arg7[%dma_wait3A_115, %dma_wait3A_116] : memref<4x128xi32, #tpu.memory_space<vmem>> -> memref<1x128xi32, #tpu.memory_space<vmem>>
    %dma_wait3A_118 = tpu.memref_squeeze %dma_wait3A_117 : memref<1x128xi32, #tpu.memory_space<vmem>> -> memref<128xi32, #tpu.memory_space<vmem>>
    %dma_wait3A_119 = arith.constant 0 : i32
    %dma_wait3A_120 = arith.constant 0 : i32
    %dma_wait3A_121 = tpu.memref_slice %arg2[%dma_wait3A_119, %dma_wait3A_120] : memref<100000x128xf32, #tpu.memory_space<hbm>> -> memref<100000x128xf32, #tpu.memory_space<hbm>>
    tpu.wait_indirect_dma semaphore(%arg10 : memref<!tpu.dma_semaphore, #tpu.memory_space<semaphore_mem>>) src(%dma_wait3A_121 : memref<100000x128xf32, #tpu.memory_space<hbm>>) dst(%arg8 : memref<128x128xf32, #tpu.memory_space<vmem>>)
    %dma_start3A_122 = arith.constant 3 : i32
    %dma_start3A_123 = arith.constant 0 : i32
    %dma_start3A_124 = tpu.memref_slice %arg7[%dma_start3A_122, %dma_start3A_123] : memref<4x128xi32, #tpu.memory_space<vmem>> -> memref<1x128xi32, #tpu.memory_space<vmem>>
    %dma_start3A_125 = tpu.memref_squeeze %dma_start3A_124 : memref<1x128xi32, #tpu.memory_space<vmem>> -> memref<128xi32, #tpu.memory_space<vmem>>
    %dma_start3A_126 = arith.constant 0 : i32
    %dma_start3A_127 = arith.constant 0 : i32
    %dma_start3A_128 = tpu.memref_slice %arg3[%dma_start3A_126, %dma_start3A_127] : memref<100000x128xf32, #tpu.memory_space<hbm>> -> memref<100000x128xf32, #tpu.memory_space<hbm>>
    tpu.enqueue_indirect_dma source(%dma_start3A_128 : memref<100000x128xf32, #tpu.memory_space<hbm>>) target(%arg9 : memref<128x128xf32, #tpu.memory_space<vmem>>) offsets(%dma_start3A_125 : memref<128xi32, #tpu.memory_space<vmem>>) semaphore(%arg10 : memref<!tpu.dma_semaphore, #tpu.memory_space<semaphore_mem>>)
    %dma_wait3A_129 = arith.constant 3 : i32
    %dma_wait3A_130 = arith.constant 0 : i32
    %dma_wait3A_131 = tpu.memref_slice %arg7[%dma_wait3A_129, %dma_wait3A_130] : memref<4x128xi32, #tpu.memory_space<vmem>> -> memref<1x128xi32, #tpu.memory_space<vmem>>
    %dma_wait3A_132 = tpu.memref_squeeze %dma_wait3A_131 : memref<1x128xi32, #tpu.memory_space<vmem>> -> memref<128xi32, #tpu.memory_space<vmem>>
    %dma_wait3A_133 = arith.constant 0 : i32
    %dma_wait3A_134 = arith.constant 0 : i32
    %dma_wait3A_135 = tpu.memref_slice %arg3[%dma_wait3A_133, %dma_wait3A_134] : memref<100000x128xf32, #tpu.memory_space<hbm>> -> memref<100000x128xf32, #tpu.memory_space<hbm>>
    tpu.wait_indirect_dma semaphore(%arg10 : memref<!tpu.dma_semaphore, #tpu.memory_space<semaphore_mem>>) src(%dma_wait3A_135 : memref<100000x128xf32, #tpu.memory_space<hbm>>) dst(%arg9 : memref<128x128xf32, #tpu.memory_space<vmem>>)
    %add3A_136 = arith.constant 384 : i32
    %add3A_137 = arith.addi %mul3A_2, %add3A_136 : i32
    "tpu.region"() ({
      %run_scoped3A_140 = tpu.sem_alloc : memref<!tpu.dma_semaphore, #tpu.memory_space<semaphore_mem>>
      %dma_start3A_141 = arith.constant 0 : i32
      %dma_start3A_142 = tpu.memref_slice %arg5[%add3A_137, %dma_start3A_141] : memref<16384x128xf32, #tpu.memory_space<hbm>> -> memref<128x128xf32, #tpu.memory_space<hbm>>
      %dma_start3A_143 = arith.constant 0 : i32
      %dma_start3A_144 = tpu.memref_slice %arg5[%add3A_137, %dma_start3A_143] : memref<16384x128xf32, #tpu.memory_space<hbm>> -> memref<128x128xf32, #tpu.memory_space<hbm>>
      tpu.enqueue_dma source(%arg8 : memref<128x128xf32, #tpu.memory_space<vmem>>) target(%dma_start3A_144 : memref<128x128xf32, #tpu.memory_space<hbm>>) target_semaphore(%run_scoped3A_140 : memref<!tpu.dma_semaphore, #tpu.memory_space<semaphore_mem>>)
      %dma_wait3A_145 = arith.constant 0 : i32
      %dma_wait3A_146 = tpu.memref_slice %arg5[%add3A_137, %dma_wait3A_145] : memref<16384x128xf32, #tpu.memory_space<hbm>> -> memref<128x128xf32, #tpu.memory_space<hbm>>
      %dma_wait3A_147 = arith.constant 0 : i32
      %dma_wait3A_148 = tpu.memref_slice %arg5[%add3A_137, %dma_wait3A_147] : memref<16384x128xf32, #tpu.memory_space<hbm>> -> memref<128x128xf32, #tpu.memory_space<hbm>>
      tpu.wait_dma2 semaphore(%run_scoped3A_140 : memref<!tpu.dma_semaphore, #tpu.memory_space<semaphore_mem>>) src(%arg8 : memref<128x128xf32, #tpu.memory_space<vmem>>) dst(%dma_wait3A_148 : memref<128x128xf32, #tpu.memory_space<hbm>>)
      tpu.yield
    }) : () -> ()
    %add3A_138 = arith.constant 384 : i32
    %add3A_139 = arith.addi %mul3A_2, %add3A_138 : i32
    "tpu.region"() ({
      %run_scoped3A_140 = tpu.sem_alloc : memref<!tpu.dma_semaphore, #tpu.memory_space<semaphore_mem>>
      %dma_start3A_141 = arith.constant 0 : i32
      %dma_start3A_142 = tpu.memref_slice %arg6[%add3A_139, %dma_start3A_141] : memref<16384x128xf32, #tpu.memory_space<hbm>> -> memref<128x128xf32, #tpu.memory_space<hbm>>
      %dma_start3A_143 = arith.constant 0 : i32
      %dma_start3A_144 = tpu.memref_slice %arg6[%add3A_139, %dma_start3A_143] : memref<16384x128xf32, #tpu.memory_space<hbm>> -> memref<128x128xf32, #tpu.memory_space<hbm>>
      tpu.enqueue_dma source(%arg9 : memref<128x128xf32, #tpu.memory_space<vmem>>) target(%dma_start3A_144 : memref<128x128xf32, #tpu.memory_space<hbm>>) target_semaphore(%run_scoped3A_140 : memref<!tpu.dma_semaphore, #tpu.memory_space<semaphore_mem>>)
      %dma_wait3A_145 = arith.constant 0 : i32
      %dma_wait3A_146 = tpu.memref_slice %arg6[%add3A_139, %dma_wait3A_145] : memref<16384x128xf32, #tpu.memory_space<hbm>> -> memref<128x128xf32, #tpu.memory_space<hbm>>
      %dma_wait3A_147 = arith.constant 0 : i32
      %dma_wait3A_148 = tpu.memref_slice %arg6[%add3A_139, %dma_wait3A_147] : memref<16384x128xf32, #tpu.memory_space<hbm>> -> memref<128x128xf32, #tpu.memory_space<hbm>>
      tpu.wait_dma2 semaphore(%run_scoped3A_140 : memref<!tpu.dma_semaphore, #tpu.memory_space<semaphore_mem>>) src(%arg9 : memref<128x128xf32, #tpu.memory_space<vmem>>) dst(%dma_wait3A_148 : memref<128x128xf32, #tpu.memory_space<hbm>>)
      tpu.yield
    }) : () -> ()
    return
  }
}

module attributes {stable_mosaic.version = 14 : i64} {
  func.func @_chunk_topk_body(%arg0: memref<49x512x16xf32, #tpu.memory_space<vmem>>, %arg1: memref<512x32xi32, #tpu.memory_space<vmem>>, %arg2: memref<512x784xf32, #tpu.memory_space<vmem>>) attributes {dimension_semantics = [], scalar_prefetch = 0 : i64, scratch_operands = 1 : i64, tpu.core_type = #tpu.core_type<tc>} {
    %get3A = arith.constant 0 : index
    %get3A_0 = arith.constant 0 : index
    %get3A_1 = arith.constant 0 : index
    %get3A_2 = vector.load %arg0[%get3A, %get3A_0, %get3A_1] : memref<49x512x16xf32, #tpu.memory_space<vmem>>, vector<1x512x16xf32>
    %get3A_3 = vector.shape_cast %get3A_2 : vector<1x512x16xf32> to vector<512x16xf32>
    %swap3A = arith.constant 0 : index
    %swap3A_4 = arith.constant 0 : index
    %swap3A_5 = vector.load %arg2[%swap3A, %swap3A_4] : memref<512x784xf32, #tpu.memory_space<vmem>>, vector<512x16xf32>
    tpu.vector_store %arg2[%swap3A, %swap3A_4], %get3A_3 {strides = array<i32>} : memref<512x784xf32, #tpu.memory_space<vmem>>, vector<512x16xf32>,
    %get3A_6 = arith.constant 1 : index
    %get3A_7 = arith.constant 0 : index
    %get3A_8 = arith.constant 0 : index
    %get3A_9 = vector.load %arg0[%get3A_6, %get3A_7, %get3A_8] : memref<49x512x16xf32, #tpu.memory_space<vmem>>, vector<1x512x16xf32>
    %get3A_10 = vector.shape_cast %get3A_9 : vector<1x512x16xf32> to vector<512x16xf32>
    %swap3A_11 = arith.constant 0 : index
    %swap3A_12 = arith.constant 16 : index
    %swap3A_13 = vector.load %arg2[%swap3A_11, %swap3A_12] : memref<512x784xf32, #tpu.memory_space<vmem>>, vector<512x16xf32>
    tpu.vector_store %arg2[%swap3A_11, %swap3A_12], %get3A_10 {strides = array<i32>} : memref<512x784xf32, #tpu.memory_space<vmem>>, vector<512x16xf32>,
    %get3A_14 = arith.constant 2 : index
    %get3A_15 = arith.constant 0 : index
    %get3A_16 = arith.constant 0 : index
    %get3A_17 = vector.load %arg0[%get3A_14, %get3A_15, %get3A_16] : memref<49x512x16xf32, #tpu.memory_space<vmem>>, vector<1x512x16xf32>
    %get3A_18 = vector.shape_cast %get3A_17 : vector<1x512x16xf32> to vector<512x16xf32>
    %swap3A_19 = arith.constant 0 : index
    %swap3A_20 = arith.constant 32 : index
    %swap3A_21 = vector.load %arg2[%swap3A_19, %swap3A_20] : memref<512x784xf32, #tpu.memory_space<vmem>>, vector<512x16xf32>
    tpu.vector_store %arg2[%swap3A_19, %swap3A_20], %get3A_18 {strides = array<i32>} : memref<512x784xf32, #tpu.memory_space<vmem>>, vector<512x16xf32>,
    %get3A_22 = arith.constant 3 : index
    %get3A_23 = arith.constant 0 : index
    %get3A_24 = arith.constant 0 : index
    %get3A_25 = vector.load %arg0[%get3A_22, %get3A_23, %get3A_24] : memref<49x512x16xf32, #tpu.memory_space<vmem>>, vector<1x512x16xf32>
    %get3A_26 = vector.shape_cast %get3A_25 : vector<1x512x16xf32> to vector<512x16xf32>
    %swap3A_27 = arith.constant 0 : index
    %swap3A_28 = arith.constant 48 : index
    %swap3A_29 = vector.load %arg2[%swap3A_27, %swap3A_28] : memref<512x784xf32, #tpu.memory_space<vmem>>, vector<512x16xf32>
    tpu.vector_store %arg2[%swap3A_27, %swap3A_28], %get3A_26 {strides = array<i32>} : memref<512x784xf32, #tpu.memory_space<vmem>>, vector<512x16xf32>,
    %get3A_30 = arith.constant 4 : index
    %get3A_31 = arith.constant 0 : index
    %get3A_32 = arith.constant 0 : index
    %get3A_33 = vector.load %arg0[%get3A_30, %get3A_31, %get3A_32] : memref<49x512x16xf32, #tpu.memory_space<vmem>>, vector<1x512x16xf32>
    %get3A_34 = vector.shape_cast %get3A_33 : vector<1x512x16xf32> to vector<512x16xf32>
    %swap3A_35 = arith.constant 0 : index
    %swap3A_36 = arith.constant 64 : index
    %swap3A_37 = vector.load %arg2[%swap3A_35, %swap3A_36] : memref<512x784xf32, #tpu.memory_space<vmem>>, vector<512x16xf32>
    tpu.vector_store %arg2[%swap3A_35, %swap3A_36], %get3A_34 {strides = array<i32>} : memref<512x784xf32, #tpu.memory_space<vmem>>, vector<512x16xf32>,
    %get3A_38 = arith.constant 5 : index
    %get3A_39 = arith.constant 0 : index
    %get3A_40 = arith.constant 0 : index
    %get3A_41 = vector.load %arg0[%get3A_38, %get3A_39, %get3A_40] : memref<49x512x16xf32, #tpu.memory_space<vmem>>, vector<1x512x16xf32>
    %get3A_42 = vector.shape_cast %get3A_41 : vector<1x512x16xf32> to vector<512x16xf32>
    %swap3A_43 = arith.constant 0 : index
    %swap3A_44 = arith.constant 80 : index
    %swap3A_45 = vector.load %arg2[%swap3A_43, %swap3A_44] : memref<512x784xf32, #tpu.memory_space<vmem>>, vector<512x16xf32>
    tpu.vector_store %arg2[%swap3A_43, %swap3A_44], %get3A_42 {strides = array<i32>} : memref<512x784xf32, #tpu.memory_space<vmem>>, vector<512x16xf32>,
    %get3A_46 = arith.constant 6 : index
    %get3A_47 = arith.constant 0 : index
    %get3A_48 = arith.constant 0 : index
    %get3A_49 = vector.load %arg0[%get3A_46, %get3A_47, %get3A_48] : memref<49x512x16xf32, #tpu.memory_space<vmem>>, vector<1x512x16xf32>
    %get3A_50 = vector.shape_cast %get3A_49 : vector<1x512x16xf32> to vector<512x16xf32>
    %swap3A_51 = arith.constant 0 : index
    %swap3A_52 = arith.constant 96 : index
    %swap3A_53 = vector.load %arg2[%swap3A_51, %swap3A_52] : memref<512x784xf32, #tpu.memory_space<vmem>>, vector<512x16xf32>
    tpu.vector_store %arg2[%swap3A_51, %swap3A_52], %get3A_50 {strides = array<i32>} : memref<512x784xf32, #tpu.memory_space<vmem>>, vector<512x16xf32>,
    %get3A_54 = arith.constant 7 : index
    %get3A_55 = arith.constant 0 : index
    %get3A_56 = arith.constant 0 : index
    %get3A_57 = vector.load %arg0[%get3A_54, %get3A_55, %get3A_56] : memref<49x512x16xf32, #tpu.memory_space<vmem>>, vector<1x512x16xf32>
    %get3A_58 = vector.shape_cast %get3A_57 : vector<1x512x16xf32> to vector<512x16xf32>
    %swap3A_59 = arith.constant 0 : index
    %swap3A_60 = arith.constant 112 : index
    %swap3A_61 = vector.load %arg2[%swap3A_59, %swap3A_60] : memref<512x784xf32, #tpu.memory_space<vmem>>, vector<512x16xf32>
    tpu.vector_store %arg2[%swap3A_59, %swap3A_60], %get3A_58 {strides = array<i32>} : memref<512x784xf32, #tpu.memory_space<vmem>>, vector<512x16xf32>,
    %get3A_62 = arith.constant 8 : index
    %get3A_63 = arith.constant 0 : index
    %get3A_64 = arith.constant 0 : index
    %get3A_65 = vector.load %arg0[%get3A_62, %get3A_63, %get3A_64] : memref<49x512x16xf32, #tpu.memory_space<vmem>>, vector<1x512x16xf32>
    %get3A_66 = vector.shape_cast %get3A_65 : vector<1x512x16xf32> to vector<512x16xf32>
    %swap3A_67 = arith.constant 0 : index
    %swap3A_68 = arith.constant 128 : index
    %swap3A_69 = vector.load %arg2[%swap3A_67, %swap3A_68] : memref<512x784xf32, #tpu.memory_space<vmem>>, vector<512x16xf32>
    tpu.vector_store %arg2[%swap3A_67, %swap3A_68], %get3A_66 {strides = array<i32>} : memref<512x784xf32, #tpu.memory_space<vmem>>, vector<512x16xf32>,
    %get3A_70 = arith.constant 9 : index
    %get3A_71 = arith.constant 0 : index
    %get3A_72 = arith.constant 0 : index
    %get3A_73 = vector.load %arg0[%get3A_70, %get3A_71, %get3A_72] : memref<49x512x16xf32, #tpu.memory_space<vmem>>, vector<1x512x16xf32>
    %get3A_74 = vector.shape_cast %get3A_73 : vector<1x512x16xf32> to vector<512x16xf32>
    %swap3A_75 = arith.constant 0 : index
    %swap3A_76 = arith.constant 144 : index
    %swap3A_77 = vector.load %arg2[%swap3A_75, %swap3A_76] : memref<512x784xf32, #tpu.memory_space<vmem>>, vector<512x16xf32>
    tpu.vector_store %arg2[%swap3A_75, %swap3A_76], %get3A_74 {strides = array<i32>} : memref<512x784xf32, #tpu.memory_space<vmem>>, vector<512x16xf32>,
    %get3A_78 = arith.constant 10 : index
    %get3A_79 = arith.constant 0 : index
    %get3A_80 = arith.constant 0 : index
    %get3A_81 = vector.load %arg0[%get3A_78, %get3A_79, %get3A_80] : memref<49x512x16xf32, #tpu.memory_space<vmem>>, vector<1x512x16xf32>
    %get3A_82 = vector.shape_cast %get3A_81 : vector<1x512x16xf32> to vector<512x16xf32>
    %swap3A_83 = arith.constant 0 : index
    %swap3A_84 = arith.constant 160 : index
    %swap3A_85 = vector.load %arg2[%swap3A_83, %swap3A_84] : memref<512x784xf32, #tpu.memory_space<vmem>>, vector<512x16xf32>
    tpu.vector_store %arg2[%swap3A_83, %swap3A_84], %get3A_82 {strides = array<i32>} : memref<512x784xf32, #tpu.memory_space<vmem>>, vector<512x16xf32>,
    %get3A_86 = arith.constant 11 : index
    %get3A_87 = arith.constant 0 : index
    %get3A_88 = arith.constant 0 : index
    %get3A_89 = vector.load %arg0[%get3A_86, %get3A_87, %get3A_88] : memref<49x512x16xf32, #tpu.memory_space<vmem>>, vector<1x512x16xf32>
    %get3A_90 = vector.shape_cast %get3A_89 : vector<1x512x16xf32> to vector<512x16xf32>
    %swap3A_91 = arith.constant 0 : index
    %swap3A_92 = arith.constant 176 : index
    %swap3A_93 = vector.load %arg2[%swap3A_91, %swap3A_92] : memref<512x784xf32, #tpu.memory_space<vmem>>, vector<512x16xf32>
    tpu.vector_store %arg2[%swap3A_91, %swap3A_92], %get3A_90 {strides = array<i32>} : memref<512x784xf32, #tpu.memory_space<vmem>>, vector<512x16xf32>,
    %get3A_94 = arith.constant 12 : index
    %get3A_95 = arith.constant 0 : index
    %get3A_96 = arith.constant 0 : index
    %get3A_97 = vector.load %arg0[%get3A_94, %get3A_95, %get3A_96] : memref<49x512x16xf32, #tpu.memory_space<vmem>>, vector<1x512x16xf32>
    %get3A_98 = vector.shape_cast %get3A_97 : vector<1x512x16xf32> to vector<512x16xf32>
    %swap3A_99 = arith.constant 0 : index
    %swap3A_100 = arith.constant 192 : index
    %swap3A_101 = vector.load %arg2[%swap3A_99, %swap3A_100] : memref<512x784xf32, #tpu.memory_space<vmem>>, vector<512x16xf32>
    tpu.vector_store %arg2[%swap3A_99, %swap3A_100], %get3A_98 {strides = array<i32>} : memref<512x784xf32, #tpu.memory_space<vmem>>, vector<512x16xf32>,
    %get3A_102 = arith.constant 13 : index
    %get3A_103 = arith.constant 0 : index
    %get3A_104 = arith.constant 0 : index
    %get3A_105 = vector.load %arg0[%get3A_102, %get3A_103, %get3A_104] : memref<49x512x16xf32, #tpu.memory_space<vmem>>, vector<1x512x16xf32>
    %get3A_106 = vector.shape_cast %get3A_105 : vector<1x512x16xf32> to vector<512x16xf32>
    %swap3A_107 = arith.constant 0 : index
    %swap3A_108 = arith.constant 208 : index
    %swap3A_109 = vector.load %arg2[%swap3A_107, %swap3A_108] : memref<512x784xf32, #tpu.memory_space<vmem>>, vector<512x16xf32>
    tpu.vector_store %arg2[%swap3A_107, %swap3A_108], %get3A_106 {strides = array<i32>} : memref<512x784xf32, #tpu.memory_space<vmem>>, vector<512x16xf32>,
    %get3A_110 = arith.constant 14 : index
    %get3A_111 = arith.constant 0 : index
    %get3A_112 = arith.constant 0 : index
    %get3A_113 = vector.load %arg0[%get3A_110, %get3A_111, %get3A_112] : memref<49x512x16xf32, #tpu.memory_space<vmem>>, vector<1x512x16xf32>
    %get3A_114 = vector.shape_cast %get3A_113 : vector<1x512x16xf32> to vector<512x16xf32>
    %swap3A_115 = arith.constant 0 : index
    %swap3A_116 = arith.constant 224 : index
    %swap3A_117 = vector.load %arg2[%swap3A_115, %swap3A_116] : memref<512x784xf32, #tpu.memory_space<vmem>>, vector<512x16xf32>
    tpu.vector_store %arg2[%swap3A_115, %swap3A_116], %get3A_114 {strides = array<i32>} : memref<512x784xf32, #tpu.memory_space<vmem>>, vector<512x16xf32>,
    %get3A_118 = arith.constant 15 : index
    %get3A_119 = arith.constant 0 : index
    %get3A_120 = arith.constant 0 : index
    %get3A_121 = vector.load %arg0[%get3A_118, %get3A_119, %get3A_120] : memref<49x512x16xf32, #tpu.memory_space<vmem>>, vector<1x512x16xf32>
    %get3A_122 = vector.shape_cast %get3A_121 : vector<1x512x16xf32> to vector<512x16xf32>
    %swap3A_123 = arith.constant 0 : index
    %swap3A_124 = arith.constant 240 : index
    %swap3A_125 = vector.load %arg2[%swap3A_123, %swap3A_124] : memref<512x784xf32, #tpu.memory_space<vmem>>, vector<512x16xf32>
    tpu.vector_store %arg2[%swap3A_123, %swap3A_124], %get3A_122 {strides = array<i32>} : memref<512x784xf32, #tpu.memory_space<vmem>>, vector<512x16xf32>,
    %get3A_126 = arith.constant 16 : index
    %get3A_127 = arith.constant 0 : index
    %get3A_128 = arith.constant 0 : index
    %get3A_129 = vector.load %arg0[%get3A_126, %get3A_127, %get3A_128] : memref<49x512x16xf32, #tpu.memory_space<vmem>>, vector<1x512x16xf32>
    %get3A_130 = vector.shape_cast %get3A_129 : vector<1x512x16xf32> to vector<512x16xf32>
    %swap3A_131 = arith.constant 0 : index
    %swap3A_132 = arith.constant 256 : index
    %swap3A_133 = vector.load %arg2[%swap3A_131, %swap3A_132] : memref<512x784xf32, #tpu.memory_space<vmem>>, vector<512x16xf32>
    tpu.vector_store %arg2[%swap3A_131, %swap3A_132], %get3A_130 {strides = array<i32>} : memref<512x784xf32, #tpu.memory_space<vmem>>, vector<512x16xf32>,
    %get3A_134 = arith.constant 17 : index
    %get3A_135 = arith.constant 0 : index
    %get3A_136 = arith.constant 0 : index
    %get3A_137 = vector.load %arg0[%get3A_134, %get3A_135, %get3A_136] : memref<49x512x16xf32, #tpu.memory_space<vmem>>, vector<1x512x16xf32>
    %get3A_138 = vector.shape_cast %get3A_137 : vector<1x512x16xf32> to vector<512x16xf32>
    %swap3A_139 = arith.constant 0 : index
    %swap3A_140 = arith.constant 272 : index
    %swap3A_141 = vector.load %arg2[%swap3A_139, %swap3A_140] : memref<512x784xf32, #tpu.memory_space<vmem>>, vector<512x16xf32>
    tpu.vector_store %arg2[%swap3A_139, %swap3A_140], %get3A_138 {strides = array<i32>} : memref<512x784xf32, #tpu.memory_space<vmem>>, vector<512x16xf32>,
    %get3A_142 = arith.constant 18 : index
    %get3A_143 = arith.constant 0 : index
    %get3A_144 = arith.constant 0 : index
    %get3A_145 = vector.load %arg0[%get3A_142, %get3A_143, %get3A_144] : memref<49x512x16xf32, #tpu.memory_space<vmem>>, vector<1x512x16xf32>
    %get3A_146 = vector.shape_cast %get3A_145 : vector<1x512x16xf32> to vector<512x16xf32>
    %swap3A_147 = arith.constant 0 : index
    %swap3A_148 = arith.constant 288 : index
    %swap3A_149 = vector.load %arg2[%swap3A_147, %swap3A_148] : memref<512x784xf32, #tpu.memory_space<vmem>>, vector<512x16xf32>
    tpu.vector_store %arg2[%swap3A_147, %swap3A_148], %get3A_146 {strides = array<i32>} : memref<512x784xf32, #tpu.memory_space<vmem>>, vector<512x16xf32>,
    %get3A_150 = arith.constant 19 : index
    %get3A_151 = arith.constant 0 : index
    %get3A_152 = arith.constant 0 : index
    %get3A_153 = vector.load %arg0[%get3A_150, %get3A_151, %get3A_152] : memref<49x512x16xf32, #tpu.memory_space<vmem>>, vector<1x512x16xf32>
    %get3A_154 = vector.shape_cast %get3A_153 : vector<1x512x16xf32> to vector<512x16xf32>
    %swap3A_155 = arith.constant 0 : index
    %swap3A_156 = arith.constant 304 : index
    %swap3A_157 = vector.load %arg2[%swap3A_155, %swap3A_156] : memref<512x784xf32, #tpu.memory_space<vmem>>, vector<512x16xf32>
    tpu.vector_store %arg2[%swap3A_155, %swap3A_156], %get3A_154 {strides = array<i32>} : memref<512x784xf32, #tpu.memory_space<vmem>>, vector<512x16xf32>,
    %get3A_158 = arith.constant 20 : index
    %get3A_159 = arith.constant 0 : index
    %get3A_160 = arith.constant 0 : index
    %get3A_161 = vector.load %arg0[%get3A_158, %get3A_159, %get3A_160] : memref<49x512x16xf32, #tpu.memory_space<vmem>>, vector<1x512x16xf32>
    %get3A_162 = vector.shape_cast %get3A_161 : vector<1x512x16xf32> to vector<512x16xf32>
    %swap3A_163 = arith.constant 0 : index
    %swap3A_164 = arith.constant 320 : index
    %swap3A_165 = vector.load %arg2[%swap3A_163, %swap3A_164] : memref<512x784xf32, #tpu.memory_space<vmem>>, vector<512x16xf32>
    tpu.vector_store %arg2[%swap3A_163, %swap3A_164], %get3A_162 {strides = array<i32>} : memref<512x784xf32, #tpu.memory_space<vmem>>, vector<512x16xf32>,
    %get3A_166 = arith.constant 21 : index
    %get3A_167 = arith.constant 0 : index
    %get3A_168 = arith.constant 0 : index
    %get3A_169 = vector.load %arg0[%get3A_166, %get3A_167, %get3A_168] : memref<49x512x16xf32, #tpu.memory_space<vmem>>, vector<1x512x16xf32>
    %get3A_170 = vector.shape_cast %get3A_169 : vector<1x512x16xf32> to vector<512x16xf32>
    %swap3A_171 = arith.constant 0 : index
    %swap3A_172 = arith.constant 336 : index
    %swap3A_173 = vector.load %arg2[%swap3A_171, %swap3A_172] : memref<512x784xf32, #tpu.memory_space<vmem>>, vector<512x16xf32>
    tpu.vector_store %arg2[%swap3A_171, %swap3A_172], %get3A_170 {strides = array<i32>} : memref<512x784xf32, #tpu.memory_space<vmem>>, vector<512x16xf32>,
    %get3A_174 = arith.constant 22 : index
    %get3A_175 = arith.constant 0 : index
    %get3A_176 = arith.constant 0 : index
    %get3A_177 = vector.load %arg0[%get3A_174, %get3A_175, %get3A_176] : memref<49x512x16xf32, #tpu.memory_space<vmem>>, vector<1x512x16xf32>
    %get3A_178 = vector.shape_cast %get3A_177 : vector<1x512x16xf32> to vector<512x16xf32>
    %swap3A_179 = arith.constant 0 : index
    %swap3A_180 = arith.constant 352 : index
    %swap3A_181 = vector.load %arg2[%swap3A_179, %swap3A_180] : memref<512x784xf32, #tpu.memory_space<vmem>>, vector<512x16xf32>
    tpu.vector_store %arg2[%swap3A_179, %swap3A_180], %get3A_178 {strides = array<i32>} : memref<512x784xf32, #tpu.memory_space<vmem>>, vector<512x16xf32>,
    %get3A_182 = arith.constant 23 : index
    %get3A_183 = arith.constant 0 : index
    %get3A_184 = arith.constant 0 : index
    %get3A_185 = vector.load %arg0[%get3A_182, %get3A_183, %get3A_184] : memref<49x512x16xf32, #tpu.memory_space<vmem>>, vector<1x512x16xf32>
    %get3A_186 = vector.shape_cast %get3A_185 : vector<1x512x16xf32> to vector<512x16xf32>
    %swap3A_187 = arith.constant 0 : index
    %swap3A_188 = arith.constant 368 : index
    %swap3A_189 = vector.load %arg2[%swap3A_187, %swap3A_188] : memref<512x784xf32, #tpu.memory_space<vmem>>, vector<512x16xf32>
    tpu.vector_store %arg2[%swap3A_187, %swap3A_188], %get3A_186 {strides = array<i32>} : memref<512x784xf32, #tpu.memory_space<vmem>>, vector<512x16xf32>,
    %get3A_190 = arith.constant 24 : index
    %get3A_191 = arith.constant 0 : index
    %get3A_192 = arith.constant 0 : index
    %get3A_193 = vector.load %arg0[%get3A_190, %get3A_191, %get3A_192] : memref<49x512x16xf32, #tpu.memory_space<vmem>>, vector<1x512x16xf32>
    %get3A_194 = vector.shape_cast %get3A_193 : vector<1x512x16xf32> to vector<512x16xf32>
    %swap3A_195 = arith.constant 0 : index
    %swap3A_196 = arith.constant 384 : index
    %swap3A_197 = vector.load %arg2[%swap3A_195, %swap3A_196] : memref<512x784xf32, #tpu.memory_space<vmem>>, vector<512x16xf32>
    tpu.vector_store %arg2[%swap3A_195, %swap3A_196], %get3A_194 {strides = array<i32>} : memref<512x784xf32, #tpu.memory_space<vmem>>, vector<512x16xf32>,
    %get3A_198 = arith.constant 25 : index
    %get3A_199 = arith.constant 0 : index
    %get3A_200 = arith.constant 0 : index
    %get3A_201 = vector.load %arg0[%get3A_198, %get3A_199, %get3A_200] : memref<49x512x16xf32, #tpu.memory_space<vmem>>, vector<1x512x16xf32>
    %get3A_202 = vector.shape_cast %get3A_201 : vector<1x512x16xf32> to vector<512x16xf32>
    %swap3A_203 = arith.constant 0 : index
    %swap3A_204 = arith.constant 400 : index
    %swap3A_205 = vector.load %arg2[%swap3A_203, %swap3A_204] : memref<512x784xf32, #tpu.memory_space<vmem>>, vector<512x16xf32>
    tpu.vector_store %arg2[%swap3A_203, %swap3A_204], %get3A_202 {strides = array<i32>} : memref<512x784xf32, #tpu.memory_space<vmem>>, vector<512x16xf32>,
    %get3A_206 = arith.constant 26 : index
    %get3A_207 = arith.constant 0 : index
    %get3A_208 = arith.constant 0 : index
    %get3A_209 = vector.load %arg0[%get3A_206, %get3A_207, %get3A_208] : memref<49x512x16xf32, #tpu.memory_space<vmem>>, vector<1x512x16xf32>
    %get3A_210 = vector.shape_cast %get3A_209 : vector<1x512x16xf32> to vector<512x16xf32>
    %swap3A_211 = arith.constant 0 : index
    %swap3A_212 = arith.constant 416 : index
    %swap3A_213 = vector.load %arg2[%swap3A_211, %swap3A_212] : memref<512x784xf32, #tpu.memory_space<vmem>>, vector<512x16xf32>
    tpu.vector_store %arg2[%swap3A_211, %swap3A_212], %get3A_210 {strides = array<i32>} : memref<512x784xf32, #tpu.memory_space<vmem>>, vector<512x16xf32>,
    %get3A_214 = arith.constant 27 : index
    %get3A_215 = arith.constant 0 : index
    %get3A_216 = arith.constant 0 : index
    %get3A_217 = vector.load %arg0[%get3A_214, %get3A_215, %get3A_216] : memref<49x512x16xf32, #tpu.memory_space<vmem>>, vector<1x512x16xf32>
    %get3A_218 = vector.shape_cast %get3A_217 : vector<1x512x16xf32> to vector<512x16xf32>
    %swap3A_219 = arith.constant 0 : index
    %swap3A_220 = arith.constant 432 : index
    %swap3A_221 = vector.load %arg2[%swap3A_219, %swap3A_220] : memref<512x784xf32, #tpu.memory_space<vmem>>, vector<512x16xf32>
    tpu.vector_store %arg2[%swap3A_219, %swap3A_220], %get3A_218 {strides = array<i32>} : memref<512x784xf32, #tpu.memory_space<vmem>>, vector<512x16xf32>,
    %get3A_222 = arith.constant 28 : index
    %get3A_223 = arith.constant 0 : index
    %get3A_224 = arith.constant 0 : index
    %get3A_225 = vector.load %arg0[%get3A_222, %get3A_223, %get3A_224] : memref<49x512x16xf32, #tpu.memory_space<vmem>>, vector<1x512x16xf32>
    %get3A_226 = vector.shape_cast %get3A_225 : vector<1x512x16xf32> to vector<512x16xf32>
    %swap3A_227 = arith.constant 0 : index
    %swap3A_228 = arith.constant 448 : index
    %swap3A_229 = vector.load %arg2[%swap3A_227, %swap3A_228] : memref<512x784xf32, #tpu.memory_space<vmem>>, vector<512x16xf32>
    tpu.vector_store %arg2[%swap3A_227, %swap3A_228], %get3A_226 {strides = array<i32>} : memref<512x784xf32, #tpu.memory_space<vmem>>, vector<512x16xf32>,
    %get3A_230 = arith.constant 29 : index
    %get3A_231 = arith.constant 0 : index
    %get3A_232 = arith.constant 0 : index
    %get3A_233 = vector.load %arg0[%get3A_230, %get3A_231, %get3A_232] : memref<49x512x16xf32, #tpu.memory_space<vmem>>, vector<1x512x16xf32>
    %get3A_234 = vector.shape_cast %get3A_233 : vector<1x512x16xf32> to vector<512x16xf32>
    %swap3A_235 = arith.constant 0 : index
    %swap3A_236 = arith.constant 464 : index
    %swap3A_237 = vector.load %arg2[%swap3A_235, %swap3A_236] : memref<512x784xf32, #tpu.memory_space<vmem>>, vector<512x16xf32>
    tpu.vector_store %arg2[%swap3A_235, %swap3A_236], %get3A_234 {strides = array<i32>} : memref<512x784xf32, #tpu.memory_space<vmem>>, vector<512x16xf32>,
    %get3A_238 = arith.constant 30 : index
    %get3A_239 = arith.constant 0 : index
    %get3A_240 = arith.constant 0 : index
    %get3A_241 = vector.load %arg0[%get3A_238, %get3A_239, %get3A_240] : memref<49x512x16xf32, #tpu.memory_space<vmem>>, vector<1x512x16xf32>
    %get3A_242 = vector.shape_cast %get3A_241 : vector<1x512x16xf32> to vector<512x16xf32>
    %swap3A_243 = arith.constant 0 : index
    %swap3A_244 = arith.constant 480 : index
    %swap3A_245 = vector.load %arg2[%swap3A_243, %swap3A_244] : memref<512x784xf32, #tpu.memory_space<vmem>>, vector<512x16xf32>
    tpu.vector_store %arg2[%swap3A_243, %swap3A_244], %get3A_242 {strides = array<i32>} : memref<512x784xf32, #tpu.memory_space<vmem>>, vector<512x16xf32>,
    %get3A_246 = arith.constant 31 : index
    %get3A_247 = arith.constant 0 : index
    %get3A_248 = arith.constant 0 : index
    %get3A_249 = vector.load %arg0[%get3A_246, %get3A_247, %get3A_248] : memref<49x512x16xf32, #tpu.memory_space<vmem>>, vector<1x512x16xf32>
    %get3A_250 = vector.shape_cast %get3A_249 : vector<1x512x16xf32> to vector<512x16xf32>
    %swap3A_251 = arith.constant 0 : index
    %swap3A_252 = arith.constant 496 : index
    %swap3A_253 = vector.load %arg2[%swap3A_251, %swap3A_252] : memref<512x784xf32, #tpu.memory_space<vmem>>, vector<512x16xf32>
    tpu.vector_store %arg2[%swap3A_251, %swap3A_252], %get3A_250 {strides = array<i32>} : memref<512x784xf32, #tpu.memory_space<vmem>>, vector<512x16xf32>,
    %get3A_254 = arith.constant 32 : index
    %get3A_255 = arith.constant 0 : index
    %get3A_256 = arith.constant 0 : index
    %get3A_257 = vector.load %arg0[%get3A_254, %get3A_255, %get3A_256] : memref<49x512x16xf32, #tpu.memory_space<vmem>>, vector<1x512x16xf32>
    %get3A_258 = vector.shape_cast %get3A_257 : vector<1x512x16xf32> to vector<512x16xf32>
    %swap3A_259 = arith.constant 0 : index
    %swap3A_260 = arith.constant 512 : index
    %swap3A_261 = vector.load %arg2[%swap3A_259, %swap3A_260] : memref<512x784xf32, #tpu.memory_space<vmem>>, vector<512x16xf32>
    tpu.vector_store %arg2[%swap3A_259, %swap3A_260], %get3A_258 {strides = array<i32>} : memref<512x784xf32, #tpu.memory_space<vmem>>, vector<512x16xf32>,
    %get3A_262 = arith.constant 33 : index
    %get3A_263 = arith.constant 0 : index
    %get3A_264 = arith.constant 0 : index
    %get3A_265 = vector.load %arg0[%get3A_262, %get3A_263, %get3A_264] : memref<49x512x16xf32, #tpu.memory_space<vmem>>, vector<1x512x16xf32>
    %get3A_266 = vector.shape_cast %get3A_265 : vector<1x512x16xf32> to vector<512x16xf32>
    %swap3A_267 = arith.constant 0 : index
    %swap3A_268 = arith.constant 528 : index
    %swap3A_269 = vector.load %arg2[%swap3A_267, %swap3A_268] : memref<512x784xf32, #tpu.memory_space<vmem>>, vector<512x16xf32>
    tpu.vector_store %arg2[%swap3A_267, %swap3A_268], %get3A_266 {strides = array<i32>} : memref<512x784xf32, #tpu.memory_space<vmem>>, vector<512x16xf32>,
    %get3A_270 = arith.constant 34 : index
    %get3A_271 = arith.constant 0 : index
    %get3A_272 = arith.constant 0 : index
    %get3A_273 = vector.load %arg0[%get3A_270, %get3A_271, %get3A_272] : memref<49x512x16xf32, #tpu.memory_space<vmem>>, vector<1x512x16xf32>
    %get3A_274 = vector.shape_cast %get3A_273 : vector<1x512x16xf32> to vector<512x16xf32>
    %swap3A_275 = arith.constant 0 : index
    %swap3A_276 = arith.constant 544 : index
    %swap3A_277 = vector.load %arg2[%swap3A_275, %swap3A_276] : memref<512x784xf32, #tpu.memory_space<vmem>>, vector<512x16xf32>
    tpu.vector_store %arg2[%swap3A_275, %swap3A_276], %get3A_274 {strides = array<i32>} : memref<512x784xf32, #tpu.memory_space<vmem>>, vector<512x16xf32>,
    %get3A_278 = arith.constant 35 : index
    %get3A_279 = arith.constant 0 : index
    %get3A_280 = arith.constant 0 : index
    %get3A_281 = vector.load %arg0[%get3A_278, %get3A_279, %get3A_280] : memref<49x512x16xf32, #tpu.memory_space<vmem>>, vector<1x512x16xf32>
    %get3A_282 = vector.shape_cast %get3A_281 : vector<1x512x16xf32> to vector<512x16xf32>
    %swap3A_283 = arith.constant 0 : index
    %swap3A_284 = arith.constant 560 : index
    %swap3A_285 = vector.load %arg2[%swap3A_283, %swap3A_284] : memref<512x784xf32, #tpu.memory_space<vmem>>, vector<512x16xf32>
    tpu.vector_store %arg2[%swap3A_283, %swap3A_284], %get3A_282 {strides = array<i32>} : memref<512x784xf32, #tpu.memory_space<vmem>>, vector<512x16xf32>,
    %get3A_286 = arith.constant 36 : index
    %get3A_287 = arith.constant 0 : index
    %get3A_288 = arith.constant 0 : index
    %get3A_289 = vector.load %arg0[%get3A_286, %get3A_287, %get3A_288] : memref<49x512x16xf32, #tpu.memory_space<vmem>>, vector<1x512x16xf32>
    %get3A_290 = vector.shape_cast %get3A_289 : vector<1x512x16xf32> to vector<512x16xf32>
    %swap3A_291 = arith.constant 0 : index
    %swap3A_292 = arith.constant 576 : index
    %swap3A_293 = vector.load %arg2[%swap3A_291, %swap3A_292] : memref<512x784xf32, #tpu.memory_space<vmem>>, vector<512x16xf32>
    tpu.vector_store %arg2[%swap3A_291, %swap3A_292], %get3A_290 {strides = array<i32>} : memref<512x784xf32, #tpu.memory_space<vmem>>, vector<512x16xf32>,
    %get3A_294 = arith.constant 37 : index
    %get3A_295 = arith.constant 0 : index
    %get3A_296 = arith.constant 0 : index
    %get3A_297 = vector.load %arg0[%get3A_294, %get3A_295, %get3A_296] : memref<49x512x16xf32, #tpu.memory_space<vmem>>, vector<1x512x16xf32>
    %get3A_298 = vector.shape_cast %get3A_297 : vector<1x512x16xf32> to vector<512x16xf32>
    %swap3A_299 = arith.constant 0 : index
    %swap3A_300 = arith.constant 592 : index
    %swap3A_301 = vector.load %arg2[%swap3A_299, %swap3A_300] : memref<512x784xf32, #tpu.memory_space<vmem>>, vector<512x16xf32>
    tpu.vector_store %arg2[%swap3A_299, %swap3A_300], %get3A_298 {strides = array<i32>} : memref<512x784xf32, #tpu.memory_space<vmem>>, vector<512x16xf32>,
    %get3A_302 = arith.constant 38 : index
    %get3A_303 = arith.constant 0 : index
    %get3A_304 = arith.constant 0 : index
    %get3A_305 = vector.load %arg0[%get3A_302, %get3A_303, %get3A_304] : memref<49x512x16xf32, #tpu.memory_space<vmem>>, vector<1x512x16xf32>
    %get3A_306 = vector.shape_cast %get3A_305 : vector<1x512x16xf32> to vector<512x16xf32>
    %swap3A_307 = arith.constant 0 : index
    %swap3A_308 = arith.constant 608 : index
    %swap3A_309 = vector.load %arg2[%swap3A_307, %swap3A_308] : memref<512x784xf32, #tpu.memory_space<vmem>>, vector<512x16xf32>
    tpu.vector_store %arg2[%swap3A_307, %swap3A_308], %get3A_306 {strides = array<i32>} : memref<512x784xf32, #tpu.memory_space<vmem>>, vector<512x16xf32>,
    %get3A_310 = arith.constant 39 : index
    %get3A_311 = arith.constant 0 : index
    %get3A_312 = arith.constant 0 : index
    %get3A_313 = vector.load %arg0[%get3A_310, %get3A_311, %get3A_312] : memref<49x512x16xf32, #tpu.memory_space<vmem>>, vector<1x512x16xf32>
    %get3A_314 = vector.shape_cast %get3A_313 : vector<1x512x16xf32> to vector<512x16xf32>
    %swap3A_315 = arith.constant 0 : index
    %swap3A_316 = arith.constant 624 : index
    %swap3A_317 = vector.load %arg2[%swap3A_315, %swap3A_316] : memref<512x784xf32, #tpu.memory_space<vmem>>, vector<512x16xf32>
    tpu.vector_store %arg2[%swap3A_315, %swap3A_316], %get3A_314 {strides = array<i32>} : memref<512x784xf32, #tpu.memory_space<vmem>>, vector<512x16xf32>,
    %get3A_318 = arith.constant 40 : index
    %get3A_319 = arith.constant 0 : index
    %get3A_320 = arith.constant 0 : index
    %get3A_321 = vector.load %arg0[%get3A_318, %get3A_319, %get3A_320] : memref<49x512x16xf32, #tpu.memory_space<vmem>>, vector<1x512x16xf32>
    %get3A_322 = vector.shape_cast %get3A_321 : vector<1x512x16xf32> to vector<512x16xf32>
    %swap3A_323 = arith.constant 0 : index
    %swap3A_324 = arith.constant 640 : index
    %swap3A_325 = vector.load %arg2[%swap3A_323, %swap3A_324] : memref<512x784xf32, #tpu.memory_space<vmem>>, vector<512x16xf32>
    tpu.vector_store %arg2[%swap3A_323, %swap3A_324], %get3A_322 {strides = array<i32>} : memref<512x784xf32, #tpu.memory_space<vmem>>, vector<512x16xf32>,
    %get3A_326 = arith.constant 41 : index
    %get3A_327 = arith.constant 0 : index
    %get3A_328 = arith.constant 0 : index
    %get3A_329 = vector.load %arg0[%get3A_326, %get3A_327, %get3A_328] : memref<49x512x16xf32, #tpu.memory_space<vmem>>, vector<1x512x16xf32>
    %get3A_330 = vector.shape_cast %get3A_329 : vector<1x512x16xf32> to vector<512x16xf32>
    %swap3A_331 = arith.constant 0 : index
    %swap3A_332 = arith.constant 656 : index
    %swap3A_333 = vector.load %arg2[%swap3A_331, %swap3A_332] : memref<512x784xf32, #tpu.memory_space<vmem>>, vector<512x16xf32>
    tpu.vector_store %arg2[%swap3A_331, %swap3A_332], %get3A_330 {strides = array<i32>} : memref<512x784xf32, #tpu.memory_space<vmem>>, vector<512x16xf32>,
    %get3A_334 = arith.constant 42 : index
    %get3A_335 = arith.constant 0 : index
    %get3A_336 = arith.constant 0 : index
    %get3A_337 = vector.load %arg0[%get3A_334, %get3A_335, %get3A_336] : memref<49x512x16xf32, #tpu.memory_space<vmem>>, vector<1x512x16xf32>
    %get3A_338 = vector.shape_cast %get3A_337 : vector<1x512x16xf32> to vector<512x16xf32>
    %swap3A_339 = arith.constant 0 : index
    %swap3A_340 = arith.constant 672 : index
    %swap3A_341 = vector.load %arg2[%swap3A_339, %swap3A_340] : memref<512x784xf32, #tpu.memory_space<vmem>>, vector<512x16xf32>
    tpu.vector_store %arg2[%swap3A_339, %swap3A_340], %get3A_338 {strides = array<i32>} : memref<512x784xf32, #tpu.memory_space<vmem>>, vector<512x16xf32>,
    %get3A_342 = arith.constant 43 : index
    %get3A_343 = arith.constant 0 : index
    %get3A_344 = arith.constant 0 : index
    %get3A_345 = vector.load %arg0[%get3A_342, %get3A_343, %get3A_344] : memref<49x512x16xf32, #tpu.memory_space<vmem>>, vector<1x512x16xf32>
    %get3A_346 = vector.shape_cast %get3A_345 : vector<1x512x16xf32> to vector<512x16xf32>
    %swap3A_347 = arith.constant 0 : index
    %swap3A_348 = arith.constant 688 : index
    %swap3A_349 = vector.load %arg2[%swap3A_347, %swap3A_348] : memref<512x784xf32, #tpu.memory_space<vmem>>, vector<512x16xf32>
    tpu.vector_store %arg2[%swap3A_347, %swap3A_348], %get3A_346 {strides = array<i32>} : memref<512x784xf32, #tpu.memory_space<vmem>>, vector<512x16xf32>,
    %get3A_350 = arith.constant 44 : index
    %get3A_351 = arith.constant 0 : index
    %get3A_352 = arith.constant 0 : index
    %get3A_353 = vector.load %arg0[%get3A_350, %get3A_351, %get3A_352] : memref<49x512x16xf32, #tpu.memory_space<vmem>>, vector<1x512x16xf32>
    %get3A_354 = vector.shape_cast %get3A_353 : vector<1x512x16xf32> to vector<512x16xf32>
    %swap3A_355 = arith.constant 0 : index
    %swap3A_356 = arith.constant 704 : index
    %swap3A_357 = vector.load %arg2[%swap3A_355, %swap3A_356] : memref<512x784xf32, #tpu.memory_space<vmem>>, vector<512x16xf32>
    tpu.vector_store %arg2[%swap3A_355, %swap3A_356], %get3A_354 {strides = array<i32>} : memref<512x784xf32, #tpu.memory_space<vmem>>, vector<512x16xf32>,
    %get3A_358 = arith.constant 45 : index
    %get3A_359 = arith.constant 0 : index
    %get3A_360 = arith.constant 0 : index
    %get3A_361 = vector.load %arg0[%get3A_358, %get3A_359, %get3A_360] : memref<49x512x16xf32, #tpu.memory_space<vmem>>, vector<1x512x16xf32>
    %get3A_362 = vector.shape_cast %get3A_361 : vector<1x512x16xf32> to vector<512x16xf32>
    %swap3A_363 = arith.constant 0 : index
    %swap3A_364 = arith.constant 720 : index
    %swap3A_365 = vector.load %arg2[%swap3A_363, %swap3A_364] : memref<512x784xf32, #tpu.memory_space<vmem>>, vector<512x16xf32>
    tpu.vector_store %arg2[%swap3A_363, %swap3A_364], %get3A_362 {strides = array<i32>} : memref<512x784xf32, #tpu.memory_space<vmem>>, vector<512x16xf32>,
    %get3A_366 = arith.constant 46 : index
    %get3A_367 = arith.constant 0 : index
    %get3A_368 = arith.constant 0 : index
    %get3A_369 = vector.load %arg0[%get3A_366, %get3A_367, %get3A_368] : memref<49x512x16xf32, #tpu.memory_space<vmem>>, vector<1x512x16xf32>
    %get3A_370 = vector.shape_cast %get3A_369 : vector<1x512x16xf32> to vector<512x16xf32>
    %swap3A_371 = arith.constant 0 : index
    %swap3A_372 = arith.constant 736 : index
    %swap3A_373 = vector.load %arg2[%swap3A_371, %swap3A_372] : memref<512x784xf32, #tpu.memory_space<vmem>>, vector<512x16xf32>
    tpu.vector_store %arg2[%swap3A_371, %swap3A_372], %get3A_370 {strides = array<i32>} : memref<512x784xf32, #tpu.memory_space<vmem>>, vector<512x16xf32>,
    %get3A_374 = arith.constant 47 : index
    %get3A_375 = arith.constant 0 : index
    %get3A_376 = arith.constant 0 : index
    %get3A_377 = vector.load %arg0[%get3A_374, %get3A_375, %get3A_376] : memref<49x512x16xf32, #tpu.memory_space<vmem>>, vector<1x512x16xf32>
    %get3A_378 = vector.shape_cast %get3A_377 : vector<1x512x16xf32> to vector<512x16xf32>
    %swap3A_379 = arith.constant 0 : index
    %swap3A_380 = arith.constant 752 : index
    %swap3A_381 = vector.load %arg2[%swap3A_379, %swap3A_380] : memref<512x784xf32, #tpu.memory_space<vmem>>, vector<512x16xf32>
    tpu.vector_store %arg2[%swap3A_379, %swap3A_380], %get3A_378 {strides = array<i32>} : memref<512x784xf32, #tpu.memory_space<vmem>>, vector<512x16xf32>,
    %get3A_382 = arith.constant 48 : index
    %get3A_383 = arith.constant 0 : index
    %get3A_384 = arith.constant 0 : index
    %get3A_385 = vector.load %arg0[%get3A_382, %get3A_383, %get3A_384] : memref<49x512x16xf32, #tpu.memory_space<vmem>>, vector<1x512x16xf32>
    %get3A_386 = vector.shape_cast %get3A_385 : vector<1x512x16xf32> to vector<512x16xf32>
    %swap3A_387 = arith.constant 0 : index
    %swap3A_388 = arith.constant 768 : index
    %swap3A_389 = vector.load %arg2[%swap3A_387, %swap3A_388] : memref<512x784xf32, #tpu.memory_space<vmem>>, vector<512x16xf32>
    tpu.vector_store %arg2[%swap3A_387, %swap3A_388], %get3A_386 {strides = array<i32>} : memref<512x784xf32, #tpu.memory_space<vmem>>, vector<512x16xf32>,
    %iota3A = tpu.iota {dimensions = array<i32: 0>} : vector<512x1xi32>
    %iota3A_390 = tpu.iota {dimensions = array<i32: 1>} : vector<512x784xi32>
    %iota3A_391 = tpu.iota {dimensions = array<i32: 1>} : vector<512x32xi32>
    %scan3A = arith.constant 1073741824 : i32
    %scan3A_392 = arith.constant 0 : i32
    %scan3A_393 = arith.constant 32 : i32
    %scan3A_394 = arith.addi %scan3A_392, %scan3A_393 : i32
    %scan3A_395 = arith.constant 1 : i32
    scf.for %scan3A_397 = %scan3A_392 to %scan3A_394 step %scan3A_395  : i32 {
      %get3A_398 = arith.constant 0 : index
      %get3A_399 = arith.constant 0 : index
      %get3A_400 = vector.load %arg2[%get3A_398, %get3A_399] : memref<512x784xf32, #tpu.memory_space<vmem>>, vector<512x784xf32>
      %reduce_max3A = arith.constant dense<0xFF800000> : vector<512xf32>
      %reduce_max3A_401 = vector.multi_reduction <maximumf>, %get3A_400, %reduce_max3A [1] : vector<512x784xf32> to vector<512xf32>
      %broadcast_in_dim3A = vector.shape_cast %reduce_max3A_401 : vector<512xf32> to vector<512x1xf32>
      %eq3A = vector.broadcast %broadcast_in_dim3A : vector<512x1xf32> to vector<512x784xf32>
      %eq3A_402 = arith.cmpf oeq, %get3A_400, %eq3A : vector<512x784xf32>
      %broadcast_in_dim3A_403 = vector.broadcast %scan3A : i32 to vector<512x784xi32>
      %select_n3A = arith.select %eq3A_402, %iota3A_390, %broadcast_in_dim3A_403 : vector<512x784xi1>, vector<512x784xi32>
      %reduce_min3A = arith.constant dense<2147483647> : vector<512xi32>
      %reduce_min3A_404 = vector.multi_reduction <minsi>, %select_n3A, %reduce_min3A [1] : vector<512x784xi32> to vector<512xi32>
      %broadcast_in_dim3A_405 = vector.shape_cast %reduce_min3A_404 : vector<512xi32> to vector<512x1xi32>
      %eq3A_406 = vector.broadcast %scan3A_397 : i32 to vector<512x32xi32>
      %eq3A_407 = arith.cmpi eq, %iota3A_391, %eq3A_406 : vector<512x32xi32>
      %mul3A = arith.constant 512 : i32
      %mul3A_408 = vector.broadcast %mul3A : i32 to vector<512x1xi32>
      %mul3A_409 = arith.muli %broadcast_in_dim3A_405, %mul3A_408 : vector<512x1xi32>
      %add3A = arith.addi %mul3A_409, %iota3A : vector<512x1xi32>
      %get3A_410 = arith.constant 0 : index
      %get3A_411 = arith.constant 0 : index
      %get3A_412 = vector.load %arg1[%get3A_410, %get3A_411] : memref<512x32xi32, #tpu.memory_space<vmem>>, vector<512x32xi32>
      %broadcast_in_dim3A_413 = vector.shape_cast %add3A : vector<512x1xi32> to vector<512x1xi32>
      %broadcast_in_dim3A_414 = vector.broadcast %broadcast_in_dim3A_413 : vector<512x1xi32> to vector<512x32xi32>
      %select_n3A_415 = arith.select %eq3A_407, %broadcast_in_dim3A_414, %get3A_412 : vector<512x32xi1>, vector<512x32xi32>
      %swap3A_416 = arith.constant 0 : index
      %swap3A_417 = arith.constant 0 : index
      %swap3A_418 = vector.load %arg1[%swap3A_416, %swap3A_417] : memref<512x32xi32, #tpu.memory_space<vmem>>, vector<512x32xi32>
      tpu.vector_store %arg1[%swap3A_416, %swap3A_417], %select_n3A_415 {strides = array<i32>} : memref<512x32xi32, #tpu.memory_space<vmem>>, vector<512x32xi32>,
      %eq3A_419 = vector.broadcast %broadcast_in_dim3A_405 : vector<512x1xi32> to vector<512x784xi32>
      %eq3A_420 = arith.cmpi eq, %iota3A_390, %eq3A_419 : vector<512x784xi32>
      %jit3A = arith.constant -2.000000e+00 : f32
      %broadcast_in_dim3A_421 = vector.broadcast %jit3A : f32 to vector<512x784xf32>
      %select_n3A_422 = arith.select %eq3A_420, %broadcast_in_dim3A_421, %get3A_400 : vector<512x784xi1>, vector<512x784xf32>
      %swap3A_423 = arith.constant 0 : index
      %swap3A_424 = arith.constant 0 : index
      %swap3A_425 = vector.load %arg2[%swap3A_423, %swap3A_424] : memref<512x784xf32, #tpu.memory_space<vmem>>, vector<512x784xf32>
      tpu.vector_store %arg2[%swap3A_423, %swap3A_424], %select_n3A_422 {strides = array<i32>} : memref<512x784xf32, #tpu.memory_space<vmem>>, vector<512x784xf32>,
    }
    %scan3A_396 = arith.constant 32 : i32
    return
  }
}

module attributes {stable_mosaic.version = 14 : i64} {
  func.func @_scores_body(%arg0: i32, %arg1: memref<512x64xf32, #tpu.memory_space<vmem>>, %arg2: memref<64x2048xf32, #tpu.memory_space<vmem>>, %arg3: memref<16x512x128xf32, #tpu.memory_space<vmem>>, %arg4: memref<1x512x16xf32, #tpu.memory_space<vmem>>) attributes {dimension_semantics = [#tpu.dimension_semantics<arbitrary>], iteration_bounds = array<i64: 49>, scalar_prefetch = 0 : i64, scratch_operands = 0 : i64, tpu.core_type = #tpu.core_type<tc>, window_params = [{pipeline_mode = #tpu.pipeline_mode<synchronous>, transform_indices = @transform_0, window_bounds = array<i64: 512, 64>}, {transform_indices = @transform_1, window_bounds = array<i64: 64, 2048>}, {transform_indices = @transform_2, window_bounds = array<i64: 16, 512, 128>}, {transform_indices = @transform_3, window_bounds = array<i64: 1, 512, 16>}]} {
    %get3A = arith.constant 0 : index
    %get3A_0 = arith.constant 0 : index
    %get3A_1 = vector.load %arg1[%get3A, %get3A_0] : memref<512x64xf32, #tpu.memory_space<vmem>>, vector<512x64xf32>
    %get3A_2 = arith.constant 0 : index
    %get3A_3 = arith.constant 0 : index
    %get3A_4 = vector.load %arg2[%get3A_2, %get3A_3] : memref<64x2048xf32, #tpu.memory_space<vmem>>, vector<64x2048xf32>
    %dot_general3A = arith.constant dense<0.000000e+00> : vector<512x2048xf32>
    %dot_general3A_5 = tpu.matmul %get3A_1, %get3A_4, %dot_general3A {dimension_numbers = #tpu.dot_dimension_numbers<[1], [0], [0], [1], [0, 0, 1, 1], [], []>, transpose_lhs_hint = false} : vector<512x64xf32>, vector<64x2048xf32>, vector<512x2048xf32> -> vector<512x2048xf32>
    %mul3A = arith.mulf %get3A_1, %get3A_1 : vector<512x64xf32>
    %reduce_sum3A = arith.constant dense<0.000000e+00> : vector<512xf32>
    %reduce_sum3A_6 = vector.multi_reduction <add>, %mul3A, %reduce_sum3A [1] : vector<512x64xf32> to vector<512xf32>
    %broadcast_in_dim3A = vector.shape_cast %reduce_sum3A_6 : vector<512xf32> to vector<512x1xf32>
    %mul3A_7 = arith.mulf %get3A_4, %get3A_4 : vector<64x2048xf32>
    %reduce_sum3A_8 = arith.constant dense<0.000000e+00> : vector<2048xf32>
    %reduce_sum3A_9 = vector.multi_reduction <add>, %mul3A_7, %reduce_sum3A_8 [0] : vector<64x2048xf32> to vector<2048xf32>
    %broadcast_in_dim3A_10 = vector.shape_cast %reduce_sum3A_9 : vector<2048xf32> to vector<1x2048xf32>
    %add3A = vector.broadcast %broadcast_in_dim3A : vector<512x1xf32> to vector<512x2048xf32>
    %add3A_11 = vector.broadcast %broadcast_in_dim3A_10 : vector<1x2048xf32> to vector<512x2048xf32>
    %add3A_12 = arith.addf %add3A, %add3A_11 : vector<512x2048xf32>
    %mul3A_13 = arith.constant 2.000000e+00 : f32
    %mul3A_14 = vector.broadcast %mul3A_13 : f32 to vector<512x2048xf32>
    %mul3A_15 = arith.mulf %mul3A_14, %dot_general3A_5 : vector<512x2048xf32>
    %sub3A = arith.subf %add3A_12, %mul3A_15 : vector<512x2048xf32>
    %neg3A = arith.constant 0.000000e+00 : f32
    %neg3A_16 = vector.broadcast %neg3A : f32 to vector<512x2048xf32>
    %neg3A_17 = arith.subf %neg3A_16, %sub3A : vector<512x2048xf32>
    %div3A = arith.constant 1.280000e+02 : f32
    %div3A_18 = vector.broadcast %div3A : f32 to vector<512x2048xf32>
    %div3A_19 = arith.divf %neg3A_17, %div3A_18 : vector<512x2048xf32>
    %exp3A = math.exp %div3A_19 : vector<512x2048xf32>
    %slice3A = vector.extract_strided_slice %exp3A {offsets = [0, 0], sizes = [512, 128], strides = [1, 1]} : vector<512x2048xf32> to vector<512x128xf32>
    %swap3A = arith.constant 0 : index
    %swap3A_20 = arith.constant 0 : index
    %swap3A_21 = arith.constant 0 : index
    %swap3A_22 = vector.load %arg3[%swap3A, %swap3A_20, %swap3A_21] : memref<16x512x128xf32, #tpu.memory_space<vmem>>, vector<1x512x128xf32>
    %swap3A_23 = vector.shape_cast %swap3A_22 : vector<1x512x128xf32> to vector<512x128xf32>
    %swap3A_24 = vector.shape_cast %slice3A : vector<512x128xf32> to vector<1x512x128xf32>
    tpu.vector_store %arg3[%swap3A, %swap3A_20, %swap3A_21], %swap3A_24 {strides = array<i32>} : memref<16x512x128xf32, #tpu.memory_space<vmem>>, vector<1x512x128xf32>,
    %reduce_max3A = arith.constant dense<0xFF800000> : vector<512xf32>
    %reduce_max3A_25 = vector.multi_reduction <maximumf>, %slice3A, %reduce_max3A [1] : vector<512x128xf32> to vector<512xf32>
    %broadcast_in_dim3A_26 = vector.shape_cast %reduce_max3A_25 : vector<512xf32> to vector<512x1xf32>
    %swap3A_27 = arith.constant 0 : index
    %swap3A_28 = arith.constant 0 : index
    %swap3A_29 = arith.constant 0 : index
    %swap3A_30 = vector.load %arg4[%swap3A_27, %swap3A_28, %swap3A_29] : memref<1x512x16xf32, #tpu.memory_space<vmem>>, vector<1x512x1xf32>
    %swap3A_31 = vector.shape_cast %swap3A_30 : vector<1x512x1xf32> to vector<512x1xf32>
    %swap3A_32 = vector.shape_cast %broadcast_in_dim3A_26 : vector<512x1xf32> to vector<1x512x1xf32>
    tpu.vector_store %arg4[%swap3A_27, %swap3A_28, %swap3A_29], %swap3A_32 {strides = array<i32>} : memref<1x512x16xf32, #tpu.memory_space<vmem>>, vector<1x512x1xf32>,
    %slice3A_33 = vector.extract_strided_slice %exp3A {offsets = [0, 128], sizes = [512, 128], strides = [1, 1]} : vector<512x2048xf32> to vector<512x128xf32>
    %swap3A_34 = arith.constant 1 : index
    %swap3A_35 = arith.constant 0 : index
    %swap3A_36 = arith.constant 0 : index
    %swap3A_37 = vector.load %arg3[%swap3A_34, %swap3A_35, %swap3A_36] : memref<16x512x128xf32, #tpu.memory_space<vmem>>, vector<1x512x128xf32>
    %swap3A_38 = vector.shape_cast %swap3A_37 : vector<1x512x128xf32> to vector<512x128xf32>
    %swap3A_39 = vector.shape_cast %slice3A_33 : vector<512x128xf32> to vector<1x512x128xf32>
    tpu.vector_store %arg3[%swap3A_34, %swap3A_35, %swap3A_36], %swap3A_39 {strides = array<i32>} : memref<16x512x128xf32, #tpu.memory_space<vmem>>, vector<1x512x128xf32>,
    %reduce_max3A_40 = arith.constant dense<0xFF800000> : vector<512xf32>
    %reduce_max3A_41 = vector.multi_reduction <maximumf>, %slice3A_33, %reduce_max3A_40 [1] : vector<512x128xf32> to vector<512xf32>
    %broadcast_in_dim3A_42 = vector.shape_cast %reduce_max3A_41 : vector<512xf32> to vector<512x1xf32>
    %swap3A_43 = arith.constant 0 : index
    %swap3A_44 = arith.constant 0 : index
    %swap3A_45 = arith.constant 1 : index
    %swap3A_46 = vector.load %arg4[%swap3A_43, %swap3A_44, %swap3A_45] : memref<1x512x16xf32, #tpu.memory_space<vmem>>, vector<1x512x1xf32>
    %swap3A_47 = vector.shape_cast %swap3A_46 : vector<1x512x1xf32> to vector<512x1xf32>
    %swap3A_48 = vector.shape_cast %broadcast_in_dim3A_42 : vector<512x1xf32> to vector<1x512x1xf32>
    tpu.vector_store %arg4[%swap3A_43, %swap3A_44, %swap3A_45], %swap3A_48 {strides = array<i32>} : memref<1x512x16xf32, #tpu.memory_space<vmem>>, vector<1x512x1xf32>,
    %slice3A_49 = vector.extract_strided_slice %exp3A {offsets = [0, 256], sizes = [512, 128], strides = [1, 1]} : vector<512x2048xf32> to vector<512x128xf32>
    %swap3A_50 = arith.constant 2 : index
    %swap3A_51 = arith.constant 0 : index
    %swap3A_52 = arith.constant 0 : index
    %swap3A_53 = vector.load %arg3[%swap3A_50, %swap3A_51, %swap3A_52] : memref<16x512x128xf32, #tpu.memory_space<vmem>>, vector<1x512x128xf32>
    %swap3A_54 = vector.shape_cast %swap3A_53 : vector<1x512x128xf32> to vector<512x128xf32>
    %swap3A_55 = vector.shape_cast %slice3A_49 : vector<512x128xf32> to vector<1x512x128xf32>
    tpu.vector_store %arg3[%swap3A_50, %swap3A_51, %swap3A_52], %swap3A_55 {strides = array<i32>} : memref<16x512x128xf32, #tpu.memory_space<vmem>>, vector<1x512x128xf32>,
    %reduce_max3A_56 = arith.constant dense<0xFF800000> : vector<512xf32>
    %reduce_max3A_57 = vector.multi_reduction <maximumf>, %slice3A_49, %reduce_max3A_56 [1] : vector<512x128xf32> to vector<512xf32>
    %broadcast_in_dim3A_58 = vector.shape_cast %reduce_max3A_57 : vector<512xf32> to vector<512x1xf32>
    %swap3A_59 = arith.constant 0 : index
    %swap3A_60 = arith.constant 0 : index
    %swap3A_61 = arith.constant 2 : index
    %swap3A_62 = vector.load %arg4[%swap3A_59, %swap3A_60, %swap3A_61] : memref<1x512x16xf32, #tpu.memory_space<vmem>>, vector<1x512x1xf32>
    %swap3A_63 = vector.shape_cast %swap3A_62 : vector<1x512x1xf32> to vector<512x1xf32>
    %swap3A_64 = vector.shape_cast %broadcast_in_dim3A_58 : vector<512x1xf32> to vector<1x512x1xf32>
    tpu.vector_store %arg4[%swap3A_59, %swap3A_60, %swap3A_61], %swap3A_64 {strides = array<i32>} : memref<1x512x16xf32, #tpu.memory_space<vmem>>, vector<1x512x1xf32>,
    %slice3A_65 = vector.extract_strided_slice %exp3A {offsets = [0, 384], sizes = [512, 128], strides = [1, 1]} : vector<512x2048xf32> to vector<512x128xf32>
    %swap3A_66 = arith.constant 3 : index
    %swap3A_67 = arith.constant 0 : index
    %swap3A_68 = arith.constant 0 : index
    %swap3A_69 = vector.load %arg3[%swap3A_66, %swap3A_67, %swap3A_68] : memref<16x512x128xf32, #tpu.memory_space<vmem>>, vector<1x512x128xf32>
    %swap3A_70 = vector.shape_cast %swap3A_69 : vector<1x512x128xf32> to vector<512x128xf32>
    %swap3A_71 = vector.shape_cast %slice3A_65 : vector<512x128xf32> to vector<1x512x128xf32>
    tpu.vector_store %arg3[%swap3A_66, %swap3A_67, %swap3A_68], %swap3A_71 {strides = array<i32>} : memref<16x512x128xf32, #tpu.memory_space<vmem>>, vector<1x512x128xf32>,
    %reduce_max3A_72 = arith.constant dense<0xFF800000> : vector<512xf32>
    %reduce_max3A_73 = vector.multi_reduction <maximumf>, %slice3A_65, %reduce_max3A_72 [1] : vector<512x128xf32> to vector<512xf32>
    %broadcast_in_dim3A_74 = vector.shape_cast %reduce_max3A_73 : vector<512xf32> to vector<512x1xf32>
    %swap3A_75 = arith.constant 0 : index
    %swap3A_76 = arith.constant 0 : index
    %swap3A_77 = arith.constant 3 : index
    %swap3A_78 = vector.load %arg4[%swap3A_75, %swap3A_76, %swap3A_77] : memref<1x512x16xf32, #tpu.memory_space<vmem>>, vector<1x512x1xf32>
    %swap3A_79 = vector.shape_cast %swap3A_78 : vector<1x512x1xf32> to vector<512x1xf32>
    %swap3A_80 = vector.shape_cast %broadcast_in_dim3A_74 : vector<512x1xf32> to vector<1x512x1xf32>
    tpu.vector_store %arg4[%swap3A_75, %swap3A_76, %swap3A_77], %swap3A_80 {strides = array<i32>} : memref<1x512x16xf32, #tpu.memory_space<vmem>>, vector<1x512x1xf32>,
    %slice3A_81 = vector.extract_strided_slice %exp3A {offsets = [0, 512], sizes = [512, 128], strides = [1, 1]} : vector<512x2048xf32> to vector<512x128xf32>
    %swap3A_82 = arith.constant 4 : index
    %swap3A_83 = arith.constant 0 : index
    %swap3A_84 = arith.constant 0 : index
    %swap3A_85 = vector.load %arg3[%swap3A_82, %swap3A_83, %swap3A_84] : memref<16x512x128xf32, #tpu.memory_space<vmem>>, vector<1x512x128xf32>
    %swap3A_86 = vector.shape_cast %swap3A_85 : vector<1x512x128xf32> to vector<512x128xf32>
    %swap3A_87 = vector.shape_cast %slice3A_81 : vector<512x128xf32> to vector<1x512x128xf32>
    tpu.vector_store %arg3[%swap3A_82, %swap3A_83, %swap3A_84], %swap3A_87 {strides = array<i32>} : memref<16x512x128xf32, #tpu.memory_space<vmem>>, vector<1x512x128xf32>,
    %reduce_max3A_88 = arith.constant dense<0xFF800000> : vector<512xf32>
    %reduce_max3A_89 = vector.multi_reduction <maximumf>, %slice3A_81, %reduce_max3A_88 [1] : vector<512x128xf32> to vector<512xf32>
    %broadcast_in_dim3A_90 = vector.shape_cast %reduce_max3A_89 : vector<512xf32> to vector<512x1xf32>
    %swap3A_91 = arith.constant 0 : index
    %swap3A_92 = arith.constant 0 : index
    %swap3A_93 = arith.constant 4 : index
    %swap3A_94 = vector.load %arg4[%swap3A_91, %swap3A_92, %swap3A_93] : memref<1x512x16xf32, #tpu.memory_space<vmem>>, vector<1x512x1xf32>
    %swap3A_95 = vector.shape_cast %swap3A_94 : vector<1x512x1xf32> to vector<512x1xf32>
    %swap3A_96 = vector.shape_cast %broadcast_in_dim3A_90 : vector<512x1xf32> to vector<1x512x1xf32>
    tpu.vector_store %arg4[%swap3A_91, %swap3A_92, %swap3A_93], %swap3A_96 {strides = array<i32>} : memref<1x512x16xf32, #tpu.memory_space<vmem>>, vector<1x512x1xf32>,
    %slice3A_97 = vector.extract_strided_slice %exp3A {offsets = [0, 640], sizes = [512, 128], strides = [1, 1]} : vector<512x2048xf32> to vector<512x128xf32>
    %swap3A_98 = arith.constant 5 : index
    %swap3A_99 = arith.constant 0 : index
    %swap3A_100 = arith.constant 0 : index
    %swap3A_101 = vector.load %arg3[%swap3A_98, %swap3A_99, %swap3A_100] : memref<16x512x128xf32, #tpu.memory_space<vmem>>, vector<1x512x128xf32>
    %swap3A_102 = vector.shape_cast %swap3A_101 : vector<1x512x128xf32> to vector<512x128xf32>
    %swap3A_103 = vector.shape_cast %slice3A_97 : vector<512x128xf32> to vector<1x512x128xf32>
    tpu.vector_store %arg3[%swap3A_98, %swap3A_99, %swap3A_100], %swap3A_103 {strides = array<i32>} : memref<16x512x128xf32, #tpu.memory_space<vmem>>, vector<1x512x128xf32>,
    %reduce_max3A_104 = arith.constant dense<0xFF800000> : vector<512xf32>
    %reduce_max3A_105 = vector.multi_reduction <maximumf>, %slice3A_97, %reduce_max3A_104 [1] : vector<512x128xf32> to vector<512xf32>
    %broadcast_in_dim3A_106 = vector.shape_cast %reduce_max3A_105 : vector<512xf32> to vector<512x1xf32>
    %swap3A_107 = arith.constant 0 : index
    %swap3A_108 = arith.constant 0 : index
    %swap3A_109 = arith.constant 5 : index
    %swap3A_110 = vector.load %arg4[%swap3A_107, %swap3A_108, %swap3A_109] : memref<1x512x16xf32, #tpu.memory_space<vmem>>, vector<1x512x1xf32>
    %swap3A_111 = vector.shape_cast %swap3A_110 : vector<1x512x1xf32> to vector<512x1xf32>
    %swap3A_112 = vector.shape_cast %broadcast_in_dim3A_106 : vector<512x1xf32> to vector<1x512x1xf32>
    tpu.vector_store %arg4[%swap3A_107, %swap3A_108, %swap3A_109], %swap3A_112 {strides = array<i32>} : memref<1x512x16xf32, #tpu.memory_space<vmem>>, vector<1x512x1xf32>,
    %slice3A_113 = vector.extract_strided_slice %exp3A {offsets = [0, 768], sizes = [512, 128], strides = [1, 1]} : vector<512x2048xf32> to vector<512x128xf32>
    %swap3A_114 = arith.constant 6 : index
    %swap3A_115 = arith.constant 0 : index
    %swap3A_116 = arith.constant 0 : index
    %swap3A_117 = vector.load %arg3[%swap3A_114, %swap3A_115, %swap3A_116] : memref<16x512x128xf32, #tpu.memory_space<vmem>>, vector<1x512x128xf32>
    %swap3A_118 = vector.shape_cast %swap3A_117 : vector<1x512x128xf32> to vector<512x128xf32>
    %swap3A_119 = vector.shape_cast %slice3A_113 : vector<512x128xf32> to vector<1x512x128xf32>
    tpu.vector_store %arg3[%swap3A_114, %swap3A_115, %swap3A_116], %swap3A_119 {strides = array<i32>} : memref<16x512x128xf32, #tpu.memory_space<vmem>>, vector<1x512x128xf32>,
    %reduce_max3A_120 = arith.constant dense<0xFF800000> : vector<512xf32>
    %reduce_max3A_121 = vector.multi_reduction <maximumf>, %slice3A_113, %reduce_max3A_120 [1] : vector<512x128xf32> to vector<512xf32>
    %broadcast_in_dim3A_122 = vector.shape_cast %reduce_max3A_121 : vector<512xf32> to vector<512x1xf32>
    %swap3A_123 = arith.constant 0 : index
    %swap3A_124 = arith.constant 0 : index
    %swap3A_125 = arith.constant 6 : index
    %swap3A_126 = vector.load %arg4[%swap3A_123, %swap3A_124, %swap3A_125] : memref<1x512x16xf32, #tpu.memory_space<vmem>>, vector<1x512x1xf32>
    %swap3A_127 = vector.shape_cast %swap3A_126 : vector<1x512x1xf32> to vector<512x1xf32>
    %swap3A_128 = vector.shape_cast %broadcast_in_dim3A_122 : vector<512x1xf32> to vector<1x512x1xf32>
    tpu.vector_store %arg4[%swap3A_123, %swap3A_124, %swap3A_125], %swap3A_128 {strides = array<i32>} : memref<1x512x16xf32, #tpu.memory_space<vmem>>, vector<1x512x1xf32>,
    %slice3A_129 = vector.extract_strided_slice %exp3A {offsets = [0, 896], sizes = [512, 128], strides = [1, 1]} : vector<512x2048xf32> to vector<512x128xf32>
    %swap3A_130 = arith.constant 7 : index
    %swap3A_131 = arith.constant 0 : index
    %swap3A_132 = arith.constant 0 : index
    %swap3A_133 = vector.load %arg3[%swap3A_130, %swap3A_131, %swap3A_132] : memref<16x512x128xf32, #tpu.memory_space<vmem>>, vector<1x512x128xf32>
    %swap3A_134 = vector.shape_cast %swap3A_133 : vector<1x512x128xf32> to vector<512x128xf32>
    %swap3A_135 = vector.shape_cast %slice3A_129 : vector<512x128xf32> to vector<1x512x128xf32>
    tpu.vector_store %arg3[%swap3A_130, %swap3A_131, %swap3A_132], %swap3A_135 {strides = array<i32>} : memref<16x512x128xf32, #tpu.memory_space<vmem>>, vector<1x512x128xf32>,
    %reduce_max3A_136 = arith.constant dense<0xFF800000> : vector<512xf32>
    %reduce_max3A_137 = vector.multi_reduction <maximumf>, %slice3A_129, %reduce_max3A_136 [1] : vector<512x128xf32> to vector<512xf32>
    %broadcast_in_dim3A_138 = vector.shape_cast %reduce_max3A_137 : vector<512xf32> to vector<512x1xf32>
    %swap3A_139 = arith.constant 0 : index
    %swap3A_140 = arith.constant 0 : index
    %swap3A_141 = arith.constant 7 : index
    %swap3A_142 = vector.load %arg4[%swap3A_139, %swap3A_140, %swap3A_141] : memref<1x512x16xf32, #tpu.memory_space<vmem>>, vector<1x512x1xf32>
    %swap3A_143 = vector.shape_cast %swap3A_142 : vector<1x512x1xf32> to vector<512x1xf32>
    %swap3A_144 = vector.shape_cast %broadcast_in_dim3A_138 : vector<512x1xf32> to vector<1x512x1xf32>
    tpu.vector_store %arg4[%swap3A_139, %swap3A_140, %swap3A_141], %swap3A_144 {strides = array<i32>} : memref<1x512x16xf32, #tpu.memory_space<vmem>>, vector<1x512x1xf32>,
    %slice3A_145 = vector.extract_strided_slice %exp3A {offsets = [0, 1024], sizes = [512, 128], strides = [1, 1]} : vector<512x2048xf32> to vector<512x128xf32>
    %swap3A_146 = arith.constant 8 : index
    %swap3A_147 = arith.constant 0 : index
    %swap3A_148 = arith.constant 0 : index
    %swap3A_149 = vector.load %arg3[%swap3A_146, %swap3A_147, %swap3A_148] : memref<16x512x128xf32, #tpu.memory_space<vmem>>, vector<1x512x128xf32>
    %swap3A_150 = vector.shape_cast %swap3A_149 : vector<1x512x128xf32> to vector<512x128xf32>
    %swap3A_151 = vector.shape_cast %slice3A_145 : vector<512x128xf32> to vector<1x512x128xf32>
    tpu.vector_store %arg3[%swap3A_146, %swap3A_147, %swap3A_148], %swap3A_151 {strides = array<i32>} : memref<16x512x128xf32, #tpu.memory_space<vmem>>, vector<1x512x128xf32>,
    %reduce_max3A_152 = arith.constant dense<0xFF800000> : vector<512xf32>
    %reduce_max3A_153 = vector.multi_reduction <maximumf>, %slice3A_145, %reduce_max3A_152 [1] : vector<512x128xf32> to vector<512xf32>
    %broadcast_in_dim3A_154 = vector.shape_cast %reduce_max3A_153 : vector<512xf32> to vector<512x1xf32>
    %swap3A_155 = arith.constant 0 : index
    %swap3A_156 = arith.constant 0 : index
    %swap3A_157 = arith.constant 8 : index
    %swap3A_158 = vector.load %arg4[%swap3A_155, %swap3A_156, %swap3A_157] : memref<1x512x16xf32, #tpu.memory_space<vmem>>, vector<1x512x1xf32>
    %swap3A_159 = vector.shape_cast %swap3A_158 : vector<1x512x1xf32> to vector<512x1xf32>
    %swap3A_160 = vector.shape_cast %broadcast_in_dim3A_154 : vector<512x1xf32> to vector<1x512x1xf32>
    tpu.vector_store %arg4[%swap3A_155, %swap3A_156, %swap3A_157], %swap3A_160 {strides = array<i32>} : memref<1x512x16xf32, #tpu.memory_space<vmem>>, vector<1x512x1xf32>,
    %slice3A_161 = vector.extract_strided_slice %exp3A {offsets = [0, 1152], sizes = [512, 128], strides = [1, 1]} : vector<512x2048xf32> to vector<512x128xf32>
    %swap3A_162 = arith.constant 9 : index
    %swap3A_163 = arith.constant 0 : index
    %swap3A_164 = arith.constant 0 : index
    %swap3A_165 = vector.load %arg3[%swap3A_162, %swap3A_163, %swap3A_164] : memref<16x512x128xf32, #tpu.memory_space<vmem>>, vector<1x512x128xf32>
    %swap3A_166 = vector.shape_cast %swap3A_165 : vector<1x512x128xf32> to vector<512x128xf32>
    %swap3A_167 = vector.shape_cast %slice3A_161 : vector<512x128xf32> to vector<1x512x128xf32>
    tpu.vector_store %arg3[%swap3A_162, %swap3A_163, %swap3A_164], %swap3A_167 {strides = array<i32>} : memref<16x512x128xf32, #tpu.memory_space<vmem>>, vector<1x512x128xf32>,
    %reduce_max3A_168 = arith.constant dense<0xFF800000> : vector<512xf32>
    %reduce_max3A_169 = vector.multi_reduction <maximumf>, %slice3A_161, %reduce_max3A_168 [1] : vector<512x128xf32> to vector<512xf32>
    %broadcast_in_dim3A_170 = vector.shape_cast %reduce_max3A_169 : vector<512xf32> to vector<512x1xf32>
    %swap3A_171 = arith.constant 0 : index
    %swap3A_172 = arith.constant 0 : index
    %swap3A_173 = arith.constant 9 : index
    %swap3A_174 = vector.load %arg4[%swap3A_171, %swap3A_172, %swap3A_173] : memref<1x512x16xf32, #tpu.memory_space<vmem>>, vector<1x512x1xf32>
    %swap3A_175 = vector.shape_cast %swap3A_174 : vector<1x512x1xf32> to vector<512x1xf32>
    %swap3A_176 = vector.shape_cast %broadcast_in_dim3A_170 : vector<512x1xf32> to vector<1x512x1xf32>
    tpu.vector_store %arg4[%swap3A_171, %swap3A_172, %swap3A_173], %swap3A_176 {strides = array<i32>} : memref<1x512x16xf32, #tpu.memory_space<vmem>>, vector<1x512x1xf32>,
    %slice3A_177 = vector.extract_strided_slice %exp3A {offsets = [0, 1280], sizes = [512, 128], strides = [1, 1]} : vector<512x2048xf32> to vector<512x128xf32>
    %swap3A_178 = arith.constant 10 : index
    %swap3A_179 = arith.constant 0 : index
    %swap3A_180 = arith.constant 0 : index
    %swap3A_181 = vector.load %arg3[%swap3A_178, %swap3A_179, %swap3A_180] : memref<16x512x128xf32, #tpu.memory_space<vmem>>, vector<1x512x128xf32>
    %swap3A_182 = vector.shape_cast %swap3A_181 : vector<1x512x128xf32> to vector<512x128xf32>
    %swap3A_183 = vector.shape_cast %slice3A_177 : vector<512x128xf32> to vector<1x512x128xf32>
    tpu.vector_store %arg3[%swap3A_178, %swap3A_179, %swap3A_180], %swap3A_183 {strides = array<i32>} : memref<16x512x128xf32, #tpu.memory_space<vmem>>, vector<1x512x128xf32>,
    %reduce_max3A_184 = arith.constant dense<0xFF800000> : vector<512xf32>
    %reduce_max3A_185 = vector.multi_reduction <maximumf>, %slice3A_177, %reduce_max3A_184 [1] : vector<512x128xf32> to vector<512xf32>
    %broadcast_in_dim3A_186 = vector.shape_cast %reduce_max3A_185 : vector<512xf32> to vector<512x1xf32>
    %swap3A_187 = arith.constant 0 : index
    %swap3A_188 = arith.constant 0 : index
    %swap3A_189 = arith.constant 10 : index
    %swap3A_190 = vector.load %arg4[%swap3A_187, %swap3A_188, %swap3A_189] : memref<1x512x16xf32, #tpu.memory_space<vmem>>, vector<1x512x1xf32>
    %swap3A_191 = vector.shape_cast %swap3A_190 : vector<1x512x1xf32> to vector<512x1xf32>
    %swap3A_192 = vector.shape_cast %broadcast_in_dim3A_186 : vector<512x1xf32> to vector<1x512x1xf32>
    tpu.vector_store %arg4[%swap3A_187, %swap3A_188, %swap3A_189], %swap3A_192 {strides = array<i32>} : memref<1x512x16xf32, #tpu.memory_space<vmem>>, vector<1x512x1xf32>,
    %slice3A_193 = vector.extract_strided_slice %exp3A {offsets = [0, 1408], sizes = [512, 128], strides = [1, 1]} : vector<512x2048xf32> to vector<512x128xf32>
    %swap3A_194 = arith.constant 11 : index
    %swap3A_195 = arith.constant 0 : index
    %swap3A_196 = arith.constant 0 : index
    %swap3A_197 = vector.load %arg3[%swap3A_194, %swap3A_195, %swap3A_196] : memref<16x512x128xf32, #tpu.memory_space<vmem>>, vector<1x512x128xf32>
    %swap3A_198 = vector.shape_cast %swap3A_197 : vector<1x512x128xf32> to vector<512x128xf32>
    %swap3A_199 = vector.shape_cast %slice3A_193 : vector<512x128xf32> to vector<1x512x128xf32>
    tpu.vector_store %arg3[%swap3A_194, %swap3A_195, %swap3A_196], %swap3A_199 {strides = array<i32>} : memref<16x512x128xf32, #tpu.memory_space<vmem>>, vector<1x512x128xf32>,
    %reduce_max3A_200 = arith.constant dense<0xFF800000> : vector<512xf32>
    %reduce_max3A_201 = vector.multi_reduction <maximumf>, %slice3A_193, %reduce_max3A_200 [1] : vector<512x128xf32> to vector<512xf32>
    %broadcast_in_dim3A_202 = vector.shape_cast %reduce_max3A_201 : vector<512xf32> to vector<512x1xf32>
    %swap3A_203 = arith.constant 0 : index
    %swap3A_204 = arith.constant 0 : index
    %swap3A_205 = arith.constant 11 : index
    %swap3A_206 = vector.load %arg4[%swap3A_203, %swap3A_204, %swap3A_205] : memref<1x512x16xf32, #tpu.memory_space<vmem>>, vector<1x512x1xf32>
    %swap3A_207 = vector.shape_cast %swap3A_206 : vector<1x512x1xf32> to vector<512x1xf32>
    %swap3A_208 = vector.shape_cast %broadcast_in_dim3A_202 : vector<512x1xf32> to vector<1x512x1xf32>
    tpu.vector_store %arg4[%swap3A_203, %swap3A_204, %swap3A_205], %swap3A_208 {strides = array<i32>} : memref<1x512x16xf32, #tpu.memory_space<vmem>>, vector<1x512x1xf32>,
    %slice3A_209 = vector.extract_strided_slice %exp3A {offsets = [0, 1536], sizes = [512, 128], strides = [1, 1]} : vector<512x2048xf32> to vector<512x128xf32>
    %swap3A_210 = arith.constant 12 : index
    %swap3A_211 = arith.constant 0 : index
    %swap3A_212 = arith.constant 0 : index
    %swap3A_213 = vector.load %arg3[%swap3A_210, %swap3A_211, %swap3A_212] : memref<16x512x128xf32, #tpu.memory_space<vmem>>, vector<1x512x128xf32>
    %swap3A_214 = vector.shape_cast %swap3A_213 : vector<1x512x128xf32> to vector<512x128xf32>
    %swap3A_215 = vector.shape_cast %slice3A_209 : vector<512x128xf32> to vector<1x512x128xf32>
    tpu.vector_store %arg3[%swap3A_210, %swap3A_211, %swap3A_212], %swap3A_215 {strides = array<i32>} : memref<16x512x128xf32, #tpu.memory_space<vmem>>, vector<1x512x128xf32>,
    %reduce_max3A_216 = arith.constant dense<0xFF800000> : vector<512xf32>
    %reduce_max3A_217 = vector.multi_reduction <maximumf>, %slice3A_209, %reduce_max3A_216 [1] : vector<512x128xf32> to vector<512xf32>
    %broadcast_in_dim3A_218 = vector.shape_cast %reduce_max3A_217 : vector<512xf32> to vector<512x1xf32>
    %swap3A_219 = arith.constant 0 : index
    %swap3A_220 = arith.constant 0 : index
    %swap3A_221 = arith.constant 12 : index
    %swap3A_222 = vector.load %arg4[%swap3A_219, %swap3A_220, %swap3A_221] : memref<1x512x16xf32, #tpu.memory_space<vmem>>, vector<1x512x1xf32>
    %swap3A_223 = vector.shape_cast %swap3A_222 : vector<1x512x1xf32> to vector<512x1xf32>
    %swap3A_224 = vector.shape_cast %broadcast_in_dim3A_218 : vector<512x1xf32> to vector<1x512x1xf32>
    tpu.vector_store %arg4[%swap3A_219, %swap3A_220, %swap3A_221], %swap3A_224 {strides = array<i32>} : memref<1x512x16xf32, #tpu.memory_space<vmem>>, vector<1x512x1xf32>,
    %slice3A_225 = vector.extract_strided_slice %exp3A {offsets = [0, 1664], sizes = [512, 128], strides = [1, 1]} : vector<512x2048xf32> to vector<512x128xf32>
    %swap3A_226 = arith.constant 13 : index
    %swap3A_227 = arith.constant 0 : index
    %swap3A_228 = arith.constant 0 : index
    %swap3A_229 = vector.load %arg3[%swap3A_226, %swap3A_227, %swap3A_228] : memref<16x512x128xf32, #tpu.memory_space<vmem>>, vector<1x512x128xf32>
    %swap3A_230 = vector.shape_cast %swap3A_229 : vector<1x512x128xf32> to vector<512x128xf32>
    %swap3A_231 = vector.shape_cast %slice3A_225 : vector<512x128xf32> to vector<1x512x128xf32>
    tpu.vector_store %arg3[%swap3A_226, %swap3A_227, %swap3A_228], %swap3A_231 {strides = array<i32>} : memref<16x512x128xf32, #tpu.memory_space<vmem>>, vector<1x512x128xf32>,
    %reduce_max3A_232 = arith.constant dense<0xFF800000> : vector<512xf32>
    %reduce_max3A_233 = vector.multi_reduction <maximumf>, %slice3A_225, %reduce_max3A_232 [1] : vector<512x128xf32> to vector<512xf32>
    %broadcast_in_dim3A_234 = vector.shape_cast %reduce_max3A_233 : vector<512xf32> to vector<512x1xf32>
    %swap3A_235 = arith.constant 0 : index
    %swap3A_236 = arith.constant 0 : index
    %swap3A_237 = arith.constant 13 : index
    %swap3A_238 = vector.load %arg4[%swap3A_235, %swap3A_236, %swap3A_237] : memref<1x512x16xf32, #tpu.memory_space<vmem>>, vector<1x512x1xf32>
    %swap3A_239 = vector.shape_cast %swap3A_238 : vector<1x512x1xf32> to vector<512x1xf32>
    %swap3A_240 = vector.shape_cast %broadcast_in_dim3A_234 : vector<512x1xf32> to vector<1x512x1xf32>
    tpu.vector_store %arg4[%swap3A_235, %swap3A_236, %swap3A_237], %swap3A_240 {strides = array<i32>} : memref<1x512x16xf32, #tpu.memory_space<vmem>>, vector<1x512x1xf32>,
    %slice3A_241 = vector.extract_strided_slice %exp3A {offsets = [0, 1792], sizes = [512, 128], strides = [1, 1]} : vector<512x2048xf32> to vector<512x128xf32>
    %swap3A_242 = arith.constant 14 : index
    %swap3A_243 = arith.constant 0 : index
    %swap3A_244 = arith.constant 0 : index
    %swap3A_245 = vector.load %arg3[%swap3A_242, %swap3A_243, %swap3A_244] : memref<16x512x128xf32, #tpu.memory_space<vmem>>, vector<1x512x128xf32>
    %swap3A_246 = vector.shape_cast %swap3A_245 : vector<1x512x128xf32> to vector<512x128xf32>
    %swap3A_247 = vector.shape_cast %slice3A_241 : vector<512x128xf32> to vector<1x512x128xf32>
    tpu.vector_store %arg3[%swap3A_242, %swap3A_243, %swap3A_244], %swap3A_247 {strides = array<i32>} : memref<16x512x128xf32, #tpu.memory_space<vmem>>, vector<1x512x128xf32>,
    %reduce_max3A_248 = arith.constant dense<0xFF800000> : vector<512xf32>
    %reduce_max3A_249 = vector.multi_reduction <maximumf>, %slice3A_241, %reduce_max3A_248 [1] : vector<512x128xf32> to vector<512xf32>
    %broadcast_in_dim3A_250 = vector.shape_cast %reduce_max3A_249 : vector<512xf32> to vector<512x1xf32>
    %swap3A_251 = arith.constant 0 : index
    %swap3A_252 = arith.constant 0 : index
    %swap3A_253 = arith.constant 14 : index
    %swap3A_254 = vector.load %arg4[%swap3A_251, %swap3A_252, %swap3A_253] : memref<1x512x16xf32, #tpu.memory_space<vmem>>, vector<1x512x1xf32>
    %swap3A_255 = vector.shape_cast %swap3A_254 : vector<1x512x1xf32> to vector<512x1xf32>
    %swap3A_256 = vector.shape_cast %broadcast_in_dim3A_250 : vector<512x1xf32> to vector<1x512x1xf32>
    tpu.vector_store %arg4[%swap3A_251, %swap3A_252, %swap3A_253], %swap3A_256 {strides = array<i32>} : memref<1x512x16xf32, #tpu.memory_space<vmem>>, vector<1x512x1xf32>,
    %slice3A_257 = vector.extract_strided_slice %exp3A {offsets = [0, 1920], sizes = [512, 128], strides = [1, 1]} : vector<512x2048xf32> to vector<512x128xf32>
    %swap3A_258 = arith.constant 15 : index
    %swap3A_259 = arith.constant 0 : index
    %swap3A_260 = arith.constant 0 : index
    %swap3A_261 = vector.load %arg3[%swap3A_258, %swap3A_259, %swap3A_260] : memref<16x512x128xf32, #tpu.memory_space<vmem>>, vector<1x512x128xf32>
    %swap3A_262 = vector.shape_cast %swap3A_261 : vector<1x512x128xf32> to vector<512x128xf32>
    %swap3A_263 = vector.shape_cast %slice3A_257 : vector<512x128xf32> to vector<1x512x128xf32>
    tpu.vector_store %arg3[%swap3A_258, %swap3A_259, %swap3A_260], %swap3A_263 {strides = array<i32>} : memref<16x512x128xf32, #tpu.memory_space<vmem>>, vector<1x512x128xf32>,
    %reduce_max3A_264 = arith.constant dense<0xFF800000> : vector<512xf32>
    %reduce_max3A_265 = vector.multi_reduction <maximumf>, %slice3A_257, %reduce_max3A_264 [1] : vector<512x128xf32> to vector<512xf32>
    %broadcast_in_dim3A_266 = vector.shape_cast %reduce_max3A_265 : vector<512xf32> to vector<512x1xf32>
    %swap3A_267 = arith.constant 0 : index
    %swap3A_268 = arith.constant 0 : index
    %swap3A_269 = arith.constant 15 : index
    %swap3A_270 = vector.load %arg4[%swap3A_267, %swap3A_268, %swap3A_269] : memref<1x512x16xf32, #tpu.memory_space<vmem>>, vector<1x512x1xf32>
    %swap3A_271 = vector.shape_cast %swap3A_270 : vector<1x512x1xf32> to vector<512x1xf32>
    %swap3A_272 = vector.shape_cast %broadcast_in_dim3A_266 : vector<512x1xf32> to vector<1x512x1xf32>
    tpu.vector_store %arg4[%swap3A_267, %swap3A_268, %swap3A_269], %swap3A_272 {strides = array<i32>} : memref<1x512x16xf32, #tpu.memory_space<vmem>>, vector<1x512x1xf32>,
    %ge3A = arith.constant 48 : i32
    %ge3A_273 = arith.cmpi sge, %arg0, %ge3A : i32
    %convert_element_type3A = arith.extui %ge3A_273 : i1 to i32
    %cond3A = arith.constant 0 : i32
    %cond3A_274 = arith.cmpi ne, %convert_element_type3A, %cond3A : i32
    scf.if %cond3A_274 {
      %iota3A = tpu.iota {dimensions = array<i32: 1>} : vector<512x2048xi32>
      %mul3A_275 = arith.constant 2048 : i32
      %mul3A_276 = arith.muli %arg0, %mul3A_275 : i32
      %add3A_277 = vector.broadcast %mul3A_276 : i32 to vector<512x2048xi32>
      %add3A_278 = arith.addi %iota3A, %add3A_277 : vector<512x2048xi32>
      %lt3A = arith.constant 100000 : i32
      %lt3A_279 = vector.broadcast %lt3A : i32 to vector<512x2048xi32>
      %lt3A_280 = arith.cmpi slt, %add3A_278, %lt3A_279 : vector<512x2048xi32>
      %jit3A = arith.constant -1.000000e+00 : f32
      %broadcast_in_dim3A_281 = vector.broadcast %jit3A : f32 to vector<512x2048xf32>
      %select_n3A = arith.select %lt3A_280, %exp3A, %broadcast_in_dim3A_281 : vector<512x2048xi1>, vector<512x2048xf32>
      %slice3A_282 = vector.extract_strided_slice %select_n3A {offsets = [0, 0], sizes = [512, 128], strides = [1, 1]} : vector<512x2048xf32> to vector<512x128xf32>
      %swap3A_283 = arith.constant 0 : index
      %swap3A_284 = arith.constant 0 : index
      %swap3A_285 = arith.constant 0 : index
      %swap3A_286 = vector.load %arg3[%swap3A_283, %swap3A_284, %swap3A_285] : memref<16x512x128xf32, #tpu.memory_space<vmem>>, vector<1x512x128xf32>
      %swap3A_287 = vector.shape_cast %swap3A_286 : vector<1x512x128xf32> to vector<512x128xf32>
      %swap3A_288 = vector.shape_cast %slice3A_282 : vector<512x128xf32> to vector<1x512x128xf32>
      tpu.vector_store %arg3[%swap3A_283, %swap3A_284, %swap3A_285], %swap3A_288 {strides = array<i32>} : memref<16x512x128xf32, #tpu.memory_space<vmem>>, vector<1x512x128xf32>,
      %reduce_max3A_289 = arith.constant dense<0xFF800000> : vector<512xf32>
      %reduce_max3A_290 = vector.multi_reduction <maximumf>, %slice3A_282, %reduce_max3A_289 [1] : vector<512x128xf32> to vector<512xf32>
      %broadcast_in_dim3A_291 = vector.shape_cast %reduce_max3A_290 : vector<512xf32> to vector<512x1xf32>
      %swap3A_292 = arith.constant 0 : index
      %swap3A_293 = arith.constant 0 : index
      %swap3A_294 = arith.constant 0 : index
      %swap3A_295 = vector.load %arg4[%swap3A_292, %swap3A_293, %swap3A_294] : memref<1x512x16xf32, #tpu.memory_space<vmem>>, vector<1x512x1xf32>
      %swap3A_296 = vector.shape_cast %swap3A_295 : vector<1x512x1xf32> to vector<512x1xf32>
      %swap3A_297 = vector.shape_cast %broadcast_in_dim3A_291 : vector<512x1xf32> to vector<1x512x1xf32>
      tpu.vector_store %arg4[%swap3A_292, %swap3A_293, %swap3A_294], %swap3A_297 {strides = array<i32>} : memref<1x512x16xf32, #tpu.memory_space<vmem>>, vector<1x512x1xf32>,
      %slice3A_298 = vector.extract_strided_slice %select_n3A {offsets = [0, 128], sizes = [512, 128], strides = [1, 1]} : vector<512x2048xf32> to vector<512x128xf32>
      %swap3A_299 = arith.constant 1 : index
      %swap3A_300 = arith.constant 0 : index
      %swap3A_301 = arith.constant 0 : index
      %swap3A_302 = vector.load %arg3[%swap3A_299, %swap3A_300, %swap3A_301] : memref<16x512x128xf32, #tpu.memory_space<vmem>>, vector<1x512x128xf32>
      %swap3A_303 = vector.shape_cast %swap3A_302 : vector<1x512x128xf32> to vector<512x128xf32>
      %swap3A_304 = vector.shape_cast %slice3A_298 : vector<512x128xf32> to vector<1x512x128xf32>
      tpu.vector_store %arg3[%swap3A_299, %swap3A_300, %swap3A_301], %swap3A_304 {strides = array<i32>} : memref<16x512x128xf32, #tpu.memory_space<vmem>>, vector<1x512x128xf32>,
      %reduce_max3A_305 = arith.constant dense<0xFF800000> : vector<512xf32>
      %reduce_max3A_306 = vector.multi_reduction <maximumf>, %slice3A_298, %reduce_max3A_305 [1] : vector<512x128xf32> to vector<512xf32>
      %broadcast_in_dim3A_307 = vector.shape_cast %reduce_max3A_306 : vector<512xf32> to vector<512x1xf32>
      %swap3A_308 = arith.constant 0 : index
      %swap3A_309 = arith.constant 0 : index
      %swap3A_310 = arith.constant 1 : index
      %swap3A_311 = vector.load %arg4[%swap3A_308, %swap3A_309, %swap3A_310] : memref<1x512x16xf32, #tpu.memory_space<vmem>>, vector<1x512x1xf32>
      %swap3A_312 = vector.shape_cast %swap3A_311 : vector<1x512x1xf32> to vector<512x1xf32>
      %swap3A_313 = vector.shape_cast %broadcast_in_dim3A_307 : vector<512x1xf32> to vector<1x512x1xf32>
      tpu.vector_store %arg4[%swap3A_308, %swap3A_309, %swap3A_310], %swap3A_313 {strides = array<i32>} : memref<1x512x16xf32, #tpu.memory_space<vmem>>, vector<1x512x1xf32>,
      %slice3A_314 = vector.extract_strided_slice %select_n3A {offsets = [0, 256], sizes = [512, 128], strides = [1, 1]} : vector<512x2048xf32> to vector<512x128xf32>
      %swap3A_315 = arith.constant 2 : index
      %swap3A_316 = arith.constant 0 : index
      %swap3A_317 = arith.constant 0 : index
      %swap3A_318 = vector.load %arg3[%swap3A_315, %swap3A_316, %swap3A_317] : memref<16x512x128xf32, #tpu.memory_space<vmem>>, vector<1x512x128xf32>
      %swap3A_319 = vector.shape_cast %swap3A_318 : vector<1x512x128xf32> to vector<512x128xf32>
      %swap3A_320 = vector.shape_cast %slice3A_314 : vector<512x128xf32> to vector<1x512x128xf32>
      tpu.vector_store %arg3[%swap3A_315, %swap3A_316, %swap3A_317], %swap3A_320 {strides = array<i32>} : memref<16x512x128xf32, #tpu.memory_space<vmem>>, vector<1x512x128xf32>,
      %reduce_max3A_321 = arith.constant dense<0xFF800000> : vector<512xf32>
      %reduce_max3A_322 = vector.multi_reduction <maximumf>, %slice3A_314, %reduce_max3A_321 [1] : vector<512x128xf32> to vector<512xf32>
      %broadcast_in_dim3A_323 = vector.shape_cast %reduce_max3A_322 : vector<512xf32> to vector<512x1xf32>
      %swap3A_324 = arith.constant 0 : index
      %swap3A_325 = arith.constant 0 : index
      %swap3A_326 = arith.constant 2 : index
      %swap3A_327 = vector.load %arg4[%swap3A_324, %swap3A_325, %swap3A_326] : memref<1x512x16xf32, #tpu.memory_space<vmem>>, vector<1x512x1xf32>
      %swap3A_328 = vector.shape_cast %swap3A_327 : vector<1x512x1xf32> to vector<512x1xf32>
      %swap3A_329 = vector.shape_cast %broadcast_in_dim3A_323 : vector<512x1xf32> to vector<1x512x1xf32>
      tpu.vector_store %arg4[%swap3A_324, %swap3A_325, %swap3A_326], %swap3A_329 {strides = array<i32>} : memref<1x512x16xf32, #tpu.memory_space<vmem>>, vector<1x512x1xf32>,
      %slice3A_330 = vector.extract_strided_slice %select_n3A {offsets = [0, 384], sizes = [512, 128], strides = [1, 1]} : vector<512x2048xf32> to vector<512x128xf32>
      %swap3A_331 = arith.constant 3 : index
      %swap3A_332 = arith.constant 0 : index
      %swap3A_333 = arith.constant 0 : index
      %swap3A_334 = vector.load %arg3[%swap3A_331, %swap3A_332, %swap3A_333] : memref<16x512x128xf32, #tpu.memory_space<vmem>>, vector<1x512x128xf32>
      %swap3A_335 = vector.shape_cast %swap3A_334 : vector<1x512x128xf32> to vector<512x128xf32>
      %swap3A_336 = vector.shape_cast %slice3A_330 : vector<512x128xf32> to vector<1x512x128xf32>
      tpu.vector_store %arg3[%swap3A_331, %swap3A_332, %swap3A_333], %swap3A_336 {strides = array<i32>} : memref<16x512x128xf32, #tpu.memory_space<vmem>>, vector<1x512x128xf32>,
      %reduce_max3A_337 = arith.constant dense<0xFF800000> : vector<512xf32>
      %reduce_max3A_338 = vector.multi_reduction <maximumf>, %slice3A_330, %reduce_max3A_337 [1] : vector<512x128xf32> to vector<512xf32>
      %broadcast_in_dim3A_339 = vector.shape_cast %reduce_max3A_338 : vector<512xf32> to vector<512x1xf32>
      %swap3A_340 = arith.constant 0 : index
      %swap3A_341 = arith.constant 0 : index
      %swap3A_342 = arith.constant 3 : index
      %swap3A_343 = vector.load %arg4[%swap3A_340, %swap3A_341, %swap3A_342] : memref<1x512x16xf32, #tpu.memory_space<vmem>>, vector<1x512x1xf32>
      %swap3A_344 = vector.shape_cast %swap3A_343 : vector<1x512x1xf32> to vector<512x1xf32>
      %swap3A_345 = vector.shape_cast %broadcast_in_dim3A_339 : vector<512x1xf32> to vector<1x512x1xf32>
      tpu.vector_store %arg4[%swap3A_340, %swap3A_341, %swap3A_342], %swap3A_345 {strides = array<i32>} : memref<1x512x16xf32, #tpu.memory_space<vmem>>, vector<1x512x1xf32>,
      %slice3A_346 = vector.extract_strided_slice %select_n3A {offsets = [0, 512], sizes = [512, 128], strides = [1, 1]} : vector<512x2048xf32> to vector<512x128xf32>
      %swap3A_347 = arith.constant 4 : index
      %swap3A_348 = arith.constant 0 : index
      %swap3A_349 = arith.constant 0 : index
      %swap3A_350 = vector.load %arg3[%swap3A_347, %swap3A_348, %swap3A_349] : memref<16x512x128xf32, #tpu.memory_space<vmem>>, vector<1x512x128xf32>
      %swap3A_351 = vector.shape_cast %swap3A_350 : vector<1x512x128xf32> to vector<512x128xf32>
      %swap3A_352 = vector.shape_cast %slice3A_346 : vector<512x128xf32> to vector<1x512x128xf32>
      tpu.vector_store %arg3[%swap3A_347, %swap3A_348, %swap3A_349], %swap3A_352 {strides = array<i32>} : memref<16x512x128xf32, #tpu.memory_space<vmem>>, vector<1x512x128xf32>,
      %reduce_max3A_353 = arith.constant dense<0xFF800000> : vector<512xf32>
      %reduce_max3A_354 = vector.multi_reduction <maximumf>, %slice3A_346, %reduce_max3A_353 [1] : vector<512x128xf32> to vector<512xf32>
      %broadcast_in_dim3A_355 = vector.shape_cast %reduce_max3A_354 : vector<512xf32> to vector<512x1xf32>
      %swap3A_356 = arith.constant 0 : index
      %swap3A_357 = arith.constant 0 : index
      %swap3A_358 = arith.constant 4 : index
      %swap3A_359 = vector.load %arg4[%swap3A_356, %swap3A_357, %swap3A_358] : memref<1x512x16xf32, #tpu.memory_space<vmem>>, vector<1x512x1xf32>
      %swap3A_360 = vector.shape_cast %swap3A_359 : vector<1x512x1xf32> to vector<512x1xf32>
      %swap3A_361 = vector.shape_cast %broadcast_in_dim3A_355 : vector<512x1xf32> to vector<1x512x1xf32>
      tpu.vector_store %arg4[%swap3A_356, %swap3A_357, %swap3A_358], %swap3A_361 {strides = array<i32>} : memref<1x512x16xf32, #tpu.memory_space<vmem>>, vector<1x512x1xf32>,
      %slice3A_362 = vector.extract_strided_slice %select_n3A {offsets = [0, 640], sizes = [512, 128], strides = [1, 1]} : vector<512x2048xf32> to vector<512x128xf32>
      %swap3A_363 = arith.constant 5 : index
      %swap3A_364 = arith.constant 0 : index
      %swap3A_365 = arith.constant 0 : index
      %swap3A_366 = vector.load %arg3[%swap3A_363, %swap3A_364, %swap3A_365] : memref<16x512x128xf32, #tpu.memory_space<vmem>>, vector<1x512x128xf32>
      %swap3A_367 = vector.shape_cast %swap3A_366 : vector<1x512x128xf32> to vector<512x128xf32>
      %swap3A_368 = vector.shape_cast %slice3A_362 : vector<512x128xf32> to vector<1x512x128xf32>
      tpu.vector_store %arg3[%swap3A_363, %swap3A_364, %swap3A_365], %swap3A_368 {strides = array<i32>} : memref<16x512x128xf32, #tpu.memory_space<vmem>>, vector<1x512x128xf32>,
      %reduce_max3A_369 = arith.constant dense<0xFF800000> : vector<512xf32>
      %reduce_max3A_370 = vector.multi_reduction <maximumf>, %slice3A_362, %reduce_max3A_369 [1] : vector<512x128xf32> to vector<512xf32>
      %broadcast_in_dim3A_371 = vector.shape_cast %reduce_max3A_370 : vector<512xf32> to vector<512x1xf32>
      %swap3A_372 = arith.constant 0 : index
      %swap3A_373 = arith.constant 0 : index
      %swap3A_374 = arith.constant 5 : index
      %swap3A_375 = vector.load %arg4[%swap3A_372, %swap3A_373, %swap3A_374] : memref<1x512x16xf32, #tpu.memory_space<vmem>>, vector<1x512x1xf32>
      %swap3A_376 = vector.shape_cast %swap3A_375 : vector<1x512x1xf32> to vector<512x1xf32>
      %swap3A_377 = vector.shape_cast %broadcast_in_dim3A_371 : vector<512x1xf32> to vector<1x512x1xf32>
      tpu.vector_store %arg4[%swap3A_372, %swap3A_373, %swap3A_374], %swap3A_377 {strides = array<i32>} : memref<1x512x16xf32, #tpu.memory_space<vmem>>, vector<1x512x1xf32>,
      %slice3A_378 = vector.extract_strided_slice %select_n3A {offsets = [0, 768], sizes = [512, 128], strides = [1, 1]} : vector<512x2048xf32> to vector<512x128xf32>
      %swap3A_379 = arith.constant 6 : index
      %swap3A_380 = arith.constant 0 : index
      %swap3A_381 = arith.constant 0 : index
      %swap3A_382 = vector.load %arg3[%swap3A_379, %swap3A_380, %swap3A_381] : memref<16x512x128xf32, #tpu.memory_space<vmem>>, vector<1x512x128xf32>
      %swap3A_383 = vector.shape_cast %swap3A_382 : vector<1x512x128xf32> to vector<512x128xf32>
      %swap3A_384 = vector.shape_cast %slice3A_378 : vector<512x128xf32> to vector<1x512x128xf32>
      tpu.vector_store %arg3[%swap3A_379, %swap3A_380, %swap3A_381], %swap3A_384 {strides = array<i32>} : memref<16x512x128xf32, #tpu.memory_space<vmem>>, vector<1x512x128xf32>,
      %reduce_max3A_385 = arith.constant dense<0xFF800000> : vector<512xf32>
      %reduce_max3A_386 = vector.multi_reduction <maximumf>, %slice3A_378, %reduce_max3A_385 [1] : vector<512x128xf32> to vector<512xf32>
      %broadcast_in_dim3A_387 = vector.shape_cast %reduce_max3A_386 : vector<512xf32> to vector<512x1xf32>
      %swap3A_388 = arith.constant 0 : index
      %swap3A_389 = arith.constant 0 : index
      %swap3A_390 = arith.constant 6 : index
      %swap3A_391 = vector.load %arg4[%swap3A_388, %swap3A_389, %swap3A_390] : memref<1x512x16xf32, #tpu.memory_space<vmem>>, vector<1x512x1xf32>
      %swap3A_392 = vector.shape_cast %swap3A_391 : vector<1x512x1xf32> to vector<512x1xf32>
      %swap3A_393 = vector.shape_cast %broadcast_in_dim3A_387 : vector<512x1xf32> to vector<1x512x1xf32>
      tpu.vector_store %arg4[%swap3A_388, %swap3A_389, %swap3A_390], %swap3A_393 {strides = array<i32>} : memref<1x512x16xf32, #tpu.memory_space<vmem>>, vector<1x512x1xf32>,
      %slice3A_394 = vector.extract_strided_slice %select_n3A {offsets = [0, 896], sizes = [512, 128], strides = [1, 1]} : vector<512x2048xf32> to vector<512x128xf32>
      %swap3A_395 = arith.constant 7 : index
      %swap3A_396 = arith.constant 0 : index
      %swap3A_397 = arith.constant 0 : index
      %swap3A_398 = vector.load %arg3[%swap3A_395, %swap3A_396, %swap3A_397] : memref<16x512x128xf32, #tpu.memory_space<vmem>>, vector<1x512x128xf32>
      %swap3A_399 = vector.shape_cast %swap3A_398 : vector<1x512x128xf32> to vector<512x128xf32>
      %swap3A_400 = vector.shape_cast %slice3A_394 : vector<512x128xf32> to vector<1x512x128xf32>
      tpu.vector_store %arg3[%swap3A_395, %swap3A_396, %swap3A_397], %swap3A_400 {strides = array<i32>} : memref<16x512x128xf32, #tpu.memory_space<vmem>>, vector<1x512x128xf32>,
      %reduce_max3A_401 = arith.constant dense<0xFF800000> : vector<512xf32>
      %reduce_max3A_402 = vector.multi_reduction <maximumf>, %slice3A_394, %reduce_max3A_401 [1] : vector<512x128xf32> to vector<512xf32>
      %broadcast_in_dim3A_403 = vector.shape_cast %reduce_max3A_402 : vector<512xf32> to vector<512x1xf32>
      %swap3A_404 = arith.constant 0 : index
      %swap3A_405 = arith.constant 0 : index
      %swap3A_406 = arith.constant 7 : index
      %swap3A_407 = vector.load %arg4[%swap3A_404, %swap3A_405, %swap3A_406] : memref<1x512x16xf32, #tpu.memory_space<vmem>>, vector<1x512x1xf32>
      %swap3A_408 = vector.shape_cast %swap3A_407 : vector<1x512x1xf32> to vector<512x1xf32>
      %swap3A_409 = vector.shape_cast %broadcast_in_dim3A_403 : vector<512x1xf32> to vector<1x512x1xf32>
      tpu.vector_store %arg4[%swap3A_404, %swap3A_405, %swap3A_406], %swap3A_409 {strides = array<i32>} : memref<1x512x16xf32, #tpu.memory_space<vmem>>, vector<1x512x1xf32>,
      %slice3A_410 = vector.extract_strided_slice %select_n3A {offsets = [0, 1024], sizes = [512, 128], strides = [1, 1]} : vector<512x2048xf32> to vector<512x128xf32>
      %swap3A_411 = arith.constant 8 : index
      %swap3A_412 = arith.constant 0 : index
      %swap3A_413 = arith.constant 0 : index
      %swap3A_414 = vector.load %arg3[%swap3A_411, %swap3A_412, %swap3A_413] : memref<16x512x128xf32, #tpu.memory_space<vmem>>, vector<1x512x128xf32>
      %swap3A_415 = vector.shape_cast %swap3A_414 : vector<1x512x128xf32> to vector<512x128xf32>
      %swap3A_416 = vector.shape_cast %slice3A_410 : vector<512x128xf32> to vector<1x512x128xf32>
      tpu.vector_store %arg3[%swap3A_411, %swap3A_412, %swap3A_413], %swap3A_416 {strides = array<i32>} : memref<16x512x128xf32, #tpu.memory_space<vmem>>, vector<1x512x128xf32>,
      %reduce_max3A_417 = arith.constant dense<0xFF800000> : vector<512xf32>
      %reduce_max3A_418 = vector.multi_reduction <maximumf>, %slice3A_410, %reduce_max3A_417 [1] : vector<512x128xf32> to vector<512xf32>
      %broadcast_in_dim3A_419 = vector.shape_cast %reduce_max3A_418 : vector<512xf32> to vector<512x1xf32>
      %swap3A_420 = arith.constant 0 : index
      %swap3A_421 = arith.constant 0 : index
      %swap3A_422 = arith.constant 8 : index
      %swap3A_423 = vector.load %arg4[%swap3A_420, %swap3A_421, %swap3A_422] : memref<1x512x16xf32, #tpu.memory_space<vmem>>, vector<1x512x1xf32>
      %swap3A_424 = vector.shape_cast %swap3A_423 : vector<1x512x1xf32> to vector<512x1xf32>
      %swap3A_425 = vector.shape_cast %broadcast_in_dim3A_419 : vector<512x1xf32> to vector<1x512x1xf32>
      tpu.vector_store %arg4[%swap3A_420, %swap3A_421, %swap3A_422], %swap3A_425 {strides = array<i32>} : memref<1x512x16xf32, #tpu.memory_space<vmem>>, vector<1x512x1xf32>,
      %slice3A_426 = vector.extract_strided_slice %select_n3A {offsets = [0, 1152], sizes = [512, 128], strides = [1, 1]} : vector<512x2048xf32> to vector<512x128xf32>
      %swap3A_427 = arith.constant 9 : index
      %swap3A_428 = arith.constant 0 : index
      %swap3A_429 = arith.constant 0 : index
      %swap3A_430 = vector.load %arg3[%swap3A_427, %swap3A_428, %swap3A_429] : memref<16x512x128xf32, #tpu.memory_space<vmem>>, vector<1x512x128xf32>
      %swap3A_431 = vector.shape_cast %swap3A_430 : vector<1x512x128xf32> to vector<512x128xf32>
      %swap3A_432 = vector.shape_cast %slice3A_426 : vector<512x128xf32> to vector<1x512x128xf32>
      tpu.vector_store %arg3[%swap3A_427, %swap3A_428, %swap3A_429], %swap3A_432 {strides = array<i32>} : memref<16x512x128xf32, #tpu.memory_space<vmem>>, vector<1x512x128xf32>,
      %reduce_max3A_433 = arith.constant dense<0xFF800000> : vector<512xf32>
      %reduce_max3A_434 = vector.multi_reduction <maximumf>, %slice3A_426, %reduce_max3A_433 [1] : vector<512x128xf32> to vector<512xf32>
      %broadcast_in_dim3A_435 = vector.shape_cast %reduce_max3A_434 : vector<512xf32> to vector<512x1xf32>
      %swap3A_436 = arith.constant 0 : index
      %swap3A_437 = arith.constant 0 : index
      %swap3A_438 = arith.constant 9 : index
      %swap3A_439 = vector.load %arg4[%swap3A_436, %swap3A_437, %swap3A_438] : memref<1x512x16xf32, #tpu.memory_space<vmem>>, vector<1x512x1xf32>
      %swap3A_440 = vector.shape_cast %swap3A_439 : vector<1x512x1xf32> to vector<512x1xf32>
      %swap3A_441 = vector.shape_cast %broadcast_in_dim3A_435 : vector<512x1xf32> to vector<1x512x1xf32>
      tpu.vector_store %arg4[%swap3A_436, %swap3A_437, %swap3A_438], %swap3A_441 {strides = array<i32>} : memref<1x512x16xf32, #tpu.memory_space<vmem>>, vector<1x512x1xf32>,
      %slice3A_442 = vector.extract_strided_slice %select_n3A {offsets = [0, 1280], sizes = [512, 128], strides = [1, 1]} : vector<512x2048xf32> to vector<512x128xf32>
      %swap3A_443 = arith.constant 10 : index
      %swap3A_444 = arith.constant 0 : index
      %swap3A_445 = arith.constant 0 : index
      %swap3A_446 = vector.load %arg3[%swap3A_443, %swap3A_444, %swap3A_445] : memref<16x512x128xf32, #tpu.memory_space<vmem>>, vector<1x512x128xf32>
      %swap3A_447 = vector.shape_cast %swap3A_446 : vector<1x512x128xf32> to vector<512x128xf32>
      %swap3A_448 = vector.shape_cast %slice3A_442 : vector<512x128xf32> to vector<1x512x128xf32>
      tpu.vector_store %arg3[%swap3A_443, %swap3A_444, %swap3A_445], %swap3A_448 {strides = array<i32>} : memref<16x512x128xf32, #tpu.memory_space<vmem>>, vector<1x512x128xf32>,
      %reduce_max3A_449 = arith.constant dense<0xFF800000> : vector<512xf32>
      %reduce_max3A_450 = vector.multi_reduction <maximumf>, %slice3A_442, %reduce_max3A_449 [1] : vector<512x128xf32> to vector<512xf32>
      %broadcast_in_dim3A_451 = vector.shape_cast %reduce_max3A_450 : vector<512xf32> to vector<512x1xf32>
      %swap3A_452 = arith.constant 0 : index
      %swap3A_453 = arith.constant 0 : index
      %swap3A_454 = arith.constant 10 : index
      %swap3A_455 = vector.load %arg4[%swap3A_452, %swap3A_453, %swap3A_454] : memref<1x512x16xf32, #tpu.memory_space<vmem>>, vector<1x512x1xf32>
      %swap3A_456 = vector.shape_cast %swap3A_455 : vector<1x512x1xf32> to vector<512x1xf32>
      %swap3A_457 = vector.shape_cast %broadcast_in_dim3A_451 : vector<512x1xf32> to vector<1x512x1xf32>
      tpu.vector_store %arg4[%swap3A_452, %swap3A_453, %swap3A_454], %swap3A_457 {strides = array<i32>} : memref<1x512x16xf32, #tpu.memory_space<vmem>>, vector<1x512x1xf32>,
      %slice3A_458 = vector.extract_strided_slice %select_n3A {offsets = [0, 1408], sizes = [512, 128], strides = [1, 1]} : vector<512x2048xf32> to vector<512x128xf32>
      %swap3A_459 = arith.constant 11 : index
      %swap3A_460 = arith.constant 0 : index
      %swap3A_461 = arith.constant 0 : index
      %swap3A_462 = vector.load %arg3[%swap3A_459, %swap3A_460, %swap3A_461] : memref<16x512x128xf32, #tpu.memory_space<vmem>>, vector<1x512x128xf32>
      %swap3A_463 = vector.shape_cast %swap3A_462 : vector<1x512x128xf32> to vector<512x128xf32>
      %swap3A_464 = vector.shape_cast %slice3A_458 : vector<512x128xf32> to vector<1x512x128xf32>
      tpu.vector_store %arg3[%swap3A_459, %swap3A_460, %swap3A_461], %swap3A_464 {strides = array<i32>} : memref<16x512x128xf32, #tpu.memory_space<vmem>>, vector<1x512x128xf32>,
      %reduce_max3A_465 = arith.constant dense<0xFF800000> : vector<512xf32>
      %reduce_max3A_466 = vector.multi_reduction <maximumf>, %slice3A_458, %reduce_max3A_465 [1] : vector<512x128xf32> to vector<512xf32>
      %broadcast_in_dim3A_467 = vector.shape_cast %reduce_max3A_466 : vector<512xf32> to vector<512x1xf32>
      %swap3A_468 = arith.constant 0 : index
      %swap3A_469 = arith.constant 0 : index
      %swap3A_470 = arith.constant 11 : index
      %swap3A_471 = vector.load %arg4[%swap3A_468, %swap3A_469, %swap3A_470] : memref<1x512x16xf32, #tpu.memory_space<vmem>>, vector<1x512x1xf32>
      %swap3A_472 = vector.shape_cast %swap3A_471 : vector<1x512x1xf32> to vector<512x1xf32>
      %swap3A_473 = vector.shape_cast %broadcast_in_dim3A_467 : vector<512x1xf32> to vector<1x512x1xf32>
      tpu.vector_store %arg4[%swap3A_468, %swap3A_469, %swap3A_470], %swap3A_473 {strides = array<i32>} : memref<1x512x16xf32, #tpu.memory_space<vmem>>, vector<1x512x1xf32>,
      %slice3A_474 = vector.extract_strided_slice %select_n3A {offsets = [0, 1536], sizes = [512, 128], strides = [1, 1]} : vector<512x2048xf32> to vector<512x128xf32>
      %swap3A_475 = arith.constant 12 : index
      %swap3A_476 = arith.constant 0 : index
      %swap3A_477 = arith.constant 0 : index
      %swap3A_478 = vector.load %arg3[%swap3A_475, %swap3A_476, %swap3A_477] : memref<16x512x128xf32, #tpu.memory_space<vmem>>, vector<1x512x128xf32>
      %swap3A_479 = vector.shape_cast %swap3A_478 : vector<1x512x128xf32> to vector<512x128xf32>
      %swap3A_480 = vector.shape_cast %slice3A_474 : vector<512x128xf32> to vector<1x512x128xf32>
      tpu.vector_store %arg3[%swap3A_475, %swap3A_476, %swap3A_477], %swap3A_480 {strides = array<i32>} : memref<16x512x128xf32, #tpu.memory_space<vmem>>, vector<1x512x128xf32>,
      %reduce_max3A_481 = arith.constant dense<0xFF800000> : vector<512xf32>
      %reduce_max3A_482 = vector.multi_reduction <maximumf>, %slice3A_474, %reduce_max3A_481 [1] : vector<512x128xf32> to vector<512xf32>
      %broadcast_in_dim3A_483 = vector.shape_cast %reduce_max3A_482 : vector<512xf32> to vector<512x1xf32>
      %swap3A_484 = arith.constant 0 : index
      %swap3A_485 = arith.constant 0 : index
      %swap3A_486 = arith.constant 12 : index
      %swap3A_487 = vector.load %arg4[%swap3A_484, %swap3A_485, %swap3A_486] : memref<1x512x16xf32, #tpu.memory_space<vmem>>, vector<1x512x1xf32>
      %swap3A_488 = vector.shape_cast %swap3A_487 : vector<1x512x1xf32> to vector<512x1xf32>
      %swap3A_489 = vector.shape_cast %broadcast_in_dim3A_483 : vector<512x1xf32> to vector<1x512x1xf32>
      tpu.vector_store %arg4[%swap3A_484, %swap3A_485, %swap3A_486], %swap3A_489 {strides = array<i32>} : memref<1x512x16xf32, #tpu.memory_space<vmem>>, vector<1x512x1xf32>,
      %slice3A_490 = vector.extract_strided_slice %select_n3A {offsets = [0, 1664], sizes = [512, 128], strides = [1, 1]} : vector<512x2048xf32> to vector<512x128xf32>
      %swap3A_491 = arith.constant 13 : index
      %swap3A_492 = arith.constant 0 : index
      %swap3A_493 = arith.constant 0 : index
      %swap3A_494 = vector.load %arg3[%swap3A_491, %swap3A_492, %swap3A_493] : memref<16x512x128xf32, #tpu.memory_space<vmem>>, vector<1x512x128xf32>
      %swap3A_495 = vector.shape_cast %swap3A_494 : vector<1x512x128xf32> to vector<512x128xf32>
      %swap3A_496 = vector.shape_cast %slice3A_490 : vector<512x128xf32> to vector<1x512x128xf32>
      tpu.vector_store %arg3[%swap3A_491, %swap3A_492, %swap3A_493], %swap3A_496 {strides = array<i32>} : memref<16x512x128xf32, #tpu.memory_space<vmem>>, vector<1x512x128xf32>,
      %reduce_max3A_497 = arith.constant dense<0xFF800000> : vector<512xf32>
      %reduce_max3A_498 = vector.multi_reduction <maximumf>, %slice3A_490, %reduce_max3A_497 [1] : vector<512x128xf32> to vector<512xf32>
      %broadcast_in_dim3A_499 = vector.shape_cast %reduce_max3A_498 : vector<512xf32> to vector<512x1xf32>
      %swap3A_500 = arith.constant 0 : index
      %swap3A_501 = arith.constant 0 : index
      %swap3A_502 = arith.constant 13 : index
      %swap3A_503 = vector.load %arg4[%swap3A_500, %swap3A_501, %swap3A_502] : memref<1x512x16xf32, #tpu.memory_space<vmem>>, vector<1x512x1xf32>
      %swap3A_504 = vector.shape_cast %swap3A_503 : vector<1x512x1xf32> to vector<512x1xf32>
      %swap3A_505 = vector.shape_cast %broadcast_in_dim3A_499 : vector<512x1xf32> to vector<1x512x1xf32>
      tpu.vector_store %arg4[%swap3A_500, %swap3A_501, %swap3A_502], %swap3A_505 {strides = array<i32>} : memref<1x512x16xf32, #tpu.memory_space<vmem>>, vector<1x512x1xf32>,
      %slice3A_506 = vector.extract_strided_slice %select_n3A {offsets = [0, 1792], sizes = [512, 128], strides = [1, 1]} : vector<512x2048xf32> to vector<512x128xf32>
      %swap3A_507 = arith.constant 14 : index
      %swap3A_508 = arith.constant 0 : index
      %swap3A_509 = arith.constant 0 : index
      %swap3A_510 = vector.load %arg3[%swap3A_507, %swap3A_508, %swap3A_509] : memref<16x512x128xf32, #tpu.memory_space<vmem>>, vector<1x512x128xf32>
      %swap3A_511 = vector.shape_cast %swap3A_510 : vector<1x512x128xf32> to vector<512x128xf32>
      %swap3A_512 = vector.shape_cast %slice3A_506 : vector<512x128xf32> to vector<1x512x128xf32>
      tpu.vector_store %arg3[%swap3A_507, %swap3A_508, %swap3A_509], %swap3A_512 {strides = array<i32>} : memref<16x512x128xf32, #tpu.memory_space<vmem>>, vector<1x512x128xf32>,
      %reduce_max3A_513 = arith.constant dense<0xFF800000> : vector<512xf32>
      %reduce_max3A_514 = vector.multi_reduction <maximumf>, %slice3A_506, %reduce_max3A_513 [1] : vector<512x128xf32> to vector<512xf32>
      %broadcast_in_dim3A_515 = vector.shape_cast %reduce_max3A_514 : vector<512xf32> to vector<512x1xf32>
      %swap3A_516 = arith.constant 0 : index
      %swap3A_517 = arith.constant 0 : index
      %swap3A_518 = arith.constant 14 : index
      %swap3A_519 = vector.load %arg4[%swap3A_516, %swap3A_517, %swap3A_518] : memref<1x512x16xf32, #tpu.memory_space<vmem>>, vector<1x512x1xf32>
      %swap3A_520 = vector.shape_cast %swap3A_519 : vector<1x512x1xf32> to vector<512x1xf32>
      %swap3A_521 = vector.shape_cast %broadcast_in_dim3A_515 : vector<512x1xf32> to vector<1x512x1xf32>
      tpu.vector_store %arg4[%swap3A_516, %swap3A_517, %swap3A_518], %swap3A_521 {strides = array<i32>} : memref<1x512x16xf32, #tpu.memory_space<vmem>>, vector<1x512x1xf32>,
      %slice3A_522 = vector.extract_strided_slice %select_n3A {offsets = [0, 1920], sizes = [512, 128], strides = [1, 1]} : vector<512x2048xf32> to vector<512x128xf32>
      %swap3A_523 = arith.constant 15 : index
      %swap3A_524 = arith.constant 0 : index
      %swap3A_525 = arith.constant 0 : index
      %swap3A_526 = vector.load %arg3[%swap3A_523, %swap3A_524, %swap3A_525] : memref<16x512x128xf32, #tpu.memory_space<vmem>>, vector<1x512x128xf32>
      %swap3A_527 = vector.shape_cast %swap3A_526 : vector<1x512x128xf32> to vector<512x128xf32>
      %swap3A_528 = vector.shape_cast %slice3A_522 : vector<512x128xf32> to vector<1x512x128xf32>
      tpu.vector_store %arg3[%swap3A_523, %swap3A_524, %swap3A_525], %swap3A_528 {strides = array<i32>} : memref<16x512x128xf32, #tpu.memory_space<vmem>>, vector<1x512x128xf32>,
      %reduce_max3A_529 = arith.constant dense<0xFF800000> : vector<512xf32>
      %reduce_max3A_530 = vector.multi_reduction <maximumf>, %slice3A_522, %reduce_max3A_529 [1] : vector<512x128xf32> to vector<512xf32>
      %broadcast_in_dim3A_531 = vector.shape_cast %reduce_max3A_530 : vector<512xf32> to vector<512x1xf32>
      %swap3A_532 = arith.constant 0 : index
      %swap3A_533 = arith.constant 0 : index
      %swap3A_534 = arith.constant 15 : index
      %swap3A_535 = vector.load %arg4[%swap3A_532, %swap3A_533, %swap3A_534] : memref<1x512x16xf32, #tpu.memory_space<vmem>>, vector<1x512x1xf32>
      %swap3A_536 = vector.shape_cast %swap3A_535 : vector<1x512x1xf32> to vector<512x1xf32>
      %swap3A_537 = vector.shape_cast %broadcast_in_dim3A_531 : vector<512x1xf32> to vector<1x512x1xf32>
      tpu.vector_store %arg4[%swap3A_532, %swap3A_533, %swap3A_534], %swap3A_537 {strides = array<i32>} : memref<1x512x16xf32, #tpu.memory_space<vmem>>, vector<1x512x1xf32>,
    } else {
    }
    return
  }
  func.func @transform_0(%arg0: i32) -> (i32, i32) {
    %c0_i32 = arith.constant 0 : i32
    %c0_i32_0 = arith.constant 0 : i32
    %c0_i32_1 = arith.constant 0 : i32
    return %c0_i32, %c0_i32_0 : i32, i32
  }
  func.func @transform_1(%arg0: i32) -> (i32, i32) {
    %c0_i32 = arith.constant 0 : i32
    %c0_i32_0 = arith.constant 0 : i32
    return %c0_i32, %arg0 : i32, i32
  }
  func.func @transform_2(%arg0: i32) -> (i32, i32, i32) {
    %c0_i32 = arith.constant 0 : i32
    %c0_i32_0 = arith.constant 0 : i32
    %c0_i32_1 = arith.constant 0 : i32
    return %arg0, %c0_i32, %c0_i32_0 : i32, i32, i32
  }
  func.func @transform_3(%arg0: i32) -> (i32, i32, i32) {
    %c0_i32 = arith.constant 0 : i32
    %c0_i32_0 = arith.constant 0 : i32
    %c0_i32_1 = arith.constant 0 : i32
    return %arg0, %c0_i32, %c0_i32_0 : i32, i32, i32
  }
}

module attributes {stable_mosaic.version = 14 : i64} {
  func.func @_final_topk_body(%arg0: memref<512x32x128xf32, #tpu.memory_space<vmem>>, %arg1: memref<512x32xi32, #tpu.memory_space<vmem>>, %arg2: memref<512x32xf32, #tpu.memory_space<vmem>>, %arg3: memref<512x32xi32, #tpu.memory_space<vmem>>, %arg4: memref<512x4096xf32, #tpu.memory_space<vmem>>, %arg5: memref<512x4096xi32, #tpu.memory_space<vmem>>) attributes {dimension_semantics = [], scalar_prefetch = 0 : i64, scratch_operands = 2 : i64, tpu.core_type = #tpu.core_type<tc>} {
    %iota3A = tpu.iota {dimensions = array<i32: 1>} : vector<512x128xi32>
    %get3A = arith.constant 0 : index
    %get3A_0 = arith.constant 0 : index
    %get3A_1 = arith.constant 0 : index
    %get3A_2 = vector.load %arg0[%get3A, %get3A_0, %get3A_1] : memref<512x32x128xf32, #tpu.memory_space<vmem>>, vector<512x1x128xf32>
    %get3A_3 = vector.shape_cast %get3A_2 : vector<512x1x128xf32> to vector<512x128xf32>
    %swap3A = arith.constant 0 : index
    %swap3A_4 = arith.constant 0 : index
    %swap3A_5 = vector.load %arg4[%swap3A, %swap3A_4] : memref<512x4096xf32, #tpu.memory_space<vmem>>, vector<512x128xf32>
    tpu.vector_store %arg4[%swap3A, %swap3A_4], %get3A_3 {strides = array<i32>} : memref<512x4096xf32, #tpu.memory_space<vmem>>, vector<512x128xf32>,
    %get3A_6 = arith.constant 0 : index
    %get3A_7 = arith.constant 0 : index
    %get3A_8 = vector.load %arg1[%get3A_6, %get3A_7] : memref<512x32xi32, #tpu.memory_space<vmem>>, vector<512x1xi32>
    %jit3A = arith.constant 512 : i32
    %div3A = vector.broadcast %jit3A : i32 to vector<512x1xi32>
    %div3A_9 = arith.divsi %get3A_8, %div3A : vector<512x1xi32>
    %sign3A = arith.constant 0 : i32
    %sign3A_10 = vector.broadcast %sign3A : i32 to vector<512x1xi32>
    %sign3A_11 = arith.cmpi sgt, %get3A_8, %sign3A_10 : vector<512x1xi32>
    %sign3A_12 = arith.extui %sign3A_11 : vector<512x1xi1> to vector<512x1xi32>
    %sign3A_13 = arith.constant 0 : i32
    %sign3A_14 = vector.broadcast %sign3A_13 : i32 to vector<512x1xi32>
    %sign3A_15 = arith.cmpi slt, %get3A_8, %sign3A_14 : vector<512x1xi32>
    %sign3A_16 = arith.extui %sign3A_15 : vector<512x1xi1> to vector<512x1xi32>
    %sign3A_17 = arith.subi %sign3A_12, %sign3A_16 : vector<512x1xi32>
    %sign3A_18 = arith.constant 0 : i32
    %sign3A_19 = arith.cmpi sgt, %jit3A, %sign3A_18 : i32
    %sign3A_20 = arith.extui %sign3A_19 : i1 to i32
    %sign3A_21 = arith.constant 0 : i32
    %sign3A_22 = arith.cmpi slt, %jit3A, %sign3A_21 : i32
    %sign3A_23 = arith.extui %sign3A_22 : i1 to i32
    %sign3A_24 = arith.subi %sign3A_20, %sign3A_23 : i32
    %ne3A = vector.broadcast %sign3A_24 : i32 to vector<512x1xi32>
    %ne3A_25 = arith.cmpi ne, %sign3A_17, %ne3A : vector<512x1xi32>
    %rem3A = vector.broadcast %jit3A : i32 to vector<512x1xi32>
    %rem3A_26 = arith.remsi %get3A_8, %rem3A : vector<512x1xi32>
    %ne3A_27 = arith.constant 0 : i32
    %ne3A_28 = vector.broadcast %ne3A_27 : i32 to vector<512x1xi32>
    %ne3A_29 = arith.cmpi ne, %rem3A_26, %ne3A_28 : vector<512x1xi32>
    %and3A = arith.andi %ne3A_25, %ne3A_29 : vector<512x1xi1>
    %sub3A = arith.constant 1 : i32
    %sub3A_30 = vector.broadcast %sub3A : i32 to vector<512x1xi32>
    %sub3A_31 = arith.subi %div3A_9, %sub3A_30 : vector<512x1xi32>
    %select_n3A = arith.select %and3A, %sub3A_31, %div3A_9 : vector<512x1xi1>, vector<512x1xi32>
    %mul3A = arith.constant 128 : i32
    %mul3A_32 = vector.broadcast %mul3A : i32 to vector<512x1xi32>
    %mul3A_33 = arith.muli %select_n3A, %mul3A_32 : vector<512x1xi32>
    %add3A = vector.broadcast %mul3A_33 : vector<512x1xi32> to vector<512x128xi32>
    %add3A_34 = arith.addi %add3A, %iota3A : vector<512x128xi32>
    %swap3A_35 = arith.constant 0 : index
    %swap3A_36 = arith.constant 0 : index
    %swap3A_37 = vector.load %arg5[%swap3A_35, %swap3A_36] : memref<512x4096xi32, #tpu.memory_space<vmem>>, vector<512x128xi32>
    tpu.vector_store %arg5[%swap3A_35, %swap3A_36], %add3A_34 {strides = array<i32>} : memref<512x4096xi32, #tpu.memory_space<vmem>>, vector<512x128xi32>,
    %get3A_38 = arith.constant 0 : index
    %get3A_39 = arith.constant 1 : index
    %get3A_40 = arith.constant 0 : index
    %get3A_41 = vector.load %arg0[%get3A_38, %get3A_39, %get3A_40] : memref<512x32x128xf32, #tpu.memory_space<vmem>>, vector<512x1x128xf32>
    %get3A_42 = vector.shape_cast %get3A_41 : vector<512x1x128xf32> to vector<512x128xf32>
    %swap3A_43 = arith.constant 0 : index
    %swap3A_44 = arith.constant 128 : index
    %swap3A_45 = vector.load %arg4[%swap3A_43, %swap3A_44] : memref<512x4096xf32, #tpu.memory_space<vmem>>, vector<512x128xf32>
    tpu.vector_store %arg4[%swap3A_43, %swap3A_44], %get3A_42 {strides = array<i32>} : memref<512x4096xf32, #tpu.memory_space<vmem>>, vector<512x128xf32>,
    %get3A_46 = arith.constant 0 : index
    %get3A_47 = arith.constant 1 : index
    %get3A_48 = vector.load %arg1[%get3A_46, %get3A_47] : memref<512x32xi32, #tpu.memory_space<vmem>>, vector<512x1xi32>
    %jit3A_49 = arith.constant 512 : i32
    %div3A_50 = vector.broadcast %jit3A_49 : i32 to vector<512x1xi32>
    %div3A_51 = arith.divsi %get3A_48, %div3A_50 : vector<512x1xi32>
    %sign3A_52 = arith.constant 0 : i32
    %sign3A_53 = vector.broadcast %sign3A_52 : i32 to vector<512x1xi32>
    %sign3A_54 = arith.cmpi sgt, %get3A_48, %sign3A_53 : vector<512x1xi32>
    %sign3A_55 = arith.extui %sign3A_54 : vector<512x1xi1> to vector<512x1xi32>
    %sign3A_56 = arith.constant 0 : i32
    %sign3A_57 = vector.broadcast %sign3A_56 : i32 to vector<512x1xi32>
    %sign3A_58 = arith.cmpi slt, %get3A_48, %sign3A_57 : vector<512x1xi32>
    %sign3A_59 = arith.extui %sign3A_58 : vector<512x1xi1> to vector<512x1xi32>
    %sign3A_60 = arith.subi %sign3A_55, %sign3A_59 : vector<512x1xi32>
    %sign3A_61 = arith.constant 0 : i32
    %sign3A_62 = arith.cmpi sgt, %jit3A_49, %sign3A_61 : i32
    %sign3A_63 = arith.extui %sign3A_62 : i1 to i32
    %sign3A_64 = arith.constant 0 : i32
    %sign3A_65 = arith.cmpi slt, %jit3A_49, %sign3A_64 : i32
    %sign3A_66 = arith.extui %sign3A_65 : i1 to i32
    %sign3A_67 = arith.subi %sign3A_63, %sign3A_66 : i32
    %ne3A_68 = vector.broadcast %sign3A_67 : i32 to vector<512x1xi32>
    %ne3A_69 = arith.cmpi ne, %sign3A_60, %ne3A_68 : vector<512x1xi32>
    %rem3A_70 = vector.broadcast %jit3A_49 : i32 to vector<512x1xi32>
    %rem3A_71 = arith.remsi %get3A_48, %rem3A_70 : vector<512x1xi32>
    %ne3A_72 = arith.constant 0 : i32
    %ne3A_73 = vector.broadcast %ne3A_72 : i32 to vector<512x1xi32>
    %ne3A_74 = arith.cmpi ne, %rem3A_71, %ne3A_73 : vector<512x1xi32>
    %and3A_75 = arith.andi %ne3A_69, %ne3A_74 : vector<512x1xi1>
    %sub3A_76 = arith.constant 1 : i32
    %sub3A_77 = vector.broadcast %sub3A_76 : i32 to vector<512x1xi32>
    %sub3A_78 = arith.subi %div3A_51, %sub3A_77 : vector<512x1xi32>
    %select_n3A_79 = arith.select %and3A_75, %sub3A_78, %div3A_51 : vector<512x1xi1>, vector<512x1xi32>
    %mul3A_80 = arith.constant 128 : i32
    %mul3A_81 = vector.broadcast %mul3A_80 : i32 to vector<512x1xi32>
    %mul3A_82 = arith.muli %select_n3A_79, %mul3A_81 : vector<512x1xi32>
    %add3A_83 = vector.broadcast %mul3A_82 : vector<512x1xi32> to vector<512x128xi32>
    %add3A_84 = arith.addi %add3A_83, %iota3A : vector<512x128xi32>
    %swap3A_85 = arith.constant 0 : index
    %swap3A_86 = arith.constant 128 : index
    %swap3A_87 = vector.load %arg5[%swap3A_85, %swap3A_86] : memref<512x4096xi32, #tpu.memory_space<vmem>>, vector<512x128xi32>
    tpu.vector_store %arg5[%swap3A_85, %swap3A_86], %add3A_84 {strides = array<i32>} : memref<512x4096xi32, #tpu.memory_space<vmem>>, vector<512x128xi32>,
    %get3A_88 = arith.constant 0 : index
    %get3A_89 = arith.constant 2 : index
    %get3A_90 = arith.constant 0 : index
    %get3A_91 = vector.load %arg0[%get3A_88, %get3A_89, %get3A_90] : memref<512x32x128xf32, #tpu.memory_space<vmem>>, vector<512x1x128xf32>
    %get3A_92 = vector.shape_cast %get3A_91 : vector<512x1x128xf32> to vector<512x128xf32>
    %swap3A_93 = arith.constant 0 : index
    %swap3A_94 = arith.constant 256 : index
    %swap3A_95 = vector.load %arg4[%swap3A_93, %swap3A_94] : memref<512x4096xf32, #tpu.memory_space<vmem>>, vector<512x128xf32>
    tpu.vector_store %arg4[%swap3A_93, %swap3A_94], %get3A_92 {strides = array<i32>} : memref<512x4096xf32, #tpu.memory_space<vmem>>, vector<512x128xf32>,
    %get3A_96 = arith.constant 0 : index
    %get3A_97 = arith.constant 2 : index
    %get3A_98 = vector.load %arg1[%get3A_96, %get3A_97] : memref<512x32xi32, #tpu.memory_space<vmem>>, vector<512x1xi32>
    %jit3A_99 = arith.constant 512 : i32
    %div3A_100 = vector.broadcast %jit3A_99 : i32 to vector<512x1xi32>
    %div3A_101 = arith.divsi %get3A_98, %div3A_100 : vector<512x1xi32>
    %sign3A_102 = arith.constant 0 : i32
    %sign3A_103 = vector.broadcast %sign3A_102 : i32 to vector<512x1xi32>
    %sign3A_104 = arith.cmpi sgt, %get3A_98, %sign3A_103 : vector<512x1xi32>
    %sign3A_105 = arith.extui %sign3A_104 : vector<512x1xi1> to vector<512x1xi32>
    %sign3A_106 = arith.constant 0 : i32
    %sign3A_107 = vector.broadcast %sign3A_106 : i32 to vector<512x1xi32>
    %sign3A_108 = arith.cmpi slt, %get3A_98, %sign3A_107 : vector<512x1xi32>
    %sign3A_109 = arith.extui %sign3A_108 : vector<512x1xi1> to vector<512x1xi32>
    %sign3A_110 = arith.subi %sign3A_105, %sign3A_109 : vector<512x1xi32>
    %sign3A_111 = arith.constant 0 : i32
    %sign3A_112 = arith.cmpi sgt, %jit3A_99, %sign3A_111 : i32
    %sign3A_113 = arith.extui %sign3A_112 : i1 to i32
    %sign3A_114 = arith.constant 0 : i32
    %sign3A_115 = arith.cmpi slt, %jit3A_99, %sign3A_114 : i32
    %sign3A_116 = arith.extui %sign3A_115 : i1 to i32
    %sign3A_117 = arith.subi %sign3A_113, %sign3A_116 : i32
    %ne3A_118 = vector.broadcast %sign3A_117 : i32 to vector<512x1xi32>
    %ne3A_119 = arith.cmpi ne, %sign3A_110, %ne3A_118 : vector<512x1xi32>
    %rem3A_120 = vector.broadcast %jit3A_99 : i32 to vector<512x1xi32>
    %rem3A_121 = arith.remsi %get3A_98, %rem3A_120 : vector<512x1xi32>
    %ne3A_122 = arith.constant 0 : i32
    %ne3A_123 = vector.broadcast %ne3A_122 : i32 to vector<512x1xi32>
    %ne3A_124 = arith.cmpi ne, %rem3A_121, %ne3A_123 : vector<512x1xi32>
    %and3A_125 = arith.andi %ne3A_119, %ne3A_124 : vector<512x1xi1>
    %sub3A_126 = arith.constant 1 : i32
    %sub3A_127 = vector.broadcast %sub3A_126 : i32 to vector<512x1xi32>
    %sub3A_128 = arith.subi %div3A_101, %sub3A_127 : vector<512x1xi32>
    %select_n3A_129 = arith.select %and3A_125, %sub3A_128, %div3A_101 : vector<512x1xi1>, vector<512x1xi32>
    %mul3A_130 = arith.constant 128 : i32
    %mul3A_131 = vector.broadcast %mul3A_130 : i32 to vector<512x1xi32>
    %mul3A_132 = arith.muli %select_n3A_129, %mul3A_131 : vector<512x1xi32>
    %add3A_133 = vector.broadcast %mul3A_132 : vector<512x1xi32> to vector<512x128xi32>
    %add3A_134 = arith.addi %add3A_133, %iota3A : vector<512x128xi32>
    %swap3A_135 = arith.constant 0 : index
    %swap3A_136 = arith.constant 256 : index
    %swap3A_137 = vector.load %arg5[%swap3A_135, %swap3A_136] : memref<512x4096xi32, #tpu.memory_space<vmem>>, vector<512x128xi32>
    tpu.vector_store %arg5[%swap3A_135, %swap3A_136], %add3A_134 {strides = array<i32>} : memref<512x4096xi32, #tpu.memory_space<vmem>>, vector<512x128xi32>,
    %get3A_138 = arith.constant 0 : index
    %get3A_139 = arith.constant 3 : index
    %get3A_140 = arith.constant 0 : index
    %get3A_141 = vector.load %arg0[%get3A_138, %get3A_139, %get3A_140] : memref<512x32x128xf32, #tpu.memory_space<vmem>>, vector<512x1x128xf32>
    %get3A_142 = vector.shape_cast %get3A_141 : vector<512x1x128xf32> to vector<512x128xf32>
    %swap3A_143 = arith.constant 0 : index
    %swap3A_144 = arith.constant 384 : index
    %swap3A_145 = vector.load %arg4[%swap3A_143, %swap3A_144] : memref<512x4096xf32, #tpu.memory_space<vmem>>, vector<512x128xf32>
    tpu.vector_store %arg4[%swap3A_143, %swap3A_144], %get3A_142 {strides = array<i32>} : memref<512x4096xf32, #tpu.memory_space<vmem>>, vector<512x128xf32>,
    %get3A_146 = arith.constant 0 : index
    %get3A_147 = arith.constant 3 : index
    %get3A_148 = vector.load %arg1[%get3A_146, %get3A_147] : memref<512x32xi32, #tpu.memory_space<vmem>>, vector<512x1xi32>
    %jit3A_149 = arith.constant 512 : i32
    %div3A_150 = vector.broadcast %jit3A_149 : i32 to vector<512x1xi32>
    %div3A_151 = arith.divsi %get3A_148, %div3A_150 : vector<512x1xi32>
    %sign3A_152 = arith.constant 0 : i32
    %sign3A_153 = vector.broadcast %sign3A_152 : i32 to vector<512x1xi32>
    %sign3A_154 = arith.cmpi sgt, %get3A_148, %sign3A_153 : vector<512x1xi32>
    %sign3A_155 = arith.extui %sign3A_154 : vector<512x1xi1> to vector<512x1xi32>
    %sign3A_156 = arith.constant 0 : i32
    %sign3A_157 = vector.broadcast %sign3A_156 : i32 to vector<512x1xi32>
    %sign3A_158 = arith.cmpi slt, %get3A_148, %sign3A_157 : vector<512x1xi32>
    %sign3A_159 = arith.extui %sign3A_158 : vector<512x1xi1> to vector<512x1xi32>
    %sign3A_160 = arith.subi %sign3A_155, %sign3A_159 : vector<512x1xi32>
    %sign3A_161 = arith.constant 0 : i32
    %sign3A_162 = arith.cmpi sgt, %jit3A_149, %sign3A_161 : i32
    %sign3A_163 = arith.extui %sign3A_162 : i1 to i32
    %sign3A_164 = arith.constant 0 : i32
    %sign3A_165 = arith.cmpi slt, %jit3A_149, %sign3A_164 : i32
    %sign3A_166 = arith.extui %sign3A_165 : i1 to i32
    %sign3A_167 = arith.subi %sign3A_163, %sign3A_166 : i32
    %ne3A_168 = vector.broadcast %sign3A_167 : i32 to vector<512x1xi32>
    %ne3A_169 = arith.cmpi ne, %sign3A_160, %ne3A_168 : vector<512x1xi32>
    %rem3A_170 = vector.broadcast %jit3A_149 : i32 to vector<512x1xi32>
    %rem3A_171 = arith.remsi %get3A_148, %rem3A_170 : vector<512x1xi32>
    %ne3A_172 = arith.constant 0 : i32
    %ne3A_173 = vector.broadcast %ne3A_172 : i32 to vector<512x1xi32>
    %ne3A_174 = arith.cmpi ne, %rem3A_171, %ne3A_173 : vector<512x1xi32>
    %and3A_175 = arith.andi %ne3A_169, %ne3A_174 : vector<512x1xi1>
    %sub3A_176 = arith.constant 1 : i32
    %sub3A_177 = vector.broadcast %sub3A_176 : i32 to vector<512x1xi32>
    %sub3A_178 = arith.subi %div3A_151, %sub3A_177 : vector<512x1xi32>
    %select_n3A_179 = arith.select %and3A_175, %sub3A_178, %div3A_151 : vector<512x1xi1>, vector<512x1xi32>
    %mul3A_180 = arith.constant 128 : i32
    %mul3A_181 = vector.broadcast %mul3A_180 : i32 to vector<512x1xi32>
    %mul3A_182 = arith.muli %select_n3A_179, %mul3A_181 : vector<512x1xi32>
    %add3A_183 = vector.broadcast %mul3A_182 : vector<512x1xi32> to vector<512x128xi32>
    %add3A_184 = arith.addi %add3A_183, %iota3A : vector<512x128xi32>
    %swap3A_185 = arith.constant 0 : index
    %swap3A_186 = arith.constant 384 : index
    %swap3A_187 = vector.load %arg5[%swap3A_185, %swap3A_186] : memref<512x4096xi32, #tpu.memory_space<vmem>>, vector<512x128xi32>
    tpu.vector_store %arg5[%swap3A_185, %swap3A_186], %add3A_184 {strides = array<i32>} : memref<512x4096xi32, #tpu.memory_space<vmem>>, vector<512x128xi32>,
    %get3A_188 = arith.constant 0 : index
    %get3A_189 = arith.constant 4 : index
    %get3A_190 = arith.constant 0 : index
    %get3A_191 = vector.load %arg0[%get3A_188, %get3A_189, %get3A_190] : memref<512x32x128xf32, #tpu.memory_space<vmem>>, vector<512x1x128xf32>
    %get3A_192 = vector.shape_cast %get3A_191 : vector<512x1x128xf32> to vector<512x128xf32>
    %swap3A_193 = arith.constant 0 : index
    %swap3A_194 = arith.constant 512 : index
    %swap3A_195 = vector.load %arg4[%swap3A_193, %swap3A_194] : memref<512x4096xf32, #tpu.memory_space<vmem>>, vector<512x128xf32>
    tpu.vector_store %arg4[%swap3A_193, %swap3A_194], %get3A_192 {strides = array<i32>} : memref<512x4096xf32, #tpu.memory_space<vmem>>, vector<512x128xf32>,
    %get3A_196 = arith.constant 0 : index
    %get3A_197 = arith.constant 4 : index
    %get3A_198 = vector.load %arg1[%get3A_196, %get3A_197] : memref<512x32xi32, #tpu.memory_space<vmem>>, vector<512x1xi32>
    %jit3A_199 = arith.constant 512 : i32
    %div3A_200 = vector.broadcast %jit3A_199 : i32 to vector<512x1xi32>
    %div3A_201 = arith.divsi %get3A_198, %div3A_200 : vector<512x1xi32>
    %sign3A_202 = arith.constant 0 : i32
    %sign3A_203 = vector.broadcast %sign3A_202 : i32 to vector<512x1xi32>
    %sign3A_204 = arith.cmpi sgt, %get3A_198, %sign3A_203 : vector<512x1xi32>
    %sign3A_205 = arith.extui %sign3A_204 : vector<512x1xi1> to vector<512x1xi32>
    %sign3A_206 = arith.constant 0 : i32
    %sign3A_207 = vector.broadcast %sign3A_206 : i32 to vector<512x1xi32>
    %sign3A_208 = arith.cmpi slt, %get3A_198, %sign3A_207 : vector<512x1xi32>
    %sign3A_209 = arith.extui %sign3A_208 : vector<512x1xi1> to vector<512x1xi32>
    %sign3A_210 = arith.subi %sign3A_205, %sign3A_209 : vector<512x1xi32>
    %sign3A_211 = arith.constant 0 : i32
    %sign3A_212 = arith.cmpi sgt, %jit3A_199, %sign3A_211 : i32
    %sign3A_213 = arith.extui %sign3A_212 : i1 to i32
    %sign3A_214 = arith.constant 0 : i32
    %sign3A_215 = arith.cmpi slt, %jit3A_199, %sign3A_214 : i32
    %sign3A_216 = arith.extui %sign3A_215 : i1 to i32
    %sign3A_217 = arith.subi %sign3A_213, %sign3A_216 : i32
    %ne3A_218 = vector.broadcast %sign3A_217 : i32 to vector<512x1xi32>
    %ne3A_219 = arith.cmpi ne, %sign3A_210, %ne3A_218 : vector<512x1xi32>
    %rem3A_220 = vector.broadcast %jit3A_199 : i32 to vector<512x1xi32>
    %rem3A_221 = arith.remsi %get3A_198, %rem3A_220 : vector<512x1xi32>
    %ne3A_222 = arith.constant 0 : i32
    %ne3A_223 = vector.broadcast %ne3A_222 : i32 to vector<512x1xi32>
    %ne3A_224 = arith.cmpi ne, %rem3A_221, %ne3A_223 : vector<512x1xi32>
    %and3A_225 = arith.andi %ne3A_219, %ne3A_224 : vector<512x1xi1>
    %sub3A_226 = arith.constant 1 : i32
    %sub3A_227 = vector.broadcast %sub3A_226 : i32 to vector<512x1xi32>
    %sub3A_228 = arith.subi %div3A_201, %sub3A_227 : vector<512x1xi32>
    %select_n3A_229 = arith.select %and3A_225, %sub3A_228, %div3A_201 : vector<512x1xi1>, vector<512x1xi32>
    %mul3A_230 = arith.constant 128 : i32
    %mul3A_231 = vector.broadcast %mul3A_230 : i32 to vector<512x1xi32>
    %mul3A_232 = arith.muli %select_n3A_229, %mul3A_231 : vector<512x1xi32>
    %add3A_233 = vector.broadcast %mul3A_232 : vector<512x1xi32> to vector<512x128xi32>
    %add3A_234 = arith.addi %add3A_233, %iota3A : vector<512x128xi32>
    %swap3A_235 = arith.constant 0 : index
    %swap3A_236 = arith.constant 512 : index
    %swap3A_237 = vector.load %arg5[%swap3A_235, %swap3A_236] : memref<512x4096xi32, #tpu.memory_space<vmem>>, vector<512x128xi32>
    tpu.vector_store %arg5[%swap3A_235, %swap3A_236], %add3A_234 {strides = array<i32>} : memref<512x4096xi32, #tpu.memory_space<vmem>>, vector<512x128xi32>,
    %get3A_238 = arith.constant 0 : index
    %get3A_239 = arith.constant 5 : index
    %get3A_240 = arith.constant 0 : index
    %get3A_241 = vector.load %arg0[%get3A_238, %get3A_239, %get3A_240] : memref<512x32x128xf32, #tpu.memory_space<vmem>>, vector<512x1x128xf32>
    %get3A_242 = vector.shape_cast %get3A_241 : vector<512x1x128xf32> to vector<512x128xf32>
    %swap3A_243 = arith.constant 0 : index
    %swap3A_244 = arith.constant 640 : index
    %swap3A_245 = vector.load %arg4[%swap3A_243, %swap3A_244] : memref<512x4096xf32, #tpu.memory_space<vmem>>, vector<512x128xf32>
    tpu.vector_store %arg4[%swap3A_243, %swap3A_244], %get3A_242 {strides = array<i32>} : memref<512x4096xf32, #tpu.memory_space<vmem>>, vector<512x128xf32>,
    %get3A_246 = arith.constant 0 : index
    %get3A_247 = arith.constant 5 : index
    %get3A_248 = vector.load %arg1[%get3A_246, %get3A_247] : memref<512x32xi32, #tpu.memory_space<vmem>>, vector<512x1xi32>
    %jit3A_249 = arith.constant 512 : i32
    %div3A_250 = vector.broadcast %jit3A_249 : i32 to vector<512x1xi32>
    %div3A_251 = arith.divsi %get3A_248, %div3A_250 : vector<512x1xi32>
    %sign3A_252 = arith.constant 0 : i32
    %sign3A_253 = vector.broadcast %sign3A_252 : i32 to vector<512x1xi32>
    %sign3A_254 = arith.cmpi sgt, %get3A_248, %sign3A_253 : vector<512x1xi32>
    %sign3A_255 = arith.extui %sign3A_254 : vector<512x1xi1> to vector<512x1xi32>
    %sign3A_256 = arith.constant 0 : i32
    %sign3A_257 = vector.broadcast %sign3A_256 : i32 to vector<512x1xi32>
    %sign3A_258 = arith.cmpi slt, %get3A_248, %sign3A_257 : vector<512x1xi32>
    %sign3A_259 = arith.extui %sign3A_258 : vector<512x1xi1> to vector<512x1xi32>
    %sign3A_260 = arith.subi %sign3A_255, %sign3A_259 : vector<512x1xi32>
    %sign3A_261 = arith.constant 0 : i32
    %sign3A_262 = arith.cmpi sgt, %jit3A_249, %sign3A_261 : i32
    %sign3A_263 = arith.extui %sign3A_262 : i1 to i32
    %sign3A_264 = arith.constant 0 : i32
    %sign3A_265 = arith.cmpi slt, %jit3A_249, %sign3A_264 : i32
    %sign3A_266 = arith.extui %sign3A_265 : i1 to i32
    %sign3A_267 = arith.subi %sign3A_263, %sign3A_266 : i32
    %ne3A_268 = vector.broadcast %sign3A_267 : i32 to vector<512x1xi32>
    %ne3A_269 = arith.cmpi ne, %sign3A_260, %ne3A_268 : vector<512x1xi32>
    %rem3A_270 = vector.broadcast %jit3A_249 : i32 to vector<512x1xi32>
    %rem3A_271 = arith.remsi %get3A_248, %rem3A_270 : vector<512x1xi32>
    %ne3A_272 = arith.constant 0 : i32
    %ne3A_273 = vector.broadcast %ne3A_272 : i32 to vector<512x1xi32>
    %ne3A_274 = arith.cmpi ne, %rem3A_271, %ne3A_273 : vector<512x1xi32>
    %and3A_275 = arith.andi %ne3A_269, %ne3A_274 : vector<512x1xi1>
    %sub3A_276 = arith.constant 1 : i32
    %sub3A_277 = vector.broadcast %sub3A_276 : i32 to vector<512x1xi32>
    %sub3A_278 = arith.subi %div3A_251, %sub3A_277 : vector<512x1xi32>
    %select_n3A_279 = arith.select %and3A_275, %sub3A_278, %div3A_251 : vector<512x1xi1>, vector<512x1xi32>
    %mul3A_280 = arith.constant 128 : i32
    %mul3A_281 = vector.broadcast %mul3A_280 : i32 to vector<512x1xi32>
    %mul3A_282 = arith.muli %select_n3A_279, %mul3A_281 : vector<512x1xi32>
    %add3A_283 = vector.broadcast %mul3A_282 : vector<512x1xi32> to vector<512x128xi32>
    %add3A_284 = arith.addi %add3A_283, %iota3A : vector<512x128xi32>
    %swap3A_285 = arith.constant 0 : index
    %swap3A_286 = arith.constant 640 : index
    %swap3A_287 = vector.load %arg5[%swap3A_285, %swap3A_286] : memref<512x4096xi32, #tpu.memory_space<vmem>>, vector<512x128xi32>
    tpu.vector_store %arg5[%swap3A_285, %swap3A_286], %add3A_284 {strides = array<i32>} : memref<512x4096xi32, #tpu.memory_space<vmem>>, vector<512x128xi32>,
    %get3A_288 = arith.constant 0 : index
    %get3A_289 = arith.constant 6 : index
    %get3A_290 = arith.constant 0 : index
    %get3A_291 = vector.load %arg0[%get3A_288, %get3A_289, %get3A_290] : memref<512x32x128xf32, #tpu.memory_space<vmem>>, vector<512x1x128xf32>
    %get3A_292 = vector.shape_cast %get3A_291 : vector<512x1x128xf32> to vector<512x128xf32>
    %swap3A_293 = arith.constant 0 : index
    %swap3A_294 = arith.constant 768 : index
    %swap3A_295 = vector.load %arg4[%swap3A_293, %swap3A_294] : memref<512x4096xf32, #tpu.memory_space<vmem>>, vector<512x128xf32>
    tpu.vector_store %arg4[%swap3A_293, %swap3A_294], %get3A_292 {strides = array<i32>} : memref<512x4096xf32, #tpu.memory_space<vmem>>, vector<512x128xf32>,
    %get3A_296 = arith.constant 0 : index
    %get3A_297 = arith.constant 6 : index
    %get3A_298 = vector.load %arg1[%get3A_296, %get3A_297] : memref<512x32xi32, #tpu.memory_space<vmem>>, vector<512x1xi32>
    %jit3A_299 = arith.constant 512 : i32
    %div3A_300 = vector.broadcast %jit3A_299 : i32 to vector<512x1xi32>
    %div3A_301 = arith.divsi %get3A_298, %div3A_300 : vector<512x1xi32>
    %sign3A_302 = arith.constant 0 : i32
    %sign3A_303 = vector.broadcast %sign3A_302 : i32 to vector<512x1xi32>
    %sign3A_304 = arith.cmpi sgt, %get3A_298, %sign3A_303 : vector<512x1xi32>
    %sign3A_305 = arith.extui %sign3A_304 : vector<512x1xi1> to vector<512x1xi32>
    %sign3A_306 = arith.constant 0 : i32
    %sign3A_307 = vector.broadcast %sign3A_306 : i32 to vector<512x1xi32>
    %sign3A_308 = arith.cmpi slt, %get3A_298, %sign3A_307 : vector<512x1xi32>
    %sign3A_309 = arith.extui %sign3A_308 : vector<512x1xi1> to vector<512x1xi32>
    %sign3A_310 = arith.subi %sign3A_305, %sign3A_309 : vector<512x1xi32>
    %sign3A_311 = arith.constant 0 : i32
    %sign3A_312 = arith.cmpi sgt, %jit3A_299, %sign3A_311 : i32
    %sign3A_313 = arith.extui %sign3A_312 : i1 to i32
    %sign3A_314 = arith.constant 0 : i32
    %sign3A_315 = arith.cmpi slt, %jit3A_299, %sign3A_314 : i32
    %sign3A_316 = arith.extui %sign3A_315 : i1 to i32
    %sign3A_317 = arith.subi %sign3A_313, %sign3A_316 : i32
    %ne3A_318 = vector.broadcast %sign3A_317 : i32 to vector<512x1xi32>
    %ne3A_319 = arith.cmpi ne, %sign3A_310, %ne3A_318 : vector<512x1xi32>
    %rem3A_320 = vector.broadcast %jit3A_299 : i32 to vector<512x1xi32>
    %rem3A_321 = arith.remsi %get3A_298, %rem3A_320 : vector<512x1xi32>
    %ne3A_322 = arith.constant 0 : i32
    %ne3A_323 = vector.broadcast %ne3A_322 : i32 to vector<512x1xi32>
    %ne3A_324 = arith.cmpi ne, %rem3A_321, %ne3A_323 : vector<512x1xi32>
    %and3A_325 = arith.andi %ne3A_319, %ne3A_324 : vector<512x1xi1>
    %sub3A_326 = arith.constant 1 : i32
    %sub3A_327 = vector.broadcast %sub3A_326 : i32 to vector<512x1xi32>
    %sub3A_328 = arith.subi %div3A_301, %sub3A_327 : vector<512x1xi32>
    %select_n3A_329 = arith.select %and3A_325, %sub3A_328, %div3A_301 : vector<512x1xi1>, vector<512x1xi32>
    %mul3A_330 = arith.constant 128 : i32
    %mul3A_331 = vector.broadcast %mul3A_330 : i32 to vector<512x1xi32>
    %mul3A_332 = arith.muli %select_n3A_329, %mul3A_331 : vector<512x1xi32>
    %add3A_333 = vector.broadcast %mul3A_332 : vector<512x1xi32> to vector<512x128xi32>
    %add3A_334 = arith.addi %add3A_333, %iota3A : vector<512x128xi32>
    %swap3A_335 = arith.constant 0 : index
    %swap3A_336 = arith.constant 768 : index
    %swap3A_337 = vector.load %arg5[%swap3A_335, %swap3A_336] : memref<512x4096xi32, #tpu.memory_space<vmem>>, vector<512x128xi32>
    tpu.vector_store %arg5[%swap3A_335, %swap3A_336], %add3A_334 {strides = array<i32>} : memref<512x4096xi32, #tpu.memory_space<vmem>>, vector<512x128xi32>,
    %get3A_338 = arith.constant 0 : index
    %get3A_339 = arith.constant 7 : index
    %get3A_340 = arith.constant 0 : index
    %get3A_341 = vector.load %arg0[%get3A_338, %get3A_339, %get3A_340] : memref<512x32x128xf32, #tpu.memory_space<vmem>>, vector<512x1x128xf32>
    %get3A_342 = vector.shape_cast %get3A_341 : vector<512x1x128xf32> to vector<512x128xf32>
    %swap3A_343 = arith.constant 0 : index
    %swap3A_344 = arith.constant 896 : index
    %swap3A_345 = vector.load %arg4[%swap3A_343, %swap3A_344] : memref<512x4096xf32, #tpu.memory_space<vmem>>, vector<512x128xf32>
    tpu.vector_store %arg4[%swap3A_343, %swap3A_344], %get3A_342 {strides = array<i32>} : memref<512x4096xf32, #tpu.memory_space<vmem>>, vector<512x128xf32>,
    %get3A_346 = arith.constant 0 : index
    %get3A_347 = arith.constant 7 : index
    %get3A_348 = vector.load %arg1[%get3A_346, %get3A_347] : memref<512x32xi32, #tpu.memory_space<vmem>>, vector<512x1xi32>
    %jit3A_349 = arith.constant 512 : i32
    %div3A_350 = vector.broadcast %jit3A_349 : i32 to vector<512x1xi32>
    %div3A_351 = arith.divsi %get3A_348, %div3A_350 : vector<512x1xi32>
    %sign3A_352 = arith.constant 0 : i32
    %sign3A_353 = vector.broadcast %sign3A_352 : i32 to vector<512x1xi32>
    %sign3A_354 = arith.cmpi sgt, %get3A_348, %sign3A_353 : vector<512x1xi32>
    %sign3A_355 = arith.extui %sign3A_354 : vector<512x1xi1> to vector<512x1xi32>
    %sign3A_356 = arith.constant 0 : i32
    %sign3A_357 = vector.broadcast %sign3A_356 : i32 to vector<512x1xi32>
    %sign3A_358 = arith.cmpi slt, %get3A_348, %sign3A_357 : vector<512x1xi32>
    %sign3A_359 = arith.extui %sign3A_358 : vector<512x1xi1> to vector<512x1xi32>
    %sign3A_360 = arith.subi %sign3A_355, %sign3A_359 : vector<512x1xi32>
    %sign3A_361 = arith.constant 0 : i32
    %sign3A_362 = arith.cmpi sgt, %jit3A_349, %sign3A_361 : i32
    %sign3A_363 = arith.extui %sign3A_362 : i1 to i32
    %sign3A_364 = arith.constant 0 : i32
    %sign3A_365 = arith.cmpi slt, %jit3A_349, %sign3A_364 : i32
    %sign3A_366 = arith.extui %sign3A_365 : i1 to i32
    %sign3A_367 = arith.subi %sign3A_363, %sign3A_366 : i32
    %ne3A_368 = vector.broadcast %sign3A_367 : i32 to vector<512x1xi32>
    %ne3A_369 = arith.cmpi ne, %sign3A_360, %ne3A_368 : vector<512x1xi32>
    %rem3A_370 = vector.broadcast %jit3A_349 : i32 to vector<512x1xi32>
    %rem3A_371 = arith.remsi %get3A_348, %rem3A_370 : vector<512x1xi32>
    %ne3A_372 = arith.constant 0 : i32
    %ne3A_373 = vector.broadcast %ne3A_372 : i32 to vector<512x1xi32>
    %ne3A_374 = arith.cmpi ne, %rem3A_371, %ne3A_373 : vector<512x1xi32>
    %and3A_375 = arith.andi %ne3A_369, %ne3A_374 : vector<512x1xi1>
    %sub3A_376 = arith.constant 1 : i32
    %sub3A_377 = vector.broadcast %sub3A_376 : i32 to vector<512x1xi32>
    %sub3A_378 = arith.subi %div3A_351, %sub3A_377 : vector<512x1xi32>
    %select_n3A_379 = arith.select %and3A_375, %sub3A_378, %div3A_351 : vector<512x1xi1>, vector<512x1xi32>
    %mul3A_380 = arith.constant 128 : i32
    %mul3A_381 = vector.broadcast %mul3A_380 : i32 to vector<512x1xi32>
    %mul3A_382 = arith.muli %select_n3A_379, %mul3A_381 : vector<512x1xi32>
    %add3A_383 = vector.broadcast %mul3A_382 : vector<512x1xi32> to vector<512x128xi32>
    %add3A_384 = arith.addi %add3A_383, %iota3A : vector<512x128xi32>
    %swap3A_385 = arith.constant 0 : index
    %swap3A_386 = arith.constant 896 : index
    %swap3A_387 = vector.load %arg5[%swap3A_385, %swap3A_386] : memref<512x4096xi32, #tpu.memory_space<vmem>>, vector<512x128xi32>
    tpu.vector_store %arg5[%swap3A_385, %swap3A_386], %add3A_384 {strides = array<i32>} : memref<512x4096xi32, #tpu.memory_space<vmem>>, vector<512x128xi32>,
    %get3A_388 = arith.constant 0 : index
    %get3A_389 = arith.constant 8 : index
    %get3A_390 = arith.constant 0 : index
    %get3A_391 = vector.load %arg0[%get3A_388, %get3A_389, %get3A_390] : memref<512x32x128xf32, #tpu.memory_space<vmem>>, vector<512x1x128xf32>
    %get3A_392 = vector.shape_cast %get3A_391 : vector<512x1x128xf32> to vector<512x128xf32>
    %swap3A_393 = arith.constant 0 : index
    %swap3A_394 = arith.constant 1024 : index
    %swap3A_395 = vector.load %arg4[%swap3A_393, %swap3A_394] : memref<512x4096xf32, #tpu.memory_space<vmem>>, vector<512x128xf32>
    tpu.vector_store %arg4[%swap3A_393, %swap3A_394], %get3A_392 {strides = array<i32>} : memref<512x4096xf32, #tpu.memory_space<vmem>>, vector<512x128xf32>,
    %get3A_396 = arith.constant 0 : index
    %get3A_397 = arith.constant 8 : index
    %get3A_398 = vector.load %arg1[%get3A_396, %get3A_397] : memref<512x32xi32, #tpu.memory_space<vmem>>, vector<512x1xi32>
    %jit3A_399 = arith.constant 512 : i32
    %div3A_400 = vector.broadcast %jit3A_399 : i32 to vector<512x1xi32>
    %div3A_401 = arith.divsi %get3A_398, %div3A_400 : vector<512x1xi32>
    %sign3A_402 = arith.constant 0 : i32
    %sign3A_403 = vector.broadcast %sign3A_402 : i32 to vector<512x1xi32>
    %sign3A_404 = arith.cmpi sgt, %get3A_398, %sign3A_403 : vector<512x1xi32>
    %sign3A_405 = arith.extui %sign3A_404 : vector<512x1xi1> to vector<512x1xi32>
    %sign3A_406 = arith.constant 0 : i32
    %sign3A_407 = vector.broadcast %sign3A_406 : i32 to vector<512x1xi32>
    %sign3A_408 = arith.cmpi slt, %get3A_398, %sign3A_407 : vector<512x1xi32>
    %sign3A_409 = arith.extui %sign3A_408 : vector<512x1xi1> to vector<512x1xi32>
    %sign3A_410 = arith.subi %sign3A_405, %sign3A_409 : vector<512x1xi32>
    %sign3A_411 = arith.constant 0 : i32
    %sign3A_412 = arith.cmpi sgt, %jit3A_399, %sign3A_411 : i32
    %sign3A_413 = arith.extui %sign3A_412 : i1 to i32
    %sign3A_414 = arith.constant 0 : i32
    %sign3A_415 = arith.cmpi slt, %jit3A_399, %sign3A_414 : i32
    %sign3A_416 = arith.extui %sign3A_415 : i1 to i32
    %sign3A_417 = arith.subi %sign3A_413, %sign3A_416 : i32
    %ne3A_418 = vector.broadcast %sign3A_417 : i32 to vector<512x1xi32>
    %ne3A_419 = arith.cmpi ne, %sign3A_410, %ne3A_418 : vector<512x1xi32>
    %rem3A_420 = vector.broadcast %jit3A_399 : i32 to vector<512x1xi32>
    %rem3A_421 = arith.remsi %get3A_398, %rem3A_420 : vector<512x1xi32>
    %ne3A_422 = arith.constant 0 : i32
    %ne3A_423 = vector.broadcast %ne3A_422 : i32 to vector<512x1xi32>
    %ne3A_424 = arith.cmpi ne, %rem3A_421, %ne3A_423 : vector<512x1xi32>
    %and3A_425 = arith.andi %ne3A_419, %ne3A_424 : vector<512x1xi1>
    %sub3A_426 = arith.constant 1 : i32
    %sub3A_427 = vector.broadcast %sub3A_426 : i32 to vector<512x1xi32>
    %sub3A_428 = arith.subi %div3A_401, %sub3A_427 : vector<512x1xi32>
    %select_n3A_429 = arith.select %and3A_425, %sub3A_428, %div3A_401 : vector<512x1xi1>, vector<512x1xi32>
    %mul3A_430 = arith.constant 128 : i32
    %mul3A_431 = vector.broadcast %mul3A_430 : i32 to vector<512x1xi32>
    %mul3A_432 = arith.muli %select_n3A_429, %mul3A_431 : vector<512x1xi32>
    %add3A_433 = vector.broadcast %mul3A_432 : vector<512x1xi32> to vector<512x128xi32>
    %add3A_434 = arith.addi %add3A_433, %iota3A : vector<512x128xi32>
    %swap3A_435 = arith.constant 0 : index
    %swap3A_436 = arith.constant 1024 : index
    %swap3A_437 = vector.load %arg5[%swap3A_435, %swap3A_436] : memref<512x4096xi32, #tpu.memory_space<vmem>>, vector<512x128xi32>
    tpu.vector_store %arg5[%swap3A_435, %swap3A_436], %add3A_434 {strides = array<i32>} : memref<512x4096xi32, #tpu.memory_space<vmem>>, vector<512x128xi32>,
    %get3A_438 = arith.constant 0 : index
    %get3A_439 = arith.constant 9 : index
    %get3A_440 = arith.constant 0 : index
    %get3A_441 = vector.load %arg0[%get3A_438, %get3A_439, %get3A_440] : memref<512x32x128xf32, #tpu.memory_space<vmem>>, vector<512x1x128xf32>
    %get3A_442 = vector.shape_cast %get3A_441 : vector<512x1x128xf32> to vector<512x128xf32>
    %swap3A_443 = arith.constant 0 : index
    %swap3A_444 = arith.constant 1152 : index
    %swap3A_445 = vector.load %arg4[%swap3A_443, %swap3A_444] : memref<512x4096xf32, #tpu.memory_space<vmem>>, vector<512x128xf32>
    tpu.vector_store %arg4[%swap3A_443, %swap3A_444], %get3A_442 {strides = array<i32>} : memref<512x4096xf32, #tpu.memory_space<vmem>>, vector<512x128xf32>,
    %get3A_446 = arith.constant 0 : index
    %get3A_447 = arith.constant 9 : index
    %get3A_448 = vector.load %arg1[%get3A_446, %get3A_447] : memref<512x32xi32, #tpu.memory_space<vmem>>, vector<512x1xi32>
    %jit3A_449 = arith.constant 512 : i32
    %div3A_450 = vector.broadcast %jit3A_449 : i32 to vector<512x1xi32>
    %div3A_451 = arith.divsi %get3A_448, %div3A_450 : vector<512x1xi32>
    %sign3A_452 = arith.constant 0 : i32
    %sign3A_453 = vector.broadcast %sign3A_452 : i32 to vector<512x1xi32>
    %sign3A_454 = arith.cmpi sgt, %get3A_448, %sign3A_453 : vector<512x1xi32>
    %sign3A_455 = arith.extui %sign3A_454 : vector<512x1xi1> to vector<512x1xi32>
    %sign3A_456 = arith.constant 0 : i32
    %sign3A_457 = vector.broadcast %sign3A_456 : i32 to vector<512x1xi32>
    %sign3A_458 = arith.cmpi slt, %get3A_448, %sign3A_457 : vector<512x1xi32>
    %sign3A_459 = arith.extui %sign3A_458 : vector<512x1xi1> to vector<512x1xi32>
    %sign3A_460 = arith.subi %sign3A_455, %sign3A_459 : vector<512x1xi32>
    %sign3A_461 = arith.constant 0 : i32
    %sign3A_462 = arith.cmpi sgt, %jit3A_449, %sign3A_461 : i32
    %sign3A_463 = arith.extui %sign3A_462 : i1 to i32
    %sign3A_464 = arith.constant 0 : i32
    %sign3A_465 = arith.cmpi slt, %jit3A_449, %sign3A_464 : i32
    %sign3A_466 = arith.extui %sign3A_465 : i1 to i32
    %sign3A_467 = arith.subi %sign3A_463, %sign3A_466 : i32
    %ne3A_468 = vector.broadcast %sign3A_467 : i32 to vector<512x1xi32>
    %ne3A_469 = arith.cmpi ne, %sign3A_460, %ne3A_468 : vector<512x1xi32>
    %rem3A_470 = vector.broadcast %jit3A_449 : i32 to vector<512x1xi32>
    %rem3A_471 = arith.remsi %get3A_448, %rem3A_470 : vector<512x1xi32>
    %ne3A_472 = arith.constant 0 : i32
    %ne3A_473 = vector.broadcast %ne3A_472 : i32 to vector<512x1xi32>
    %ne3A_474 = arith.cmpi ne, %rem3A_471, %ne3A_473 : vector<512x1xi32>
    %and3A_475 = arith.andi %ne3A_469, %ne3A_474 : vector<512x1xi1>
    %sub3A_476 = arith.constant 1 : i32
    %sub3A_477 = vector.broadcast %sub3A_476 : i32 to vector<512x1xi32>
    %sub3A_478 = arith.subi %div3A_451, %sub3A_477 : vector<512x1xi32>
    %select_n3A_479 = arith.select %and3A_475, %sub3A_478, %div3A_451 : vector<512x1xi1>, vector<512x1xi32>
    %mul3A_480 = arith.constant 128 : i32
    %mul3A_481 = vector.broadcast %mul3A_480 : i32 to vector<512x1xi32>
    %mul3A_482 = arith.muli %select_n3A_479, %mul3A_481 : vector<512x1xi32>
    %add3A_483 = vector.broadcast %mul3A_482 : vector<512x1xi32> to vector<512x128xi32>
    %add3A_484 = arith.addi %add3A_483, %iota3A : vector<512x128xi32>
    %swap3A_485 = arith.constant 0 : index
    %swap3A_486 = arith.constant 1152 : index
    %swap3A_487 = vector.load %arg5[%swap3A_485, %swap3A_486] : memref<512x4096xi32, #tpu.memory_space<vmem>>, vector<512x128xi32>
    tpu.vector_store %arg5[%swap3A_485, %swap3A_486], %add3A_484 {strides = array<i32>} : memref<512x4096xi32, #tpu.memory_space<vmem>>, vector<512x128xi32>,
    %get3A_488 = arith.constant 0 : index
    %get3A_489 = arith.constant 10 : index
    %get3A_490 = arith.constant 0 : index
    %get3A_491 = vector.load %arg0[%get3A_488, %get3A_489, %get3A_490] : memref<512x32x128xf32, #tpu.memory_space<vmem>>, vector<512x1x128xf32>
    %get3A_492 = vector.shape_cast %get3A_491 : vector<512x1x128xf32> to vector<512x128xf32>
    %swap3A_493 = arith.constant 0 : index
    %swap3A_494 = arith.constant 1280 : index
    %swap3A_495 = vector.load %arg4[%swap3A_493, %swap3A_494] : memref<512x4096xf32, #tpu.memory_space<vmem>>, vector<512x128xf32>
    tpu.vector_store %arg4[%swap3A_493, %swap3A_494], %get3A_492 {strides = array<i32>} : memref<512x4096xf32, #tpu.memory_space<vmem>>, vector<512x128xf32>,
    %get3A_496 = arith.constant 0 : index
    %get3A_497 = arith.constant 10 : index
    %get3A_498 = vector.load %arg1[%get3A_496, %get3A_497] : memref<512x32xi32, #tpu.memory_space<vmem>>, vector<512x1xi32>
    %jit3A_499 = arith.constant 512 : i32
    %div3A_500 = vector.broadcast %jit3A_499 : i32 to vector<512x1xi32>
    %div3A_501 = arith.divsi %get3A_498, %div3A_500 : vector<512x1xi32>
    %sign3A_502 = arith.constant 0 : i32
    %sign3A_503 = vector.broadcast %sign3A_502 : i32 to vector<512x1xi32>
    %sign3A_504 = arith.cmpi sgt, %get3A_498, %sign3A_503 : vector<512x1xi32>
    %sign3A_505 = arith.extui %sign3A_504 : vector<512x1xi1> to vector<512x1xi32>
    %sign3A_506 = arith.constant 0 : i32
    %sign3A_507 = vector.broadcast %sign3A_506 : i32 to vector<512x1xi32>
    %sign3A_508 = arith.cmpi slt, %get3A_498, %sign3A_507 : vector<512x1xi32>
    %sign3A_509 = arith.extui %sign3A_508 : vector<512x1xi1> to vector<512x1xi32>
    %sign3A_510 = arith.subi %sign3A_505, %sign3A_509 : vector<512x1xi32>
    %sign3A_511 = arith.constant 0 : i32
    %sign3A_512 = arith.cmpi sgt, %jit3A_499, %sign3A_511 : i32
    %sign3A_513 = arith.extui %sign3A_512 : i1 to i32
    %sign3A_514 = arith.constant 0 : i32
    %sign3A_515 = arith.cmpi slt, %jit3A_499, %sign3A_514 : i32
    %sign3A_516 = arith.extui %sign3A_515 : i1 to i32
    %sign3A_517 = arith.subi %sign3A_513, %sign3A_516 : i32
    %ne3A_518 = vector.broadcast %sign3A_517 : i32 to vector<512x1xi32>
    %ne3A_519 = arith.cmpi ne, %sign3A_510, %ne3A_518 : vector<512x1xi32>
    %rem3A_520 = vector.broadcast %jit3A_499 : i32 to vector<512x1xi32>
    %rem3A_521 = arith.remsi %get3A_498, %rem3A_520 : vector<512x1xi32>
    %ne3A_522 = arith.constant 0 : i32
    %ne3A_523 = vector.broadcast %ne3A_522 : i32 to vector<512x1xi32>
    %ne3A_524 = arith.cmpi ne, %rem3A_521, %ne3A_523 : vector<512x1xi32>
    %and3A_525 = arith.andi %ne3A_519, %ne3A_524 : vector<512x1xi1>
    %sub3A_526 = arith.constant 1 : i32
    %sub3A_527 = vector.broadcast %sub3A_526 : i32 to vector<512x1xi32>
    %sub3A_528 = arith.subi %div3A_501, %sub3A_527 : vector<512x1xi32>
    %select_n3A_529 = arith.select %and3A_525, %sub3A_528, %div3A_501 : vector<512x1xi1>, vector<512x1xi32>
    %mul3A_530 = arith.constant 128 : i32
    %mul3A_531 = vector.broadcast %mul3A_530 : i32 to vector<512x1xi32>
    %mul3A_532 = arith.muli %select_n3A_529, %mul3A_531 : vector<512x1xi32>
    %add3A_533 = vector.broadcast %mul3A_532 : vector<512x1xi32> to vector<512x128xi32>
    %add3A_534 = arith.addi %add3A_533, %iota3A : vector<512x128xi32>
    %swap3A_535 = arith.constant 0 : index
    %swap3A_536 = arith.constant 1280 : index
    %swap3A_537 = vector.load %arg5[%swap3A_535, %swap3A_536] : memref<512x4096xi32, #tpu.memory_space<vmem>>, vector<512x128xi32>
    tpu.vector_store %arg5[%swap3A_535, %swap3A_536], %add3A_534 {strides = array<i32>} : memref<512x4096xi32, #tpu.memory_space<vmem>>, vector<512x128xi32>,
    %get3A_538 = arith.constant 0 : index
    %get3A_539 = arith.constant 11 : index
    %get3A_540 = arith.constant 0 : index
    %get3A_541 = vector.load %arg0[%get3A_538, %get3A_539, %get3A_540] : memref<512x32x128xf32, #tpu.memory_space<vmem>>, vector<512x1x128xf32>
    %get3A_542 = vector.shape_cast %get3A_541 : vector<512x1x128xf32> to vector<512x128xf32>
    %swap3A_543 = arith.constant 0 : index
    %swap3A_544 = arith.constant 1408 : index
    %swap3A_545 = vector.load %arg4[%swap3A_543, %swap3A_544] : memref<512x4096xf32, #tpu.memory_space<vmem>>, vector<512x128xf32>
    tpu.vector_store %arg4[%swap3A_543, %swap3A_544], %get3A_542 {strides = array<i32>} : memref<512x4096xf32, #tpu.memory_space<vmem>>, vector<512x128xf32>,
    %get3A_546 = arith.constant 0 : index
    %get3A_547 = arith.constant 11 : index
    %get3A_548 = vector.load %arg1[%get3A_546, %get3A_547] : memref<512x32xi32, #tpu.memory_space<vmem>>, vector<512x1xi32>
    %jit3A_549 = arith.constant 512 : i32
    %div3A_550 = vector.broadcast %jit3A_549 : i32 to vector<512x1xi32>
    %div3A_551 = arith.divsi %get3A_548, %div3A_550 : vector<512x1xi32>
    %sign3A_552 = arith.constant 0 : i32
    %sign3A_553 = vector.broadcast %sign3A_552 : i32 to vector<512x1xi32>
    %sign3A_554 = arith.cmpi sgt, %get3A_548, %sign3A_553 : vector<512x1xi32>
    %sign3A_555 = arith.extui %sign3A_554 : vector<512x1xi1> to vector<512x1xi32>
    %sign3A_556 = arith.constant 0 : i32
    %sign3A_557 = vector.broadcast %sign3A_556 : i32 to vector<512x1xi32>
    %sign3A_558 = arith.cmpi slt, %get3A_548, %sign3A_557 : vector<512x1xi32>
    %sign3A_559 = arith.extui %sign3A_558 : vector<512x1xi1> to vector<512x1xi32>
    %sign3A_560 = arith.subi %sign3A_555, %sign3A_559 : vector<512x1xi32>
    %sign3A_561 = arith.constant 0 : i32
    %sign3A_562 = arith.cmpi sgt, %jit3A_549, %sign3A_561 : i32
    %sign3A_563 = arith.extui %sign3A_562 : i1 to i32
    %sign3A_564 = arith.constant 0 : i32
    %sign3A_565 = arith.cmpi slt, %jit3A_549, %sign3A_564 : i32
    %sign3A_566 = arith.extui %sign3A_565 : i1 to i32
    %sign3A_567 = arith.subi %sign3A_563, %sign3A_566 : i32
    %ne3A_568 = vector.broadcast %sign3A_567 : i32 to vector<512x1xi32>
    %ne3A_569 = arith.cmpi ne, %sign3A_560, %ne3A_568 : vector<512x1xi32>
    %rem3A_570 = vector.broadcast %jit3A_549 : i32 to vector<512x1xi32>
    %rem3A_571 = arith.remsi %get3A_548, %rem3A_570 : vector<512x1xi32>
    %ne3A_572 = arith.constant 0 : i32
    %ne3A_573 = vector.broadcast %ne3A_572 : i32 to vector<512x1xi32>
    %ne3A_574 = arith.cmpi ne, %rem3A_571, %ne3A_573 : vector<512x1xi32>
    %and3A_575 = arith.andi %ne3A_569, %ne3A_574 : vector<512x1xi1>
    %sub3A_576 = arith.constant 1 : i32
    %sub3A_577 = vector.broadcast %sub3A_576 : i32 to vector<512x1xi32>
    %sub3A_578 = arith.subi %div3A_551, %sub3A_577 : vector<512x1xi32>
    %select_n3A_579 = arith.select %and3A_575, %sub3A_578, %div3A_551 : vector<512x1xi1>, vector<512x1xi32>
    %mul3A_580 = arith.constant 128 : i32
    %mul3A_581 = vector.broadcast %mul3A_580 : i32 to vector<512x1xi32>
    %mul3A_582 = arith.muli %select_n3A_579, %mul3A_581 : vector<512x1xi32>
    %add3A_583 = vector.broadcast %mul3A_582 : vector<512x1xi32> to vector<512x128xi32>
    %add3A_584 = arith.addi %add3A_583, %iota3A : vector<512x128xi32>
    %swap3A_585 = arith.constant 0 : index
    %swap3A_586 = arith.constant 1408 : index
    %swap3A_587 = vector.load %arg5[%swap3A_585, %swap3A_586] : memref<512x4096xi32, #tpu.memory_space<vmem>>, vector<512x128xi32>
    tpu.vector_store %arg5[%swap3A_585, %swap3A_586], %add3A_584 {strides = array<i32>} : memref<512x4096xi32, #tpu.memory_space<vmem>>, vector<512x128xi32>,
    %get3A_588 = arith.constant 0 : index
    %get3A_589 = arith.constant 12 : index
    %get3A_590 = arith.constant 0 : index
    %get3A_591 = vector.load %arg0[%get3A_588, %get3A_589, %get3A_590] : memref<512x32x128xf32, #tpu.memory_space<vmem>>, vector<512x1x128xf32>
    %get3A_592 = vector.shape_cast %get3A_591 : vector<512x1x128xf32> to vector<512x128xf32>
    %swap3A_593 = arith.constant 0 : index
    %swap3A_594 = arith.constant 1536 : index
    %swap3A_595 = vector.load %arg4[%swap3A_593, %swap3A_594] : memref<512x4096xf32, #tpu.memory_space<vmem>>, vector<512x128xf32>
    tpu.vector_store %arg4[%swap3A_593, %swap3A_594], %get3A_592 {strides = array<i32>} : memref<512x4096xf32, #tpu.memory_space<vmem>>, vector<512x128xf32>,
    %get3A_596 = arith.constant 0 : index
    %get3A_597 = arith.constant 12 : index
    %get3A_598 = vector.load %arg1[%get3A_596, %get3A_597] : memref<512x32xi32, #tpu.memory_space<vmem>>, vector<512x1xi32>
    %jit3A_599 = arith.constant 512 : i32
    %div3A_600 = vector.broadcast %jit3A_599 : i32 to vector<512x1xi32>
    %div3A_601 = arith.divsi %get3A_598, %div3A_600 : vector<512x1xi32>
    %sign3A_602 = arith.constant 0 : i32
    %sign3A_603 = vector.broadcast %sign3A_602 : i32 to vector<512x1xi32>
    %sign3A_604 = arith.cmpi sgt, %get3A_598, %sign3A_603 : vector<512x1xi32>
    %sign3A_605 = arith.extui %sign3A_604 : vector<512x1xi1> to vector<512x1xi32>
    %sign3A_606 = arith.constant 0 : i32
    %sign3A_607 = vector.broadcast %sign3A_606 : i32 to vector<512x1xi32>
    %sign3A_608 = arith.cmpi slt, %get3A_598, %sign3A_607 : vector<512x1xi32>
    %sign3A_609 = arith.extui %sign3A_608 : vector<512x1xi1> to vector<512x1xi32>
    %sign3A_610 = arith.subi %sign3A_605, %sign3A_609 : vector<512x1xi32>
    %sign3A_611 = arith.constant 0 : i32
    %sign3A_612 = arith.cmpi sgt, %jit3A_599, %sign3A_611 : i32
    %sign3A_613 = arith.extui %sign3A_612 : i1 to i32
    %sign3A_614 = arith.constant 0 : i32
    %sign3A_615 = arith.cmpi slt, %jit3A_599, %sign3A_614 : i32
    %sign3A_616 = arith.extui %sign3A_615 : i1 to i32
    %sign3A_617 = arith.subi %sign3A_613, %sign3A_616 : i32
    %ne3A_618 = vector.broadcast %sign3A_617 : i32 to vector<512x1xi32>
    %ne3A_619 = arith.cmpi ne, %sign3A_610, %ne3A_618 : vector<512x1xi32>
    %rem3A_620 = vector.broadcast %jit3A_599 : i32 to vector<512x1xi32>
    %rem3A_621 = arith.remsi %get3A_598, %rem3A_620 : vector<512x1xi32>
    %ne3A_622 = arith.constant 0 : i32
    %ne3A_623 = vector.broadcast %ne3A_622 : i32 to vector<512x1xi32>
    %ne3A_624 = arith.cmpi ne, %rem3A_621, %ne3A_623 : vector<512x1xi32>
    %and3A_625 = arith.andi %ne3A_619, %ne3A_624 : vector<512x1xi1>
    %sub3A_626 = arith.constant 1 : i32
    %sub3A_627 = vector.broadcast %sub3A_626 : i32 to vector<512x1xi32>
    %sub3A_628 = arith.subi %div3A_601, %sub3A_627 : vector<512x1xi32>
    %select_n3A_629 = arith.select %and3A_625, %sub3A_628, %div3A_601 : vector<512x1xi1>, vector<512x1xi32>
    %mul3A_630 = arith.constant 128 : i32
    %mul3A_631 = vector.broadcast %mul3A_630 : i32 to vector<512x1xi32>
    %mul3A_632 = arith.muli %select_n3A_629, %mul3A_631 : vector<512x1xi32>
    %add3A_633 = vector.broadcast %mul3A_632 : vector<512x1xi32> to vector<512x128xi32>
    %add3A_634 = arith.addi %add3A_633, %iota3A : vector<512x128xi32>
    %swap3A_635 = arith.constant 0 : index
    %swap3A_636 = arith.constant 1536 : index
    %swap3A_637 = vector.load %arg5[%swap3A_635, %swap3A_636] : memref<512x4096xi32, #tpu.memory_space<vmem>>, vector<512x128xi32>
    tpu.vector_store %arg5[%swap3A_635, %swap3A_636], %add3A_634 {strides = array<i32>} : memref<512x4096xi32, #tpu.memory_space<vmem>>, vector<512x128xi32>,
    %get3A_638 = arith.constant 0 : index
    %get3A_639 = arith.constant 13 : index
    %get3A_640 = arith.constant 0 : index
    %get3A_641 = vector.load %arg0[%get3A_638, %get3A_639, %get3A_640] : memref<512x32x128xf32, #tpu.memory_space<vmem>>, vector<512x1x128xf32>
    %get3A_642 = vector.shape_cast %get3A_641 : vector<512x1x128xf32> to vector<512x128xf32>
    %swap3A_643 = arith.constant 0 : index
    %swap3A_644 = arith.constant 1664 : index
    %swap3A_645 = vector.load %arg4[%swap3A_643, %swap3A_644] : memref<512x4096xf32, #tpu.memory_space<vmem>>, vector<512x128xf32>
    tpu.vector_store %arg4[%swap3A_643, %swap3A_644], %get3A_642 {strides = array<i32>} : memref<512x4096xf32, #tpu.memory_space<vmem>>, vector<512x128xf32>,
    %get3A_646 = arith.constant 0 : index
    %get3A_647 = arith.constant 13 : index
    %get3A_648 = vector.load %arg1[%get3A_646, %get3A_647] : memref<512x32xi32, #tpu.memory_space<vmem>>, vector<512x1xi32>
    %jit3A_649 = arith.constant 512 : i32
    %div3A_650 = vector.broadcast %jit3A_649 : i32 to vector<512x1xi32>
    %div3A_651 = arith.divsi %get3A_648, %div3A_650 : vector<512x1xi32>
    %sign3A_652 = arith.constant 0 : i32
    %sign3A_653 = vector.broadcast %sign3A_652 : i32 to vector<512x1xi32>
    %sign3A_654 = arith.cmpi sgt, %get3A_648, %sign3A_653 : vector<512x1xi32>
    %sign3A_655 = arith.extui %sign3A_654 : vector<512x1xi1> to vector<512x1xi32>
    %sign3A_656 = arith.constant 0 : i32
    %sign3A_657 = vector.broadcast %sign3A_656 : i32 to vector<512x1xi32>
    %sign3A_658 = arith.cmpi slt, %get3A_648, %sign3A_657 : vector<512x1xi32>
    %sign3A_659 = arith.extui %sign3A_658 : vector<512x1xi1> to vector<512x1xi32>
    %sign3A_660 = arith.subi %sign3A_655, %sign3A_659 : vector<512x1xi32>
    %sign3A_661 = arith.constant 0 : i32
    %sign3A_662 = arith.cmpi sgt, %jit3A_649, %sign3A_661 : i32
    %sign3A_663 = arith.extui %sign3A_662 : i1 to i32
    %sign3A_664 = arith.constant 0 : i32
    %sign3A_665 = arith.cmpi slt, %jit3A_649, %sign3A_664 : i32
    %sign3A_666 = arith.extui %sign3A_665 : i1 to i32
    %sign3A_667 = arith.subi %sign3A_663, %sign3A_666 : i32
    %ne3A_668 = vector.broadcast %sign3A_667 : i32 to vector<512x1xi32>
    %ne3A_669 = arith.cmpi ne, %sign3A_660, %ne3A_668 : vector<512x1xi32>
    %rem3A_670 = vector.broadcast %jit3A_649 : i32 to vector<512x1xi32>
    %rem3A_671 = arith.remsi %get3A_648, %rem3A_670 : vector<512x1xi32>
    %ne3A_672 = arith.constant 0 : i32
    %ne3A_673 = vector.broadcast %ne3A_672 : i32 to vector<512x1xi32>
    %ne3A_674 = arith.cmpi ne, %rem3A_671, %ne3A_673 : vector<512x1xi32>
    %and3A_675 = arith.andi %ne3A_669, %ne3A_674 : vector<512x1xi1>
    %sub3A_676 = arith.constant 1 : i32
    %sub3A_677 = vector.broadcast %sub3A_676 : i32 to vector<512x1xi32>
    %sub3A_678 = arith.subi %div3A_651, %sub3A_677 : vector<512x1xi32>
    %select_n3A_679 = arith.select %and3A_675, %sub3A_678, %div3A_651 : vector<512x1xi1>, vector<512x1xi32>
    %mul3A_680 = arith.constant 128 : i32
    %mul3A_681 = vector.broadcast %mul3A_680 : i32 to vector<512x1xi32>
    %mul3A_682 = arith.muli %select_n3A_679, %mul3A_681 : vector<512x1xi32>
    %add3A_683 = vector.broadcast %mul3A_682 : vector<512x1xi32> to vector<512x128xi32>
    %add3A_684 = arith.addi %add3A_683, %iota3A : vector<512x128xi32>
    %swap3A_685 = arith.constant 0 : index
    %swap3A_686 = arith.constant 1664 : index
    %swap3A_687 = vector.load %arg5[%swap3A_685, %swap3A_686] : memref<512x4096xi32, #tpu.memory_space<vmem>>, vector<512x128xi32>
    tpu.vector_store %arg5[%swap3A_685, %swap3A_686], %add3A_684 {strides = array<i32>} : memref<512x4096xi32, #tpu.memory_space<vmem>>, vector<512x128xi32>,
    %get3A_688 = arith.constant 0 : index
    %get3A_689 = arith.constant 14 : index
    %get3A_690 = arith.constant 0 : index
    %get3A_691 = vector.load %arg0[%get3A_688, %get3A_689, %get3A_690] : memref<512x32x128xf32, #tpu.memory_space<vmem>>, vector<512x1x128xf32>
    %get3A_692 = vector.shape_cast %get3A_691 : vector<512x1x128xf32> to vector<512x128xf32>
    %swap3A_693 = arith.constant 0 : index
    %swap3A_694 = arith.constant 1792 : index
    %swap3A_695 = vector.load %arg4[%swap3A_693, %swap3A_694] : memref<512x4096xf32, #tpu.memory_space<vmem>>, vector<512x128xf32>
    tpu.vector_store %arg4[%swap3A_693, %swap3A_694], %get3A_692 {strides = array<i32>} : memref<512x4096xf32, #tpu.memory_space<vmem>>, vector<512x128xf32>,
    %get3A_696 = arith.constant 0 : index
    %get3A_697 = arith.constant 14 : index
    %get3A_698 = vector.load %arg1[%get3A_696, %get3A_697] : memref<512x32xi32, #tpu.memory_space<vmem>>, vector<512x1xi32>
    %jit3A_699 = arith.constant 512 : i32
    %div3A_700 = vector.broadcast %jit3A_699 : i32 to vector<512x1xi32>
    %div3A_701 = arith.divsi %get3A_698, %div3A_700 : vector<512x1xi32>
    %sign3A_702 = arith.constant 0 : i32
    %sign3A_703 = vector.broadcast %sign3A_702 : i32 to vector<512x1xi32>
    %sign3A_704 = arith.cmpi sgt, %get3A_698, %sign3A_703 : vector<512x1xi32>
    %sign3A_705 = arith.extui %sign3A_704 : vector<512x1xi1> to vector<512x1xi32>
    %sign3A_706 = arith.constant 0 : i32
    %sign3A_707 = vector.broadcast %sign3A_706 : i32 to vector<512x1xi32>
    %sign3A_708 = arith.cmpi slt, %get3A_698, %sign3A_707 : vector<512x1xi32>
    %sign3A_709 = arith.extui %sign3A_708 : vector<512x1xi1> to vector<512x1xi32>
    %sign3A_710 = arith.subi %sign3A_705, %sign3A_709 : vector<512x1xi32>
    %sign3A_711 = arith.constant 0 : i32
    %sign3A_712 = arith.cmpi sgt, %jit3A_699, %sign3A_711 : i32
    %sign3A_713 = arith.extui %sign3A_712 : i1 to i32
    %sign3A_714 = arith.constant 0 : i32
    %sign3A_715 = arith.cmpi slt, %jit3A_699, %sign3A_714 : i32
    %sign3A_716 = arith.extui %sign3A_715 : i1 to i32
    %sign3A_717 = arith.subi %sign3A_713, %sign3A_716 : i32
    %ne3A_718 = vector.broadcast %sign3A_717 : i32 to vector<512x1xi32>
    %ne3A_719 = arith.cmpi ne, %sign3A_710, %ne3A_718 : vector<512x1xi32>
    %rem3A_720 = vector.broadcast %jit3A_699 : i32 to vector<512x1xi32>
    %rem3A_721 = arith.remsi %get3A_698, %rem3A_720 : vector<512x1xi32>
    %ne3A_722 = arith.constant 0 : i32
    %ne3A_723 = vector.broadcast %ne3A_722 : i32 to vector<512x1xi32>
    %ne3A_724 = arith.cmpi ne, %rem3A_721, %ne3A_723 : vector<512x1xi32>
    %and3A_725 = arith.andi %ne3A_719, %ne3A_724 : vector<512x1xi1>
    %sub3A_726 = arith.constant 1 : i32
    %sub3A_727 = vector.broadcast %sub3A_726 : i32 to vector<512x1xi32>
    %sub3A_728 = arith.subi %div3A_701, %sub3A_727 : vector<512x1xi32>
    %select_n3A_729 = arith.select %and3A_725, %sub3A_728, %div3A_701 : vector<512x1xi1>, vector<512x1xi32>
    %mul3A_730 = arith.constant 128 : i32
    %mul3A_731 = vector.broadcast %mul3A_730 : i32 to vector<512x1xi32>
    %mul3A_732 = arith.muli %select_n3A_729, %mul3A_731 : vector<512x1xi32>
    %add3A_733 = vector.broadcast %mul3A_732 : vector<512x1xi32> to vector<512x128xi32>
    %add3A_734 = arith.addi %add3A_733, %iota3A : vector<512x128xi32>
    %swap3A_735 = arith.constant 0 : index
    %swap3A_736 = arith.constant 1792 : index
    %swap3A_737 = vector.load %arg5[%swap3A_735, %swap3A_736] : memref<512x4096xi32, #tpu.memory_space<vmem>>, vector<512x128xi32>
    tpu.vector_store %arg5[%swap3A_735, %swap3A_736], %add3A_734 {strides = array<i32>} : memref<512x4096xi32, #tpu.memory_space<vmem>>, vector<512x128xi32>,
    %get3A_738 = arith.constant 0 : index
    %get3A_739 = arith.constant 15 : index
    %get3A_740 = arith.constant 0 : index
    %get3A_741 = vector.load %arg0[%get3A_738, %get3A_739, %get3A_740] : memref<512x32x128xf32, #tpu.memory_space<vmem>>, vector<512x1x128xf32>
    %get3A_742 = vector.shape_cast %get3A_741 : vector<512x1x128xf32> to vector<512x128xf32>
    %swap3A_743 = arith.constant 0 : index
    %swap3A_744 = arith.constant 1920 : index
    %swap3A_745 = vector.load %arg4[%swap3A_743, %swap3A_744] : memref<512x4096xf32, #tpu.memory_space<vmem>>, vector<512x128xf32>
    tpu.vector_store %arg4[%swap3A_743, %swap3A_744], %get3A_742 {strides = array<i32>} : memref<512x4096xf32, #tpu.memory_space<vmem>>, vector<512x128xf32>,
    %get3A_746 = arith.constant 0 : index
    %get3A_747 = arith.constant 15 : index
    %get3A_748 = vector.load %arg1[%get3A_746, %get3A_747] : memref<512x32xi32, #tpu.memory_space<vmem>>, vector<512x1xi32>
    %jit3A_749 = arith.constant 512 : i32
    %div3A_750 = vector.broadcast %jit3A_749 : i32 to vector<512x1xi32>
    %div3A_751 = arith.divsi %get3A_748, %div3A_750 : vector<512x1xi32>
    %sign3A_752 = arith.constant 0 : i32
    %sign3A_753 = vector.broadcast %sign3A_752 : i32 to vector<512x1xi32>
    %sign3A_754 = arith.cmpi sgt, %get3A_748, %sign3A_753 : vector<512x1xi32>
    %sign3A_755 = arith.extui %sign3A_754 : vector<512x1xi1> to vector<512x1xi32>
    %sign3A_756 = arith.constant 0 : i32
    %sign3A_757 = vector.broadcast %sign3A_756 : i32 to vector<512x1xi32>
    %sign3A_758 = arith.cmpi slt, %get3A_748, %sign3A_757 : vector<512x1xi32>
    %sign3A_759 = arith.extui %sign3A_758 : vector<512x1xi1> to vector<512x1xi32>
    %sign3A_760 = arith.subi %sign3A_755, %sign3A_759 : vector<512x1xi32>
    %sign3A_761 = arith.constant 0 : i32
    %sign3A_762 = arith.cmpi sgt, %jit3A_749, %sign3A_761 : i32
    %sign3A_763 = arith.extui %sign3A_762 : i1 to i32
    %sign3A_764 = arith.constant 0 : i32
    %sign3A_765 = arith.cmpi slt, %jit3A_749, %sign3A_764 : i32
    %sign3A_766 = arith.extui %sign3A_765 : i1 to i32
    %sign3A_767 = arith.subi %sign3A_763, %sign3A_766 : i32
    %ne3A_768 = vector.broadcast %sign3A_767 : i32 to vector<512x1xi32>
    %ne3A_769 = arith.cmpi ne, %sign3A_760, %ne3A_768 : vector<512x1xi32>
    %rem3A_770 = vector.broadcast %jit3A_749 : i32 to vector<512x1xi32>
    %rem3A_771 = arith.remsi %get3A_748, %rem3A_770 : vector<512x1xi32>
    %ne3A_772 = arith.constant 0 : i32
    %ne3A_773 = vector.broadcast %ne3A_772 : i32 to vector<512x1xi32>
    %ne3A_774 = arith.cmpi ne, %rem3A_771, %ne3A_773 : vector<512x1xi32>
    %and3A_775 = arith.andi %ne3A_769, %ne3A_774 : vector<512x1xi1>
    %sub3A_776 = arith.constant 1 : i32
    %sub3A_777 = vector.broadcast %sub3A_776 : i32 to vector<512x1xi32>
    %sub3A_778 = arith.subi %div3A_751, %sub3A_777 : vector<512x1xi32>
    %select_n3A_779 = arith.select %and3A_775, %sub3A_778, %div3A_751 : vector<512x1xi1>, vector<512x1xi32>
    %mul3A_780 = arith.constant 128 : i32
    %mul3A_781 = vector.broadcast %mul3A_780 : i32 to vector<512x1xi32>
    %mul3A_782 = arith.muli %select_n3A_779, %mul3A_781 : vector<512x1xi32>
    %add3A_783 = vector.broadcast %mul3A_782 : vector<512x1xi32> to vector<512x128xi32>
    %add3A_784 = arith.addi %add3A_783, %iota3A : vector<512x128xi32>
    %swap3A_785 = arith.constant 0 : index
    %swap3A_786 = arith.constant 1920 : index
    %swap3A_787 = vector.load %arg5[%swap3A_785, %swap3A_786] : memref<512x4096xi32, #tpu.memory_space<vmem>>, vector<512x128xi32>
    tpu.vector_store %arg5[%swap3A_785, %swap3A_786], %add3A_784 {strides = array<i32>} : memref<512x4096xi32, #tpu.memory_space<vmem>>, vector<512x128xi32>,
    %get3A_788 = arith.constant 0 : index
    %get3A_789 = arith.constant 16 : index
    %get3A_790 = arith.constant 0 : index
    %get3A_791 = vector.load %arg0[%get3A_788, %get3A_789, %get3A_790] : memref<512x32x128xf32, #tpu.memory_space<vmem>>, vector<512x1x128xf32>
    %get3A_792 = vector.shape_cast %get3A_791 : vector<512x1x128xf32> to vector<512x128xf32>
    %swap3A_793 = arith.constant 0 : index
    %swap3A_794 = arith.constant 2048 : index
    %swap3A_795 = vector.load %arg4[%swap3A_793, %swap3A_794] : memref<512x4096xf32, #tpu.memory_space<vmem>>, vector<512x128xf32>
    tpu.vector_store %arg4[%swap3A_793, %swap3A_794], %get3A_792 {strides = array<i32>} : memref<512x4096xf32, #tpu.memory_space<vmem>>, vector<512x128xf32>,
    %get3A_796 = arith.constant 0 : index
    %get3A_797 = arith.constant 16 : index
    %get3A_798 = vector.load %arg1[%get3A_796, %get3A_797] : memref<512x32xi32, #tpu.memory_space<vmem>>, vector<512x1xi32>
    %jit3A_799 = arith.constant 512 : i32
    %div3A_800 = vector.broadcast %jit3A_799 : i32 to vector<512x1xi32>
    %div3A_801 = arith.divsi %get3A_798, %div3A_800 : vector<512x1xi32>
    %sign3A_802 = arith.constant 0 : i32
    %sign3A_803 = vector.broadcast %sign3A_802 : i32 to vector<512x1xi32>
    %sign3A_804 = arith.cmpi sgt, %get3A_798, %sign3A_803 : vector<512x1xi32>
    %sign3A_805 = arith.extui %sign3A_804 : vector<512x1xi1> to vector<512x1xi32>
    %sign3A_806 = arith.constant 0 : i32
    %sign3A_807 = vector.broadcast %sign3A_806 : i32 to vector<512x1xi32>
    %sign3A_808 = arith.cmpi slt, %get3A_798, %sign3A_807 : vector<512x1xi32>
    %sign3A_809 = arith.extui %sign3A_808 : vector<512x1xi1> to vector<512x1xi32>
    %sign3A_810 = arith.subi %sign3A_805, %sign3A_809 : vector<512x1xi32>
    %sign3A_811 = arith.constant 0 : i32
    %sign3A_812 = arith.cmpi sgt, %jit3A_799, %sign3A_811 : i32
    %sign3A_813 = arith.extui %sign3A_812 : i1 to i32
    %sign3A_814 = arith.constant 0 : i32
    %sign3A_815 = arith.cmpi slt, %jit3A_799, %sign3A_814 : i32
    %sign3A_816 = arith.extui %sign3A_815 : i1 to i32
    %sign3A_817 = arith.subi %sign3A_813, %sign3A_816 : i32
    %ne3A_818 = vector.broadcast %sign3A_817 : i32 to vector<512x1xi32>
    %ne3A_819 = arith.cmpi ne, %sign3A_810, %ne3A_818 : vector<512x1xi32>
    %rem3A_820 = vector.broadcast %jit3A_799 : i32 to vector<512x1xi32>
    %rem3A_821 = arith.remsi %get3A_798, %rem3A_820 : vector<512x1xi32>
    %ne3A_822 = arith.constant 0 : i32
    %ne3A_823 = vector.broadcast %ne3A_822 : i32 to vector<512x1xi32>
    %ne3A_824 = arith.cmpi ne, %rem3A_821, %ne3A_823 : vector<512x1xi32>
    %and3A_825 = arith.andi %ne3A_819, %ne3A_824 : vector<512x1xi1>
    %sub3A_826 = arith.constant 1 : i32
    %sub3A_827 = vector.broadcast %sub3A_826 : i32 to vector<512x1xi32>
    %sub3A_828 = arith.subi %div3A_801, %sub3A_827 : vector<512x1xi32>
    %select_n3A_829 = arith.select %and3A_825, %sub3A_828, %div3A_801 : vector<512x1xi1>, vector<512x1xi32>
    %mul3A_830 = arith.constant 128 : i32
    %mul3A_831 = vector.broadcast %mul3A_830 : i32 to vector<512x1xi32>
    %mul3A_832 = arith.muli %select_n3A_829, %mul3A_831 : vector<512x1xi32>
    %add3A_833 = vector.broadcast %mul3A_832 : vector<512x1xi32> to vector<512x128xi32>
    %add3A_834 = arith.addi %add3A_833, %iota3A : vector<512x128xi32>
    %swap3A_835 = arith.constant 0 : index
    %swap3A_836 = arith.constant 2048 : index
    %swap3A_837 = vector.load %arg5[%swap3A_835, %swap3A_836] : memref<512x4096xi32, #tpu.memory_space<vmem>>, vector<512x128xi32>
    tpu.vector_store %arg5[%swap3A_835, %swap3A_836], %add3A_834 {strides = array<i32>} : memref<512x4096xi32, #tpu.memory_space<vmem>>, vector<512x128xi32>,
    %get3A_838 = arith.constant 0 : index
    %get3A_839 = arith.constant 17 : index
    %get3A_840 = arith.constant 0 : index
    %get3A_841 = vector.load %arg0[%get3A_838, %get3A_839, %get3A_840] : memref<512x32x128xf32, #tpu.memory_space<vmem>>, vector<512x1x128xf32>
    %get3A_842 = vector.shape_cast %get3A_841 : vector<512x1x128xf32> to vector<512x128xf32>
    %swap3A_843 = arith.constant 0 : index
    %swap3A_844 = arith.constant 2176 : index
    %swap3A_845 = vector.load %arg4[%swap3A_843, %swap3A_844] : memref<512x4096xf32, #tpu.memory_space<vmem>>, vector<512x128xf32>
    tpu.vector_store %arg4[%swap3A_843, %swap3A_844], %get3A_842 {strides = array<i32>} : memref<512x4096xf32, #tpu.memory_space<vmem>>, vector<512x128xf32>,
    %get3A_846 = arith.constant 0 : index
    %get3A_847 = arith.constant 17 : index
    %get3A_848 = vector.load %arg1[%get3A_846, %get3A_847] : memref<512x32xi32, #tpu.memory_space<vmem>>, vector<512x1xi32>
    %jit3A_849 = arith.constant 512 : i32
    %div3A_850 = vector.broadcast %jit3A_849 : i32 to vector<512x1xi32>
    %div3A_851 = arith.divsi %get3A_848, %div3A_850 : vector<512x1xi32>
    %sign3A_852 = arith.constant 0 : i32
    %sign3A_853 = vector.broadcast %sign3A_852 : i32 to vector<512x1xi32>
    %sign3A_854 = arith.cmpi sgt, %get3A_848, %sign3A_853 : vector<512x1xi32>
    %sign3A_855 = arith.extui %sign3A_854 : vector<512x1xi1> to vector<512x1xi32>
    %sign3A_856 = arith.constant 0 : i32
    %sign3A_857 = vector.broadcast %sign3A_856 : i32 to vector<512x1xi32>
    %sign3A_858 = arith.cmpi slt, %get3A_848, %sign3A_857 : vector<512x1xi32>
    %sign3A_859 = arith.extui %sign3A_858 : vector<512x1xi1> to vector<512x1xi32>
    %sign3A_860 = arith.subi %sign3A_855, %sign3A_859 : vector<512x1xi32>
    %sign3A_861 = arith.constant 0 : i32
    %sign3A_862 = arith.cmpi sgt, %jit3A_849, %sign3A_861 : i32
    %sign3A_863 = arith.extui %sign3A_862 : i1 to i32
    %sign3A_864 = arith.constant 0 : i32
    %sign3A_865 = arith.cmpi slt, %jit3A_849, %sign3A_864 : i32
    %sign3A_866 = arith.extui %sign3A_865 : i1 to i32
    %sign3A_867 = arith.subi %sign3A_863, %sign3A_866 : i32
    %ne3A_868 = vector.broadcast %sign3A_867 : i32 to vector<512x1xi32>
    %ne3A_869 = arith.cmpi ne, %sign3A_860, %ne3A_868 : vector<512x1xi32>
    %rem3A_870 = vector.broadcast %jit3A_849 : i32 to vector<512x1xi32>
    %rem3A_871 = arith.remsi %get3A_848, %rem3A_870 : vector<512x1xi32>
    %ne3A_872 = arith.constant 0 : i32
    %ne3A_873 = vector.broadcast %ne3A_872 : i32 to vector<512x1xi32>
    %ne3A_874 = arith.cmpi ne, %rem3A_871, %ne3A_873 : vector<512x1xi32>
    %and3A_875 = arith.andi %ne3A_869, %ne3A_874 : vector<512x1xi1>
    %sub3A_876 = arith.constant 1 : i32
    %sub3A_877 = vector.broadcast %sub3A_876 : i32 to vector<512x1xi32>
    %sub3A_878 = arith.subi %div3A_851, %sub3A_877 : vector<512x1xi32>
    %select_n3A_879 = arith.select %and3A_875, %sub3A_878, %div3A_851 : vector<512x1xi1>, vector<512x1xi32>
    %mul3A_880 = arith.constant 128 : i32
    %mul3A_881 = vector.broadcast %mul3A_880 : i32 to vector<512x1xi32>
    %mul3A_882 = arith.muli %select_n3A_879, %mul3A_881 : vector<512x1xi32>
    %add3A_883 = vector.broadcast %mul3A_882 : vector<512x1xi32> to vector<512x128xi32>
    %add3A_884 = arith.addi %add3A_883, %iota3A : vector<512x128xi32>
    %swap3A_885 = arith.constant 0 : index
    %swap3A_886 = arith.constant 2176 : index
    %swap3A_887 = vector.load %arg5[%swap3A_885, %swap3A_886] : memref<512x4096xi32, #tpu.memory_space<vmem>>, vector<512x128xi32>
    tpu.vector_store %arg5[%swap3A_885, %swap3A_886], %add3A_884 {strides = array<i32>} : memref<512x4096xi32, #tpu.memory_space<vmem>>, vector<512x128xi32>,
    %get3A_888 = arith.constant 0 : index
    %get3A_889 = arith.constant 18 : index
    %get3A_890 = arith.constant 0 : index
    %get3A_891 = vector.load %arg0[%get3A_888, %get3A_889, %get3A_890] : memref<512x32x128xf32, #tpu.memory_space<vmem>>, vector<512x1x128xf32>
    %get3A_892 = vector.shape_cast %get3A_891 : vector<512x1x128xf32> to vector<512x128xf32>
    %swap3A_893 = arith.constant 0 : index
    %swap3A_894 = arith.constant 2304 : index
    %swap3A_895 = vector.load %arg4[%swap3A_893, %swap3A_894] : memref<512x4096xf32, #tpu.memory_space<vmem>>, vector<512x128xf32>
    tpu.vector_store %arg4[%swap3A_893, %swap3A_894], %get3A_892 {strides = array<i32>} : memref<512x4096xf32, #tpu.memory_space<vmem>>, vector<512x128xf32>,
    %get3A_896 = arith.constant 0 : index
    %get3A_897 = arith.constant 18 : index
    %get3A_898 = vector.load %arg1[%get3A_896, %get3A_897] : memref<512x32xi32, #tpu.memory_space<vmem>>, vector<512x1xi32>
    %jit3A_899 = arith.constant 512 : i32
    %div3A_900 = vector.broadcast %jit3A_899 : i32 to vector<512x1xi32>
    %div3A_901 = arith.divsi %get3A_898, %div3A_900 : vector<512x1xi32>
    %sign3A_902 = arith.constant 0 : i32
    %sign3A_903 = vector.broadcast %sign3A_902 : i32 to vector<512x1xi32>
    %sign3A_904 = arith.cmpi sgt, %get3A_898, %sign3A_903 : vector<512x1xi32>
    %sign3A_905 = arith.extui %sign3A_904 : vector<512x1xi1> to vector<512x1xi32>
    %sign3A_906 = arith.constant 0 : i32
    %sign3A_907 = vector.broadcast %sign3A_906 : i32 to vector<512x1xi32>
    %sign3A_908 = arith.cmpi slt, %get3A_898, %sign3A_907 : vector<512x1xi32>
    %sign3A_909 = arith.extui %sign3A_908 : vector<512x1xi1> to vector<512x1xi32>
    %sign3A_910 = arith.subi %sign3A_905, %sign3A_909 : vector<512x1xi32>
    %sign3A_911 = arith.constant 0 : i32
    %sign3A_912 = arith.cmpi sgt, %jit3A_899, %sign3A_911 : i32
    %sign3A_913 = arith.extui %sign3A_912 : i1 to i32
    %sign3A_914 = arith.constant 0 : i32
    %sign3A_915 = arith.cmpi slt, %jit3A_899, %sign3A_914 : i32
    %sign3A_916 = arith.extui %sign3A_915 : i1 to i32
    %sign3A_917 = arith.subi %sign3A_913, %sign3A_916 : i32
    %ne3A_918 = vector.broadcast %sign3A_917 : i32 to vector<512x1xi32>
    %ne3A_919 = arith.cmpi ne, %sign3A_910, %ne3A_918 : vector<512x1xi32>
    %rem3A_920 = vector.broadcast %jit3A_899 : i32 to vector<512x1xi32>
    %rem3A_921 = arith.remsi %get3A_898, %rem3A_920 : vector<512x1xi32>
    %ne3A_922 = arith.constant 0 : i32
    %ne3A_923 = vector.broadcast %ne3A_922 : i32 to vector<512x1xi32>
    %ne3A_924 = arith.cmpi ne, %rem3A_921, %ne3A_923 : vector<512x1xi32>
    %and3A_925 = arith.andi %ne3A_919, %ne3A_924 : vector<512x1xi1>
    %sub3A_926 = arith.constant 1 : i32
    %sub3A_927 = vector.broadcast %sub3A_926 : i32 to vector<512x1xi32>
    %sub3A_928 = arith.subi %div3A_901, %sub3A_927 : vector<512x1xi32>
    %select_n3A_929 = arith.select %and3A_925, %sub3A_928, %div3A_901 : vector<512x1xi1>, vector<512x1xi32>
    %mul3A_930 = arith.constant 128 : i32
    %mul3A_931 = vector.broadcast %mul3A_930 : i32 to vector<512x1xi32>
    %mul3A_932 = arith.muli %select_n3A_929, %mul3A_931 : vector<512x1xi32>
    %add3A_933 = vector.broadcast %mul3A_932 : vector<512x1xi32> to vector<512x128xi32>
    %add3A_934 = arith.addi %add3A_933, %iota3A : vector<512x128xi32>
    %swap3A_935 = arith.constant 0 : index
    %swap3A_936 = arith.constant 2304 : index
    %swap3A_937 = vector.load %arg5[%swap3A_935, %swap3A_936] : memref<512x4096xi32, #tpu.memory_space<vmem>>, vector<512x128xi32>
    tpu.vector_store %arg5[%swap3A_935, %swap3A_936], %add3A_934 {strides = array<i32>} : memref<512x4096xi32, #tpu.memory_space<vmem>>, vector<512x128xi32>,
    %get3A_938 = arith.constant 0 : index
    %get3A_939 = arith.constant 19 : index
    %get3A_940 = arith.constant 0 : index
    %get3A_941 = vector.load %arg0[%get3A_938, %get3A_939, %get3A_940] : memref<512x32x128xf32, #tpu.memory_space<vmem>>, vector<512x1x128xf32>
    %get3A_942 = vector.shape_cast %get3A_941 : vector<512x1x128xf32> to vector<512x128xf32>
    %swap3A_943 = arith.constant 0 : index
    %swap3A_944 = arith.constant 2432 : index
    %swap3A_945 = vector.load %arg4[%swap3A_943, %swap3A_944] : memref<512x4096xf32, #tpu.memory_space<vmem>>, vector<512x128xf32>
    tpu.vector_store %arg4[%swap3A_943, %swap3A_944], %get3A_942 {strides = array<i32>} : memref<512x4096xf32, #tpu.memory_space<vmem>>, vector<512x128xf32>,
    %get3A_946 = arith.constant 0 : index
    %get3A_947 = arith.constant 19 : index
    %get3A_948 = vector.load %arg1[%get3A_946, %get3A_947] : memref<512x32xi32, #tpu.memory_space<vmem>>, vector<512x1xi32>
    %jit3A_949 = arith.constant 512 : i32
    %div3A_950 = vector.broadcast %jit3A_949 : i32 to vector<512x1xi32>
    %div3A_951 = arith.divsi %get3A_948, %div3A_950 : vector<512x1xi32>
    %sign3A_952 = arith.constant 0 : i32
    %sign3A_953 = vector.broadcast %sign3A_952 : i32 to vector<512x1xi32>
    %sign3A_954 = arith.cmpi sgt, %get3A_948, %sign3A_953 : vector<512x1xi32>
    %sign3A_955 = arith.extui %sign3A_954 : vector<512x1xi1> to vector<512x1xi32>
    %sign3A_956 = arith.constant 0 : i32
    %sign3A_957 = vector.broadcast %sign3A_956 : i32 to vector<512x1xi32>
    %sign3A_958 = arith.cmpi slt, %get3A_948, %sign3A_957 : vector<512x1xi32>
    %sign3A_959 = arith.extui %sign3A_958 : vector<512x1xi1> to vector<512x1xi32>
    %sign3A_960 = arith.subi %sign3A_955, %sign3A_959 : vector<512x1xi32>
    %sign3A_961 = arith.constant 0 : i32
    %sign3A_962 = arith.cmpi sgt, %jit3A_949, %sign3A_961 : i32
    %sign3A_963 = arith.extui %sign3A_962 : i1 to i32
    %sign3A_964 = arith.constant 0 : i32
    %sign3A_965 = arith.cmpi slt, %jit3A_949, %sign3A_964 : i32
    %sign3A_966 = arith.extui %sign3A_965 : i1 to i32
    %sign3A_967 = arith.subi %sign3A_963, %sign3A_966 : i32
    %ne3A_968 = vector.broadcast %sign3A_967 : i32 to vector<512x1xi32>
    %ne3A_969 = arith.cmpi ne, %sign3A_960, %ne3A_968 : vector<512x1xi32>
    %rem3A_970 = vector.broadcast %jit3A_949 : i32 to vector<512x1xi32>
    %rem3A_971 = arith.remsi %get3A_948, %rem3A_970 : vector<512x1xi32>
    %ne3A_972 = arith.constant 0 : i32
    %ne3A_973 = vector.broadcast %ne3A_972 : i32 to vector<512x1xi32>
    %ne3A_974 = arith.cmpi ne, %rem3A_971, %ne3A_973 : vector<512x1xi32>
    %and3A_975 = arith.andi %ne3A_969, %ne3A_974 : vector<512x1xi1>
    %sub3A_976 = arith.constant 1 : i32
    %sub3A_977 = vector.broadcast %sub3A_976 : i32 to vector<512x1xi32>
    %sub3A_978 = arith.subi %div3A_951, %sub3A_977 : vector<512x1xi32>
    %select_n3A_979 = arith.select %and3A_975, %sub3A_978, %div3A_951 : vector<512x1xi1>, vector<512x1xi32>
    %mul3A_980 = arith.constant 128 : i32
    %mul3A_981 = vector.broadcast %mul3A_980 : i32 to vector<512x1xi32>
    %mul3A_982 = arith.muli %select_n3A_979, %mul3A_981 : vector<512x1xi32>
    %add3A_983 = vector.broadcast %mul3A_982 : vector<512x1xi32> to vector<512x128xi32>
    %add3A_984 = arith.addi %add3A_983, %iota3A : vector<512x128xi32>
    %swap3A_985 = arith.constant 0 : index
    %swap3A_986 = arith.constant 2432 : index
    %swap3A_987 = vector.load %arg5[%swap3A_985, %swap3A_986] : memref<512x4096xi32, #tpu.memory_space<vmem>>, vector<512x128xi32>
    tpu.vector_store %arg5[%swap3A_985, %swap3A_986], %add3A_984 {strides = array<i32>} : memref<512x4096xi32, #tpu.memory_space<vmem>>, vector<512x128xi32>,
    %get3A_988 = arith.constant 0 : index
    %get3A_989 = arith.constant 20 : index
    %get3A_990 = arith.constant 0 : index
    %get3A_991 = vector.load %arg0[%get3A_988, %get3A_989, %get3A_990] : memref<512x32x128xf32, #tpu.memory_space<vmem>>, vector<512x1x128xf32>
    %get3A_992 = vector.shape_cast %get3A_991 : vector<512x1x128xf32> to vector<512x128xf32>
    %swap3A_993 = arith.constant 0 : index
    %swap3A_994 = arith.constant 2560 : index
    %swap3A_995 = vector.load %arg4[%swap3A_993, %swap3A_994] : memref<512x4096xf32, #tpu.memory_space<vmem>>, vector<512x128xf32>
    tpu.vector_store %arg4[%swap3A_993, %swap3A_994], %get3A_992 {strides = array<i32>} : memref<512x4096xf32, #tpu.memory_space<vmem>>, vector<512x128xf32>,
    %get3A_996 = arith.constant 0 : index
    %get3A_997 = arith.constant 20 : index
    %get3A_998 = vector.load %arg1[%get3A_996, %get3A_997] : memref<512x32xi32, #tpu.memory_space<vmem>>, vector<512x1xi32>
    %jit3A_999 = arith.constant 512 : i32
    %div3A_1000 = vector.broadcast %jit3A_999 : i32 to vector<512x1xi32>
    %div3A_1001 = arith.divsi %get3A_998, %div3A_1000 : vector<512x1xi32>
    %sign3A_1002 = arith.constant 0 : i32
    %sign3A_1003 = vector.broadcast %sign3A_1002 : i32 to vector<512x1xi32>
    %sign3A_1004 = arith.cmpi sgt, %get3A_998, %sign3A_1003 : vector<512x1xi32>
    %sign3A_1005 = arith.extui %sign3A_1004 : vector<512x1xi1> to vector<512x1xi32>
    %sign3A_1006 = arith.constant 0 : i32
    %sign3A_1007 = vector.broadcast %sign3A_1006 : i32 to vector<512x1xi32>
    %sign3A_1008 = arith.cmpi slt, %get3A_998, %sign3A_1007 : vector<512x1xi32>
    %sign3A_1009 = arith.extui %sign3A_1008 : vector<512x1xi1> to vector<512x1xi32>
    %sign3A_1010 = arith.subi %sign3A_1005, %sign3A_1009 : vector<512x1xi32>
    %sign3A_1011 = arith.constant 0 : i32
    %sign3A_1012 = arith.cmpi sgt, %jit3A_999, %sign3A_1011 : i32
    %sign3A_1013 = arith.extui %sign3A_1012 : i1 to i32
    %sign3A_1014 = arith.constant 0 : i32
    %sign3A_1015 = arith.cmpi slt, %jit3A_999, %sign3A_1014 : i32
    %sign3A_1016 = arith.extui %sign3A_1015 : i1 to i32
    %sign3A_1017 = arith.subi %sign3A_1013, %sign3A_1016 : i32
    %ne3A_1018 = vector.broadcast %sign3A_1017 : i32 to vector<512x1xi32>
    %ne3A_1019 = arith.cmpi ne, %sign3A_1010, %ne3A_1018 : vector<512x1xi32>
    %rem3A_1020 = vector.broadcast %jit3A_999 : i32 to vector<512x1xi32>
    %rem3A_1021 = arith.remsi %get3A_998, %rem3A_1020 : vector<512x1xi32>
    %ne3A_1022 = arith.constant 0 : i32
    %ne3A_1023 = vector.broadcast %ne3A_1022 : i32 to vector<512x1xi32>
    %ne3A_1024 = arith.cmpi ne, %rem3A_1021, %ne3A_1023 : vector<512x1xi32>
    %and3A_1025 = arith.andi %ne3A_1019, %ne3A_1024 : vector<512x1xi1>
    %sub3A_1026 = arith.constant 1 : i32
    %sub3A_1027 = vector.broadcast %sub3A_1026 : i32 to vector<512x1xi32>
    %sub3A_1028 = arith.subi %div3A_1001, %sub3A_1027 : vector<512x1xi32>
    %select_n3A_1029 = arith.select %and3A_1025, %sub3A_1028, %div3A_1001 : vector<512x1xi1>, vector<512x1xi32>
    %mul3A_1030 = arith.constant 128 : i32
    %mul3A_1031 = vector.broadcast %mul3A_1030 : i32 to vector<512x1xi32>
    %mul3A_1032 = arith.muli %select_n3A_1029, %mul3A_1031 : vector<512x1xi32>
    %add3A_1033 = vector.broadcast %mul3A_1032 : vector<512x1xi32> to vector<512x128xi32>
    %add3A_1034 = arith.addi %add3A_1033, %iota3A : vector<512x128xi32>
    %swap3A_1035 = arith.constant 0 : index
    %swap3A_1036 = arith.constant 2560 : index
    %swap3A_1037 = vector.load %arg5[%swap3A_1035, %swap3A_1036] : memref<512x4096xi32, #tpu.memory_space<vmem>>, vector<512x128xi32>
    tpu.vector_store %arg5[%swap3A_1035, %swap3A_1036], %add3A_1034 {strides = array<i32>} : memref<512x4096xi32, #tpu.memory_space<vmem>>, vector<512x128xi32>,
    %get3A_1038 = arith.constant 0 : index
    %get3A_1039 = arith.constant 21 : index
    %get3A_1040 = arith.constant 0 : index
    %get3A_1041 = vector.load %arg0[%get3A_1038, %get3A_1039, %get3A_1040] : memref<512x32x128xf32, #tpu.memory_space<vmem>>, vector<512x1x128xf32>
    %get3A_1042 = vector.shape_cast %get3A_1041 : vector<512x1x128xf32> to vector<512x128xf32>
    %swap3A_1043 = arith.constant 0 : index
    %swap3A_1044 = arith.constant 2688 : index
    %swap3A_1045 = vector.load %arg4[%swap3A_1043, %swap3A_1044] : memref<512x4096xf32, #tpu.memory_space<vmem>>, vector<512x128xf32>
    tpu.vector_store %arg4[%swap3A_1043, %swap3A_1044], %get3A_1042 {strides = array<i32>} : memref<512x4096xf32, #tpu.memory_space<vmem>>, vector<512x128xf32>,
    %get3A_1046 = arith.constant 0 : index
    %get3A_1047 = arith.constant 21 : index
    %get3A_1048 = vector.load %arg1[%get3A_1046, %get3A_1047] : memref<512x32xi32, #tpu.memory_space<vmem>>, vector<512x1xi32>
    %jit3A_1049 = arith.constant 512 : i32
    %div3A_1050 = vector.broadcast %jit3A_1049 : i32 to vector<512x1xi32>
    %div3A_1051 = arith.divsi %get3A_1048, %div3A_1050 : vector<512x1xi32>
    %sign3A_1052 = arith.constant 0 : i32
    %sign3A_1053 = vector.broadcast %sign3A_1052 : i32 to vector<512x1xi32>
    %sign3A_1054 = arith.cmpi sgt, %get3A_1048, %sign3A_1053 : vector<512x1xi32>
    %sign3A_1055 = arith.extui %sign3A_1054 : vector<512x1xi1> to vector<512x1xi32>
    %sign3A_1056 = arith.constant 0 : i32
    %sign3A_1057 = vector.broadcast %sign3A_1056 : i32 to vector<512x1xi32>
    %sign3A_1058 = arith.cmpi slt, %get3A_1048, %sign3A_1057 : vector<512x1xi32>
    %sign3A_1059 = arith.extui %sign3A_1058 : vector<512x1xi1> to vector<512x1xi32>
    %sign3A_1060 = arith.subi %sign3A_1055, %sign3A_1059 : vector<512x1xi32>
    %sign3A_1061 = arith.constant 0 : i32
    %sign3A_1062 = arith.cmpi sgt, %jit3A_1049, %sign3A_1061 : i32
    %sign3A_1063 = arith.extui %sign3A_1062 : i1 to i32
    %sign3A_1064 = arith.constant 0 : i32
    %sign3A_1065 = arith.cmpi slt, %jit3A_1049, %sign3A_1064 : i32
    %sign3A_1066 = arith.extui %sign3A_1065 : i1 to i32
    %sign3A_1067 = arith.subi %sign3A_1063, %sign3A_1066 : i32
    %ne3A_1068 = vector.broadcast %sign3A_1067 : i32 to vector<512x1xi32>
    %ne3A_1069 = arith.cmpi ne, %sign3A_1060, %ne3A_1068 : vector<512x1xi32>
    %rem3A_1070 = vector.broadcast %jit3A_1049 : i32 to vector<512x1xi32>
    %rem3A_1071 = arith.remsi %get3A_1048, %rem3A_1070 : vector<512x1xi32>
    %ne3A_1072 = arith.constant 0 : i32
    %ne3A_1073 = vector.broadcast %ne3A_1072 : i32 to vector<512x1xi32>
    %ne3A_1074 = arith.cmpi ne, %rem3A_1071, %ne3A_1073 : vector<512x1xi32>
    %and3A_1075 = arith.andi %ne3A_1069, %ne3A_1074 : vector<512x1xi1>
    %sub3A_1076 = arith.constant 1 : i32
    %sub3A_1077 = vector.broadcast %sub3A_1076 : i32 to vector<512x1xi32>
    %sub3A_1078 = arith.subi %div3A_1051, %sub3A_1077 : vector<512x1xi32>
    %select_n3A_1079 = arith.select %and3A_1075, %sub3A_1078, %div3A_1051 : vector<512x1xi1>, vector<512x1xi32>
    %mul3A_1080 = arith.constant 128 : i32
    %mul3A_1081 = vector.broadcast %mul3A_1080 : i32 to vector<512x1xi32>
    %mul3A_1082 = arith.muli %select_n3A_1079, %mul3A_1081 : vector<512x1xi32>
    %add3A_1083 = vector.broadcast %mul3A_1082 : vector<512x1xi32> to vector<512x128xi32>
    %add3A_1084 = arith.addi %add3A_1083, %iota3A : vector<512x128xi32>
    %swap3A_1085 = arith.constant 0 : index
    %swap3A_1086 = arith.constant 2688 : index
    %swap3A_1087 = vector.load %arg5[%swap3A_1085, %swap3A_1086] : memref<512x4096xi32, #tpu.memory_space<vmem>>, vector<512x128xi32>
    tpu.vector_store %arg5[%swap3A_1085, %swap3A_1086], %add3A_1084 {strides = array<i32>} : memref<512x4096xi32, #tpu.memory_space<vmem>>, vector<512x128xi32>,
    %get3A_1088 = arith.constant 0 : index
    %get3A_1089 = arith.constant 22 : index
    %get3A_1090 = arith.constant 0 : index
    %get3A_1091 = vector.load %arg0[%get3A_1088, %get3A_1089, %get3A_1090] : memref<512x32x128xf32, #tpu.memory_space<vmem>>, vector<512x1x128xf32>
    %get3A_1092 = vector.shape_cast %get3A_1091 : vector<512x1x128xf32> to vector<512x128xf32>
    %swap3A_1093 = arith.constant 0 : index
    %swap3A_1094 = arith.constant 2816 : index
    %swap3A_1095 = vector.load %arg4[%swap3A_1093, %swap3A_1094] : memref<512x4096xf32, #tpu.memory_space<vmem>>, vector<512x128xf32>
    tpu.vector_store %arg4[%swap3A_1093, %swap3A_1094], %get3A_1092 {strides = array<i32>} : memref<512x4096xf32, #tpu.memory_space<vmem>>, vector<512x128xf32>,
    %get3A_1096 = arith.constant 0 : index
    %get3A_1097 = arith.constant 22 : index
    %get3A_1098 = vector.load %arg1[%get3A_1096, %get3A_1097] : memref<512x32xi32, #tpu.memory_space<vmem>>, vector<512x1xi32>
    %jit3A_1099 = arith.constant 512 : i32
    %div3A_1100 = vector.broadcast %jit3A_1099 : i32 to vector<512x1xi32>
    %div3A_1101 = arith.divsi %get3A_1098, %div3A_1100 : vector<512x1xi32>
    %sign3A_1102 = arith.constant 0 : i32
    %sign3A_1103 = vector.broadcast %sign3A_1102 : i32 to vector<512x1xi32>
    %sign3A_1104 = arith.cmpi sgt, %get3A_1098, %sign3A_1103 : vector<512x1xi32>
    %sign3A_1105 = arith.extui %sign3A_1104 : vector<512x1xi1> to vector<512x1xi32>
    %sign3A_1106 = arith.constant 0 : i32
    %sign3A_1107 = vector.broadcast %sign3A_1106 : i32 to vector<512x1xi32>
    %sign3A_1108 = arith.cmpi slt, %get3A_1098, %sign3A_1107 : vector<512x1xi32>
    %sign3A_1109 = arith.extui %sign3A_1108 : vector<512x1xi1> to vector<512x1xi32>
    %sign3A_1110 = arith.subi %sign3A_1105, %sign3A_1109 : vector<512x1xi32>
    %sign3A_1111 = arith.constant 0 : i32
    %sign3A_1112 = arith.cmpi sgt, %jit3A_1099, %sign3A_1111 : i32
    %sign3A_1113 = arith.extui %sign3A_1112 : i1 to i32
    %sign3A_1114 = arith.constant 0 : i32
    %sign3A_1115 = arith.cmpi slt, %jit3A_1099, %sign3A_1114 : i32
    %sign3A_1116 = arith.extui %sign3A_1115 : i1 to i32
    %sign3A_1117 = arith.subi %sign3A_1113, %sign3A_1116 : i32
    %ne3A_1118 = vector.broadcast %sign3A_1117 : i32 to vector<512x1xi32>
    %ne3A_1119 = arith.cmpi ne, %sign3A_1110, %ne3A_1118 : vector<512x1xi32>
    %rem3A_1120 = vector.broadcast %jit3A_1099 : i32 to vector<512x1xi32>
    %rem3A_1121 = arith.remsi %get3A_1098, %rem3A_1120 : vector<512x1xi32>
    %ne3A_1122 = arith.constant 0 : i32
    %ne3A_1123 = vector.broadcast %ne3A_1122 : i32 to vector<512x1xi32>
    %ne3A_1124 = arith.cmpi ne, %rem3A_1121, %ne3A_1123 : vector<512x1xi32>
    %and3A_1125 = arith.andi %ne3A_1119, %ne3A_1124 : vector<512x1xi1>
    %sub3A_1126 = arith.constant 1 : i32
    %sub3A_1127 = vector.broadcast %sub3A_1126 : i32 to vector<512x1xi32>
    %sub3A_1128 = arith.subi %div3A_1101, %sub3A_1127 : vector<512x1xi32>
    %select_n3A_1129 = arith.select %and3A_1125, %sub3A_1128, %div3A_1101 : vector<512x1xi1>, vector<512x1xi32>
    %mul3A_1130 = arith.constant 128 : i32
    %mul3A_1131 = vector.broadcast %mul3A_1130 : i32 to vector<512x1xi32>
    %mul3A_1132 = arith.muli %select_n3A_1129, %mul3A_1131 : vector<512x1xi32>
    %add3A_1133 = vector.broadcast %mul3A_1132 : vector<512x1xi32> to vector<512x128xi32>
    %add3A_1134 = arith.addi %add3A_1133, %iota3A : vector<512x128xi32>
    %swap3A_1135 = arith.constant 0 : index
    %swap3A_1136 = arith.constant 2816 : index
    %swap3A_1137 = vector.load %arg5[%swap3A_1135, %swap3A_1136] : memref<512x4096xi32, #tpu.memory_space<vmem>>, vector<512x128xi32>
    tpu.vector_store %arg5[%swap3A_1135, %swap3A_1136], %add3A_1134 {strides = array<i32>} : memref<512x4096xi32, #tpu.memory_space<vmem>>, vector<512x128xi32>,
    %get3A_1138 = arith.constant 0 : index
    %get3A_1139 = arith.constant 23 : index
    %get3A_1140 = arith.constant 0 : index
    %get3A_1141 = vector.load %arg0[%get3A_1138, %get3A_1139, %get3A_1140] : memref<512x32x128xf32, #tpu.memory_space<vmem>>, vector<512x1x128xf32>
    %get3A_1142 = vector.shape_cast %get3A_1141 : vector<512x1x128xf32> to vector<512x128xf32>
    %swap3A_1143 = arith.constant 0 : index
    %swap3A_1144 = arith.constant 2944 : index
    %swap3A_1145 = vector.load %arg4[%swap3A_1143, %swap3A_1144] : memref<512x4096xf32, #tpu.memory_space<vmem>>, vector<512x128xf32>
    tpu.vector_store %arg4[%swap3A_1143, %swap3A_1144], %get3A_1142 {strides = array<i32>} : memref<512x4096xf32, #tpu.memory_space<vmem>>, vector<512x128xf32>,
    %get3A_1146 = arith.constant 0 : index
    %get3A_1147 = arith.constant 23 : index
    %get3A_1148 = vector.load %arg1[%get3A_1146, %get3A_1147] : memref<512x32xi32, #tpu.memory_space<vmem>>, vector<512x1xi32>
    %jit3A_1149 = arith.constant 512 : i32
    %div3A_1150 = vector.broadcast %jit3A_1149 : i32 to vector<512x1xi32>
    %div3A_1151 = arith.divsi %get3A_1148, %div3A_1150 : vector<512x1xi32>
    %sign3A_1152 = arith.constant 0 : i32
    %sign3A_1153 = vector.broadcast %sign3A_1152 : i32 to vector<512x1xi32>
    %sign3A_1154 = arith.cmpi sgt, %get3A_1148, %sign3A_1153 : vector<512x1xi32>
    %sign3A_1155 = arith.extui %sign3A_1154 : vector<512x1xi1> to vector<512x1xi32>
    %sign3A_1156 = arith.constant 0 : i32
    %sign3A_1157 = vector.broadcast %sign3A_1156 : i32 to vector<512x1xi32>
    %sign3A_1158 = arith.cmpi slt, %get3A_1148, %sign3A_1157 : vector<512x1xi32>
    %sign3A_1159 = arith.extui %sign3A_1158 : vector<512x1xi1> to vector<512x1xi32>
    %sign3A_1160 = arith.subi %sign3A_1155, %sign3A_1159 : vector<512x1xi32>
    %sign3A_1161 = arith.constant 0 : i32
    %sign3A_1162 = arith.cmpi sgt, %jit3A_1149, %sign3A_1161 : i32
    %sign3A_1163 = arith.extui %sign3A_1162 : i1 to i32
    %sign3A_1164 = arith.constant 0 : i32
    %sign3A_1165 = arith.cmpi slt, %jit3A_1149, %sign3A_1164 : i32
    %sign3A_1166 = arith.extui %sign3A_1165 : i1 to i32
    %sign3A_1167 = arith.subi %sign3A_1163, %sign3A_1166 : i32
    %ne3A_1168 = vector.broadcast %sign3A_1167 : i32 to vector<512x1xi32>
    %ne3A_1169 = arith.cmpi ne, %sign3A_1160, %ne3A_1168 : vector<512x1xi32>
    %rem3A_1170 = vector.broadcast %jit3A_1149 : i32 to vector<512x1xi32>
    %rem3A_1171 = arith.remsi %get3A_1148, %rem3A_1170 : vector<512x1xi32>
    %ne3A_1172 = arith.constant 0 : i32
    %ne3A_1173 = vector.broadcast %ne3A_1172 : i32 to vector<512x1xi32>
    %ne3A_1174 = arith.cmpi ne, %rem3A_1171, %ne3A_1173 : vector<512x1xi32>
    %and3A_1175 = arith.andi %ne3A_1169, %ne3A_1174 : vector<512x1xi1>
    %sub3A_1176 = arith.constant 1 : i32
    %sub3A_1177 = vector.broadcast %sub3A_1176 : i32 to vector<512x1xi32>
    %sub3A_1178 = arith.subi %div3A_1151, %sub3A_1177 : vector<512x1xi32>
    %select_n3A_1179 = arith.select %and3A_1175, %sub3A_1178, %div3A_1151 : vector<512x1xi1>, vector<512x1xi32>
    %mul3A_1180 = arith.constant 128 : i32
    %mul3A_1181 = vector.broadcast %mul3A_1180 : i32 to vector<512x1xi32>
    %mul3A_1182 = arith.muli %select_n3A_1179, %mul3A_1181 : vector<512x1xi32>
    %add3A_1183 = vector.broadcast %mul3A_1182 : vector<512x1xi32> to vector<512x128xi32>
    %add3A_1184 = arith.addi %add3A_1183, %iota3A : vector<512x128xi32>
    %swap3A_1185 = arith.constant 0 : index
    %swap3A_1186 = arith.constant 2944 : index
    %swap3A_1187 = vector.load %arg5[%swap3A_1185, %swap3A_1186] : memref<512x4096xi32, #tpu.memory_space<vmem>>, vector<512x128xi32>
    tpu.vector_store %arg5[%swap3A_1185, %swap3A_1186], %add3A_1184 {strides = array<i32>} : memref<512x4096xi32, #tpu.memory_space<vmem>>, vector<512x128xi32>,
    %get3A_1188 = arith.constant 0 : index
    %get3A_1189 = arith.constant 24 : index
    %get3A_1190 = arith.constant 0 : index
    %get3A_1191 = vector.load %arg0[%get3A_1188, %get3A_1189, %get3A_1190] : memref<512x32x128xf32, #tpu.memory_space<vmem>>, vector<512x1x128xf32>
    %get3A_1192 = vector.shape_cast %get3A_1191 : vector<512x1x128xf32> to vector<512x128xf32>
    %swap3A_1193 = arith.constant 0 : index
    %swap3A_1194 = arith.constant 3072 : index
    %swap3A_1195 = vector.load %arg4[%swap3A_1193, %swap3A_1194] : memref<512x4096xf32, #tpu.memory_space<vmem>>, vector<512x128xf32>
    tpu.vector_store %arg4[%swap3A_1193, %swap3A_1194], %get3A_1192 {strides = array<i32>} : memref<512x4096xf32, #tpu.memory_space<vmem>>, vector<512x128xf32>,
    %get3A_1196 = arith.constant 0 : index
    %get3A_1197 = arith.constant 24 : index
    %get3A_1198 = vector.load %arg1[%get3A_1196, %get3A_1197] : memref<512x32xi32, #tpu.memory_space<vmem>>, vector<512x1xi32>
    %jit3A_1199 = arith.constant 512 : i32
    %div3A_1200 = vector.broadcast %jit3A_1199 : i32 to vector<512x1xi32>
    %div3A_1201 = arith.divsi %get3A_1198, %div3A_1200 : vector<512x1xi32>
    %sign3A_1202 = arith.constant 0 : i32
    %sign3A_1203 = vector.broadcast %sign3A_1202 : i32 to vector<512x1xi32>
    %sign3A_1204 = arith.cmpi sgt, %get3A_1198, %sign3A_1203 : vector<512x1xi32>
    %sign3A_1205 = arith.extui %sign3A_1204 : vector<512x1xi1> to vector<512x1xi32>
    %sign3A_1206 = arith.constant 0 : i32
    %sign3A_1207 = vector.broadcast %sign3A_1206 : i32 to vector<512x1xi32>
    %sign3A_1208 = arith.cmpi slt, %get3A_1198, %sign3A_1207 : vector<512x1xi32>
    %sign3A_1209 = arith.extui %sign3A_1208 : vector<512x1xi1> to vector<512x1xi32>
    %sign3A_1210 = arith.subi %sign3A_1205, %sign3A_1209 : vector<512x1xi32>
    %sign3A_1211 = arith.constant 0 : i32
    %sign3A_1212 = arith.cmpi sgt, %jit3A_1199, %sign3A_1211 : i32
    %sign3A_1213 = arith.extui %sign3A_1212 : i1 to i32
    %sign3A_1214 = arith.constant 0 : i32
    %sign3A_1215 = arith.cmpi slt, %jit3A_1199, %sign3A_1214 : i32
    %sign3A_1216 = arith.extui %sign3A_1215 : i1 to i32
    %sign3A_1217 = arith.subi %sign3A_1213, %sign3A_1216 : i32
    %ne3A_1218 = vector.broadcast %sign3A_1217 : i32 to vector<512x1xi32>
    %ne3A_1219 = arith.cmpi ne, %sign3A_1210, %ne3A_1218 : vector<512x1xi32>
    %rem3A_1220 = vector.broadcast %jit3A_1199 : i32 to vector<512x1xi32>
    %rem3A_1221 = arith.remsi %get3A_1198, %rem3A_1220 : vector<512x1xi32>
    %ne3A_1222 = arith.constant 0 : i32
    %ne3A_1223 = vector.broadcast %ne3A_1222 : i32 to vector<512x1xi32>
    %ne3A_1224 = arith.cmpi ne, %rem3A_1221, %ne3A_1223 : vector<512x1xi32>
    %and3A_1225 = arith.andi %ne3A_1219, %ne3A_1224 : vector<512x1xi1>
    %sub3A_1226 = arith.constant 1 : i32
    %sub3A_1227 = vector.broadcast %sub3A_1226 : i32 to vector<512x1xi32>
    %sub3A_1228 = arith.subi %div3A_1201, %sub3A_1227 : vector<512x1xi32>
    %select_n3A_1229 = arith.select %and3A_1225, %sub3A_1228, %div3A_1201 : vector<512x1xi1>, vector<512x1xi32>
    %mul3A_1230 = arith.constant 128 : i32
    %mul3A_1231 = vector.broadcast %mul3A_1230 : i32 to vector<512x1xi32>
    %mul3A_1232 = arith.muli %select_n3A_1229, %mul3A_1231 : vector<512x1xi32>
    %add3A_1233 = vector.broadcast %mul3A_1232 : vector<512x1xi32> to vector<512x128xi32>
    %add3A_1234 = arith.addi %add3A_1233, %iota3A : vector<512x128xi32>
    %swap3A_1235 = arith.constant 0 : index
    %swap3A_1236 = arith.constant 3072 : index
    %swap3A_1237 = vector.load %arg5[%swap3A_1235, %swap3A_1236] : memref<512x4096xi32, #tpu.memory_space<vmem>>, vector<512x128xi32>
    tpu.vector_store %arg5[%swap3A_1235, %swap3A_1236], %add3A_1234 {strides = array<i32>} : memref<512x4096xi32, #tpu.memory_space<vmem>>, vector<512x128xi32>,
    %get3A_1238 = arith.constant 0 : index
    %get3A_1239 = arith.constant 25 : index
    %get3A_1240 = arith.constant 0 : index
    %get3A_1241 = vector.load %arg0[%get3A_1238, %get3A_1239, %get3A_1240] : memref<512x32x128xf32, #tpu.memory_space<vmem>>, vector<512x1x128xf32>
    %get3A_1242 = vector.shape_cast %get3A_1241 : vector<512x1x128xf32> to vector<512x128xf32>
    %swap3A_1243 = arith.constant 0 : index
    %swap3A_1244 = arith.constant 3200 : index
    %swap3A_1245 = vector.load %arg4[%swap3A_1243, %swap3A_1244] : memref<512x4096xf32, #tpu.memory_space<vmem>>, vector<512x128xf32>
    tpu.vector_store %arg4[%swap3A_1243, %swap3A_1244], %get3A_1242 {strides = array<i32>} : memref<512x4096xf32, #tpu.memory_space<vmem>>, vector<512x128xf32>,
    %get3A_1246 = arith.constant 0 : index
    %get3A_1247 = arith.constant 25 : index
    %get3A_1248 = vector.load %arg1[%get3A_1246, %get3A_1247] : memref<512x32xi32, #tpu.memory_space<vmem>>, vector<512x1xi32>
    %jit3A_1249 = arith.constant 512 : i32
    %div3A_1250 = vector.broadcast %jit3A_1249 : i32 to vector<512x1xi32>
    %div3A_1251 = arith.divsi %get3A_1248, %div3A_1250 : vector<512x1xi32>
    %sign3A_1252 = arith.constant 0 : i32
    %sign3A_1253 = vector.broadcast %sign3A_1252 : i32 to vector<512x1xi32>
    %sign3A_1254 = arith.cmpi sgt, %get3A_1248, %sign3A_1253 : vector<512x1xi32>
    %sign3A_1255 = arith.extui %sign3A_1254 : vector<512x1xi1> to vector<512x1xi32>
    %sign3A_1256 = arith.constant 0 : i32
    %sign3A_1257 = vector.broadcast %sign3A_1256 : i32 to vector<512x1xi32>
    %sign3A_1258 = arith.cmpi slt, %get3A_1248, %sign3A_1257 : vector<512x1xi32>
    %sign3A_1259 = arith.extui %sign3A_1258 : vector<512x1xi1> to vector<512x1xi32>
    %sign3A_1260 = arith.subi %sign3A_1255, %sign3A_1259 : vector<512x1xi32>
    %sign3A_1261 = arith.constant 0 : i32
    %sign3A_1262 = arith.cmpi sgt, %jit3A_1249, %sign3A_1261 : i32
    %sign3A_1263 = arith.extui %sign3A_1262 : i1 to i32
    %sign3A_1264 = arith.constant 0 : i32
    %sign3A_1265 = arith.cmpi slt, %jit3A_1249, %sign3A_1264 : i32
    %sign3A_1266 = arith.extui %sign3A_1265 : i1 to i32
    %sign3A_1267 = arith.subi %sign3A_1263, %sign3A_1266 : i32
    %ne3A_1268 = vector.broadcast %sign3A_1267 : i32 to vector<512x1xi32>
    %ne3A_1269 = arith.cmpi ne, %sign3A_1260, %ne3A_1268 : vector<512x1xi32>
    %rem3A_1270 = vector.broadcast %jit3A_1249 : i32 to vector<512x1xi32>
    %rem3A_1271 = arith.remsi %get3A_1248, %rem3A_1270 : vector<512x1xi32>
    %ne3A_1272 = arith.constant 0 : i32
    %ne3A_1273 = vector.broadcast %ne3A_1272 : i32 to vector<512x1xi32>
    %ne3A_1274 = arith.cmpi ne, %rem3A_1271, %ne3A_1273 : vector<512x1xi32>
    %and3A_1275 = arith.andi %ne3A_1269, %ne3A_1274 : vector<512x1xi1>
    %sub3A_1276 = arith.constant 1 : i32
    %sub3A_1277 = vector.broadcast %sub3A_1276 : i32 to vector<512x1xi32>
    %sub3A_1278 = arith.subi %div3A_1251, %sub3A_1277 : vector<512x1xi32>
    %select_n3A_1279 = arith.select %and3A_1275, %sub3A_1278, %div3A_1251 : vector<512x1xi1>, vector<512x1xi32>
    %mul3A_1280 = arith.constant 128 : i32
    %mul3A_1281 = vector.broadcast %mul3A_1280 : i32 to vector<512x1xi32>
    %mul3A_1282 = arith.muli %select_n3A_1279, %mul3A_1281 : vector<512x1xi32>
    %add3A_1283 = vector.broadcast %mul3A_1282 : vector<512x1xi32> to vector<512x128xi32>
    %add3A_1284 = arith.addi %add3A_1283, %iota3A : vector<512x128xi32>
    %swap3A_1285 = arith.constant 0 : index
    %swap3A_1286 = arith.constant 3200 : index
    %swap3A_1287 = vector.load %arg5[%swap3A_1285, %swap3A_1286] : memref<512x4096xi32, #tpu.memory_space<vmem>>, vector<512x128xi32>
    tpu.vector_store %arg5[%swap3A_1285, %swap3A_1286], %add3A_1284 {strides = array<i32>} : memref<512x4096xi32, #tpu.memory_space<vmem>>, vector<512x128xi32>,
    %get3A_1288 = arith.constant 0 : index
    %get3A_1289 = arith.constant 26 : index
    %get3A_1290 = arith.constant 0 : index
    %get3A_1291 = vector.load %arg0[%get3A_1288, %get3A_1289, %get3A_1290] : memref<512x32x128xf32, #tpu.memory_space<vmem>>, vector<512x1x128xf32>
    %get3A_1292 = vector.shape_cast %get3A_1291 : vector<512x1x128xf32> to vector<512x128xf32>
    %swap3A_1293 = arith.constant 0 : index
    %swap3A_1294 = arith.constant 3328 : index
    %swap3A_1295 = vector.load %arg4[%swap3A_1293, %swap3A_1294] : memref<512x4096xf32, #tpu.memory_space<vmem>>, vector<512x128xf32>
    tpu.vector_store %arg4[%swap3A_1293, %swap3A_1294], %get3A_1292 {strides = array<i32>} : memref<512x4096xf32, #tpu.memory_space<vmem>>, vector<512x128xf32>,
    %get3A_1296 = arith.constant 0 : index
    %get3A_1297 = arith.constant 26 : index
    %get3A_1298 = vector.load %arg1[%get3A_1296, %get3A_1297] : memref<512x32xi32, #tpu.memory_space<vmem>>, vector<512x1xi32>
    %jit3A_1299 = arith.constant 512 : i32
    %div3A_1300 = vector.broadcast %jit3A_1299 : i32 to vector<512x1xi32>
    %div3A_1301 = arith.divsi %get3A_1298, %div3A_1300 : vector<512x1xi32>
    %sign3A_1302 = arith.constant 0 : i32
    %sign3A_1303 = vector.broadcast %sign3A_1302 : i32 to vector<512x1xi32>
    %sign3A_1304 = arith.cmpi sgt, %get3A_1298, %sign3A_1303 : vector<512x1xi32>
    %sign3A_1305 = arith.extui %sign3A_1304 : vector<512x1xi1> to vector<512x1xi32>
    %sign3A_1306 = arith.constant 0 : i32
    %sign3A_1307 = vector.broadcast %sign3A_1306 : i32 to vector<512x1xi32>
    %sign3A_1308 = arith.cmpi slt, %get3A_1298, %sign3A_1307 : vector<512x1xi32>
    %sign3A_1309 = arith.extui %sign3A_1308 : vector<512x1xi1> to vector<512x1xi32>
    %sign3A_1310 = arith.subi %sign3A_1305, %sign3A_1309 : vector<512x1xi32>
    %sign3A_1311 = arith.constant 0 : i32
    %sign3A_1312 = arith.cmpi sgt, %jit3A_1299, %sign3A_1311 : i32
    %sign3A_1313 = arith.extui %sign3A_1312 : i1 to i32
    %sign3A_1314 = arith.constant 0 : i32
    %sign3A_1315 = arith.cmpi slt, %jit3A_1299, %sign3A_1314 : i32
    %sign3A_1316 = arith.extui %sign3A_1315 : i1 to i32
    %sign3A_1317 = arith.subi %sign3A_1313, %sign3A_1316 : i32
    %ne3A_1318 = vector.broadcast %sign3A_1317 : i32 to vector<512x1xi32>
    %ne3A_1319 = arith.cmpi ne, %sign3A_1310, %ne3A_1318 : vector<512x1xi32>
    %rem3A_1320 = vector.broadcast %jit3A_1299 : i32 to vector<512x1xi32>
    %rem3A_1321 = arith.remsi %get3A_1298, %rem3A_1320 : vector<512x1xi32>
    %ne3A_1322 = arith.constant 0 : i32
    %ne3A_1323 = vector.broadcast %ne3A_1322 : i32 to vector<512x1xi32>
    %ne3A_1324 = arith.cmpi ne, %rem3A_1321, %ne3A_1323 : vector<512x1xi32>
    %and3A_1325 = arith.andi %ne3A_1319, %ne3A_1324 : vector<512x1xi1>
    %sub3A_1326 = arith.constant 1 : i32
    %sub3A_1327 = vector.broadcast %sub3A_1326 : i32 to vector<512x1xi32>
    %sub3A_1328 = arith.subi %div3A_1301, %sub3A_1327 : vector<512x1xi32>
    %select_n3A_1329 = arith.select %and3A_1325, %sub3A_1328, %div3A_1301 : vector<512x1xi1>, vector<512x1xi32>
    %mul3A_1330 = arith.constant 128 : i32
    %mul3A_1331 = vector.broadcast %mul3A_1330 : i32 to vector<512x1xi32>
    %mul3A_1332 = arith.muli %select_n3A_1329, %mul3A_1331 : vector<512x1xi32>
    %add3A_1333 = vector.broadcast %mul3A_1332 : vector<512x1xi32> to vector<512x128xi32>
    %add3A_1334 = arith.addi %add3A_1333, %iota3A : vector<512x128xi32>
    %swap3A_1335 = arith.constant 0 : index
    %swap3A_1336 = arith.constant 3328 : index
    %swap3A_1337 = vector.load %arg5[%swap3A_1335, %swap3A_1336] : memref<512x4096xi32, #tpu.memory_space<vmem>>, vector<512x128xi32>
    tpu.vector_store %arg5[%swap3A_1335, %swap3A_1336], %add3A_1334 {strides = array<i32>} : memref<512x4096xi32, #tpu.memory_space<vmem>>, vector<512x128xi32>,
    %get3A_1338 = arith.constant 0 : index
    %get3A_1339 = arith.constant 27 : index
    %get3A_1340 = arith.constant 0 : index
    %get3A_1341 = vector.load %arg0[%get3A_1338, %get3A_1339, %get3A_1340] : memref<512x32x128xf32, #tpu.memory_space<vmem>>, vector<512x1x128xf32>
    %get3A_1342 = vector.shape_cast %get3A_1341 : vector<512x1x128xf32> to vector<512x128xf32>
    %swap3A_1343 = arith.constant 0 : index
    %swap3A_1344 = arith.constant 3456 : index
    %swap3A_1345 = vector.load %arg4[%swap3A_1343, %swap3A_1344] : memref<512x4096xf32, #tpu.memory_space<vmem>>, vector<512x128xf32>
    tpu.vector_store %arg4[%swap3A_1343, %swap3A_1344], %get3A_1342 {strides = array<i32>} : memref<512x4096xf32, #tpu.memory_space<vmem>>, vector<512x128xf32>,
    %get3A_1346 = arith.constant 0 : index
    %get3A_1347 = arith.constant 27 : index
    %get3A_1348 = vector.load %arg1[%get3A_1346, %get3A_1347] : memref<512x32xi32, #tpu.memory_space<vmem>>, vector<512x1xi32>
    %jit3A_1349 = arith.constant 512 : i32
    %div3A_1350 = vector.broadcast %jit3A_1349 : i32 to vector<512x1xi32>
    %div3A_1351 = arith.divsi %get3A_1348, %div3A_1350 : vector<512x1xi32>
    %sign3A_1352 = arith.constant 0 : i32
    %sign3A_1353 = vector.broadcast %sign3A_1352 : i32 to vector<512x1xi32>
    %sign3A_1354 = arith.cmpi sgt, %get3A_1348, %sign3A_1353 : vector<512x1xi32>
    %sign3A_1355 = arith.extui %sign3A_1354 : vector<512x1xi1> to vector<512x1xi32>
    %sign3A_1356 = arith.constant 0 : i32
    %sign3A_1357 = vector.broadcast %sign3A_1356 : i32 to vector<512x1xi32>
    %sign3A_1358 = arith.cmpi slt, %get3A_1348, %sign3A_1357 : vector<512x1xi32>
    %sign3A_1359 = arith.extui %sign3A_1358 : vector<512x1xi1> to vector<512x1xi32>
    %sign3A_1360 = arith.subi %sign3A_1355, %sign3A_1359 : vector<512x1xi32>
    %sign3A_1361 = arith.constant 0 : i32
    %sign3A_1362 = arith.cmpi sgt, %jit3A_1349, %sign3A_1361 : i32
    %sign3A_1363 = arith.extui %sign3A_1362 : i1 to i32
    %sign3A_1364 = arith.constant 0 : i32
    %sign3A_1365 = arith.cmpi slt, %jit3A_1349, %sign3A_1364 : i32
    %sign3A_1366 = arith.extui %sign3A_1365 : i1 to i32
    %sign3A_1367 = arith.subi %sign3A_1363, %sign3A_1366 : i32
    %ne3A_1368 = vector.broadcast %sign3A_1367 : i32 to vector<512x1xi32>
    %ne3A_1369 = arith.cmpi ne, %sign3A_1360, %ne3A_1368 : vector<512x1xi32>
    %rem3A_1370 = vector.broadcast %jit3A_1349 : i32 to vector<512x1xi32>
    %rem3A_1371 = arith.remsi %get3A_1348, %rem3A_1370 : vector<512x1xi32>
    %ne3A_1372 = arith.constant 0 : i32
    %ne3A_1373 = vector.broadcast %ne3A_1372 : i32 to vector<512x1xi32>
    %ne3A_1374 = arith.cmpi ne, %rem3A_1371, %ne3A_1373 : vector<512x1xi32>
    %and3A_1375 = arith.andi %ne3A_1369, %ne3A_1374 : vector<512x1xi1>
    %sub3A_1376 = arith.constant 1 : i32
    %sub3A_1377 = vector.broadcast %sub3A_1376 : i32 to vector<512x1xi32>
    %sub3A_1378 = arith.subi %div3A_1351, %sub3A_1377 : vector<512x1xi32>
    %select_n3A_1379 = arith.select %and3A_1375, %sub3A_1378, %div3A_1351 : vector<512x1xi1>, vector<512x1xi32>
    %mul3A_1380 = arith.constant 128 : i32
    %mul3A_1381 = vector.broadcast %mul3A_1380 : i32 to vector<512x1xi32>
    %mul3A_1382 = arith.muli %select_n3A_1379, %mul3A_1381 : vector<512x1xi32>
    %add3A_1383 = vector.broadcast %mul3A_1382 : vector<512x1xi32> to vector<512x128xi32>
    %add3A_1384 = arith.addi %add3A_1383, %iota3A : vector<512x128xi32>
    %swap3A_1385 = arith.constant 0 : index
    %swap3A_1386 = arith.constant 3456 : index
    %swap3A_1387 = vector.load %arg5[%swap3A_1385, %swap3A_1386] : memref<512x4096xi32, #tpu.memory_space<vmem>>, vector<512x128xi32>
    tpu.vector_store %arg5[%swap3A_1385, %swap3A_1386], %add3A_1384 {strides = array<i32>} : memref<512x4096xi32, #tpu.memory_space<vmem>>, vector<512x128xi32>,
    %get3A_1388 = arith.constant 0 : index
    %get3A_1389 = arith.constant 28 : index
    %get3A_1390 = arith.constant 0 : index
    %get3A_1391 = vector.load %arg0[%get3A_1388, %get3A_1389, %get3A_1390] : memref<512x32x128xf32, #tpu.memory_space<vmem>>, vector<512x1x128xf32>
    %get3A_1392 = vector.shape_cast %get3A_1391 : vector<512x1x128xf32> to vector<512x128xf32>
    %swap3A_1393 = arith.constant 0 : index
    %swap3A_1394 = arith.constant 3584 : index
    %swap3A_1395 = vector.load %arg4[%swap3A_1393, %swap3A_1394] : memref<512x4096xf32, #tpu.memory_space<vmem>>, vector<512x128xf32>
    tpu.vector_store %arg4[%swap3A_1393, %swap3A_1394], %get3A_1392 {strides = array<i32>} : memref<512x4096xf32, #tpu.memory_space<vmem>>, vector<512x128xf32>,
    %get3A_1396 = arith.constant 0 : index
    %get3A_1397 = arith.constant 28 : index
    %get3A_1398 = vector.load %arg1[%get3A_1396, %get3A_1397] : memref<512x32xi32, #tpu.memory_space<vmem>>, vector<512x1xi32>
    %jit3A_1399 = arith.constant 512 : i32
    %div3A_1400 = vector.broadcast %jit3A_1399 : i32 to vector<512x1xi32>
    %div3A_1401 = arith.divsi %get3A_1398, %div3A_1400 : vector<512x1xi32>
    %sign3A_1402 = arith.constant 0 : i32
    %sign3A_1403 = vector.broadcast %sign3A_1402 : i32 to vector<512x1xi32>
    %sign3A_1404 = arith.cmpi sgt, %get3A_1398, %sign3A_1403 : vector<512x1xi32>
    %sign3A_1405 = arith.extui %sign3A_1404 : vector<512x1xi1> to vector<512x1xi32>
    %sign3A_1406 = arith.constant 0 : i32
    %sign3A_1407 = vector.broadcast %sign3A_1406 : i32 to vector<512x1xi32>
    %sign3A_1408 = arith.cmpi slt, %get3A_1398, %sign3A_1407 : vector<512x1xi32>
    %sign3A_1409 = arith.extui %sign3A_1408 : vector<512x1xi1> to vector<512x1xi32>
    %sign3A_1410 = arith.subi %sign3A_1405, %sign3A_1409 : vector<512x1xi32>
    %sign3A_1411 = arith.constant 0 : i32
    %sign3A_1412 = arith.cmpi sgt, %jit3A_1399, %sign3A_1411 : i32
    %sign3A_1413 = arith.extui %sign3A_1412 : i1 to i32
    %sign3A_1414 = arith.constant 0 : i32
    %sign3A_1415 = arith.cmpi slt, %jit3A_1399, %sign3A_1414 : i32
    %sign3A_1416 = arith.extui %sign3A_1415 : i1 to i32
    %sign3A_1417 = arith.subi %sign3A_1413, %sign3A_1416 : i32
    %ne3A_1418 = vector.broadcast %sign3A_1417 : i32 to vector<512x1xi32>
    %ne3A_1419 = arith.cmpi ne, %sign3A_1410, %ne3A_1418 : vector<512x1xi32>
    %rem3A_1420 = vector.broadcast %jit3A_1399 : i32 to vector<512x1xi32>
    %rem3A_1421 = arith.remsi %get3A_1398, %rem3A_1420 : vector<512x1xi32>
    %ne3A_1422 = arith.constant 0 : i32
    %ne3A_1423 = vector.broadcast %ne3A_1422 : i32 to vector<512x1xi32>
    %ne3A_1424 = arith.cmpi ne, %rem3A_1421, %ne3A_1423 : vector<512x1xi32>
    %and3A_1425 = arith.andi %ne3A_1419, %ne3A_1424 : vector<512x1xi1>
    %sub3A_1426 = arith.constant 1 : i32
    %sub3A_1427 = vector.broadcast %sub3A_1426 : i32 to vector<512x1xi32>
    %sub3A_1428 = arith.subi %div3A_1401, %sub3A_1427 : vector<512x1xi32>
    %select_n3A_1429 = arith.select %and3A_1425, %sub3A_1428, %div3A_1401 : vector<512x1xi1>, vector<512x1xi32>
    %mul3A_1430 = arith.constant 128 : i32
    %mul3A_1431 = vector.broadcast %mul3A_1430 : i32 to vector<512x1xi32>
    %mul3A_1432 = arith.muli %select_n3A_1429, %mul3A_1431 : vector<512x1xi32>
    %add3A_1433 = vector.broadcast %mul3A_1432 : vector<512x1xi32> to vector<512x128xi32>
    %add3A_1434 = arith.addi %add3A_1433, %iota3A : vector<512x128xi32>
    %swap3A_1435 = arith.constant 0 : index
    %swap3A_1436 = arith.constant 3584 : index
    %swap3A_1437 = vector.load %arg5[%swap3A_1435, %swap3A_1436] : memref<512x4096xi32, #tpu.memory_space<vmem>>, vector<512x128xi32>
    tpu.vector_store %arg5[%swap3A_1435, %swap3A_1436], %add3A_1434 {strides = array<i32>} : memref<512x4096xi32, #tpu.memory_space<vmem>>, vector<512x128xi32>,
    %get3A_1438 = arith.constant 0 : index
    %get3A_1439 = arith.constant 29 : index
    %get3A_1440 = arith.constant 0 : index
    %get3A_1441 = vector.load %arg0[%get3A_1438, %get3A_1439, %get3A_1440] : memref<512x32x128xf32, #tpu.memory_space<vmem>>, vector<512x1x128xf32>
    %get3A_1442 = vector.shape_cast %get3A_1441 : vector<512x1x128xf32> to vector<512x128xf32>
    %swap3A_1443 = arith.constant 0 : index
    %swap3A_1444 = arith.constant 3712 : index
    %swap3A_1445 = vector.load %arg4[%swap3A_1443, %swap3A_1444] : memref<512x4096xf32, #tpu.memory_space<vmem>>, vector<512x128xf32>
    tpu.vector_store %arg4[%swap3A_1443, %swap3A_1444], %get3A_1442 {strides = array<i32>} : memref<512x4096xf32, #tpu.memory_space<vmem>>, vector<512x128xf32>,
    %get3A_1446 = arith.constant 0 : index
    %get3A_1447 = arith.constant 29 : index
    %get3A_1448 = vector.load %arg1[%get3A_1446, %get3A_1447] : memref<512x32xi32, #tpu.memory_space<vmem>>, vector<512x1xi32>
    %jit3A_1449 = arith.constant 512 : i32
    %div3A_1450 = vector.broadcast %jit3A_1449 : i32 to vector<512x1xi32>
    %div3A_1451 = arith.divsi %get3A_1448, %div3A_1450 : vector<512x1xi32>
    %sign3A_1452 = arith.constant 0 : i32
    %sign3A_1453 = vector.broadcast %sign3A_1452 : i32 to vector<512x1xi32>
    %sign3A_1454 = arith.cmpi sgt, %get3A_1448, %sign3A_1453 : vector<512x1xi32>
    %sign3A_1455 = arith.extui %sign3A_1454 : vector<512x1xi1> to vector<512x1xi32>
    %sign3A_1456 = arith.constant 0 : i32
    %sign3A_1457 = vector.broadcast %sign3A_1456 : i32 to vector<512x1xi32>
    %sign3A_1458 = arith.cmpi slt, %get3A_1448, %sign3A_1457 : vector<512x1xi32>
    %sign3A_1459 = arith.extui %sign3A_1458 : vector<512x1xi1> to vector<512x1xi32>
    %sign3A_1460 = arith.subi %sign3A_1455, %sign3A_1459 : vector<512x1xi32>
    %sign3A_1461 = arith.constant 0 : i32
    %sign3A_1462 = arith.cmpi sgt, %jit3A_1449, %sign3A_1461 : i32
    %sign3A_1463 = arith.extui %sign3A_1462 : i1 to i32
    %sign3A_1464 = arith.constant 0 : i32
    %sign3A_1465 = arith.cmpi slt, %jit3A_1449, %sign3A_1464 : i32
    %sign3A_1466 = arith.extui %sign3A_1465 : i1 to i32
    %sign3A_1467 = arith.subi %sign3A_1463, %sign3A_1466 : i32
    %ne3A_1468 = vector.broadcast %sign3A_1467 : i32 to vector<512x1xi32>
    %ne3A_1469 = arith.cmpi ne, %sign3A_1460, %ne3A_1468 : vector<512x1xi32>
    %rem3A_1470 = vector.broadcast %jit3A_1449 : i32 to vector<512x1xi32>
    %rem3A_1471 = arith.remsi %get3A_1448, %rem3A_1470 : vector<512x1xi32>
    %ne3A_1472 = arith.constant 0 : i32
    %ne3A_1473 = vector.broadcast %ne3A_1472 : i32 to vector<512x1xi32>
    %ne3A_1474 = arith.cmpi ne, %rem3A_1471, %ne3A_1473 : vector<512x1xi32>
    %and3A_1475 = arith.andi %ne3A_1469, %ne3A_1474 : vector<512x1xi1>
    %sub3A_1476 = arith.constant 1 : i32
    %sub3A_1477 = vector.broadcast %sub3A_1476 : i32 to vector<512x1xi32>
    %sub3A_1478 = arith.subi %div3A_1451, %sub3A_1477 : vector<512x1xi32>
    %select_n3A_1479 = arith.select %and3A_1475, %sub3A_1478, %div3A_1451 : vector<512x1xi1>, vector<512x1xi32>
    %mul3A_1480 = arith.constant 128 : i32
    %mul3A_1481 = vector.broadcast %mul3A_1480 : i32 to vector<512x1xi32>
    %mul3A_1482 = arith.muli %select_n3A_1479, %mul3A_1481 : vector<512x1xi32>
    %add3A_1483 = vector.broadcast %mul3A_1482 : vector<512x1xi32> to vector<512x128xi32>
    %add3A_1484 = arith.addi %add3A_1483, %iota3A : vector<512x128xi32>
    %swap3A_1485 = arith.constant 0 : index
    %swap3A_1486 = arith.constant 3712 : index
    %swap3A_1487 = vector.load %arg5[%swap3A_1485, %swap3A_1486] : memref<512x4096xi32, #tpu.memory_space<vmem>>, vector<512x128xi32>
    tpu.vector_store %arg5[%swap3A_1485, %swap3A_1486], %add3A_1484 {strides = array<i32>} : memref<512x4096xi32, #tpu.memory_space<vmem>>, vector<512x128xi32>,
    %get3A_1488 = arith.constant 0 : index
    %get3A_1489 = arith.constant 30 : index
    %get3A_1490 = arith.constant 0 : index
    %get3A_1491 = vector.load %arg0[%get3A_1488, %get3A_1489, %get3A_1490] : memref<512x32x128xf32, #tpu.memory_space<vmem>>, vector<512x1x128xf32>
    %get3A_1492 = vector.shape_cast %get3A_1491 : vector<512x1x128xf32> to vector<512x128xf32>
    %swap3A_1493 = arith.constant 0 : index
    %swap3A_1494 = arith.constant 3840 : index
    %swap3A_1495 = vector.load %arg4[%swap3A_1493, %swap3A_1494] : memref<512x4096xf32, #tpu.memory_space<vmem>>, vector<512x128xf32>
    tpu.vector_store %arg4[%swap3A_1493, %swap3A_1494], %get3A_1492 {strides = array<i32>} : memref<512x4096xf32, #tpu.memory_space<vmem>>, vector<512x128xf32>,
    %get3A_1496 = arith.constant 0 : index
    %get3A_1497 = arith.constant 30 : index
    %get3A_1498 = vector.load %arg1[%get3A_1496, %get3A_1497] : memref<512x32xi32, #tpu.memory_space<vmem>>, vector<512x1xi32>
    %jit3A_1499 = arith.constant 512 : i32
    %div3A_1500 = vector.broadcast %jit3A_1499 : i32 to vector<512x1xi32>
    %div3A_1501 = arith.divsi %get3A_1498, %div3A_1500 : vector<512x1xi32>
    %sign3A_1502 = arith.constant 0 : i32
    %sign3A_1503 = vector.broadcast %sign3A_1502 : i32 to vector<512x1xi32>
    %sign3A_1504 = arith.cmpi sgt, %get3A_1498, %sign3A_1503 : vector<512x1xi32>
    %sign3A_1505 = arith.extui %sign3A_1504 : vector<512x1xi1> to vector<512x1xi32>
    %sign3A_1506 = arith.constant 0 : i32
    %sign3A_1507 = vector.broadcast %sign3A_1506 : i32 to vector<512x1xi32>
    %sign3A_1508 = arith.cmpi slt, %get3A_1498, %sign3A_1507 : vector<512x1xi32>
    %sign3A_1509 = arith.extui %sign3A_1508 : vector<512x1xi1> to vector<512x1xi32>
    %sign3A_1510 = arith.subi %sign3A_1505, %sign3A_1509 : vector<512x1xi32>
    %sign3A_1511 = arith.constant 0 : i32
    %sign3A_1512 = arith.cmpi sgt, %jit3A_1499, %sign3A_1511 : i32
    %sign3A_1513 = arith.extui %sign3A_1512 : i1 to i32
    %sign3A_1514 = arith.constant 0 : i32
    %sign3A_1515 = arith.cmpi slt, %jit3A_1499, %sign3A_1514 : i32
    %sign3A_1516 = arith.extui %sign3A_1515 : i1 to i32
    %sign3A_1517 = arith.subi %sign3A_1513, %sign3A_1516 : i32
    %ne3A_1518 = vector.broadcast %sign3A_1517 : i32 to vector<512x1xi32>
    %ne3A_1519 = arith.cmpi ne, %sign3A_1510, %ne3A_1518 : vector<512x1xi32>
    %rem3A_1520 = vector.broadcast %jit3A_1499 : i32 to vector<512x1xi32>
    %rem3A_1521 = arith.remsi %get3A_1498, %rem3A_1520 : vector<512x1xi32>
    %ne3A_1522 = arith.constant 0 : i32
    %ne3A_1523 = vector.broadcast %ne3A_1522 : i32 to vector<512x1xi32>
    %ne3A_1524 = arith.cmpi ne, %rem3A_1521, %ne3A_1523 : vector<512x1xi32>
    %and3A_1525 = arith.andi %ne3A_1519, %ne3A_1524 : vector<512x1xi1>
    %sub3A_1526 = arith.constant 1 : i32
    %sub3A_1527 = vector.broadcast %sub3A_1526 : i32 to vector<512x1xi32>
    %sub3A_1528 = arith.subi %div3A_1501, %sub3A_1527 : vector<512x1xi32>
    %select_n3A_1529 = arith.select %and3A_1525, %sub3A_1528, %div3A_1501 : vector<512x1xi1>, vector<512x1xi32>
    %mul3A_1530 = arith.constant 128 : i32
    %mul3A_1531 = vector.broadcast %mul3A_1530 : i32 to vector<512x1xi32>
    %mul3A_1532 = arith.muli %select_n3A_1529, %mul3A_1531 : vector<512x1xi32>
    %add3A_1533 = vector.broadcast %mul3A_1532 : vector<512x1xi32> to vector<512x128xi32>
    %add3A_1534 = arith.addi %add3A_1533, %iota3A : vector<512x128xi32>
    %swap3A_1535 = arith.constant 0 : index
    %swap3A_1536 = arith.constant 3840 : index
    %swap3A_1537 = vector.load %arg5[%swap3A_1535, %swap3A_1536] : memref<512x4096xi32, #tpu.memory_space<vmem>>, vector<512x128xi32>
    tpu.vector_store %arg5[%swap3A_1535, %swap3A_1536], %add3A_1534 {strides = array<i32>} : memref<512x4096xi32, #tpu.memory_space<vmem>>, vector<512x128xi32>,
    %get3A_1538 = arith.constant 0 : index
    %get3A_1539 = arith.constant 31 : index
    %get3A_1540 = arith.constant 0 : index
    %get3A_1541 = vector.load %arg0[%get3A_1538, %get3A_1539, %get3A_1540] : memref<512x32x128xf32, #tpu.memory_space<vmem>>, vector<512x1x128xf32>
    %get3A_1542 = vector.shape_cast %get3A_1541 : vector<512x1x128xf32> to vector<512x128xf32>
    %swap3A_1543 = arith.constant 0 : index
    %swap3A_1544 = arith.constant 3968 : index
    %swap3A_1545 = vector.load %arg4[%swap3A_1543, %swap3A_1544] : memref<512x4096xf32, #tpu.memory_space<vmem>>, vector<512x128xf32>
    tpu.vector_store %arg4[%swap3A_1543, %swap3A_1544], %get3A_1542 {strides = array<i32>} : memref<512x4096xf32, #tpu.memory_space<vmem>>, vector<512x128xf32>,
    %get3A_1546 = arith.constant 0 : index
    %get3A_1547 = arith.constant 31 : index
    %get3A_1548 = vector.load %arg1[%get3A_1546, %get3A_1547] : memref<512x32xi32, #tpu.memory_space<vmem>>, vector<512x1xi32>
    %jit3A_1549 = arith.constant 512 : i32
    %div3A_1550 = vector.broadcast %jit3A_1549 : i32 to vector<512x1xi32>
    %div3A_1551 = arith.divsi %get3A_1548, %div3A_1550 : vector<512x1xi32>
    %sign3A_1552 = arith.constant 0 : i32
    %sign3A_1553 = vector.broadcast %sign3A_1552 : i32 to vector<512x1xi32>
    %sign3A_1554 = arith.cmpi sgt, %get3A_1548, %sign3A_1553 : vector<512x1xi32>
    %sign3A_1555 = arith.extui %sign3A_1554 : vector<512x1xi1> to vector<512x1xi32>
    %sign3A_1556 = arith.constant 0 : i32
    %sign3A_1557 = vector.broadcast %sign3A_1556 : i32 to vector<512x1xi32>
    %sign3A_1558 = arith.cmpi slt, %get3A_1548, %sign3A_1557 : vector<512x1xi32>
    %sign3A_1559 = arith.extui %sign3A_1558 : vector<512x1xi1> to vector<512x1xi32>
    %sign3A_1560 = arith.subi %sign3A_1555, %sign3A_1559 : vector<512x1xi32>
    %sign3A_1561 = arith.constant 0 : i32
    %sign3A_1562 = arith.cmpi sgt, %jit3A_1549, %sign3A_1561 : i32
    %sign3A_1563 = arith.extui %sign3A_1562 : i1 to i32
    %sign3A_1564 = arith.constant 0 : i32
    %sign3A_1565 = arith.cmpi slt, %jit3A_1549, %sign3A_1564 : i32
    %sign3A_1566 = arith.extui %sign3A_1565 : i1 to i32
    %sign3A_1567 = arith.subi %sign3A_1563, %sign3A_1566 : i32
    %ne3A_1568 = vector.broadcast %sign3A_1567 : i32 to vector<512x1xi32>
    %ne3A_1569 = arith.cmpi ne, %sign3A_1560, %ne3A_1568 : vector<512x1xi32>
    %rem3A_1570 = vector.broadcast %jit3A_1549 : i32 to vector<512x1xi32>
    %rem3A_1571 = arith.remsi %get3A_1548, %rem3A_1570 : vector<512x1xi32>
    %ne3A_1572 = arith.constant 0 : i32
    %ne3A_1573 = vector.broadcast %ne3A_1572 : i32 to vector<512x1xi32>
    %ne3A_1574 = arith.cmpi ne, %rem3A_1571, %ne3A_1573 : vector<512x1xi32>
    %and3A_1575 = arith.andi %ne3A_1569, %ne3A_1574 : vector<512x1xi1>
    %sub3A_1576 = arith.constant 1 : i32
    %sub3A_1577 = vector.broadcast %sub3A_1576 : i32 to vector<512x1xi32>
    %sub3A_1578 = arith.subi %div3A_1551, %sub3A_1577 : vector<512x1xi32>
    %select_n3A_1579 = arith.select %and3A_1575, %sub3A_1578, %div3A_1551 : vector<512x1xi1>, vector<512x1xi32>
    %mul3A_1580 = arith.constant 128 : i32
    %mul3A_1581 = vector.broadcast %mul3A_1580 : i32 to vector<512x1xi32>
    %mul3A_1582 = arith.muli %select_n3A_1579, %mul3A_1581 : vector<512x1xi32>
    %add3A_1583 = vector.broadcast %mul3A_1582 : vector<512x1xi32> to vector<512x128xi32>
    %add3A_1584 = arith.addi %add3A_1583, %iota3A : vector<512x128xi32>
    %swap3A_1585 = arith.constant 0 : index
    %swap3A_1586 = arith.constant 3968 : index
    %swap3A_1587 = vector.load %arg5[%swap3A_1585, %swap3A_1586] : memref<512x4096xi32, #tpu.memory_space<vmem>>, vector<512x128xi32>
    tpu.vector_store %arg5[%swap3A_1585, %swap3A_1586], %add3A_1584 {strides = array<i32>} : memref<512x4096xi32, #tpu.memory_space<vmem>>, vector<512x128xi32>,
    %iota3A_1588 = tpu.iota {dimensions = array<i32: 1>} : vector<512x32xi32>
    %scan3A = arith.constant 1073741824 : i32
    %scan3A_1589 = arith.constant 0 : i32
    %scan3A_1590 = arith.constant 8 : i32
    %scan3A_1591 = arith.addi %scan3A_1589, %scan3A_1590 : i32
    %scan3A_1592 = arith.constant 1 : i32
    scf.for %scan3A_1612 = %scan3A_1589 to %scan3A_1591 step %scan3A_1592  : i32 {
      %get3A_1613 = arith.constant 0 : index
      %get3A_1614 = arith.constant 0 : index
      %get3A_1615 = vector.load %arg4[%get3A_1613, %get3A_1614] : memref<512x4096xf32, #tpu.memory_space<vmem>>, vector<512x1024xf32>
      %get3A_1616 = arith.constant 0 : index
      %get3A_1617 = arith.constant 0 : index
      %get3A_1618 = vector.load %arg5[%get3A_1616, %get3A_1617] : memref<512x4096xi32, #tpu.memory_space<vmem>>, vector<512x1024xi32>
      %reduce_max3A = arith.constant dense<0xFF800000> : vector<512xf32>
      %reduce_max3A_1619 = vector.multi_reduction <maximumf>, %get3A_1615, %reduce_max3A [1] : vector<512x1024xf32> to vector<512xf32>
      %broadcast_in_dim3A = vector.shape_cast %reduce_max3A_1619 : vector<512xf32> to vector<512x1xf32>
      %eq3A = vector.broadcast %broadcast_in_dim3A : vector<512x1xf32> to vector<512x1024xf32>
      %eq3A_1620 = arith.cmpf oeq, %get3A_1615, %eq3A : vector<512x1024xf32>
      %broadcast_in_dim3A_1621 = vector.broadcast %scan3A : i32 to vector<512x1024xi32>
      %select_n3A_1622 = arith.select %eq3A_1620, %get3A_1618, %broadcast_in_dim3A_1621 : vector<512x1024xi1>, vector<512x1024xi32>
      %reduce_min3A = arith.constant dense<2147483647> : vector<512xi32>
      %reduce_min3A_1623 = vector.multi_reduction <minsi>, %select_n3A_1622, %reduce_min3A [1] : vector<512x1024xi32> to vector<512xi32>
      %broadcast_in_dim3A_1624 = vector.shape_cast %reduce_min3A_1623 : vector<512xi32> to vector<512x1xi32>
      %eq3A_1625 = vector.broadcast %scan3A_1612 : i32 to vector<512x32xi32>
      %eq3A_1626 = arith.cmpi eq, %iota3A_1588, %eq3A_1625 : vector<512x32xi32>
      %get3A_1627 = arith.constant 0 : index
      %get3A_1628 = arith.constant 0 : index
      %get3A_1629 = vector.load %arg2[%get3A_1627, %get3A_1628] : memref<512x32xf32, #tpu.memory_space<vmem>>, vector<512x32xf32>
      %broadcast_in_dim3A_1630 = vector.shape_cast %broadcast_in_dim3A : vector<512x1xf32> to vector<512x1xf32>
      %broadcast_in_dim3A_1631 = vector.broadcast %broadcast_in_dim3A_1630 : vector<512x1xf32> to vector<512x32xf32>
      %select_n3A_1632 = arith.select %eq3A_1626, %broadcast_in_dim3A_1631, %get3A_1629 : vector<512x32xi1>, vector<512x32xf32>
      %swap3A_1633 = arith.constant 0 : index
      %swap3A_1634 = arith.constant 0 : index
      %swap3A_1635 = vector.load %arg2[%swap3A_1633, %swap3A_1634] : memref<512x32xf32, #tpu.memory_space<vmem>>, vector<512x32xf32>
      tpu.vector_store %arg2[%swap3A_1633, %swap3A_1634], %select_n3A_1632 {strides = array<i32>} : memref<512x32xf32, #tpu.memory_space<vmem>>, vector<512x32xf32>,
      %eq3A_1636 = vector.broadcast %scan3A_1612 : i32 to vector<512x32xi32>
      %eq3A_1637 = arith.cmpi eq, %iota3A_1588, %eq3A_1636 : vector<512x32xi32>
      %get3A_1638 = arith.constant 0 : index
      %get3A_1639 = arith.constant 0 : index
      %get3A_1640 = vector.load %arg3[%get3A_1638, %get3A_1639] : memref<512x32xi32, #tpu.memory_space<vmem>>, vector<512x32xi32>
      %broadcast_in_dim3A_1641 = vector.shape_cast %broadcast_in_dim3A_1624 : vector<512x1xi32> to vector<512x1xi32>
      %broadcast_in_dim3A_1642 = vector.broadcast %broadcast_in_dim3A_1641 : vector<512x1xi32> to vector<512x32xi32>
      %select_n3A_1643 = arith.select %eq3A_1637, %broadcast_in_dim3A_1642, %get3A_1640 : vector<512x32xi1>, vector<512x32xi32>
      %swap3A_1644 = arith.constant 0 : index
      %swap3A_1645 = arith.constant 0 : index
      %swap3A_1646 = vector.load %arg3[%swap3A_1644, %swap3A_1645] : memref<512x32xi32, #tpu.memory_space<vmem>>, vector<512x32xi32>
      tpu.vector_store %arg3[%swap3A_1644, %swap3A_1645], %select_n3A_1643 {strides = array<i32>} : memref<512x32xi32, #tpu.memory_space<vmem>>, vector<512x32xi32>,
      %eq3A_1647 = vector.broadcast %broadcast_in_dim3A_1624 : vector<512x1xi32> to vector<512x1024xi32>
      %eq3A_1648 = arith.cmpi eq, %get3A_1618, %eq3A_1647 : vector<512x1024xi32>
      %jit3A_1649 = arith.constant -2.000000e+00 : f32
      %broadcast_in_dim3A_1650 = vector.broadcast %jit3A_1649 : f32 to vector<512x1024xf32>
      %select_n3A_1651 = arith.select %eq3A_1648, %broadcast_in_dim3A_1650, %get3A_1615 : vector<512x1024xi1>, vector<512x1024xf32>
      %swap3A_1652 = arith.constant 0 : index
      %swap3A_1653 = arith.constant 0 : index
      %swap3A_1654 = vector.load %arg4[%swap3A_1652, %swap3A_1653] : memref<512x4096xf32, #tpu.memory_space<vmem>>, vector<512x1024xf32>
      tpu.vector_store %arg4[%swap3A_1652, %swap3A_1653], %select_n3A_1651 {strides = array<i32>} : memref<512x4096xf32, #tpu.memory_space<vmem>>, vector<512x1024xf32>,
    }
    %scan3A_1593 = arith.constant 8 : i32
    %scan3A_1594 = arith.constant 1073741824 : i32
    %scan3A_1595 = arith.constant 8 : i32
    %scan3A_1596 = arith.constant 8 : i32
    %scan3A_1597 = arith.addi %scan3A_1595, %scan3A_1596 : i32
    %scan3A_1598 = arith.constant 1 : i32
    scf.for %scan3A_1612 = %scan3A_1595 to %scan3A_1597 step %scan3A_1598  : i32 {
      %get3A_1613 = arith.constant 0 : index
      %get3A_1614 = arith.constant 0 : index
      %get3A_1615 = vector.load %arg4[%get3A_1613, %get3A_1614] : memref<512x4096xf32, #tpu.memory_space<vmem>>, vector<512x2048xf32>
      %get3A_1616 = arith.constant 0 : index
      %get3A_1617 = arith.constant 0 : index
      %get3A_1618 = vector.load %arg5[%get3A_1616, %get3A_1617] : memref<512x4096xi32, #tpu.memory_space<vmem>>, vector<512x2048xi32>
      %reduce_max3A = arith.constant dense<0xFF800000> : vector<512xf32>
      %reduce_max3A_1619 = vector.multi_reduction <maximumf>, %get3A_1615, %reduce_max3A [1] : vector<512x2048xf32> to vector<512xf32>
      %broadcast_in_dim3A = vector.shape_cast %reduce_max3A_1619 : vector<512xf32> to vector<512x1xf32>
      %eq3A = vector.broadcast %broadcast_in_dim3A : vector<512x1xf32> to vector<512x2048xf32>
      %eq3A_1620 = arith.cmpf oeq, %get3A_1615, %eq3A : vector<512x2048xf32>
      %broadcast_in_dim3A_1621 = vector.broadcast %scan3A_1594 : i32 to vector<512x2048xi32>
      %select_n3A_1622 = arith.select %eq3A_1620, %get3A_1618, %broadcast_in_dim3A_1621 : vector<512x2048xi1>, vector<512x2048xi32>
      %reduce_min3A = arith.constant dense<2147483647> : vector<512xi32>
      %reduce_min3A_1623 = vector.multi_reduction <minsi>, %select_n3A_1622, %reduce_min3A [1] : vector<512x2048xi32> to vector<512xi32>
      %broadcast_in_dim3A_1624 = vector.shape_cast %reduce_min3A_1623 : vector<512xi32> to vector<512x1xi32>
      %eq3A_1625 = vector.broadcast %scan3A_1612 : i32 to vector<512x32xi32>
      %eq3A_1626 = arith.cmpi eq, %iota3A_1588, %eq3A_1625 : vector<512x32xi32>
      %get3A_1627 = arith.constant 0 : index
      %get3A_1628 = arith.constant 0 : index
      %get3A_1629 = vector.load %arg2[%get3A_1627, %get3A_1628] : memref<512x32xf32, #tpu.memory_space<vmem>>, vector<512x32xf32>
      %broadcast_in_dim3A_1630 = vector.shape_cast %broadcast_in_dim3A : vector<512x1xf32> to vector<512x1xf32>
      %broadcast_in_dim3A_1631 = vector.broadcast %broadcast_in_dim3A_1630 : vector<512x1xf32> to vector<512x32xf32>
      %select_n3A_1632 = arith.select %eq3A_1626, %broadcast_in_dim3A_1631, %get3A_1629 : vector<512x32xi1>, vector<512x32xf32>
      %swap3A_1633 = arith.constant 0 : index
      %swap3A_1634 = arith.constant 0 : index
      %swap3A_1635 = vector.load %arg2[%swap3A_1633, %swap3A_1634] : memref<512x32xf32, #tpu.memory_space<vmem>>, vector<512x32xf32>
      tpu.vector_store %arg2[%swap3A_1633, %swap3A_1634], %select_n3A_1632 {strides = array<i32>} : memref<512x32xf32, #tpu.memory_space<vmem>>, vector<512x32xf32>,
      %eq3A_1636 = vector.broadcast %scan3A_1612 : i32 to vector<512x32xi32>
      %eq3A_1637 = arith.cmpi eq, %iota3A_1588, %eq3A_1636 : vector<512x32xi32>
      %get3A_1638 = arith.constant 0 : index
      %get3A_1639 = arith.constant 0 : index
      %get3A_1640 = vector.load %arg3[%get3A_1638, %get3A_1639] : memref<512x32xi32, #tpu.memory_space<vmem>>, vector<512x32xi32>
      %broadcast_in_dim3A_1641 = vector.shape_cast %broadcast_in_dim3A_1624 : vector<512x1xi32> to vector<512x1xi32>
      %broadcast_in_dim3A_1642 = vector.broadcast %broadcast_in_dim3A_1641 : vector<512x1xi32> to vector<512x32xi32>
      %select_n3A_1643 = arith.select %eq3A_1637, %broadcast_in_dim3A_1642, %get3A_1640 : vector<512x32xi1>, vector<512x32xi32>
      %swap3A_1644 = arith.constant 0 : index
      %swap3A_1645 = arith.constant 0 : index
      %swap3A_1646 = vector.load %arg3[%swap3A_1644, %swap3A_1645] : memref<512x32xi32, #tpu.memory_space<vmem>>, vector<512x32xi32>
      tpu.vector_store %arg3[%swap3A_1644, %swap3A_1645], %select_n3A_1643 {strides = array<i32>} : memref<512x32xi32, #tpu.memory_space<vmem>>, vector<512x32xi32>,
      %eq3A_1647 = vector.broadcast %broadcast_in_dim3A_1624 : vector<512x1xi32> to vector<512x2048xi32>
      %eq3A_1648 = arith.cmpi eq, %get3A_1618, %eq3A_1647 : vector<512x2048xi32>
      %jit3A_1649 = arith.constant -2.000000e+00 : f32
      %broadcast_in_dim3A_1650 = vector.broadcast %jit3A_1649 : f32 to vector<512x2048xf32>
      %select_n3A_1651 = arith.select %eq3A_1648, %broadcast_in_dim3A_1650, %get3A_1615 : vector<512x2048xi1>, vector<512x2048xf32>
      %swap3A_1652 = arith.constant 0 : index
      %swap3A_1653 = arith.constant 0 : index
      %swap3A_1654 = vector.load %arg4[%swap3A_1652, %swap3A_1653] : memref<512x4096xf32, #tpu.memory_space<vmem>>, vector<512x2048xf32>
      tpu.vector_store %arg4[%swap3A_1652, %swap3A_1653], %select_n3A_1651 {strides = array<i32>} : memref<512x4096xf32, #tpu.memory_space<vmem>>, vector<512x2048xf32>,
    }
    %scan3A_1599 = arith.constant 8 : i32
    %scan3A_1600 = arith.constant 1073741824 : i32
    %scan3A_1601 = arith.constant 16 : i32
    %scan3A_1602 = arith.constant 8 : i32
    %scan3A_1603 = arith.addi %scan3A_1601, %scan3A_1602 : i32
    %scan3A_1604 = arith.constant 1 : i32
    scf.for %scan3A_1612 = %scan3A_1601 to %scan3A_1603 step %scan3A_1604  : i32 {
      %get3A_1613 = arith.constant 0 : index
      %get3A_1614 = arith.constant 0 : index
      %get3A_1615 = vector.load %arg4[%get3A_1613, %get3A_1614] : memref<512x4096xf32, #tpu.memory_space<vmem>>, vector<512x3072xf32>
      %get3A_1616 = arith.constant 0 : index
      %get3A_1617 = arith.constant 0 : index
      %get3A_1618 = vector.load %arg5[%get3A_1616, %get3A_1617] : memref<512x4096xi32, #tpu.memory_space<vmem>>, vector<512x3072xi32>
      %reduce_max3A = arith.constant dense<0xFF800000> : vector<512xf32>
      %reduce_max3A_1619 = vector.multi_reduction <maximumf>, %get3A_1615, %reduce_max3A [1] : vector<512x3072xf32> to vector<512xf32>
      %broadcast_in_dim3A = vector.shape_cast %reduce_max3A_1619 : vector<512xf32> to vector<512x1xf32>
      %eq3A = vector.broadcast %broadcast_in_dim3A : vector<512x1xf32> to vector<512x3072xf32>
      %eq3A_1620 = arith.cmpf oeq, %get3A_1615, %eq3A : vector<512x3072xf32>
      %broadcast_in_dim3A_1621 = vector.broadcast %scan3A_1600 : i32 to vector<512x3072xi32>
      %select_n3A_1622 = arith.select %eq3A_1620, %get3A_1618, %broadcast_in_dim3A_1621 : vector<512x3072xi1>, vector<512x3072xi32>
      %reduce_min3A = arith.constant dense<2147483647> : vector<512xi32>
      %reduce_min3A_1623 = vector.multi_reduction <minsi>, %select_n3A_1622, %reduce_min3A [1] : vector<512x3072xi32> to vector<512xi32>
      %broadcast_in_dim3A_1624 = vector.shape_cast %reduce_min3A_1623 : vector<512xi32> to vector<512x1xi32>
      %eq3A_1625 = vector.broadcast %scan3A_1612 : i32 to vector<512x32xi32>
      %eq3A_1626 = arith.cmpi eq, %iota3A_1588, %eq3A_1625 : vector<512x32xi32>
      %get3A_1627 = arith.constant 0 : index
      %get3A_1628 = arith.constant 0 : index
      %get3A_1629 = vector.load %arg2[%get3A_1627, %get3A_1628] : memref<512x32xf32, #tpu.memory_space<vmem>>, vector<512x32xf32>
      %broadcast_in_dim3A_1630 = vector.shape_cast %broadcast_in_dim3A : vector<512x1xf32> to vector<512x1xf32>
      %broadcast_in_dim3A_1631 = vector.broadcast %broadcast_in_dim3A_1630 : vector<512x1xf32> to vector<512x32xf32>
      %select_n3A_1632 = arith.select %eq3A_1626, %broadcast_in_dim3A_1631, %get3A_1629 : vector<512x32xi1>, vector<512x32xf32>
      %swap3A_1633 = arith.constant 0 : index
      %swap3A_1634 = arith.constant 0 : index
      %swap3A_1635 = vector.load %arg2[%swap3A_1633, %swap3A_1634] : memref<512x32xf32, #tpu.memory_space<vmem>>, vector<512x32xf32>
      tpu.vector_store %arg2[%swap3A_1633, %swap3A_1634], %select_n3A_1632 {strides = array<i32>} : memref<512x32xf32, #tpu.memory_space<vmem>>, vector<512x32xf32>,
      %eq3A_1636 = vector.broadcast %scan3A_1612 : i32 to vector<512x32xi32>
      %eq3A_1637 = arith.cmpi eq, %iota3A_1588, %eq3A_1636 : vector<512x32xi32>
      %get3A_1638 = arith.constant 0 : index
      %get3A_1639 = arith.constant 0 : index
      %get3A_1640 = vector.load %arg3[%get3A_1638, %get3A_1639] : memref<512x32xi32, #tpu.memory_space<vmem>>, vector<512x32xi32>
      %broadcast_in_dim3A_1641 = vector.shape_cast %broadcast_in_dim3A_1624 : vector<512x1xi32> to vector<512x1xi32>
      %broadcast_in_dim3A_1642 = vector.broadcast %broadcast_in_dim3A_1641 : vector<512x1xi32> to vector<512x32xi32>
      %select_n3A_1643 = arith.select %eq3A_1637, %broadcast_in_dim3A_1642, %get3A_1640 : vector<512x32xi1>, vector<512x32xi32>
      %swap3A_1644 = arith.constant 0 : index
      %swap3A_1645 = arith.constant 0 : index
      %swap3A_1646 = vector.load %arg3[%swap3A_1644, %swap3A_1645] : memref<512x32xi32, #tpu.memory_space<vmem>>, vector<512x32xi32>
      tpu.vector_store %arg3[%swap3A_1644, %swap3A_1645], %select_n3A_1643 {strides = array<i32>} : memref<512x32xi32, #tpu.memory_space<vmem>>, vector<512x32xi32>,
      %eq3A_1647 = vector.broadcast %broadcast_in_dim3A_1624 : vector<512x1xi32> to vector<512x3072xi32>
      %eq3A_1648 = arith.cmpi eq, %get3A_1618, %eq3A_1647 : vector<512x3072xi32>
      %jit3A_1649 = arith.constant -2.000000e+00 : f32
      %broadcast_in_dim3A_1650 = vector.broadcast %jit3A_1649 : f32 to vector<512x3072xf32>
      %select_n3A_1651 = arith.select %eq3A_1648, %broadcast_in_dim3A_1650, %get3A_1615 : vector<512x3072xi1>, vector<512x3072xf32>
      %swap3A_1652 = arith.constant 0 : index
      %swap3A_1653 = arith.constant 0 : index
      %swap3A_1654 = vector.load %arg4[%swap3A_1652, %swap3A_1653] : memref<512x4096xf32, #tpu.memory_space<vmem>>, vector<512x3072xf32>
      tpu.vector_store %arg4[%swap3A_1652, %swap3A_1653], %select_n3A_1651 {strides = array<i32>} : memref<512x4096xf32, #tpu.memory_space<vmem>>, vector<512x3072xf32>,
    }
    %scan3A_1605 = arith.constant 8 : i32
    %scan3A_1606 = arith.constant 1073741824 : i32
    %scan3A_1607 = arith.constant 24 : i32
    %scan3A_1608 = arith.constant 8 : i32
    %scan3A_1609 = arith.addi %scan3A_1607, %scan3A_1608 : i32
    %scan3A_1610 = arith.constant 1 : i32
    scf.for %scan3A_1612 = %scan3A_1607 to %scan3A_1609 step %scan3A_1610  : i32 {
      %get3A_1613 = arith.constant 0 : index
      %get3A_1614 = arith.constant 0 : index
      %get3A_1615 = vector.load %arg4[%get3A_1613, %get3A_1614] : memref<512x4096xf32, #tpu.memory_space<vmem>>, vector<512x4096xf32>
      %get3A_1616 = arith.constant 0 : index
      %get3A_1617 = arith.constant 0 : index
      %get3A_1618 = vector.load %arg5[%get3A_1616, %get3A_1617] : memref<512x4096xi32, #tpu.memory_space<vmem>>, vector<512x4096xi32>
      %reduce_max3A = arith.constant dense<0xFF800000> : vector<512xf32>
      %reduce_max3A_1619 = vector.multi_reduction <maximumf>, %get3A_1615, %reduce_max3A [1] : vector<512x4096xf32> to vector<512xf32>
      %broadcast_in_dim3A = vector.shape_cast %reduce_max3A_1619 : vector<512xf32> to vector<512x1xf32>
      %eq3A = vector.broadcast %broadcast_in_dim3A : vector<512x1xf32> to vector<512x4096xf32>
      %eq3A_1620 = arith.cmpf oeq, %get3A_1615, %eq3A : vector<512x4096xf32>
      %broadcast_in_dim3A_1621 = vector.broadcast %scan3A_1606 : i32 to vector<512x4096xi32>
      %select_n3A_1622 = arith.select %eq3A_1620, %get3A_1618, %broadcast_in_dim3A_1621 : vector<512x4096xi1>, vector<512x4096xi32>
      %reduce_min3A = arith.constant dense<2147483647> : vector<512xi32>
      %reduce_min3A_1623 = vector.multi_reduction <minsi>, %select_n3A_1622, %reduce_min3A [1] : vector<512x4096xi32> to vector<512xi32>
      %broadcast_in_dim3A_1624 = vector.shape_cast %reduce_min3A_1623 : vector<512xi32> to vector<512x1xi32>
      %eq3A_1625 = vector.broadcast %scan3A_1612 : i32 to vector<512x32xi32>
      %eq3A_1626 = arith.cmpi eq, %iota3A_1588, %eq3A_1625 : vector<512x32xi32>
      %get3A_1627 = arith.constant 0 : index
      %get3A_1628 = arith.constant 0 : index
      %get3A_1629 = vector.load %arg2[%get3A_1627, %get3A_1628] : memref<512x32xf32, #tpu.memory_space<vmem>>, vector<512x32xf32>
      %broadcast_in_dim3A_1630 = vector.shape_cast %broadcast_in_dim3A : vector<512x1xf32> to vector<512x1xf32>
      %broadcast_in_dim3A_1631 = vector.broadcast %broadcast_in_dim3A_1630 : vector<512x1xf32> to vector<512x32xf32>
      %select_n3A_1632 = arith.select %eq3A_1626, %broadcast_in_dim3A_1631, %get3A_1629 : vector<512x32xi1>, vector<512x32xf32>
      %swap3A_1633 = arith.constant 0 : index
      %swap3A_1634 = arith.constant 0 : index
      %swap3A_1635 = vector.load %arg2[%swap3A_1633, %swap3A_1634] : memref<512x32xf32, #tpu.memory_space<vmem>>, vector<512x32xf32>
      tpu.vector_store %arg2[%swap3A_1633, %swap3A_1634], %select_n3A_1632 {strides = array<i32>} : memref<512x32xf32, #tpu.memory_space<vmem>>, vector<512x32xf32>,
      %eq3A_1636 = vector.broadcast %scan3A_1612 : i32 to vector<512x32xi32>
      %eq3A_1637 = arith.cmpi eq, %iota3A_1588, %eq3A_1636 : vector<512x32xi32>
      %get3A_1638 = arith.constant 0 : index
      %get3A_1639 = arith.constant 0 : index
      %get3A_1640 = vector.load %arg3[%get3A_1638, %get3A_1639] : memref<512x32xi32, #tpu.memory_space<vmem>>, vector<512x32xi32>
      %broadcast_in_dim3A_1641 = vector.shape_cast %broadcast_in_dim3A_1624 : vector<512x1xi32> to vector<512x1xi32>
      %broadcast_in_dim3A_1642 = vector.broadcast %broadcast_in_dim3A_1641 : vector<512x1xi32> to vector<512x32xi32>
      %select_n3A_1643 = arith.select %eq3A_1637, %broadcast_in_dim3A_1642, %get3A_1640 : vector<512x32xi1>, vector<512x32xi32>
      %swap3A_1644 = arith.constant 0 : index
      %swap3A_1645 = arith.constant 0 : index
      %swap3A_1646 = vector.load %arg3[%swap3A_1644, %swap3A_1645] : memref<512x32xi32, #tpu.memory_space<vmem>>, vector<512x32xi32>
      tpu.vector_store %arg3[%swap3A_1644, %swap3A_1645], %select_n3A_1643 {strides = array<i32>} : memref<512x32xi32, #tpu.memory_space<vmem>>, vector<512x32xi32>,
      %eq3A_1647 = vector.broadcast %broadcast_in_dim3A_1624 : vector<512x1xi32> to vector<512x4096xi32>
      %eq3A_1648 = arith.cmpi eq, %get3A_1618, %eq3A_1647 : vector<512x4096xi32>
      %jit3A_1649 = arith.constant -2.000000e+00 : f32
      %broadcast_in_dim3A_1650 = vector.broadcast %jit3A_1649 : f32 to vector<512x4096xf32>
      %select_n3A_1651 = arith.select %eq3A_1648, %broadcast_in_dim3A_1650, %get3A_1615 : vector<512x4096xi1>, vector<512x4096xf32>
      %swap3A_1652 = arith.constant 0 : index
      %swap3A_1653 = arith.constant 0 : index
      %swap3A_1654 = vector.load %arg4[%swap3A_1652, %swap3A_1653] : memref<512x4096xf32, #tpu.memory_space<vmem>>, vector<512x4096xf32>
      tpu.vector_store %arg4[%swap3A_1652, %swap3A_1653], %select_n3A_1651 {strides = array<i32>} : memref<512x4096xf32, #tpu.memory_space<vmem>>, vector<512x4096xf32>,
    }
    %scan3A_1611 = arith.constant 8 : i32
    return
  }
}

module attributes {stable_mosaic.version = 14 : i64} {
  func.func @_combine_body(%arg0: memref<512x32xf32, #tpu.memory_space<vmem>>, %arg1: memref<512x32x128xf32, #tpu.memory_space<vmem>>, %arg2: memref<512x32x128xf32, #tpu.memory_space<vmem>>, %arg3: memref<512x256xf32, #tpu.memory_space<vmem>>, %arg4: memref<1x384xf32, #tpu.memory_space<vmem>>, %arg5: memref<512x1xf32, #tpu.memory_space<vmem>>, %arg6: memref<512x128xf32, #tpu.memory_space<vmem>>, %arg7: memref<512x4xf32, #tpu.memory_space<vmem>>, %arg8: memref<512x1xf32, #tpu.memory_space<vmem>>) attributes {dimension_semantics = [], scalar_prefetch = 0 : i64, scratch_operands = 0 : i64, tpu.core_type = #tpu.core_type<tc>} {
    %get3A = arith.constant 0 : index
    %get3A_0 = arith.constant 0 : index
    %get3A_1 = vector.load %arg0[%get3A, %get3A_0] : memref<512x32xf32, #tpu.memory_space<vmem>>, vector<512x32xf32>
    %reduce_sum3A = arith.constant dense<0.000000e+00> : vector<512xf32>
    %reduce_sum3A_2 = vector.multi_reduction <add>, %get3A_1, %reduce_sum3A [1] : vector<512x32xf32> to vector<512xf32>
    %broadcast_in_dim3A = vector.shape_cast %reduce_sum3A_2 : vector<512xf32> to vector<512x1xf32>
    %add3A = arith.constant 9.99999993E-9 : f32
    %add3A_3 = vector.broadcast %add3A : f32 to vector<512x1xf32>
    %add3A_4 = arith.addf %broadcast_in_dim3A, %add3A_3 : vector<512x1xf32>
    %div3A = vector.broadcast %add3A_4 : vector<512x1xf32> to vector<512x32xf32>
    %div3A_5 = arith.divf %get3A_1, %div3A : vector<512x32xf32>
    %broadcast_in_dim3A_6 = vector.shape_cast %div3A_5 : vector<512x32xf32> to vector<512x32x1xf32>
    %get3A_7 = arith.constant 0 : index
    %get3A_8 = arith.constant 0 : index
    %get3A_9 = arith.constant 0 : index
    %get3A_10 = vector.load %arg1[%get3A_7, %get3A_8, %get3A_9] : memref<512x32x128xf32, #tpu.memory_space<vmem>>, vector<512x32x128xf32>
    %mul3A = vector.broadcast %broadcast_in_dim3A_6 : vector<512x32x1xf32> to vector<512x32x128xf32>
    %mul3A_11 = arith.mulf %mul3A, %get3A_10 : vector<512x32x128xf32>
    %reduce_sum3A_12 = arith.constant dense<0.000000e+00> : vector<512x128xf32>
    %reduce_sum3A_13 = vector.multi_reduction <add>, %mul3A_11, %reduce_sum3A_12 [1] : vector<512x32x128xf32> to vector<512x128xf32>
    %broadcast_in_dim3A_14 = vector.shape_cast %div3A_5 : vector<512x32xf32> to vector<512x32x1xf32>
    %get3A_15 = arith.constant 0 : index
    %get3A_16 = arith.constant 0 : index
    %get3A_17 = arith.constant 0 : index
    %get3A_18 = vector.load %arg2[%get3A_15, %get3A_16, %get3A_17] : memref<512x32x128xf32, #tpu.memory_space<vmem>>, vector<512x32x128xf32>
    %mul3A_19 = vector.broadcast %broadcast_in_dim3A_14 : vector<512x32x1xf32> to vector<512x32x128xf32>
    %mul3A_20 = arith.mulf %mul3A_19, %get3A_18 : vector<512x32x128xf32>
    %reduce_sum3A_21 = arith.constant dense<0.000000e+00> : vector<512x128xf32>
    %reduce_sum3A_22 = vector.multi_reduction <add>, %mul3A_20, %reduce_sum3A_21 [1] : vector<512x32x128xf32> to vector<512x128xf32>
    %swap3A = arith.constant 0 : index
    %swap3A_23 = arith.constant 0 : index
    %swap3A_24 = vector.load %arg6[%swap3A, %swap3A_23] : memref<512x128xf32, #tpu.memory_space<vmem>>, vector<512x128xf32>
    tpu.vector_store %arg6[%swap3A, %swap3A_23], %reduce_sum3A_13 {strides = array<i32>} : memref<512x128xf32, #tpu.memory_space<vmem>>, vector<512x128xf32>,
    %slice3A = vector.extract_strided_slice %reduce_sum3A_22 {offsets = [0, 0], sizes = [512, 4], strides = [1, 1]} : vector<512x128xf32> to vector<512x4xf32>
    %swap3A_25 = arith.constant 0 : index
    %swap3A_26 = arith.constant 0 : index
    %swap3A_27 = vector.load %arg7[%swap3A_25, %swap3A_26] : memref<512x4xf32, #tpu.memory_space<vmem>>, vector<512x4xf32>
    tpu.vector_store %arg7[%swap3A_25, %swap3A_26], %slice3A {strides = array<i32>} : memref<512x4xf32, #tpu.memory_space<vmem>>, vector<512x4xf32>,
    %get3A_28 = arith.constant 0 : index
    %get3A_29 = arith.constant 0 : index
    %get3A_30 = vector.load %arg4[%get3A_28, %get3A_29] : memref<1x384xf32, #tpu.memory_space<vmem>>, vector<1x384xf32>
    %get3A_31 = arith.constant 0 : index
    %get3A_32 = arith.constant 0 : index
    %get3A_33 = vector.load %arg3[%get3A_31, %get3A_32] : memref<512x256xf32, #tpu.memory_space<vmem>>, vector<512x256xf32>
    %slice3A_34 = vector.extract_strided_slice %get3A_30 {offsets = [0, 0], sizes = [1, 256], strides = [1, 1]} : vector<1x384xf32> to vector<1x256xf32>
    %mul3A_35 = vector.broadcast %slice3A_34 : vector<1x256xf32> to vector<512x256xf32>
    %mul3A_36 = arith.mulf %get3A_33, %mul3A_35 : vector<512x256xf32>
    %reduce_sum3A_37 = arith.constant dense<0.000000e+00> : vector<512xf32>
    %reduce_sum3A_38 = vector.multi_reduction <add>, %mul3A_36, %reduce_sum3A_37 [1] : vector<512x256xf32> to vector<512xf32>
    %broadcast_in_dim3A_39 = vector.shape_cast %reduce_sum3A_38 : vector<512xf32> to vector<512x1xf32>
    %slice3A_40 = vector.extract_strided_slice %get3A_30 {offsets = [0, 256], sizes = [1, 128], strides = [1, 1]} : vector<1x384xf32> to vector<1x128xf32>
    %mul3A_41 = vector.broadcast %slice3A_40 : vector<1x128xf32> to vector<512x128xf32>
    %mul3A_42 = arith.mulf %reduce_sum3A_13, %mul3A_41 : vector<512x128xf32>
    %reduce_sum3A_43 = arith.constant dense<0.000000e+00> : vector<512xf32>
    %reduce_sum3A_44 = vector.multi_reduction <add>, %mul3A_42, %reduce_sum3A_43 [1] : vector<512x128xf32> to vector<512xf32>
    %broadcast_in_dim3A_45 = vector.shape_cast %reduce_sum3A_44 : vector<512xf32> to vector<512x1xf32>
    %add3A_46 = arith.addf %broadcast_in_dim3A_39, %broadcast_in_dim3A_45 : vector<512x1xf32>
    %get3A_47 = arith.constant 0 : index
    %get3A_48 = arith.constant 0 : index
    %get3A_49 = vector.load %arg5[%get3A_47, %get3A_48] : memref<512x1xf32, #tpu.memory_space<vmem>>, vector<512x1xf32>
    %add3A_50 = arith.addf %add3A_46, %get3A_49 : vector<512x1xf32>
    %neg3A = arith.constant 0.000000e+00 : f32
    %neg3A_51 = vector.broadcast %neg3A : f32 to vector<512x1xf32>
    %neg3A_52 = arith.subf %neg3A_51, %add3A_50 : vector<512x1xf32>
    %exp3A = math.exp %neg3A_52 : vector<512x1xf32>
    %add3A_53 = arith.constant 1.000000e+00 : f32
    %add3A_54 = vector.broadcast %add3A_53 : f32 to vector<512x1xf32>
    %add3A_55 = arith.addf %add3A_54, %exp3A : vector<512x1xf32>
    %div3A_56 = arith.constant 1.000000e+00 : f32
    %div3A_57 = vector.broadcast %div3A_56 : f32 to vector<512x1xf32>
    %div3A_58 = arith.divf %div3A_57, %add3A_55 : vector<512x1xf32>
    %swap3A_59 = arith.constant 0 : index
    %swap3A_60 = arith.constant 0 : index
    %swap3A_61 = vector.load %arg8[%swap3A_59, %swap3A_60] : memref<512x1xf32, #tpu.memory_space<vmem>>, vector<512x1xf32>
    tpu.vector_store %arg8[%swap3A_59, %swap3A_60], %div3A_58 {strides = array<i32>} : memref<512x1xf32, #tpu.memory_space<vmem>>, vector<512x1xf32>,
    return
  }
}

</mosaic_0001>

<sc_bundles>
// kernel: kernel.11.cloned.1.call-start
scs
__scs_entry_jumppad:
0x0: {  	(pc) =	sbr.rel $0x88, $3  }
0x1: {  	(tag) =	ssettag $0x0;
	lr =	simm.s32 $0x1  }
0x2: {  	[smem:$0x3F98] =	sst lr;
	_ =	strace $0xD0000000  }
0x3: {  	_ = 	snop  }
0x4: {  	_ = 	snop  }
0x5: {  	_ = 	snop  }
0x6: {  	_ = 	snop  }
0x7: {  	_ = 	snop  }
__scs_overlays_trampoline_lowered:
0x8: {  	[smem:$0x3FA7] =	sst s0  }
0x9: {  	[smem:$0x3FA8] =	sst s1  }
0xa: {  	[smem:$0x3FA9] =	sst s2  }
0xb: {  	[smem:$0x3FAA] =	sst s3  }
0xc: {  	[smem:$0x3FAB] =	sst s4  }
0xd: {  	[smem:$0x3FAC] =	sst s5  }
0xe: {  	[smem:$0x3FAD] =	sst s6  }
0xf: {  	[smem:$0x3FAE] =	sst s7  }
0x10: {  	[smem:$0x3FAF] =	sst s8  }
0x11: {  	[smem:$0x3FB0] =	sst s9;
	s0 =	simm.s32 @!p0 $0x0  }
0x12: {  	s1 =	sld [smem:$0x3F96];
	s0 =	simm.s32 @p0 $0x1  }
0x13: {  	[smem:$0x3FB1] =	sst s0;
	s0 =	simm.s32 @!p1 $0x0  }
0x14: {  	s2 =	sld [smem:$0x3F95];
	s0 =	simm.s32 @p1 $0x1  }
0x15: {  	[smem:$0x3FB2] =	sst s0;
	s0 =	simm.s32 @!p2 $0x0  }
0x16: {  	s3 =	sld [smem:$0x3FDB];
	s0 =	simm.s32 @p2 $0x1  }
0x17: {  	s4 =	simm.s32 $0x1BF5;
	[smem:$0x3FB4] =	sst s0  }
0x18: {  	s0 =	sld [smem:$0x3F97];
	_ =	swait.ge [sflag:s4], $0x0  }
0x19: {  	s7 =	sld [smem:$0x3F98]  }
0x1a: {  	s8 =	sadd.s32 $0xFFFFE003, lr  }
0x1b: {  	s9 =	sadd.s32 $0xFFFFFEF7, lr;
	s5 =	simm.s32 $0xFFFFFFFF;
	p2 =	slt.u32 s8, $0xFFFFF086  }
0x1c: {  	p1 =	slt.u32 s9, $0xF7A;
	s5 =	simm.s32 @!p2 $0x0  }
0x1d: {  	s5 =	simm.s32 @p1 $0x1;
	p0 =	seq.s32 s7, s2  }
0x1e: {  	s7 =	smul.u32 @!p0 $0xF7A, s2;
	p2 =	seq.s32 @!p0 s5, $0x0  }
0x1f: {  	s9 =	smul.u32 $0xF7A, s1;
	s8 =	simm.s32 @!p0 $0x1BF5;
	p2 =	por !p2, p0  }
0x20: {  	[sflag:s8] =	ssyncset.s32 @!p0 $0xFFFFF086;
	s6 =	sadd.s32 @!p0 s3, s7;
	s7 =	simm.s32 @!p0 $0x108  }
0x21: {  	s3 =	sadd.s32 s3, s9;
	s6 =	sadd.s32 @!p0 $0x88, s6;
	s7 =	simm.s32 @p2 $0x1082  }
0x22: {  	[simem:s7], [sflag:s8] =	dma.local @!p0 [hbm:s6], $0xF7A  }
0x23: {  	s9 =	sor.u32 $0xD0000000, s2;
	s6 =	simm.s32 $0x108;
	_ =	swait.ge @!p0 [sflag:s8], $0x0  }
0x24: {  	s3 =	sadd.s32 $0x88, s3;
	s6 =	simm.s32 @!p1 $0x1082;
	[sflag:s4] =	ssyncset.s32 $0xFFFFF086  }
0x25: {  	[simem:s6], [sflag:s4] =	dma.local [hbm:s3], $0xF7A  }
0x26: {  	[smem:$0x3F98] =	sst s1;
	(tag) =	ssettag s2;
	_ =	strace s9  }
0x27: {  	s1 =	sld [smem:$0x3FA8]  }
0x28: {  	s2 =	sld [smem:$0x3FA9]  }
0x29: {  	s4 =	sld [smem:$0x3FAB]  }
0x2a: {  	p0 =	seq.s32 s5, $0x0;
	s5 =	sld [smem:$0x3FAC]  }
0x2b: {  	s6 =	sld [smem:$0x3FAD]  }
0x2c: {  	s7 =	sld [smem:$0x3FAE]  }
0x2d: {  	s3 =	simm.s32 $0x108;
	s8 =	sld [smem:$0x3FAF]  }
0x2e: {  	s3 =	simm.s32 @!p0 $0x1082;
	s9 =	sld [smem:$0x3FB0]  }
0x2f: {  	lr =	sadd.s32 s0, s3;
	s0 =	sld [smem:$0x3FA7]  }
0x30: {  	s3 =	sld [smem:$0x3FAA]  }
0x31: {  	[smem:$0x3FB3] =	sst s10  }
0x32: {  	s10 =	sld [smem:$0x3FB1];
	_ =	sdelay $0x3  }
0x33: {  	p0 =	seq.s32 s10, $0x1;
	s10 =	sld [smem:$0x3FB3];
	_ =	sdelay $0x3  }
0x34: {  	[smem:$0x3FB3] =	sst s10  }
0x35: {  	s10 =	sld [smem:$0x3FB2];
	_ =	sdelay $0x3  }
0x36: {  	p1 =	seq.s32 s10, $0x1;
	s10 =	sld [smem:$0x3FB3];
	_ =	sdelay $0x3  }
0x37: {  	[smem:$0x3FB3] =	sst s10  }
0x38: {  	s10 =	sld [smem:$0x3FB4]  }
0x39: {  	_ = 	snop;
	(pc) =	sbr.ind lr, $3  }
0x3a: {  	_ = 	snop  }
0x3b: {  	_ = 	snop  }
0x3c: {  	p2 =	seq.s32 s10, $0x1;
	s10 =	sld [smem:$0x3FB3]  }
0x3d: {  	_ =	shalt  }
0x3e: {  	_ =	shalt  }
0x3f: {  	_ =	shalt  }
0x40: {  	_ =	shalt  }
0x41: {  	_ =	shalt  }
0x42: {  	_ =	shalt  }
0x43: {  	_ =	shalt  }
0x44: {  	_ =	shalt  }
0x45: {  	_ =	shalt  }
0x46: {  	_ =	shalt  }
0x47: {  	_ =	shalt  }
0x48: {  	_ =	shalt  }
0x49: {  	_ =	shalt  }
0x4a: {  	_ =	shalt  }
0x4b: {  	_ =	shalt  }
0x4c: {  	_ =	shalt  }
0x4d: {  	_ =	shalt  }
0x4e: {  	_ =	shalt  }
0x4f: {  	_ =	shalt  }
0x50: {  	_ =	shalt  }
0x51: {  	_ =	shalt  }
0x52: {  	_ =	shalt  }
0x53: {  	_ =	shalt  }
0x54: {  	_ =	shalt  }
0x55: {  	_ =	shalt  }
0x56: {  	_ =	shalt  }
0x57: {  	_ =	shalt  }
0x58: {  	_ =	shalt  }
0x59: {  	_ =	shalt  }
0x5a: {  	_ =	shalt  }
0x5b: {  	_ =	shalt  }
0x5c: {  	_ =	shalt  }
0x5d: {  	_ =	shalt  }
0x5e: {  	_ =	shalt  }
0x5f: {  	_ =	shalt  }
0x60: {  	_ =	shalt  }
0x61: {  	_ =	shalt  }
0x62: {  	_ =	shalt  }
0x63: {  	_ =	shalt  }
0x64: {  	_ =	shalt  }
0x65: {  	_ =	shalt  }
0x66: {  	_ =	shalt  }
0x67: {  	_ =	shalt  }
0x68: {  	_ =	shalt  }
0x69: {  	_ =	shalt  }
0x6a: {  	_ =	shalt  }
0x6b: {  	_ =	shalt  }
0x6c: {  	_ =	shalt  }
0x6d: {  	_ =	shalt  }
0x6e: {  	_ =	shalt  }
0x6f: {  	_ =	shalt  }
0x70: {  	_ =	shalt  }
0x71: {  	_ =	shalt  }
0x72: {  	_ =	shalt  }
0x73: {  	_ =	shalt  }
0x74: {  	_ =	shalt  }
0x75: {  	_ =	shalt  }
0x76: {  	_ =	shalt  }
0x77: {  	_ =	shalt  }
0x78: {  	_ =	shalt  }
0x79: {  	_ =	shalt  }
0x7a: {  	_ =	shalt  }
0x7b: {  	_ =	shalt  }
0x7c: {  	_ =	shalt  }
0x7d: {  	_ =	shalt  }
0x7e: {  	_ =	shalt  }
0x7f: {  	_ =	shalt  }
0x80: {  	_ =	shalt  }
0x81: {  	_ =	shalt  }
0x82: {  	_ =	shalt  }
0x83: {  	_ =	shalt  }
0x84: {  	_ =	shalt  }
0x85: {  	_ =	shalt  }
0x86: {  	_ =	shalt  }
0x87: {  	_ =	shalt  }
.Lfunc_end0:
.L_simem_size_0:
called_computation.1_lowered:
.L_overlay_start_0:
0x88: {  	s2 =	sld [smem:$0x3FD9]  }
0x89: {  	s3 =	sld [smem:$0x3FFE];
	_ =	sdelay $0x1  }
0x8a: {  	s1 =	srdreg.scid  }
0x8b: {  	s0 =	sand.u32 $0x1, s1  }
0x8c: {  	s14 =	sshll.u32 s0, $0xA;
	s2 =	sadd.s32 s3, s2  }
0x8d: {  	s2 =	sadd.s32 s2, s14  }
0x8e: {  	[smem:$0x3FBF] =	sst s2  }
0x8f: {  	_ = 	snop  }
0x90: {  	s2 =	sld [smem:$0x3FD0];
	_ =	sdelay $0x2  }
0x91: {  	s4 =	simm.s32 $0xA;
	s5 =	simm.s32 $0x10;
	s15 =	sld [smem:$0x3FC5]  }
0x92: {  	[smem:s5], [sflag:s4] =	dma.local [hbm:s2], $0x1  }
0x93: {  	_ =	swait.eq [sflag:s4], $0x1  }
0x94: {  	[sflag:s4] =	ssyncset.done $0x0  }
0x95: {  	[sflag:s4] =	ssyncadd.s32 $0xFFFFFFFF  }
0x96: {  	s16 =	sld [smem:$0x10];
	(tm) =	ssettm $0x1  }
0x97: {  	s17 =	sld [smem:$0x3FFB];
	_ =	sdelay $0x3  }
0x98: {  	_ =	strace s17  }
0x99: {  	s4 =	sld [smem:$0x3FFC];
	_ =	sdelay $0x3  }
0x9a: {  	_ =	strace s4  }
0x9b: {  	s4 =	sld [smem:$0x3FFD];
	_ =	sdelay $0x3  }
0x9c: {  	_ =	strace s4  }
0x9d: {  	_ =	strace $0x8FFFFFFF  }
0x9e: {  	s18 =	sld [smem:$0x3FDB];
	_ =	sdelay $0x1  }
0x9f: {  	s19 =	simm.s32 $_scs_section_size  }
0xa0: {  	s6 =	simm.s32 $_size__tile_overlayer_lowered;
	s7 =	simm.s32 $_tile_overlayer_lowered  }
0xa1: {  	s22 =	simm.s32 $0x1BFF;
	s21 =	sshll.u32 s7, $0x1;
	s4 =	sadd.s32 s19, s18  }
0xa2: {  	s8 =	simm.s32 $0x0;
	s20 =	sshll.u32 s6, $0x1;
	s6 =	sadd.s32 s21, s4  }
0xa3: {  	[timem:s8], [sflag:s22] =	dma.local [hbm:s6], s20  }
0xa4: {  	_ =	swait.ge [sflag:s22], s20  }
0xa5: {  	s5 =	ssub.s32 $0x0, s20;
	[sflag:s22] =	ssyncset.done $0x0  }
0xa6: {  	[sflag:s22] =	ssyncadd.s32 s5;
	_ =	sdelay $0x1  }
0xa7: {  	s23 =	simm.s32 $0x1B8B  }
0xa8: {  	_ =	swait.ge [sflag:s23], $0x1  }
0xa9: {  	[sflag:s23] =	ssyncset.done $0x0  }
0xaa: {  	s25 =	simm.s32 $0x1B8E;
	s24 =	sld [smem:$0x3FFE];
	[sflag:s23] =	ssyncadd.s32 $0xFFFFFFFF  }
0xab: {  	s26 =	simm.s32 $execute0_lowered;
	[smem:$0x3FD2] =	sst s25  }
0xac: {  	s6 =	sshll.u32 s26, $0x1;
	_ =	strace $0x80000049;
	[dreg:$0x1] =	wrdreg $0xFFFFFFFF  }
0xad: {  	s28 =	simm.s32 $_size_execute0_lowered;
	s4 =	sadd.s32 s4, s6;
	[dreg:$0x0] =	wrdreg $0x0  }
0xae: {  	s6 =	sshll.u32 s28, $0x1;
	[dreg:$0x2] =	wrdreg s4  }
0xaf: {  	[dreg:$0x3] =	wrdreg s6  }
0xb0: {  	[dreg:$0x4] =	wrdreg $0xC0  }
0xb1: {  	_ =	task [dreg:s8], $0x5FFFF  }
0xb2: {  	[dreg:$0x1] =	wrdreg $0xFFFFFFFF  }
0xb3: {  	[dreg:$0x0] =	wrdreg $0x60  }
0xb4: {  	[dreg:$0x2] =	wrdreg s15  }
0xb5: {  	[dreg:$0x3] =	wrdreg s24  }
0xb6: {  	[dreg:$0x4] =	wrdreg s16  }
0xb7: {  	[dreg:$0x5] =	wrdreg $0x9  }
0xb8: {  	_ =	task.clear_ibuf [dreg:s8], $0x6FFFF;
	_ =	strace $0x90000049  }
0xb9: {  	s29 =	simm.s32 $0x9;
	_ =	strace $0x8000004B  }
0xba: {  	_ =	swait.ge [sflag:s29], $0x1  }
0xbb: {  	[sflag:s29] =	ssyncadd.s32 $0xFFFFFFFF  }
0xbc: {  	_ =	strace $0x9000004B  }
0xbd: {  	_ =	sfence  }
0xbe: {  	s30 =	sld [smem:$0x0];
	_ =	sdelay $0x2  }
0xbf: {  	s31 =	sshll.u32 s1, $0xD;
	s1 =	sshrl.u32 s1, $0x2  }
0xc0: {  	s3 =	sand.u32 $0x4000, s31;
	s1 =	sadd.s32 s1, s30  }
0xc1: {  	s0 =	sor.u32 s3, s0;
	s1 =	sshll.u32 s1, $0x11  }
0xc2: {  	s0 =	sor.u32 s1, s0  }
0xc3: {  	s0 =	sadd.s32 $0x8F2B, s0  }
0xc4: {  	[sflag:s0] =	ssyncadd.remote.s32 $0x1  }
0xc5: {  	_ =	sfence.sel $0xFFFF  }
0xc6: {  	[dreg:$0x0] =	wrdreg $0xFFFFFFFF;
	(pc) =	sbr.abs _section_cstart, $3  }
0xc7: {  	[dreg:$0x1] =	wrdreg $0xFFFFFFFF  }
0xc8: {  	_ =	task.clear_ibuf [dreg:s8], $0x2FFFF;
	_ =	strace $0x9FFFFFFF  }
0xc9: {  	(tm) =	ssettm $0x7FFFFFFF  }
tec
execute0_lowered:
.L_overlay_start_1:
0x0: {  	(tag) =	ssettag $0x1  }
0x1: {  	s1 =	rddreg [dreg:$0x0];
	s2 =	srdreg.scid  }
0x2: {  	s12 =	rddreg [dreg:$0x1];
	s0 =	stileid.u32;
	s22 =	sand.u32 $0x1, s2  }
0x3: {  	s20 =	rddreg [dreg:$0x2];
	s4 =	sshll.u32 s0, $0xA;
	s5 =	sshll.u32 s22, $0x9  }
0x4: {  	s3 =	simm.s32 $0x0;
	s2 =	rddreg [dreg:$0x3];
	s21 =	sor.u32 s5, s4  }
0x5: {  	[smem:$0x7FF] =	sst s3;
	s4 =	sshrl.u32 s21, $0x3  }
0x6: {  	_ =	strace $0x8000004A;
	s5 =	sadd.s32 s20, s4;
	s4 =	simm.s32 $0x2  }
0x7: {  	[tilespmem:s3], [sflag:$0x2] =	stream.linear.gather [hbm4b:s5+s3], $0x80, $0x38;
	[tilespmem:$0x8200] =	vst v63  }
0x8: {  	_ =	swait.ge [sflag:s4], $0x80  }
0x9: {  	s6 =	simm.s32 $0x80;
	[sflag:s4] =	ssyncset.done $0x0  }
0xa: {  	s7 =	simm.s32 $0x200;
	s8 =	simm.s32 $0x1;
	[sflag:s4] =	ssyncadd.s32 $0xFFFFFF80  }
0xb: {  	[tilespmem:s7], [sflag:$0x1] =	stream.indirect.gather [hbm4b:s1+s6], $0x80, s3, s6, $0xb8;
	[tilespmem:$0x8200] =	vst v63  }
0xc: {  	_ =	swait.ge [sflag:s8], $0x4000  }
0xd: {  	[sflag:s8] =	ssyncset.done $0x0  }
0xe: {  	s10 =	simm.s32 $0x4200;
	s9 =	sadd.s32 $0x7E9200, s12;
	[sflag:s8] =	ssyncadd.s32 $0xFFFFC000  }
0xf: {  	[tilespmem:s10], [sflag:$0x1] =	stream.indirect.gather [hbm4b:s9+s6], $0x80, s3, s6, $0xb8;
	[tilespmem:$0x8200] =	vst v63  }
0x10: {  	_ =	swait.ge [sflag:s8], $0x4000  }
0x11: {  	s23 =	sadd.s32 $0x2000, s12;
	s13 =	sshll.u32 s21, $0x4;
	[sflag:s8] =	ssyncset.done $0x0  }
0x12: {  	s11 =	sadd.s32 s23, s13;
	[sflag:s8] =	ssyncadd.s32 $0xFFFFC000  }
0x13: {  	[hbm4b:s11+s3] =	stream.linear.scatter [tilespmem:s7], [sflag:$0x2], $0x4000, $0x38;
	[tilespmem:$0x8200] =	vst v63  }
0x14: {  	_ =	swait.ge [sflag:s4], $0x4000  }
0x15: {  	s24 =	sadd.s32 $0x42000, s12;
	[sflag:s4] =	ssyncset.done $0x0  }
0x16: {  	s12 =	sadd.s32 s24, s13;
	[sflag:s4] =	ssyncadd.s32 $0xFFFFC000  }
0x17: {  	[hbm4b:s12+s3] =	stream.linear.scatter [tilespmem:s10], [sflag:$0x2], $0x4000, $0x38;
	[tilespmem:$0x8200] =	vst v63  }
0x18: {  	s14 =	sor.u32 $0x80, s21;
	_ =	swait.ge [sflag:s4], $0x4000  }
0x19: {  	s29 =	sshrl.u32 s14, $0x3;
	[sflag:s4] =	ssyncset.done $0x0  }
0x1a: {  	s13 =	sadd.s32 s20, s29;
	[sflag:s4] =	ssyncadd.s32 $0xFFFFC000  }
0x1b: {  	[tilespmem:s6], [sflag:$0x2] =	stream.linear.gather [hbm4b:s13+s3], $0x80, $0x38;
	[tilespmem:$0x8200] =	vst v63  }
0x1c: {  	_ =	swait.ge [sflag:s4], $0x80  }
0x1d: {  	[sflag:s4] =	ssyncset.done $0x0  }
0x1e: {  	[sflag:s4] =	ssyncadd.s32 $0xFFFFFF80  }
0x1f: {  	[tilespmem:s7], [sflag:$0x1] =	stream.indirect.gather [hbm4b:s1+s6], $0x80, s6, s6, $0xb8;
	[tilespmem:$0x8200] =	vst v63  }
0x20: {  	_ =	swait.ge [sflag:s8], $0x4000  }
0x21: {  	[sflag:s8] =	ssyncset.done $0x0  }
0x22: {  	[sflag:s8] =	ssyncadd.s32 $0xFFFFC000  }
0x23: {  	[tilespmem:s10], [sflag:$0x1] =	stream.indirect.gather [hbm4b:s9+s6], $0x80, s6, s6, $0xb8;
	[tilespmem:$0x8200] =	vst v63  }
0x24: {  	_ =	swait.ge [sflag:s8], $0x4000  }
0x25: {  	s15 =	sshll.u32 s14, $0x4;
	[sflag:s8] =	ssyncset.done $0x0  }
0x26: {  	s14 =	sadd.s32 s23, s15;
	[sflag:s8] =	ssyncadd.s32 $0xFFFFC000  }
0x27: {  	[hbm4b:s14+s3] =	stream.linear.scatter [tilespmem:s7], [sflag:$0x2], $0x4000, $0x38;
	[tilespmem:$0x8200] =	vst v63  }
0x28: {  	_ =	swait.ge [sflag:s4], $0x4000  }
0x29: {  	[sflag:s4] =	ssyncset.done $0x0  }
0x2a: {  	s15 =	sadd.s32 s24, s15;
	[sflag:s4] =	ssyncadd.s32 $0xFFFFC000  }
0x2b: {  	[hbm4b:s15+s3] =	stream.linear.scatter [tilespmem:s10], [sflag:$0x2], $0x4000, $0x38;
	[tilespmem:$0x8200] =	vst v63  }
0x2c: {  	s18 =	sor.u32 $0x100, s21;
	_ =	swait.ge [sflag:s4], $0x4000  }
0x2d: {  	s16 =	sshrl.u32 s18, $0x3;
	[sflag:s4] =	ssyncset.done $0x0  }
0x2e: {  	s17 =	simm.s32 $0x100;
	s16 =	sadd.s32 s20, s16;
	[sflag:s4] =	ssyncadd.s32 $0xFFFFC000  }
0x2f: {  	[tilespmem:s17], [sflag:$0x2] =	stream.linear.gather [hbm4b:s16+s3], $0x80, $0x38;
	[tilespmem:$0x8200] =	vst v63  }
0x30: {  	_ =	swait.ge [sflag:s4], $0x80  }
0x31: {  	[sflag:s4] =	ssyncset.done $0x0  }
0x32: {  	[sflag:s4] =	ssyncadd.s32 $0xFFFFFF80  }
0x33: {  	[tilespmem:s7], [sflag:$0x1] =	stream.indirect.gather [hbm4b:s1+s6], $0x80, s17, s6, $0xb8;
	[tilespmem:$0x8200] =	vst v63  }
0x34: {  	_ =	swait.ge [sflag:s8], $0x4000  }
0x35: {  	[sflag:s8] =	ssyncset.done $0x0  }
0x36: {  	[sflag:s8] =	ssyncadd.s32 $0xFFFFC000  }
0x37: {  	[tilespmem:s10], [sflag:$0x1] =	stream.indirect.gather [hbm4b:s9+s6], $0x80, s17, s6, $0xb8;
	[tilespmem:$0x8200] =	vst v63  }
0x38: {  	_ =	swait.ge [sflag:s8], $0x4000  }
0x39: {  	s19 =	sshll.u32 s18, $0x4;
	[sflag:s8] =	ssyncset.done $0x0  }
0x3a: {  	s18 =	sadd.s32 s23, s19;
	[sflag:s8] =	ssyncadd.s32 $0xFFFFC000  }
0x3b: {  	[hbm4b:s18+s3] =	stream.linear.scatter [tilespmem:s7], [sflag:$0x2], $0x4000, $0x38;
	[tilespmem:$0x8200] =	vst v63  }
0x3c: {  	_ =	swait.ge [sflag:s4], $0x4000  }
0x3d: {  	[sflag:s4] =	ssyncset.done $0x0  }
0x3e: {  	s19 =	sadd.s32 s24, s19;
	[sflag:s4] =	ssyncadd.s32 $0xFFFFC000  }
0x3f: {  	[hbm4b:s19+s3] =	stream.linear.scatter [tilespmem:s10], [sflag:$0x2], $0x4000, $0x38;
	[tilespmem:$0x8200] =	vst v63  }
0x40: {  	s25 =	sor.u32 $0x180, s21;
	_ =	swait.ge [sflag:s4], $0x4000  }
0x41: {  	s21 =	sshrl.u32 s25, $0x3;
	[sflag:s4] =	ssyncset.done $0x0  }
0x42: {  	s20 =	sadd.s32 s20, s21;
	s21 =	simm.s32 $0x180;
	[sflag:s4] =	ssyncadd.s32 $0xFFFFC000  }
0x43: {  	[tilespmem:s21], [sflag:$0x2] =	stream.linear.gather [hbm4b:s20+s3], $0x80, $0x38;
	[tilespmem:$0x8200] =	vst v63  }
0x44: {  	_ =	swait.ge [sflag:s4], $0x80  }
0x45: {  	[sflag:s4] =	ssyncset.done $0x0  }
0x46: {  	[sflag:s4] =	ssyncadd.s32 $0xFFFFFF80  }
0x47: {  	[tilespmem:s7], [sflag:$0x1] =	stream.indirect.gather [hbm4b:s1+s6], $0x80, s21, s6, $0xb8;
	[tilespmem:$0x8200] =	vst v63  }
0x48: {  	_ =	swait.ge [sflag:s8], $0x4000  }
0x49: {  	[sflag:s8] =	ssyncset.done $0x0  }
0x4a: {  	s26 =	ssub.s32 $0x2, s22;
	[sflag:s8] =	ssyncadd.s32 $0xFFFFC000  }
0x4b: {  	[tilespmem:s10], [sflag:$0x1] =	stream.indirect.gather [hbm4b:s9+s6], $0x80, s21, s6, $0xb8;
	[tilespmem:$0x8200] =	vst v63  }
0x4c: {  	s30 =	sshrl.u32 s26, $0x1;
	_ =	swait.ge [sflag:s8], $0x4000  }
0x4d: {  	s26 =	ssub.s32 s26, s30;
	s25 =	sshll.u32 s25, $0x4;
	[sflag:s8] =	ssyncset.done $0x0  }
0x4e: {  	s31 =	smax.u32 s26, $0x1;
	s22 =	sadd.s32 s23, s25;
	[sflag:s8] =	ssyncadd.s32 $0xFFFFC000  }
0x4f: {  	[hbm4b:s22+s3] =	stream.linear.scatter [tilespmem:s7], [sflag:$0x2], $0x4000, $0x38;
	[tilespmem:$0x8200] =	vst v63  }
0x50: {  	p0 =	sne.s32 s31, $0x1;
	_ =	swait.ge [sflag:s4], $0x4000  }
.Ltmp0:
0x51: {  	[sflag:s4] =	ssyncset.done $0x0;
	(pc) =	sbr.rel @!p0 .LBB2_2-.Ltmp0, $4  }
0x52: {  	s23 =	sadd.s32 s24, s25;
	[sflag:s4] =	ssyncadd.s32 $0xFFFFC000  }
0x53: {  	[hbm4b:s23+s3] =	stream.linear.scatter [tilespmem:s10], [sflag:$0x2], $0x4000, $0x38;
	[tilespmem:$0x8200] =	vst v63  }
0x54: {  	_ =	swait.ge [sflag:s4], $0x4000  }
0x55: {  	s24 =	sadd.s32 $0xFFFFFFFF, s31;
	[sflag:s4] =	ssyncset.done $0x0  }
.LBB2_1:
0x56: {  	p0 =	sne.s32 s24, $0x1;
	s24 =	sadd.s32 $0xFFFFFFFF, s24;
	[sflag:s4] =	ssyncadd.s32 $0xFFFFC000  }
0x57: {  	[tilespmem:s3], [sflag:$0x2] =	stream.linear.gather [hbm4b:s5+s3], $0x80, $0x38;
	[tilespmem:$0x8200] =	vst v63  }
0x58: {  	_ =	swait.ge [sflag:s4], $0x80  }
0x59: {  	[sflag:s4] =	ssyncset.done $0x0  }
0x5a: {  	[sflag:s4] =	ssyncadd.s32 $0xFFFFFF80  }
0x5b: {  	[tilespmem:s7], [sflag:$0x1] =	stream.indirect.gather [hbm4b:s1+s6], $0x80, s3, s6, $0xb8;
	[tilespmem:$0x8200] =	vst v63  }
0x5c: {  	_ =	swait.ge [sflag:s8], $0x4000  }
0x5d: {  	[sflag:s8] =	ssyncset.done $0x0  }
0x5e: {  	[sflag:s8] =	ssyncadd.s32 $0xFFFFC000  }
0x5f: {  	[tilespmem:s10], [sflag:$0x1] =	stream.indirect.gather [hbm4b:s9+s6], $0x80, s3, s6, $0xb8;
	[tilespmem:$0x8200] =	vst v63  }
0x60: {  	_ =	swait.ge [sflag:s8], $0x4000  }
0x61: {  	[sflag:s8] =	ssyncset.done $0x0  }
0x62: {  	[sflag:s8] =	ssyncadd.s32 $0xFFFFC000  }
0x63: {  	[hbm4b:s11+s3] =	stream.linear.scatter [tilespmem:s7], [sflag:$0x2], $0x4000, $0x38;
	[tilespmem:$0x8200] =	vst v63  }
0x64: {  	_ =	swait.ge [sflag:s4], $0x4000  }
0x65: {  	[sflag:s4] =	ssyncset.done $0x0  }
0x66: {  	[sflag:s4] =	ssyncadd.s32 $0xFFFFC000  }
0x67: {  	[hbm4b:s12+s3] =	stream.linear.scatter [tilespmem:s10], [sflag:$0x2], $0x4000, $0x38;
	[tilespmem:$0x8200] =	vst v63  }
0x68: {  	_ =	swait.ge [sflag:s4], $0x4000  }
0x69: {  	[sflag:s4] =	ssyncset.done $0x0  }
0x6a: {  	[sflag:s4] =	ssyncadd.s32 $0xFFFFC000  }
0x6b: {  	[tilespmem:s6], [sflag:$0x2] =	stream.linear.gather [hbm4b:s13+s3], $0x80, $0x38;
	[tilespmem:$0x8200] =	vst v63  }
0x6c: {  	_ =	swait.ge [sflag:s4], $0x80  }
0x6d: {  	[sflag:s4] =	ssyncset.done $0x0  }
0x6e: {  	[sflag:s4] =	ssyncadd.s32 $0xFFFFFF80  }
0x6f: {  	[tilespmem:s7], [sflag:$0x1] =	stream.indirect.gather [hbm4b:s1+s6], $0x80, s6, s6, $0xb8;
	[tilespmem:$0x8200] =	vst v63  }
0x70: {  	_ =	swait.ge [sflag:s8], $0x4000  }
0x71: {  	[sflag:s8] =	ssyncset.done $0x0  }
0x72: {  	[sflag:s8] =	ssyncadd.s32 $0xFFFFC000  }
0x73: {  	[tilespmem:s10], [sflag:$0x1] =	stream.indirect.gather [hbm4b:s9+s6], $0x80, s6, s6, $0xb8;
	[tilespmem:$0x8200] =	vst v63  }
0x74: {  	_ =	swait.ge [sflag:s8], $0x4000  }
0x75: {  	[sflag:s8] =	ssyncset.done $0x0  }
0x76: {  	[sflag:s8] =	ssyncadd.s32 $0xFFFFC000  }
0x77: {  	[hbm4b:s14+s3] =	stream.linear.scatter [tilespmem:s7], [sflag:$0x2], $0x4000, $0x38;
	[tilespmem:$0x8200] =	vst v63  }
0x78: {  	_ =	swait.ge [sflag:s4], $0x4000  }
0x79: {  	[sflag:s4] =	ssyncset.done $0x0  }
0x7a: {  	[sflag:s4] =	ssyncadd.s32 $0xFFFFC000  }
0x7b: {  	[hbm4b:s15+s3] =	stream.linear.scatter [tilespmem:s10], [sflag:$0x2], $0x4000, $0x38;
	[tilespmem:$0x8200] =	vst v63  }
0x7c: {  	_ =	swait.ge [sflag:s4], $0x4000  }
0x7d: {  	[sflag:s4] =	ssyncset.done $0x0  }
0x7e: {  	[sflag:s4] =	ssyncadd.s32 $0xFFFFC000  }
0x7f: {  	[tilespmem:s17], [sflag:$0x2] =	stream.linear.gather [hbm4b:s16+s3], $0x80, $0x38;
	[tilespmem:$0x8200] =	vst v63  }
0x80: {  	_ =	swait.ge [sflag:s4], $0x80  }
0x81: {  	[sflag:s4] =	ssyncset.done $0x0  }
0x82: {  	[sflag:s4] =	ssyncadd.s32 $0xFFFFFF80  }
0x83: {  	[tilespmem:s7], [sflag:$0x1] =	stream.indirect.gather [hbm4b:s1+s6], $0x80, s17, s6, $0xb8;
	[tilespmem:$0x8200] =	vst v63  }
0x84: {  	_ =	swait.ge [sflag:s8], $0x4000  }
0x85: {  	[sflag:s8] =	ssyncset.done $0x0  }
0x86: {  	[sflag:s8] =	ssyncadd.s32 $0xFFFFC000  }
0x87: {  	[tilespmem:s10], [sflag:$0x1] =	stream.indirect.gather [hbm4b:s9+s6], $0x80, s17, s6, $0xb8;
	[tilespmem:$0x8200] =	vst v63  }
0x88: {  	_ =	swait.ge [sflag:s8], $0x4000  }
0x89: {  	[sflag:s8] =	ssyncset.done $0x0  }
0x8a: {  	[sflag:s8] =	ssyncadd.s32 $0xFFFFC000  }
0x8b: {  	[hbm4b:s18+s3] =	stream.linear.scatter [tilespmem:s7], [sflag:$0x2], $0x4000, $0x38;
	[tilespmem:$0x8200] =	vst v63  }
0x8c: {  	_ =	swait.ge [sflag:s4], $0x4000  }
0x8d: {  	[sflag:s4] =	ssyncset.done $0x0  }
0x8e: {  	[sflag:s4] =	ssyncadd.s32 $0xFFFFC000  }
0x8f: {  	[hbm4b:s19+s3] =	stream.linear.scatter [tilespmem:s10], [sflag:$0x2], $0x4000, $0x38;
	[tilespmem:$0x8200] =	vst v63  }
0x90: {  	_ =	swait.ge [sflag:s4], $0x4000  }
0x91: {  	[sflag:s4] =	ssyncset.done $0x0  }
0x92: {  	[sflag:s4] =	ssyncadd.s32 $0xFFFFC000  }
0x93: {  	[tilespmem:s21], [sflag:$0x2] =	stream.linear.gather [hbm4b:s20+s3], $0x80, $0x38;
	[tilespmem:$0x8200] =	vst v63  }
0x94: {  	_ =	swait.ge [sflag:s4], $0x80  }
0x95: {  	[sflag:s4] =	ssyncset.done $0x0  }
0x96: {  	[sflag:s4] =	ssyncadd.s32 $0xFFFFFF80  }
0x97: {  	[tilespmem:s7], [sflag:$0x1] =	stream.indirect.gather [hbm4b:s1+s6], $0x80, s21, s6, $0xb8;
	[tilespmem:$0x8200] =	vst v63  }
0x98: {  	_ =	swait.ge [sflag:s8], $0x4000  }
0x99: {  	[sflag:s8] =	ssyncset.done $0x0  }
0x9a: {  	[sflag:s8] =	ssyncadd.s32 $0xFFFFC000  }
0x9b: {  	[tilespmem:s10], [sflag:$0x1] =	stream.indirect.gather [hbm4b:s9+s6], $0x80, s21, s6, $0xb8;
	[tilespmem:$0x8200] =	vst v63  }
0x9c: {  	_ =	swait.ge [sflag:s8], $0x4000  }
0x9d: {  	[sflag:s8] =	ssyncset.done $0x0  }
0x9e: {  	[sflag:s8] =	ssyncadd.s32 $0xFFFFC000  }
0x9f: {  	[hbm4b:s22+s3] =	stream.linear.scatter [tilespmem:s7], [sflag:$0x2], $0x4000, $0x38;
	[tilespmem:$0x8200] =	vst v63  }
0xa0: {  	_ =	swait.ge [sflag:s4], $0x4000  }
.Ltmp1:
0xa1: {  	[sflag:s4] =	ssyncset.done $0x0;
	(pc) =	sbr.rel @p0 .LBB2_1-.Ltmp1, $4  }
0xa2: {  	[sflag:s4] =	ssyncadd.s32 $0xFFFFC000  }
0xa3: {  	[hbm4b:s23+s3] =	stream.linear.scatter [tilespmem:s10], [sflag:$0x2], $0x4000, $0x38;
	[tilespmem:$0x8200] =	vst v63  }
0xa4: {  	_ =	swait.ge [sflag:s4], $0x4000  }
0xa5: {  	[sflag:s4] =	ssyncset.done $0x0  }
.LBB2_2:
0xa6: {  	[sflag:s4] =	ssyncadd.s32 $0xFFFFC000  }
0xa7: {  	_ =	sfence.sel $0x180000  }
0xa8: {  	[bflag:$0x0] =	sbarrier.arrive $0xFFFF  }
0xa9: {  	p0 =	sne.s32 s0, $0x0;
	_ =	strace $0x9000004A  }
0xaa: {  	s0 =	sadd.s32 @!p0 $0x100000, s2;
	[bflag:$0x2] =	sbarrier.arrive $0xFFFF  }
0xab: {  	[sflag:s0] =	ssyncadd.tile.s32 @!p0 $0x1;
	_ =	shalt  }
.Lfunc_end2:
_tile_overlayer_lowered:
.L_overlay_start_2:
0xac: {  	(tag) =	ssettag $0x2  }
0xad: {  	s0 =	rddreg [dreg:$0x0];
	s2 =	stileid.u32  }
0xae: {  	s1 =	rddreg [dreg:$0x1];
	p0 =	sne.s32 s2, $0x0  }
0xaf: {  	s3 =	rddreg [dreg:$0x2];
	[bflag:$0x3] =	sbarrier.arrive $0xFFFF;
	s2 =	simm.s32 @!p0 $0x1C02  }
0xb0: {  	[timem:s3], [sflag:s2] =	dma.local @!p0 [hbm:s0], s1  }
0xb1: {  	s0 =	simm.s32 @!p0 $0x2  }
0xb2: {  	_ =	swait.ge @!p0 [sflag:s0], s1  }
0xb3: {  	s1 =	ssub.s32 @!p0 $0x0, s1;
	[sflag:s0] =	ssyncset.done @!p0 $0x0  }
0xb4: {  	[sflag:s0] =	ssyncadd.s32 @!p0 s1  }
0xb5: {  	[bflag:$0x3] =	sbarrier.arrive $0xFFFF  }
0xb6: {  	_ =	shalt  }

// kernel: kernel.8.cloned.1.call-start
scs
__scs_entry_jumppad:
0x0: {  	(pc) =	sbr.rel $0x88, $3  }
0x1: {  	(tag) =	ssettag $0x0;
	lr =	simm.s32 $0x1  }
0x2: {  	[smem:$0x3F98] =	sst lr;
	_ =	strace $0xD0000000  }
0x3: {  	_ = 	snop  }
0x4: {  	_ = 	snop  }
0x5: {  	_ = 	snop  }
0x6: {  	_ = 	snop  }
0x7: {  	_ = 	snop  }
__scs_overlays_trampoline_lowered:
0x8: {  	[smem:$0x3FA7] =	sst s0  }
0x9: {  	[smem:$0x3FA8] =	sst s1  }
0xa: {  	[smem:$0x3FA9] =	sst s2  }
0xb: {  	[smem:$0x3FAA] =	sst s3  }
0xc: {  	[smem:$0x3FAB] =	sst s4  }
0xd: {  	[smem:$0x3FAC] =	sst s5  }
0xe: {  	[smem:$0x3FAD] =	sst s6  }
0xf: {  	[smem:$0x3FAE] =	sst s7  }
0x10: {  	[smem:$0x3FAF] =	sst s8  }
0x11: {  	[smem:$0x3FB0] =	sst s9;
	s0 =	simm.s32 @!p0 $0x0  }
0x12: {  	s1 =	sld [smem:$0x3F96];
	s0 =	simm.s32 @p0 $0x1  }
0x13: {  	[smem:$0x3FB1] =	sst s0;
	s0 =	simm.s32 @!p1 $0x0  }
0x14: {  	s2 =	sld [smem:$0x3F95];
	s0 =	simm.s32 @p1 $0x1  }
0x15: {  	[smem:$0x3FB2] =	sst s0;
	s0 =	simm.s32 @!p2 $0x0  }
0x16: {  	s3 =	sld [smem:$0x3FDB];
	s0 =	simm.s32 @p2 $0x1  }
0x17: {  	s4 =	simm.s32 $0x1BF5;
	[smem:$0x3FB4] =	sst s0  }
0x18: {  	s0 =	sld [smem:$0x3F97];
	_ =	swait.ge [sflag:s4], $0x0  }
0x19: {  	s7 =	sld [smem:$0x3F98]  }
0x1a: {  	s8 =	sadd.s32 $0xFFFFE003, lr  }
0x1b: {  	s9 =	sadd.s32 $0xFFFFFEF7, lr;
	s5 =	simm.s32 $0xFFFFFFFF;
	p2 =	slt.u32 s8, $0xFFFFF086  }
0x1c: {  	p1 =	slt.u32 s9, $0xF7A;
	s5 =	simm.s32 @!p2 $0x0  }
0x1d: {  	s5 =	simm.s32 @p1 $0x1;
	p0 =	seq.s32 s7, s2  }
0x1e: {  	s7 =	smul.u32 @!p0 $0xF7A, s2;
	p2 =	seq.s32 @!p0 s5, $0x0  }
0x1f: {  	s9 =	smul.u32 $0xF7A, s1;
	s8 =	simm.s32 @!p0 $0x1BF5;
	p2 =	por !p2, p0  }
0x20: {  	[sflag:s8] =	ssyncset.s32 @!p0 $0xFFFFF086;
	s6 =	sadd.s32 @!p0 s3, s7;
	s7 =	simm.s32 @!p0 $0x108  }
0x21: {  	s3 =	sadd.s32 s3, s9;
	s6 =	sadd.s32 @!p0 $0x88, s6;
	s7 =	simm.s32 @p2 $0x1082  }
0x22: {  	[simem:s7], [sflag:s8] =	dma.local @!p0 [hbm:s6], $0xF7A  }
0x23: {  	s9 =	sor.u32 $0xD0000000, s2;
	s6 =	simm.s32 $0x108;
	_ =	swait.ge @!p0 [sflag:s8], $0x0  }
0x24: {  	s3 =	sadd.s32 $0x88, s3;
	s6 =	simm.s32 @!p1 $0x1082;
	[sflag:s4] =	ssyncset.s32 $0xFFFFF086  }
0x25: {  	[simem:s6], [sflag:s4] =	dma.local [hbm:s3], $0xF7A  }
0x26: {  	[smem:$0x3F98] =	sst s1;
	(tag) =	ssettag s2;
	_ =	strace s9  }
0x27: {  	s1 =	sld [smem:$0x3FA8]  }
0x28: {  	s2 =	sld [smem:$0x3FA9]  }
0x29: {  	s4 =	sld [smem:$0x3FAB]  }
0x2a: {  	p0 =	seq.s32 s5, $0x0;
	s5 =	sld [smem:$0x3FAC]  }
0x2b: {  	s6 =	sld [smem:$0x3FAD]  }
0x2c: {  	s7 =	sld [smem:$0x3FAE]  }
0x2d: {  	s3 =	simm.s32 $0x108;
	s8 =	sld [smem:$0x3FAF]  }
0x2e: {  	s3 =	simm.s32 @!p0 $0x1082;
	s9 =	sld [smem:$0x3FB0]  }
0x2f: {  	lr =	sadd.s32 s0, s3;
	s0 =	sld [smem:$0x3FA7]  }
0x30: {  	s3 =	sld [smem:$0x3FAA]  }
0x31: {  	[smem:$0x3FB3] =	sst s10  }
0x32: {  	s10 =	sld [smem:$0x3FB1];
	_ =	sdelay $0x3  }
0x33: {  	p0 =	seq.s32 s10, $0x1;
	s10 =	sld [smem:$0x3FB3];
	_ =	sdelay $0x3  }
0x34: {  	[smem:$0x3FB3] =	sst s10  }
0x35: {  	s10 =	sld [smem:$0x3FB2];
	_ =	sdelay $0x3  }
0x36: {  	p1 =	seq.s32 s10, $0x1;
	s10 =	sld [smem:$0x3FB3];
	_ =	sdelay $0x3  }
0x37: {  	[smem:$0x3FB3] =	sst s10  }
0x38: {  	s10 =	sld [smem:$0x3FB4]  }
0x39: {  	_ = 	snop;
	(pc) =	sbr.ind lr, $3  }
0x3a: {  	_ = 	snop  }
0x3b: {  	_ = 	snop  }
0x3c: {  	p2 =	seq.s32 s10, $0x1;
	s10 =	sld [smem:$0x3FB3]  }
0x3d: {  	_ =	shalt  }
0x3e: {  	_ =	shalt  }
0x3f: {  	_ =	shalt  }
0x40: {  	_ =	shalt  }
0x41: {  	_ =	shalt  }
0x42: {  	_ =	shalt  }
0x43: {  	_ =	shalt  }
0x44: {  	_ =	shalt  }
0x45: {  	_ =	shalt  }
0x46: {  	_ =	shalt  }
0x47: {  	_ =	shalt  }
0x48: {  	_ =	shalt  }
0x49: {  	_ =	shalt  }
0x4a: {  	_ =	shalt  }
0x4b: {  	_ =	shalt  }
0x4c: {  	_ =	shalt  }
0x4d: {  	_ =	shalt  }
0x4e: {  	_ =	shalt  }
0x4f: {  	_ =	shalt  }
0x50: {  	_ =	shalt  }
0x51: {  	_ =	shalt  }
0x52: {  	_ =	shalt  }
0x53: {  	_ =	shalt  }
0x54: {  	_ =	shalt  }
0x55: {  	_ =	shalt  }
0x56: {  	_ =	shalt  }
0x57: {  	_ =	shalt  }
0x58: {  	_ =	shalt  }
0x59: {  	_ =	shalt  }
0x5a: {  	_ =	shalt  }
0x5b: {  	_ =	shalt  }
0x5c: {  	_ =	shalt  }
0x5d: {  	_ =	shalt  }
0x5e: {  	_ =	shalt  }
0x5f: {  	_ =	shalt  }
0x60: {  	_ =	shalt  }
0x61: {  	_ =	shalt  }
0x62: {  	_ =	shalt  }
0x63: {  	_ =	shalt  }
0x64: {  	_ =	shalt  }
0x65: {  	_ =	shalt  }
0x66: {  	_ =	shalt  }
0x67: {  	_ =	shalt  }
0x68: {  	_ =	shalt  }
0x69: {  	_ =	shalt  }
0x6a: {  	_ =	shalt  }
0x6b: {  	_ =	shalt  }
0x6c: {  	_ =	shalt  }
0x6d: {  	_ =	shalt  }
0x6e: {  	_ =	shalt  }
0x6f: {  	_ =	shalt  }
0x70: {  	_ =	shalt  }
0x71: {  	_ =	shalt  }
0x72: {  	_ =	shalt  }
0x73: {  	_ =	shalt  }
0x74: {  	_ =	shalt  }
0x75: {  	_ =	shalt  }
0x76: {  	_ =	shalt  }
0x77: {  	_ =	shalt  }
0x78: {  	_ =	shalt  }
0x79: {  	_ =	shalt  }
0x7a: {  	_ =	shalt  }
0x7b: {  	_ =	shalt  }
0x7c: {  	_ =	shalt  }
0x7d: {  	_ =	shalt  }
0x7e: {  	_ =	shalt  }
0x7f: {  	_ =	shalt  }
0x80: {  	_ =	shalt  }
0x81: {  	_ =	shalt  }
0x82: {  	_ =	shalt  }
0x83: {  	_ =	shalt  }
0x84: {  	_ =	shalt  }
0x85: {  	_ =	shalt  }
0x86: {  	_ =	shalt  }
0x87: {  	_ =	shalt  }
.Lfunc_end0:
.L_simem_size_0:
called_computation_lowered:
.L_overlay_start_0:
0x88: {  	s2 =	sld [smem:$0x3FD9]  }
0x89: {  	s3 =	sld [smem:$0x3FFE];
	_ =	sdelay $0x1  }
0x8a: {  	s1 =	srdreg.scid  }
0x8b: {  	s0 =	sand.u32 $0x1, s1  }
0x8c: {  	s16 =	sshll.u32 s0, $0xA;
	s2 =	sadd.s32 s3, s2  }
0x8d: {  	s2 =	sadd.s32 s2, s16  }
0x8e: {  	[smem:$0x3FBF] =	sst s2  }
0x8f: {  	_ = 	snop  }
0x90: {  	(tm) =	ssettm $0x1  }
0x91: {  	s17 =	sld [smem:$0x3FFB];
	_ =	sdelay $0x3  }
0x92: {  	_ =	strace s17  }
0x93: {  	s2 =	sld [smem:$0x3FFC];
	_ =	sdelay $0x3  }
0x94: {  	_ =	strace s2  }
0x95: {  	s2 =	sld [smem:$0x3FFD];
	_ =	sdelay $0x3  }
0x96: {  	_ =	strace s2  }
0x97: {  	_ =	strace $0x8FFFFFFF  }
0x98: {  	s18 =	sld [smem:$0x3FDB];
	_ =	sdelay $0x1  }
0x99: {  	s19 =	simm.s32 $_scs_section_size  }
0x9a: {  	s4 =	simm.s32 $_size__tile_overlayer_lowered;
	s5 =	simm.s32 $_tile_overlayer_lowered  }
0x9b: {  	s22 =	simm.s32 $0x1BFF;
	s21 =	sshll.u32 s5, $0x1;
	s2 =	sadd.s32 s19, s18  }
0x9c: {  	s6 =	simm.s32 $0x0;
	s20 =	sshll.u32 s4, $0x1;
	s4 =	sadd.s32 s21, s2  }
0x9d: {  	[timem:s6], [sflag:s22] =	dma.local [hbm:s4], s20  }
0x9e: {  	_ =	swait.ge [sflag:s22], s20  }
0x9f: {  	s3 =	ssub.s32 $0x0, s20;
	[sflag:s22] =	ssyncset.done $0x0  }
0xa0: {  	[sflag:s22] =	ssyncadd.s32 s3;
	_ =	sdelay $0x1  }
0xa1: {  	s23 =	simm.s32 $0x1B8B  }
0xa2: {  	_ =	swait.ge [sflag:s23], $0x1  }
0xa3: {  	[sflag:s23] =	ssyncset.done $0x0  }
0xa4: {  	s25 =	simm.s32 $0x1B8E;
	s24 =	sld [smem:$0x3FFE];
	[sflag:s23] =	ssyncadd.s32 $0xFFFFFFFF  }
0xa5: {  	s26 =	simm.s32 $execute0_lowered;
	[smem:$0x3FD2] =	sst s25  }
0xa6: {  	s4 =	sshll.u32 s26, $0x1;
	_ =	strace $0x80000046;
	[dreg:$0x1] =	wrdreg $0xFFFFFFFF  }
0xa7: {  	s28 =	simm.s32 $_size_execute0_lowered;
	s2 =	sadd.s32 s2, s4;
	[dreg:$0x0] =	wrdreg $0x0  }
0xa8: {  	s4 =	sshll.u32 s28, $0x1;
	[dreg:$0x2] =	wrdreg s2  }
0xa9: {  	[dreg:$0x3] =	wrdreg s4  }
0xaa: {  	[dreg:$0x4] =	wrdreg $0xC0  }
0xab: {  	_ =	task [dreg:s6], $0x5FFFF  }
0xac: {  	[dreg:$0x1] =	wrdreg $0xFFFFFFFF  }
0xad: {  	[dreg:$0x0] =	wrdreg $0x60  }
0xae: {  	[dreg:$0x2] =	wrdreg s24  }
0xaf: {  	[dreg:$0x3] =	wrdreg $0x9  }
0xb0: {  	_ =	task.clear_ibuf [dreg:s6], $0x4FFFF;
	_ =	strace $0x90000046  }
0xb1: {  	s29 =	simm.s32 $0x9;
	_ =	strace $0x80000048  }
0xb2: {  	_ =	swait.ge [sflag:s29], $0x1  }
0xb3: {  	[sflag:s29] =	ssyncadd.s32 $0xFFFFFFFF  }
0xb4: {  	_ =	strace $0x90000048  }
0xb5: {  	_ =	sfence  }
0xb6: {  	s30 =	sld [smem:$0x0];
	_ =	sdelay $0x2  }
0xb7: {  	s31 =	sshll.u32 s1, $0xD;
	s1 =	sshrl.u32 s1, $0x2  }
0xb8: {  	s3 =	sand.u32 $0x4000, s31;
	s1 =	sadd.s32 s1, s30  }
0xb9: {  	s0 =	sor.u32 s3, s0;
	s1 =	sshll.u32 s1, $0x11  }
0xba: {  	s0 =	sor.u32 s1, s0  }
0xbb: {  	s0 =	sadd.s32 $0x8F2B, s0  }
0xbc: {  	[sflag:s0] =	ssyncadd.remote.s32 $0x1  }
0xbd: {  	_ =	sfence.sel $0xFFFF  }
0xbe: {  	[dreg:$0x0] =	wrdreg $0xFFFFFFFF;
	(pc) =	sbr.abs _section_cstart, $3  }
0xbf: {  	[dreg:$0x1] =	wrdreg $0xFFFFFFFF  }
0xc0: {  	_ =	task.clear_ibuf [dreg:s6], $0x2FFFF;
	_ =	strace $0x9FFFFFFF  }
0xc1: {  	(tm) =	ssettm $0x7FFFFFFF  }
tec
execute0_lowered:
.L_overlay_start_1:
0x0: {  	(tag) =	ssettag $0x1  }
0x1: {  	s1 =	srdreg.scid  }
0x2: {  	s0 =	stileid.u32;
	s17 =	sand.u32 $0x1, s1  }
0x3: {  	s9 =	rddreg [dreg:$0x0];
	s3 =	sshll.u32 s0, $0xA;
	s4 =	sshll.u32 s17, $0x9  }
0x4: {  	s2 =	simm.s32 $0x0;
	s1 =	rddreg [dreg:$0x1];
	s15 =	sor.u32 s4, s3  }
0x5: {  	[smem:$0x7FF] =	sst s2;
	s16 =	sadd.s32 $0x622000, s9;
	s3 =	sshrl.u32 s15, $0x3  }
0x6: {  	_ =	strace $0x80000047;
	s4 =	sadd.s32 s16, s3;
	s3 =	simm.s32 $0x2  }
0x7: {  	[tilespmem:s2], [sflag:$0x2] =	stream.linear.gather [hbm4b:s4+s2], $0x80, $0x38;
	[tilespmem:$0x4200] =	vst v63  }
0x8: {  	_ =	swait.ge [sflag:s3], $0x80  }
0x9: {  	s6 =	simm.s32 $0x80;
	s7 =	simm.s32 $0x200;
	[sflag:s3] =	ssyncset.done $0x0  }
0xa: {  	s8 =	simm.s32 $0x1;
	s5 =	sadd.s32 $0x2000, s9;
	[sflag:s3] =	ssyncadd.s32 $0xFFFFFF80  }
0xb: {  	[tilespmem:s7], [sflag:$0x1] =	stream.indirect.gather [hbm4b:s5+s6], $0x80, s2, s6, $0xb8;
	[tilespmem:$0x4200] =	vst v63  }
0xc: {  	_ =	swait.ge [sflag:s8], $0x4000  }
0xd: {  	s18 =	sadd.s32 $0x622800, s9;
	s29 =	sshll.u32 s15, $0x4;
	[sflag:s8] =	ssyncset.done $0x0  }
0xe: {  	s9 =	sadd.s32 s18, s29;
	[sflag:s8] =	ssyncadd.s32 $0xFFFFC000  }
0xf: {  	[hbm4b:s9+s2] =	stream.linear.scatter [tilespmem:s7], [sflag:$0x2], $0x4000, $0x38;
	[tilespmem:$0x4200] =	vst v63  }
0x10: {  	s11 =	sor.u32 $0x80, s15;
	_ =	swait.ge [sflag:s3], $0x4000  }
0x11: {  	s10 =	sshrl.u32 s11, $0x3;
	[sflag:s3] =	ssyncset.done $0x0  }
0x12: {  	s10 =	sadd.s32 s16, s10;
	[sflag:s3] =	ssyncadd.s32 $0xFFFFC000  }
0x13: {  	[tilespmem:s6], [sflag:$0x2] =	stream.linear.gather [hbm4b:s10+s2], $0x80, $0x38;
	[tilespmem:$0x4200] =	vst v63  }
0x14: {  	_ =	swait.ge [sflag:s3], $0x80  }
0x15: {  	[sflag:s3] =	ssyncset.done $0x0  }
0x16: {  	[sflag:s3] =	ssyncadd.s32 $0xFFFFFF80  }
0x17: {  	[tilespmem:s7], [sflag:$0x1] =	stream.indirect.gather [hbm4b:s5+s6], $0x80, s6, s6, $0xb8;
	[tilespmem:$0x4200] =	vst v63  }
0x18: {  	_ =	swait.ge [sflag:s8], $0x4000  }
0x19: {  	s11 =	sshll.u32 s11, $0x4;
	[sflag:s8] =	ssyncset.done $0x0  }
0x1a: {  	s11 =	sadd.s32 s18, s11;
	[sflag:s8] =	ssyncadd.s32 $0xFFFFC000  }
0x1b: {  	[hbm4b:s11+s2] =	stream.linear.scatter [tilespmem:s7], [sflag:$0x2], $0x4000, $0x38;
	[tilespmem:$0x4200] =	vst v63  }
0x1c: {  	s14 =	sor.u32 $0x100, s15;
	_ =	swait.ge [sflag:s3], $0x4000  }
0x1d: {  	s12 =	sshrl.u32 s14, $0x3;
	[sflag:s3] =	ssyncset.done $0x0  }
0x1e: {  	s13 =	simm.s32 $0x100;
	s12 =	sadd.s32 s16, s12;
	[sflag:s3] =	ssyncadd.s32 $0xFFFFC000  }
0x1f: {  	[tilespmem:s13], [sflag:$0x2] =	stream.linear.gather [hbm4b:s12+s2], $0x80, $0x38;
	[tilespmem:$0x4200] =	vst v63  }
0x20: {  	_ =	swait.ge [sflag:s3], $0x80  }
0x21: {  	[sflag:s3] =	ssyncset.done $0x0  }
0x22: {  	[sflag:s3] =	ssyncadd.s32 $0xFFFFFF80  }
0x23: {  	[tilespmem:s7], [sflag:$0x1] =	stream.indirect.gather [hbm4b:s5+s6], $0x80, s13, s6, $0xb8;
	[tilespmem:$0x4200] =	vst v63  }
0x24: {  	_ =	swait.ge [sflag:s8], $0x4000  }
0x25: {  	s14 =	sshll.u32 s14, $0x4;
	[sflag:s8] =	ssyncset.done $0x0  }
0x26: {  	s14 =	sadd.s32 s18, s14;
	[sflag:s8] =	ssyncadd.s32 $0xFFFFC000  }
0x27: {  	[hbm4b:s14+s2] =	stream.linear.scatter [tilespmem:s7], [sflag:$0x2], $0x4000, $0x38;
	[tilespmem:$0x4200] =	vst v63  }
0x28: {  	s19 =	sor.u32 $0x180, s15;
	_ =	swait.ge [sflag:s3], $0x4000  }
0x29: {  	s17 =	ssub.s32 $0x2, s17;
	s15 =	sshrl.u32 s19, $0x3;
	[sflag:s3] =	ssyncset.done $0x0  }
0x2a: {  	s15 =	sadd.s32 s16, s15;
	s16 =	simm.s32 $0x180;
	[sflag:s3] =	ssyncadd.s32 $0xFFFFC000  }
0x2b: {  	[tilespmem:s16], [sflag:$0x2] =	stream.linear.gather [hbm4b:s15+s2], $0x80, $0x38;
	[tilespmem:$0x4200] =	vst v63  }
0x2c: {  	s20 =	sshrl.u32 s17, $0x1;
	_ =	swait.ge [sflag:s3], $0x80  }
0x2d: {  	s20 =	ssub.s32 s17, s20;
	[sflag:s3] =	ssyncset.done $0x0  }
0x2e: {  	s31 =	smax.u32 s20, $0x1;
	[sflag:s3] =	ssyncadd.s32 $0xFFFFFF80  }
0x2f: {  	[tilespmem:s7], [sflag:$0x1] =	stream.indirect.gather [hbm4b:s5+s6], $0x80, s16, s6, $0xb8;
	[tilespmem:$0x4200] =	vst v63  }
0x30: {  	p0 =	sne.s32 s31, $0x1;
	_ =	swait.ge [sflag:s8], $0x4000  }
.Ltmp0:
0x31: {  	s30 =	sshll.u32 s19, $0x4;
	[sflag:s8] =	ssyncset.done $0x0;
	(pc) =	sbr.rel @!p0 .LBB2_2-.Ltmp0, $4  }
0x32: {  	s17 =	sadd.s32 s18, s30;
	[sflag:s8] =	ssyncadd.s32 $0xFFFFC000  }
0x33: {  	[hbm4b:s17+s2] =	stream.linear.scatter [tilespmem:s7], [sflag:$0x2], $0x4000, $0x38;
	[tilespmem:$0x4200] =	vst v63  }
0x34: {  	_ =	swait.ge [sflag:s3], $0x4000  }
0x35: {  	s18 =	sadd.s32 $0xFFFFFFFF, s31;
	[sflag:s3] =	ssyncset.done $0x0  }
.LBB2_1:
0x36: {  	p0 =	sne.s32 s18, $0x1;
	s18 =	sadd.s32 $0xFFFFFFFF, s18;
	[sflag:s3] =	ssyncadd.s32 $0xFFFFC000  }
0x37: {  	[tilespmem:s2], [sflag:$0x2] =	stream.linear.gather [hbm4b:s4+s2], $0x80, $0x38;
	[tilespmem:$0x4200] =	vst v63  }
0x38: {  	_ =	swait.ge [sflag:s3], $0x80  }
0x39: {  	[sflag:s3] =	ssyncset.done $0x0  }
0x3a: {  	[sflag:s3] =	ssyncadd.s32 $0xFFFFFF80  }
0x3b: {  	[tilespmem:s7], [sflag:$0x1] =	stream.indirect.gather [hbm4b:s5+s6], $0x80, s2, s6, $0xb8;
	[tilespmem:$0x4200] =	vst v63  }
0x3c: {  	_ =	swait.ge [sflag:s8], $0x4000  }
0x3d: {  	[sflag:s8] =	ssyncset.done $0x0  }
0x3e: {  	[sflag:s8] =	ssyncadd.s32 $0xFFFFC000  }
0x3f: {  	[hbm4b:s9+s2] =	stream.linear.scatter [tilespmem:s7], [sflag:$0x2], $0x4000, $0x38;
	[tilespmem:$0x4200] =	vst v63  }
0x40: {  	_ =	swait.ge [sflag:s3], $0x4000  }
0x41: {  	[sflag:s3] =	ssyncset.done $0x0  }
0x42: {  	[sflag:s3] =	ssyncadd.s32 $0xFFFFC000  }
0x43: {  	[tilespmem:s6], [sflag:$0x2] =	stream.linear.gather [hbm4b:s10+s2], $0x80, $0x38;
	[tilespmem:$0x4200] =	vst v63  }
0x44: {  	_ =	swait.ge [sflag:s3], $0x80  }
0x45: {  	[sflag:s3] =	ssyncset.done $0x0  }
0x46: {  	[sflag:s3] =	ssyncadd.s32 $0xFFFFFF80  }
0x47: {  	[tilespmem:s7], [sflag:$0x1] =	stream.indirect.gather [hbm4b:s5+s6], $0x80, s6, s6, $0xb8;
	[tilespmem:$0x4200] =	vst v63  }
0x48: {  	_ =	swait.ge [sflag:s8], $0x4000  }
0x49: {  	[sflag:s8] =	ssyncset.done $0x0  }
0x4a: {  	[sflag:s8] =	ssyncadd.s32 $0xFFFFC000  }
0x4b: {  	[hbm4b:s11+s2] =	stream.linear.scatter [tilespmem:s7], [sflag:$0x2], $0x4000, $0x38;
	[tilespmem:$0x4200] =	vst v63  }
0x4c: {  	_ =	swait.ge [sflag:s3], $0x4000  }
0x4d: {  	[sflag:s3] =	ssyncset.done $0x0  }
0x4e: {  	[sflag:s3] =	ssyncadd.s32 $0xFFFFC000  }
0x4f: {  	[tilespmem:s13], [sflag:$0x2] =	stream.linear.gather [hbm4b:s12+s2], $0x80, $0x38;
	[tilespmem:$0x4200] =	vst v63  }
0x50: {  	_ =	swait.ge [sflag:s3], $0x80  }
0x51: {  	[sflag:s3] =	ssyncset.done $0x0  }
0x52: {  	[sflag:s3] =	ssyncadd.s32 $0xFFFFFF80  }
0x53: {  	[tilespmem:s7], [sflag:$0x1] =	stream.indirect.gather [hbm4b:s5+s6], $0x80, s13, s6, $0xb8;
	[tilespmem:$0x4200] =	vst v63  }
0x54: {  	_ =	swait.ge [sflag:s8], $0x4000  }
0x55: {  	[sflag:s8] =	ssyncset.done $0x0  }
0x56: {  	[sflag:s8] =	ssyncadd.s32 $0xFFFFC000  }
0x57: {  	[hbm4b:s14+s2] =	stream.linear.scatter [tilespmem:s7], [sflag:$0x2], $0x4000, $0x38;
	[tilespmem:$0x4200] =	vst v63  }
0x58: {  	_ =	swait.ge [sflag:s3], $0x4000  }
0x59: {  	[sflag:s3] =	ssyncset.done $0x0  }
0x5a: {  	[sflag:s3] =	ssyncadd.s32 $0xFFFFC000  }
0x5b: {  	[tilespmem:s16], [sflag:$0x2] =	stream.linear.gather [hbm4b:s15+s2], $0x80, $0x38;
	[tilespmem:$0x4200] =	vst v63  }
0x5c: {  	_ =	swait.ge [sflag:s3], $0x80  }
0x5d: {  	[sflag:s3] =	ssyncset.done $0x0  }
0x5e: {  	[sflag:s3] =	ssyncadd.s32 $0xFFFFFF80  }
0x5f: {  	[tilespmem:s7], [sflag:$0x1] =	stream.indirect.gather [hbm4b:s5+s6], $0x80, s16, s6, $0xb8;
	[tilespmem:$0x4200] =	vst v63  }
0x60: {  	_ =	swait.ge [sflag:s8], $0x4000  }
.Ltmp1:
0x61: {  	[sflag:s8] =	ssyncset.done $0x0;
	(pc) =	sbr.rel @p0 .LBB2_1-.Ltmp1, $4  }
0x62: {  	[sflag:s8] =	ssyncadd.s32 $0xFFFFC000  }
0x63: {  	[hbm4b:s17+s2] =	stream.linear.scatter [tilespmem:s7], [sflag:$0x2], $0x4000, $0x38;
	[tilespmem:$0x4200] =	vst v63  }
0x64: {  	_ =	swait.ge [sflag:s3], $0x4000  }
0x65: {  	[sflag:s3] =	ssyncset.done $0x0  }
.LBB2_2:
0x66: {  	[sflag:s3] =	ssyncadd.s32 $0xFFFFC000  }
0x67: {  	_ =	sfence.sel $0x180000  }
0x68: {  	[bflag:$0x0] =	sbarrier.arrive $0xFFFF  }
0x69: {  	p0 =	sne.s32 s0, $0x0;
	_ =	strace $0x90000047  }
0x6a: {  	s0 =	sadd.s32 @!p0 $0x100000, s1;
	[bflag:$0x2] =	sbarrier.arrive $0xFFFF  }
0x6b: {  	[sflag:s0] =	ssyncadd.tile.s32 @!p0 $0x1;
	_ =	shalt  }
.Lfunc_end2:
_tile_overlayer_lowered:
.L_overlay_start_2:
0x6c: {  	(tag) =	ssettag $0x2  }
0x6d: {  	s0 =	rddreg [dreg:$0x0];
	s2 =	stileid.u32  }
0x6e: {  	s1 =	rddreg [dreg:$0x1];
	p0 =	sne.s32 s2, $0x0  }
0x6f: {  	s3 =	rddreg [dreg:$0x2];
	[bflag:$0x3] =	sbarrier.arrive $0xFFFF;
	s2 =	simm.s32 @!p0 $0x1C02  }
0x70: {  	[timem:s3], [sflag:s2] =	dma.local @!p0 [hbm:s0], s1  }
0x71: {  	s0 =	simm.s32 @!p0 $0x2  }
0x72: {  	_ =	swait.ge @!p0 [sflag:s0], s1  }
0x73: {  	s1 =	ssub.s32 @!p0 $0x0, s1;
	[sflag:s0] =	ssyncset.done @!p0 $0x0  }
0x74: {  	[sflag:s0] =	ssyncadd.s32 @!p0 s1  }
0x75: {  	[bflag:$0x3] =	sbarrier.arrive $0xFFFF  }
0x76: {  	_ =	shalt  }

</sc_bundles>
